<compile_context>
chip_gen: v7x
topology: tpu7x:2x2x1
jax: 0.10.2.dev20260603
libtpu: 0.0.44.dev20260713+nightly
codegen_flags: <defaults>
</compile_context>

<pallas_src>
import functools
import math

import jax
import jax.numpy as jnp
from jax import lax
from jax.experimental import pallas as pl
from jax.experimental.pallas import tpu as pltpu
from jax.experimental.pallas import tpu_sc as plsc

B, N, C = 32, 4096, 512
K = N // 2
L = 16
NV = N // L
WIN = 64
NWIN = K // WIN

_mesh = plsc.VectorSubcoreMesh(core_axis_name="c", subcore_axis_name="s")


@functools.partial(
    pl.kernel,
    out_type=[
        jax.ShapeDtypeStruct((B, K, C), jnp.float32),
        jax.ShapeDtypeStruct((B, 1, C), jnp.float32),
        jax.ShapeDtypeStruct((B, N), jnp.float32),
        jax.ShapeDtypeStruct((B, K), jnp.float32),
        jax.ShapeDtypeStruct((B, K), jnp.int32),
    ],
    mesh=_mesh,
    compiler_params=pltpu.CompilerParams(needs_layout_passes=False),
    scratch_types=[
        pltpu.VMEM((N,), jnp.float32),
        pltpu.VMEM((N,), jnp.int32),
        pltpu.VMEM((N,), jnp.float32),
        pltpu.VMEM((N,), jnp.int32),
        pltpu.VMEM((256 * L,), jnp.int32),
        pltpu.VMEM((N,), jnp.int32),
        pltpu.VMEM((K,), jnp.float32),
        pltpu.VMEM((K,), jnp.float32),
        pltpu.VMEM((N,), jnp.float32),
        pltpu.VMEM((N,), jnp.float32),
        pltpu.VMEM((N,), jnp.float32),
        pltpu.VMEM((N,), jnp.float32),
        pltpu.VMEM((WIN, C), jnp.float32),
        pltpu.VMEM((WIN, C), jnp.float32),
        pltpu.VMEM((C,), jnp.float32),
        pltpu.SemaphoreType.DMA,
        pltpu.SemaphoreType.DMA,
        pltpu.SemaphoreType.DMA,
        pltpu.SemaphoreType.DMA,
    ],
)
def _sc_kernel(tokens_hbm, sa_hbm, m2_hbm, m3_hbm,
               sel_hbm, extra_hbm, mask_hbm, imp_hbm, keep_hbm,
               key_v, val_v, kalt_v, valt_v, hist_v,
               gidx_v, imp_v, wgt_v, mrow_v,
               a1_v, a2_v, a3_v, buf0_v, buf1_v, acc_v,
               sem0, sem1, osem0, osem1):
    cid = lax.axis_index("c")
    sid = lax.axis_index("s")
    b = sid * 2 + cid

    pltpu.sync_copy(sa_hbm.at[b], a1_v)
    pltpu.sync_copy(m2_hbm.at[b], a2_v)
    pltpu.sync_copy(m3_hbm.at[b], a3_v)

    def mm_body(i, carry):
        mn1, mx1, mn2, mx2, mn3, mx3 = carry
        x1 = a1_v[pl.ds(i * L, L)]
        x2 = a2_v[pl.ds(i * L, L)]
        x3 = a3_v[pl.ds(i * L, L)]
        return (jnp.minimum(mn1, x1), jnp.maximum(mx1, x1),
                jnp.minimum(mn2, x2), jnp.maximum(mx2, x2),
                jnp.minimum(mn3, x3), jnp.maximum(mx3, x3))

    big = jnp.full((L,), jnp.inf, jnp.float32)
    mn1, mx1, mn2, mx2, mn3, mx3 = lax.fori_loop(
        0, NV, mm_body, (big, -big, big, -big, big, -big))
    mn1s, mx1s = jnp.min(mn1), jnp.max(mx1)
    mn2s, mx2s = jnp.min(mn2), jnp.max(mx2)
    mn3s, mx3s = jnp.min(mn3), jnp.max(mx3)
    eps = jnp.float32(1e-8)
    d1 = mx1s - mn1s + eps
    d2 = mx2s - mn2s + eps
    d3 = mx3s - mn3s + eps

    lanes = lax.iota(jnp.int32, L)

    def sc_body(i, _):
        off = i * L
        n1 = (a1_v[pl.ds(off, L)] - mn1s) / d1
        n2 = (a2_v[pl.ds(off, L)] - mn2s) / d2
        n3 = (a3_v[pl.ds(off, L)] - mn3s) / d3
        sc = ((n2 + n3) + n1) / jnp.float32(3.0)
        j = lanes + off
        addr = (j & (NV - 1)) * L + (j >> 8)
        plsc.store_scatter(key_v, [addr], sc)
        plsc.store_scatter(val_v, [addr], j)
        return 0

    lax.fori_loop(0, NV, sc_body, 0)

    def radix_pass(shift, kcur, vcur, kdst, vdst, final):
        def zero_body(i, _):
            hist_v[pl.ds(i * L, L)] = jnp.zeros((L,), jnp.int32)
            return 0

        lax.fori_loop(0, 256 * L // L, zero_body, 0, unroll=4)

        def count_body(i, _):
            u = plsc.bitcast(kcur[pl.ds(i * L, L)], jnp.int32)
            d = (jnp.bitwise_not(u) >> shift) & 255
            hidx = d * L + lanes
            cnt = plsc.load_gather(hist_v, [hidx])
            plsc.store_scatter(hist_v, [hidx], cnt + 1)
            return 0

        lax.fori_loop(0, NV, count_body, 0, unroll=2)

        def pfx_body(i, carry):
            h = hist_v[pl.ds(i * L, L)]
            inc = plsc.cumsum(h)
            hist_v[pl.ds(i * L, L)] = inc - h + carry
            return carry + jnp.max(inc)

        lax.fori_loop(0, 256 * L // L, pfx_body, jnp.int32(0), unroll=2)

        def scat_body(i, _):
            k = kcur[pl.ds(i * L, L)]
            v = vcur[pl.ds(i * L, L)]
            u = plsc.bitcast(k, jnp.int32)
            d = (jnp.bitwise_not(u) >> shift) & 255
            hidx = d * L + lanes
            r = plsc.load_gather(hist_v, [hidx])
            plsc.store_scatter(hist_v, [hidx], r + 1)
            if final:
                addr = r
            else:
                addr = (r & (NV - 1)) * L + (r >> 8)
            plsc.store_scatter(kdst, [addr], k)
            plsc.store_scatter(vdst, [addr], v)
            return 0

        lax.fori_loop(0, NV, scat_body, 0, unroll=2)

    radix_pass(0, key_v, val_v, kalt_v, valt_v, False)
    radix_pass(8, kalt_v, valt_v, key_v, val_v, False)
    radix_pass(16, key_v, val_v, kalt_v, valt_v, False)
    radix_pass(24, kalt_v, valt_v, key_v, val_v, True)

    pltpu.sync_copy(val_v.at[pl.ds(0, K)], keep_hbm.at[b])

    mx_top = jnp.max(key_v[pl.ds(0, L)])

    def imp_exp(i, acc):
        x = jnp.exp(key_v[pl.ds(i * L, L)] - mx_top)
        imp_v[pl.ds(i * L, L)] = x
        return acc + x

    s_top = jnp.sum(lax.fori_loop(0, K // L, imp_exp,
                                  jnp.zeros((L,), jnp.float32)))

    def imp_nrm(i, _):
        imp_v[pl.ds(i * L, L)] = imp_v[pl.ds(i * L, L)] / s_top
        return 0

    lax.fori_loop(0, K // L, imp_nrm, 0)
    pltpu.sync_copy(imp_v, imp_hbm.at[b])

    mx_bot = jnp.max(key_v[pl.ds(K, L)])

    def wgt_exp(i, acc):
        x = jnp.exp(key_v[pl.ds(K + i * L, L)] - mx_bot)
        wgt_v[pl.ds(i * L, L)] = x
        return acc + x

    s_bot = jnp.sum(lax.fori_loop(0, K // L, wgt_exp,
                                  jnp.zeros((L,), jnp.float32)))

    def wgt_nrm(i, _):
        wgt_v[pl.ds(i * L, L)] = wgt_v[pl.ds(i * L, L)] / s_bot
        return 0

    lax.fori_loop(0, K // L, wgt_nrm, 0)

    def mz_body(i, _):
        mrow_v[pl.ds(i * L, L)] = jnp.zeros((L,), jnp.float32)
        return 0

    lax.fori_loop(0, NV, mz_body, 0)
    ones = jnp.ones((L,), jnp.float32)

    def msk_body(i, _):
        plsc.store_scatter(mrow_v, [val_v[pl.ds(i * L, L)]], ones)
        return 0

    lax.fori_loop(0, K // L, msk_body, 0)
    pltpu.sync_copy(mrow_v, mask_hbm.at[b])

    base = b * N

    def gi_body(i, _):
        gidx_v[pl.ds(i * L, L)] = val_v[pl.ds(i * L, L)] + base
        return 0

    lax.fori_loop(0, NV, gi_body, 0)

    def gather_win(w, buf, sem):
        pltpu.async_copy(
            tokens_hbm.at[gidx_v.at[pl.ds(w * WIN, WIN)]], buf, sem)

    def wait_in(buf, sem):
        pltpu.make_async_copy(tokens_hbm.at[pl.ds(0, WIN)], buf, sem).wait()

    def store_win(w, buf, sem):
        pltpu.async_copy(buf, sel_hbm.at[b, pl.ds(w * WIN, WIN)], sem)

    def wait_out(buf, sem):
        pltpu.make_async_copy(
            buf, sel_hbm.at[b, pl.ds(0, WIN)], sem).wait()

    gather_win(0, buf0_v, sem0)
    gather_win(1, buf1_v, sem1)

    def sel_body(g, _):
        w0 = 2 * g
        wait_in(buf0_v, sem0)
        store_win(w0, buf0_v, osem0)
        wait_in(buf1_v, sem1)
        store_win(w0 + 1, buf1_v, osem1)
        wait_out(buf0_v, osem0)
        gather_win(w0 + 2, buf0_v, sem0)
        wait_out(buf1_v, osem1)
        gather_win(w0 + 3, buf1_v, sem1)
        return 0

    lax.fori_loop(0, NWIN // 2 - 1, sel_body, 0)
    wait_in(buf0_v, sem0)
    store_win(NWIN - 2, buf0_v, osem0)
    wait_in(buf1_v, sem1)
    store_win(NWIN - 1, buf1_v, osem1)
    wait_out(buf0_v, osem0)
    wait_out(buf1_v, osem1)

    def accum_win(w, buf, accs):
        def row_body(r, accs):
            wv = plsc.load_gather(
                wgt_v, [jnp.full((L,), w * WIN + r, jnp.int32)])
            return tuple(
                accs[cc] + wv * buf[r, pl.ds(cc * L, L)]
                for cc in range(C // L))

        return lax.fori_loop(0, WIN, row_body, accs)

    ew = NWIN
    gather_win(ew, buf0_v, sem0)
    gather_win(ew + 1, buf1_v, sem1)

    def ext_body(g, accs):
        w0 = 2 * g
        wait_in(buf0_v, sem0)
        accs = accum_win(w0, buf0_v, accs)
        gather_win(ew + w0 + 2, buf0_v, sem0)
        wait_in(buf1_v, sem1)
        accs = accum_win(w0 + 1, buf1_v, accs)
        gather_win(ew + w0 + 3, buf1_v, sem1)
        return accs

    accs = lax.fori_loop(0, NWIN // 2 - 1, ext_body,
                         tuple(jnp.zeros((L,), jnp.float32)
                               for _ in range(C // L)))
    wait_in(buf0_v, sem0)
    accs = accum_win(NWIN - 2, buf0_v, accs)
    wait_in(buf1_v, sem1)
    accs = accum_win(NWIN - 1, buf1_v, accs)
    for cc in range(C // L):
        acc_v[pl.ds(cc * L, L)] = accs[cc]
    pltpu.sync_copy(acc_v, extra_hbm.at[b, 0])


def kernel(tokens, self_attention, cross_attention_m2, cross_attention_m3,
           W1, b1, W2, b2):
    tokens_flat = tokens.reshape(B * N, C)
    sel, extra, mask, imp, keep = _sc_kernel(
        tokens_flat, self_attention, cross_attention_m2, cross_attention_m3)
    return (sel, extra, mask, imp, keep)

# --- scband reference (transcript-rebuilt; emitter-appended) ---
"""Pipeline reference for scband-multi-modal-sdtps-38637525794876 (READ-ONLY COPY).

The authoritative reference and input builder live on the scoring server;
editing this copy changes nothing except your own understanding.
"""

import jax, jax.numpy as jnp
import numpy as np
import math

B, N, C = 32, 4096, 512
SPARSE_RATIO = 0.5
HID = C // 4


def setup_inputs(seed: int = 0) -> dict:
    key = jax.random.key(seed)
    ks = jax.random.split(key, 8)
    tokens = jax.random.normal(ks[0], (B, N, C), dtype=jnp.float32)
    self_attention = jax.random.normal(ks[1], (B, N), dtype=jnp.float32)
    cross_attention_m2 = jax.random.normal(ks[2], (B, N), dtype=jnp.float32)
    cross_attention_m3 = jax.random.normal(ks[3], (B, N), dtype=jnp.float32)
    # score_predictor params: Linear(C, C//4) -> GELU -> Linear(C//4, 1) -> Sigmoid
    W1 = jax.random.normal(ks[4], (HID, C), dtype=jnp.float32) * 0.02
    b1 = jnp.zeros((HID,), dtype=jnp.float32)
    W2 = jax.random.normal(ks[5], (1, HID), dtype=jnp.float32) * 0.02
    b2 = jnp.zeros((1,), dtype=jnp.float32)
    return {
        "tokens": tokens,
        "self_attention": self_attention,
        "cross_attention_m2": cross_attention_m2,
        "cross_attention_m3": cross_attention_m3,
        "W1": W1, "b1": b1, "W2": W2, "b2": b2,
    }


def _normalize_score(s):
    s_min = jnp.min(s, axis=-1, keepdims=True)
    s_max = jnp.max(s, axis=-1, keepdims=True)
    return (s - s_min) / (s_max - s_min + 1e-08)


def reference(tokens, self_attention, cross_attention_m2, cross_attention_m3, W1, b1, W2, b2):
    # score_predictor MLP (computed faithfully; its output is unused by the
    # final score in the original module, matching the torch code)
    h = jax.nn.gelu(tokens @ W1.T + b1, approximate=False)
    s_pred = jax.nn.sigmoid(h @ W2.T + b2)[..., 0]

    s_im = _normalize_score(self_attention)
    s_m2 = _normalize_score(cross_attention_m2)
    s_m3 = _normalize_score(cross_attention_m3)
    score = (s_m2 + s_m3 + s_im) / 3.0

    num_keep = max(1, math.ceil(N * SPARSE_RATIO))
    order = jnp.argsort(-score, axis=1)  # descending sort indices
    score_sorted = jnp.take_along_axis(score, order, axis=1)
    keep_policy = order[:, :num_keep]
    non_keep_policy = order[:, num_keep:]

    # hard decision mask (eval path: no gumbel)
    batch_idx = jnp.arange(B)[:, None]
    score_mask = jnp.zeros_like(score).at[batch_idx, keep_policy].set(1.0)

    select_tokens = jnp.take_along_axis(
        tokens, jnp.broadcast_to(keep_policy[:, :, None], (B, num_keep, C)), axis=1)
    non_tokens = jnp.take_along_axis(
        tokens, jnp.broadcast_to(non_keep_policy[:, :, None], (B, N - num_keep, C)), axis=1)

    non_keep_score = jax.nn.softmax(score_sorted[:, num_keep:], axis=1)[:, :, None]
    extra_token = jnp.sum(non_tokens * non_keep_score, axis=1, keepdims=True)

    selected_importance = jax.nn.softmax(score_sorted[:, :num_keep], axis=1)
    return (select_tokens, extra_token, score_mask, selected_importance, keep_policy)

if __name__ == "__main__":
    import jax
    _d = setup_inputs()
    print(jax.jit(kernel)(*tuple(_d.values())))

</pallas_src>

<mosaic_0001>
#map = affine_map<(d0, d1) -> (0, 0)>
#map1 = affine_map<(d0, d1) -> (0, 0, 0)>
module attributes {stable_mosaic.version = 14 : i64} {
  func.func @_sc_kernel(%arg0: i32, %arg1: i32, %arg2: memref<131072x512xf32, #tpu.memory_space<hbm>>, %arg3: memref<32x4096xf32, #tpu.memory_space<hbm>>, %arg4: memref<32x4096xf32, #tpu.memory_space<hbm>>, %arg5: memref<32x4096xf32, #tpu.memory_space<hbm>>, %arg6: memref<32x2048x512xf32, #tpu.memory_space<hbm>>, %arg7: memref<32x1x512xf32, #tpu.memory_space<hbm>>, %arg8: memref<32x4096xf32, #tpu.memory_space<hbm>>, %arg9: memref<32x2048xf32, #tpu.memory_space<hbm>>, %arg10: memref<32x2048xi32, #tpu.memory_space<hbm>>, %arg11: memref<4096xf32, #tpu.memory_space<vmem>>, %arg12: memref<4096xi32, #tpu.memory_space<vmem>>, %arg13: memref<4096xf32, #tpu.memory_space<vmem>>, %arg14: memref<4096xi32, #tpu.memory_space<vmem>>, %arg15: memref<4096xi32, #tpu.memory_space<vmem>>, %arg16: memref<4096xi32, #tpu.memory_space<vmem>>, %arg17: memref<2048xf32, #tpu.memory_space<vmem>>, %arg18: memref<2048xf32, #tpu.memory_space<vmem>>, %arg19: memref<4096xf32, #tpu.memory_space<vmem>>, %arg20: memref<4096xf32, #tpu.memory_space<vmem>>, %arg21: memref<4096xf32, #tpu.memory_space<vmem>>, %arg22: memref<4096xf32, #tpu.memory_space<vmem>>, %arg23: memref<64x512xf32, #tpu.memory_space<vmem>>, %arg24: memref<64x512xf32, #tpu.memory_space<vmem>>, %arg25: memref<512xf32, #tpu.memory_space<vmem>>, %arg26: memref<!tpu.dma_semaphore, #tpu.memory_space<semaphore_mem>>, %arg27: memref<!tpu.dma_semaphore, #tpu.memory_space<semaphore_mem>>, %arg28: memref<!tpu.dma_semaphore, #tpu.memory_space<semaphore_mem>>, %arg29: memref<!tpu.dma_semaphore, #tpu.memory_space<semaphore_mem>>) attributes {dimension_semantics = [#tpu.dimension_semantics<core_parallel>, #tpu.dimension_semantics<subcore_parallel>], iteration_bounds = array<i64: 2, 16>, scalar_prefetch = 0 : i64, scratch_operands = 19 : i64, tpu.core_type = #tpu.core_type<sc_vector_subcore>, window_params = [{transform_indices = #map}, {transform_indices = #map}, {transform_indices = #map}, {transform_indices = #map}, {transform_indices = #map1}, {transform_indices = #map1}, {transform_indices = #map}, {transform_indices = #map}, {transform_indices = #map}]} {
    %mul3A = arith.constant 2 : i32
    %mul3A_0 = arith.muli %arg1, %mul3A : i32
    %add3A = arith.addi %mul3A_0, %arg0 : i32
    "tpu.region"() ({
      %run_scoped3A_463 = tpu.sem_alloc : memref<!tpu.dma_semaphore, #tpu.memory_space<semaphore_mem>>
      %dma_start3A_464 = arith.constant 0 : i32
      %dma_start3A_465 = tpu.memref_slice %arg3[%add3A, %dma_start3A_464] : memref<32x4096xf32, #tpu.memory_space<hbm>> -> memref<1x4096xf32, #tpu.memory_space<hbm>>
      %dma_start3A_466 = tpu.memref_squeeze %dma_start3A_465 : memref<1x4096xf32, #tpu.memory_space<hbm>> -> memref<4096xf32, #tpu.memory_space<hbm>>
      %dma_start3A_467 = arith.constant 0 : i32
      %dma_start3A_468 = tpu.memref_slice %arg3[%add3A, %dma_start3A_467] : memref<32x4096xf32, #tpu.memory_space<hbm>> -> memref<1x4096xf32, #tpu.memory_space<hbm>>
      %dma_start3A_469 = tpu.memref_squeeze %dma_start3A_468 : memref<1x4096xf32, #tpu.memory_space<hbm>> -> memref<4096xf32, #tpu.memory_space<hbm>>
      tpu.enqueue_dma source(%dma_start3A_469 : memref<4096xf32, #tpu.memory_space<hbm>>) target(%arg20 : memref<4096xf32, #tpu.memory_space<vmem>>) target_semaphore(%run_scoped3A_463 : memref<!tpu.dma_semaphore, #tpu.memory_space<semaphore_mem>>)
      %dma_wait3A_470 = arith.constant 0 : i32
      %dma_wait3A_471 = tpu.memref_slice %arg3[%add3A, %dma_wait3A_470] : memref<32x4096xf32, #tpu.memory_space<hbm>> -> memref<1x4096xf32, #tpu.memory_space<hbm>>
      %dma_wait3A_472 = tpu.memref_squeeze %dma_wait3A_471 : memref<1x4096xf32, #tpu.memory_space<hbm>> -> memref<4096xf32, #tpu.memory_space<hbm>>
      %dma_wait3A_473 = arith.constant 0 : i32
      %dma_wait3A_474 = tpu.memref_slice %arg3[%add3A, %dma_wait3A_473] : memref<32x4096xf32, #tpu.memory_space<hbm>> -> memref<1x4096xf32, #tpu.memory_space<hbm>>
      %dma_wait3A_475 = tpu.memref_squeeze %dma_wait3A_474 : memref<1x4096xf32, #tpu.memory_space<hbm>> -> memref<4096xf32, #tpu.memory_space<hbm>>
      tpu.wait_dma2 semaphore(%run_scoped3A_463 : memref<!tpu.dma_semaphore, #tpu.memory_space<semaphore_mem>>) src(%dma_wait3A_475 : memref<4096xf32, #tpu.memory_space<hbm>>) dst(%arg20 : memref<4096xf32, #tpu.memory_space<vmem>>)
      tpu.yield
    }) : () -> ()
    "tpu.region"() ({
      %run_scoped3A_463 = tpu.sem_alloc : memref<!tpu.dma_semaphore, #tpu.memory_space<semaphore_mem>>
      %dma_start3A_464 = arith.constant 0 : i32
      %dma_start3A_465 = tpu.memref_slice %arg4[%add3A, %dma_start3A_464] : memref<32x4096xf32, #tpu.memory_space<hbm>> -> memref<1x4096xf32, #tpu.memory_space<hbm>>
      %dma_start3A_466 = tpu.memref_squeeze %dma_start3A_465 : memref<1x4096xf32, #tpu.memory_space<hbm>> -> memref<4096xf32, #tpu.memory_space<hbm>>
      %dma_start3A_467 = arith.constant 0 : i32
      %dma_start3A_468 = tpu.memref_slice %arg4[%add3A, %dma_start3A_467] : memref<32x4096xf32, #tpu.memory_space<hbm>> -> memref<1x4096xf32, #tpu.memory_space<hbm>>
      %dma_start3A_469 = tpu.memref_squeeze %dma_start3A_468 : memref<1x4096xf32, #tpu.memory_space<hbm>> -> memref<4096xf32, #tpu.memory_space<hbm>>
      tpu.enqueue_dma source(%dma_start3A_469 : memref<4096xf32, #tpu.memory_space<hbm>>) target(%arg21 : memref<4096xf32, #tpu.memory_space<vmem>>) target_semaphore(%run_scoped3A_463 : memref<!tpu.dma_semaphore, #tpu.memory_space<semaphore_mem>>)
      %dma_wait3A_470 = arith.constant 0 : i32
      %dma_wait3A_471 = tpu.memref_slice %arg4[%add3A, %dma_wait3A_470] : memref<32x4096xf32, #tpu.memory_space<hbm>> -> memref<1x4096xf32, #tpu.memory_space<hbm>>
      %dma_wait3A_472 = tpu.memref_squeeze %dma_wait3A_471 : memref<1x4096xf32, #tpu.memory_space<hbm>> -> memref<4096xf32, #tpu.memory_space<hbm>>
      %dma_wait3A_473 = arith.constant 0 : i32
      %dma_wait3A_474 = tpu.memref_slice %arg4[%add3A, %dma_wait3A_473] : memref<32x4096xf32, #tpu.memory_space<hbm>> -> memref<1x4096xf32, #tpu.memory_space<hbm>>
      %dma_wait3A_475 = tpu.memref_squeeze %dma_wait3A_474 : memref<1x4096xf32, #tpu.memory_space<hbm>> -> memref<4096xf32, #tpu.memory_space<hbm>>
      tpu.wait_dma2 semaphore(%run_scoped3A_463 : memref<!tpu.dma_semaphore, #tpu.memory_space<semaphore_mem>>) src(%dma_wait3A_475 : memref<4096xf32, #tpu.memory_space<hbm>>) dst(%arg21 : memref<4096xf32, #tpu.memory_space<vmem>>)
      tpu.yield
    }) : () -> ()
    "tpu.region"() ({
      %run_scoped3A_463 = tpu.sem_alloc : memref<!tpu.dma_semaphore, #tpu.memory_space<semaphore_mem>>
      %dma_start3A_464 = arith.constant 0 : i32
      %dma_start3A_465 = tpu.memref_slice %arg5[%add3A, %dma_start3A_464] : memref<32x4096xf32, #tpu.memory_space<hbm>> -> memref<1x4096xf32, #tpu.memory_space<hbm>>
      %dma_start3A_466 = tpu.memref_squeeze %dma_start3A_465 : memref<1x4096xf32, #tpu.memory_space<hbm>> -> memref<4096xf32, #tpu.memory_space<hbm>>
      %dma_start3A_467 = arith.constant 0 : i32
      %dma_start3A_468 = tpu.memref_slice %arg5[%add3A, %dma_start3A_467] : memref<32x4096xf32, #tpu.memory_space<hbm>> -> memref<1x4096xf32, #tpu.memory_space<hbm>>
      %dma_start3A_469 = tpu.memref_squeeze %dma_start3A_468 : memref<1x4096xf32, #tpu.memory_space<hbm>> -> memref<4096xf32, #tpu.memory_space<hbm>>
      tpu.enqueue_dma source(%dma_start3A_469 : memref<4096xf32, #tpu.memory_space<hbm>>) target(%arg22 : memref<4096xf32, #tpu.memory_space<vmem>>) target_semaphore(%run_scoped3A_463 : memref<!tpu.dma_semaphore, #tpu.memory_space<semaphore_mem>>)
      %dma_wait3A_470 = arith.constant 0 : i32
      %dma_wait3A_471 = tpu.memref_slice %arg5[%add3A, %dma_wait3A_470] : memref<32x4096xf32, #tpu.memory_space<hbm>> -> memref<1x4096xf32, #tpu.memory_space<hbm>>
      %dma_wait3A_472 = tpu.memref_squeeze %dma_wait3A_471 : memref<1x4096xf32, #tpu.memory_space<hbm>> -> memref<4096xf32, #tpu.memory_space<hbm>>
      %dma_wait3A_473 = arith.constant 0 : i32
      %dma_wait3A_474 = tpu.memref_slice %arg5[%add3A, %dma_wait3A_473] : memref<32x4096xf32, #tpu.memory_space<hbm>> -> memref<1x4096xf32, #tpu.memory_space<hbm>>
      %dma_wait3A_475 = tpu.memref_squeeze %dma_wait3A_474 : memref<1x4096xf32, #tpu.memory_space<hbm>> -> memref<4096xf32, #tpu.memory_space<hbm>>
      tpu.wait_dma2 semaphore(%run_scoped3A_463 : memref<!tpu.dma_semaphore, #tpu.memory_space<semaphore_mem>>) src(%dma_wait3A_475 : memref<4096xf32, #tpu.memory_space<hbm>>) dst(%arg22 : memref<4096xf32, #tpu.memory_space<vmem>>)
      tpu.yield
    }) : () -> ()
    %broadcast_in_dim3A = arith.constant 0x7F800000 : f32
    %broadcast_in_dim3A_1 = vector.broadcast %broadcast_in_dim3A : f32 to vector<16xf32>
    %neg3A = arith.constant 0.000000e+00 : f32
    %neg3A_2 = vector.broadcast %neg3A : f32 to vector<16xf32>
    %neg3A_3 = arith.subf %neg3A_2, %broadcast_in_dim3A_1 : vector<16xf32>
    %neg3A_4 = arith.constant 0.000000e+00 : f32
    %neg3A_5 = vector.broadcast %neg3A_4 : f32 to vector<16xf32>
    %neg3A_6 = arith.subf %neg3A_5, %broadcast_in_dim3A_1 : vector<16xf32>
    %neg3A_7 = arith.constant 0.000000e+00 : f32
    %neg3A_8 = vector.broadcast %neg3A_7 : f32 to vector<16xf32>
    %neg3A_9 = arith.subf %neg3A_8, %broadcast_in_dim3A_1 : vector<16xf32>
    %scan3A = arith.constant 0 : i32
    %scan3A_10 = arith.constant 256 : i32
    %scan3A_11 = arith.addi %scan3A, %scan3A_10 : i32
    %scan3A_12 = arith.constant 1 : i32
    %scan3A_13:6 = scf.for %scan3A_463 = %scan3A to %scan3A_11 step %scan3A_12 iter_args(%scan3A_464 = %broadcast_in_dim3A_1, %scan3A_465 = %neg3A_3, %scan3A_466 = %broadcast_in_dim3A_1, %scan3A_467 = %neg3A_6, %scan3A_468 = %broadcast_in_dim3A_1, %scan3A_469 = %neg3A_9) -> (vector<16xf32>, vector<16xf32>, vector<16xf32>, vector<16xf32>, vector<16xf32>, vector<16xf32>)  : i32 {
      %mul3A_470 = arith.constant 16 : i32
      %mul3A_471 = arith.muli %scan3A_463, %mul3A_470 : i32
      %get3A_472 = arith.index_cast %mul3A_471 : i32 to index
      %get3A_473 = tpu.vector_load %arg20[%get3A_472] {strides = array<i32>} : memref<4096xf32, #tpu.memory_space<vmem>>, vector<16xf32>,
      %mul3A_474 = arith.constant 16 : i32
      %mul3A_475 = arith.muli %scan3A_463, %mul3A_474 : i32
      %get3A_476 = arith.index_cast %mul3A_475 : i32 to index
      %get3A_477 = tpu.vector_load %arg21[%get3A_476] {strides = array<i32>} : memref<4096xf32, #tpu.memory_space<vmem>>, vector<16xf32>,
      %mul3A_478 = arith.constant 16 : i32
      %mul3A_479 = arith.muli %scan3A_463, %mul3A_478 : i32
      %get3A_480 = arith.index_cast %mul3A_479 : i32 to index
      %get3A_481 = tpu.vector_load %arg22[%get3A_480] {strides = array<i32>} : memref<4096xf32, #tpu.memory_space<vmem>>, vector<16xf32>,
      %min3A = arith.minimumf %scan3A_464, %get3A_473 : vector<16xf32>
      %max3A = arith.maximumf %scan3A_465, %get3A_473 : vector<16xf32>
      %min3A_482 = arith.minimumf %scan3A_466, %get3A_477 : vector<16xf32>
      %max3A_483 = arith.maximumf %scan3A_467, %get3A_477 : vector<16xf32>
      %min3A_484 = arith.minimumf %scan3A_468, %get3A_481 : vector<16xf32>
      %max3A_485 = arith.maximumf %scan3A_469, %get3A_481 : vector<16xf32>
      scf.yield %min3A, %max3A, %min3A_482, %max3A_483, %min3A_484, %max3A_485 : vector<16xf32>, vector<16xf32>, vector<16xf32>, vector<16xf32>, vector<16xf32>, vector<16xf32>
    }
    %scan3A_14 = arith.constant 256 : i32
    %reduce_min3A = arith.constant true
    %reduce_min3A_15 = vector.broadcast %reduce_min3A : i1 to vector<16xi1>
    %reduce_min3A_16 = tpu.scan <min>, %scan3A_13#0 masked %reduce_min3A_15 : vector<16xf32>, vector<16xi1> -> vector<16xf32>
    %reduce_min3A_17 = vector.extract %reduce_min3A_16[15] : f32 from vector<16xf32>
    %reduce_max3A = arith.constant true
    %reduce_max3A_18 = vector.broadcast %reduce_max3A : i1 to vector<16xi1>
    %reduce_max3A_19 = tpu.scan <max>, %scan3A_13#1 masked %reduce_max3A_18 : vector<16xf32>, vector<16xi1> -> vector<16xf32>
    %reduce_max3A_20 = vector.extract %reduce_max3A_19[15] : f32 from vector<16xf32>
    %reduce_min3A_21 = arith.constant true
    %reduce_min3A_22 = vector.broadcast %reduce_min3A_21 : i1 to vector<16xi1>
    %reduce_min3A_23 = tpu.scan <min>, %scan3A_13#2 masked %reduce_min3A_22 : vector<16xf32>, vector<16xi1> -> vector<16xf32>
    %reduce_min3A_24 = vector.extract %reduce_min3A_23[15] : f32 from vector<16xf32>
    %reduce_max3A_25 = arith.constant true
    %reduce_max3A_26 = vector.broadcast %reduce_max3A_25 : i1 to vector<16xi1>
    %reduce_max3A_27 = tpu.scan <max>, %scan3A_13#3 masked %reduce_max3A_26 : vector<16xf32>, vector<16xi1> -> vector<16xf32>
    %reduce_max3A_28 = vector.extract %reduce_max3A_27[15] : f32 from vector<16xf32>
    %reduce_min3A_29 = arith.constant true
    %reduce_min3A_30 = vector.broadcast %reduce_min3A_29 : i1 to vector<16xi1>
    %reduce_min3A_31 = tpu.scan <min>, %scan3A_13#4 masked %reduce_min3A_30 : vector<16xf32>, vector<16xi1> -> vector<16xf32>
    %reduce_min3A_32 = vector.extract %reduce_min3A_31[15] : f32 from vector<16xf32>
    %reduce_max3A_33 = arith.constant true
    %reduce_max3A_34 = vector.broadcast %reduce_max3A_33 : i1 to vector<16xi1>
    %reduce_max3A_35 = tpu.scan <max>, %scan3A_13#5 masked %reduce_max3A_34 : vector<16xf32>, vector<16xi1> -> vector<16xf32>
    %reduce_max3A_36 = vector.extract %reduce_max3A_35[15] : f32 from vector<16xf32>
    %sub3A = arith.subf %reduce_max3A_20, %reduce_min3A_17 : f32
    %add3A_37 = arith.constant 9.99999993E-9 : f32
    %add3A_38 = arith.addf %sub3A, %add3A_37 : f32
    %sub3A_39 = arith.subf %reduce_max3A_28, %reduce_min3A_24 : f32
    %add3A_40 = arith.constant 9.99999993E-9 : f32
    %add3A_41 = arith.addf %sub3A_39, %add3A_40 : f32
    %sub3A_42 = arith.subf %reduce_max3A_36, %reduce_min3A_32 : f32
    %add3A_43 = arith.constant 9.99999993E-9 : f32
    %add3A_44 = arith.addf %sub3A_42, %add3A_43 : f32
    %iota3A = tpu.iota {dimensions = array<i32: 0>} : vector<16xi32>
    %scan3A_45 = arith.constant 0 : i32
    %scan3A_46 = arith.constant 0 : i32
    %scan3A_47 = arith.constant 256 : i32
    %scan3A_48 = arith.addi %scan3A_46, %scan3A_47 : i32
    %scan3A_49 = arith.constant 1 : i32
    %scan3A_50 = scf.for %scan3A_463 = %scan3A_46 to %scan3A_48 step %scan3A_49 iter_args(%scan3A_464 = %scan3A_45) -> (i32)  : i32 {
      %mul3A_465 = arith.constant 16 : i32
      %mul3A_466 = arith.muli %scan3A_463, %mul3A_465 : i32
      %get3A_467 = arith.index_cast %mul3A_466 : i32 to index
      %get3A_468 = tpu.vector_load %arg20[%get3A_467] {strides = array<i32>} : memref<4096xf32, #tpu.memory_space<vmem>>, vector<16xf32>,
      %sub3A_469 = vector.broadcast %reduce_min3A_17 : f32 to vector<16xf32>
      %sub3A_470 = arith.subf %get3A_468, %sub3A_469 : vector<16xf32>
      %div3A = vector.broadcast %add3A_38 : f32 to vector<16xf32>
      %div3A_471 = arith.divf %sub3A_470, %div3A : vector<16xf32>
      %get3A_472 = arith.index_cast %mul3A_466 : i32 to index
      %get3A_473 = tpu.vector_load %arg21[%get3A_472] {strides = array<i32>} : memref<4096xf32, #tpu.memory_space<vmem>>, vector<16xf32>,
      %sub3A_474 = vector.broadcast %reduce_min3A_24 : f32 to vector<16xf32>
      %sub3A_475 = arith.subf %get3A_473, %sub3A_474 : vector<16xf32>
      %div3A_476 = vector.broadcast %add3A_41 : f32 to vector<16xf32>
      %div3A_477 = arith.divf %sub3A_475, %div3A_476 : vector<16xf32>
      %get3A_478 = arith.index_cast %mul3A_466 : i32 to index
      %get3A_479 = tpu.vector_load %arg22[%get3A_478] {strides = array<i32>} : memref<4096xf32, #tpu.memory_space<vmem>>, vector<16xf32>,
      %sub3A_480 = vector.broadcast %reduce_min3A_32 : f32 to vector<16xf32>
      %sub3A_481 = arith.subf %get3A_479, %sub3A_480 : vector<16xf32>
      %div3A_482 = vector.broadcast %add3A_44 : f32 to vector<16xf32>
      %div3A_483 = arith.divf %sub3A_481, %div3A_482 : vector<16xf32>
      %add3A_484 = arith.addf %div3A_477, %div3A_483 : vector<16xf32>
      %add3A_485 = arith.addf %add3A_484, %div3A_471 : vector<16xf32>
      %div3A_486 = arith.constant 3.000000e+00 : f32
      %div3A_487 = vector.broadcast %div3A_486 : f32 to vector<16xf32>
      %div3A_488 = arith.divf %add3A_485, %div3A_487 : vector<16xf32>
      %add3A_489 = vector.broadcast %mul3A_466 : i32 to vector<16xi32>
      %add3A_490 = arith.addi %iota3A, %add3A_489 : vector<16xi32>
      %and3A = arith.constant 255 : i32
      %and3A_491 = vector.broadcast %and3A : i32 to vector<16xi32>
      %and3A_492 = arith.andi %add3A_490, %and3A_491 : vector<16xi32>
      %mul3A_493 = arith.constant 16 : i32
      %mul3A_494 = vector.broadcast %mul3A_493 : i32 to vector<16xi32>
      %mul3A_495 = arith.muli %and3A_492, %mul3A_494 : vector<16xi32>
      %shift_right_arithmetic3A = arith.constant 8 : i32
      %shift_right_arithmetic3A_496 = vector.broadcast %shift_right_arithmetic3A : i32 to vector<16xi32>
      %shift_right_arithmetic3A_497 = arith.shrsi %add3A_490, %shift_right_arithmetic3A_496 : vector<16xi32>
      %add3A_498 = arith.addi %mul3A_495, %shift_right_arithmetic3A_497 : vector<16xi32>
      tpu.vector_store_idx %arg11[%add3A_498], %div3A_488 : memref<4096xf32, #tpu.memory_space<vmem>>[vector<16xi32>], vector<16xf32>,
      tpu.vector_store_idx %arg12[%add3A_498], %add3A_490 : memref<4096xi32, #tpu.memory_space<vmem>>[vector<16xi32>], vector<16xi32>,
      %scan3A_499 = arith.constant 0 : i32
      scf.yield %scan3A_499 : i32
    }
    %scan3A_51 = arith.constant 256 : i32
    %scan3A_52 = arith.constant 0 : i32
    %scan3A_53 = arith.constant 0 : i32
    %scan3A_54 = arith.constant 256 : i32
    %scan3A_55 = arith.addi %scan3A_53, %scan3A_54 : i32
    %scan3A_56 = arith.constant 4 : i32
    %scan3A_57 = scf.for %scan3A_463 = %scan3A_53 to %scan3A_55 step %scan3A_56 iter_args(%scan3A_464 = %scan3A_52) -> (i32)  : i32 {
      %broadcast_in_dim3A_465 = arith.constant 0 : i32
      %broadcast_in_dim3A_466 = vector.broadcast %broadcast_in_dim3A_465 : i32 to vector<16xi32>
      %mul3A_467 = arith.constant 16 : i32
      %mul3A_468 = arith.muli %scan3A_463, %mul3A_467 : i32
      %swap3A_469 = arith.index_cast %mul3A_468 : i32 to index
      %swap3A_470 = tpu.vector_load %arg15[%swap3A_469] {strides = array<i32>} : memref<4096xi32, #tpu.memory_space<vmem>>, vector<16xi32>,
      tpu.vector_store %arg15[%swap3A_469], %broadcast_in_dim3A_466 {strides = array<i32>} : memref<4096xi32, #tpu.memory_space<vmem>>, vector<16xi32>,
      %scan3A_471 = arith.constant 0 : i32
      %scan3A_472 = arith.constant 1 : i32
      %scan3A_473 = arith.addi %scan3A_463, %scan3A_472 : i32
      %broadcast_in_dim3A_474 = arith.constant 0 : i32
      %broadcast_in_dim3A_475 = vector.broadcast %broadcast_in_dim3A_474 : i32 to vector<16xi32>
      %mul3A_476 = arith.constant 16 : i32
      %mul3A_477 = arith.muli %scan3A_473, %mul3A_476 : i32
      %swap3A_478 = arith.index_cast %mul3A_477 : i32 to index
      %swap3A_479 = tpu.vector_load %arg15[%swap3A_478] {strides = array<i32>} : memref<4096xi32, #tpu.memory_space<vmem>>, vector<16xi32>,
      tpu.vector_store %arg15[%swap3A_478], %broadcast_in_dim3A_475 {strides = array<i32>} : memref<4096xi32, #tpu.memory_space<vmem>>, vector<16xi32>,
      %scan3A_480 = arith.constant 0 : i32
      %scan3A_481 = arith.constant 2 : i32
      %scan3A_482 = arith.addi %scan3A_463, %scan3A_481 : i32
      %broadcast_in_dim3A_483 = arith.constant 0 : i32
      %broadcast_in_dim3A_484 = vector.broadcast %broadcast_in_dim3A_483 : i32 to vector<16xi32>
      %mul3A_485 = arith.constant 16 : i32
      %mul3A_486 = arith.muli %scan3A_482, %mul3A_485 : i32
      %swap3A_487 = arith.index_cast %mul3A_486 : i32 to index
      %swap3A_488 = tpu.vector_load %arg15[%swap3A_487] {strides = array<i32>} : memref<4096xi32, #tpu.memory_space<vmem>>, vector<16xi32>,
      tpu.vector_store %arg15[%swap3A_487], %broadcast_in_dim3A_484 {strides = array<i32>} : memref<4096xi32, #tpu.memory_space<vmem>>, vector<16xi32>,
      %scan3A_489 = arith.constant 0 : i32
      %scan3A_490 = arith.constant 3 : i32
      %scan3A_491 = arith.addi %scan3A_463, %scan3A_490 : i32
      %broadcast_in_dim3A_492 = arith.constant 0 : i32
      %broadcast_in_dim3A_493 = vector.broadcast %broadcast_in_dim3A_492 : i32 to vector<16xi32>
      %mul3A_494 = arith.constant 16 : i32
      %mul3A_495 = arith.muli %scan3A_491, %mul3A_494 : i32
      %swap3A_496 = arith.index_cast %mul3A_495 : i32 to index
      %swap3A_497 = tpu.vector_load %arg15[%swap3A_496] {strides = array<i32>} : memref<4096xi32, #tpu.memory_space<vmem>>, vector<16xi32>,
      tpu.vector_store %arg15[%swap3A_496], %broadcast_in_dim3A_493 {strides = array<i32>} : memref<4096xi32, #tpu.memory_space<vmem>>, vector<16xi32>,
      %scan3A_498 = arith.constant 0 : i32
      scf.yield %scan3A_498 : i32
    }
    %scan3A_58 = arith.constant 256 : i32
    %scan3A_59 = arith.constant 0 : i32
    %scan3A_60 = arith.constant 0 : i32
    %scan3A_61 = arith.constant 256 : i32
    %scan3A_62 = arith.addi %scan3A_60, %scan3A_61 : i32
    %scan3A_63 = arith.constant 2 : i32
    %scan3A_64 = scf.for %scan3A_463 = %scan3A_60 to %scan3A_62 step %scan3A_63 iter_args(%scan3A_464 = %scan3A_59) -> (i32)  : i32 {
      %mul3A_465 = arith.constant 16 : i32
      %mul3A_466 = arith.muli %scan3A_463, %mul3A_465 : i32
      %get3A_467 = arith.index_cast %mul3A_466 : i32 to index
      %get3A_468 = tpu.vector_load %arg11[%get3A_467] {strides = array<i32>} : memref<4096xf32, #tpu.memory_space<vmem>>, vector<16xf32>,
      %bitcast3A = vector.bitcast %get3A_468 : vector<16xf32> to vector<16xi32>
      %not3A = arith.constant dense<-1> : vector<16xi32>
      %not3A_469 = arith.xori %bitcast3A, %not3A : vector<16xi32>
      %shift_right_arithmetic3A = arith.constant 0 : i32
      %shift_right_arithmetic3A_470 = vector.broadcast %shift_right_arithmetic3A : i32 to vector<16xi32>
      %shift_right_arithmetic3A_471 = arith.shrsi %not3A_469, %shift_right_arithmetic3A_470 : vector<16xi32>
      %and3A = arith.constant 255 : i32
      %and3A_472 = vector.broadcast %and3A : i32 to vector<16xi32>
      %and3A_473 = arith.andi %shift_right_arithmetic3A_471, %and3A_472 : vector<16xi32>
      %mul3A_474 = arith.constant 16 : i32
      %mul3A_475 = vector.broadcast %mul3A_474 : i32 to vector<16xi32>
      %mul3A_476 = arith.muli %and3A_473, %mul3A_475 : vector<16xi32>
      %add3A_477 = arith.addi %mul3A_476, %iota3A : vector<16xi32>
      %gather3A = tpu.vector_load_idx %arg15[%add3A_477] : memref<4096xi32, #tpu.memory_space<vmem>>[vector<16xi32>], vector<16xi32>,
      %add3A_478 = arith.constant 1 : i32
      %add3A_479 = vector.broadcast %add3A_478 : i32 to vector<16xi32>
      %add3A_480 = arith.addi %gather3A, %add3A_479 : vector<16xi32>
      tpu.vector_store_idx %arg15[%add3A_477], %add3A_480 : memref<4096xi32, #tpu.memory_space<vmem>>[vector<16xi32>], vector<16xi32>,
      %scan3A_481 = arith.constant 0 : i32
      %scan3A_482 = arith.constant 1 : i32
      %scan3A_483 = arith.addi %scan3A_463, %scan3A_482 : i32
      %mul3A_484 = arith.constant 16 : i32
      %mul3A_485 = arith.muli %scan3A_483, %mul3A_484 : i32
      %get3A_486 = arith.index_cast %mul3A_485 : i32 to index
      %get3A_487 = tpu.vector_load %arg11[%get3A_486] {strides = array<i32>} : memref<4096xf32, #tpu.memory_space<vmem>>, vector<16xf32>,
      %bitcast3A_488 = vector.bitcast %get3A_487 : vector<16xf32> to vector<16xi32>
      %not3A_489 = arith.constant dense<-1> : vector<16xi32>
      %not3A_490 = arith.xori %bitcast3A_488, %not3A_489 : vector<16xi32>
      %shift_right_arithmetic3A_491 = arith.constant 0 : i32
      %shift_right_arithmetic3A_492 = vector.broadcast %shift_right_arithmetic3A_491 : i32 to vector<16xi32>
      %shift_right_arithmetic3A_493 = arith.shrsi %not3A_490, %shift_right_arithmetic3A_492 : vector<16xi32>
      %and3A_494 = arith.constant 255 : i32
      %and3A_495 = vector.broadcast %and3A_494 : i32 to vector<16xi32>
      %and3A_496 = arith.andi %shift_right_arithmetic3A_493, %and3A_495 : vector<16xi32>
      %mul3A_497 = arith.constant 16 : i32
      %mul3A_498 = vector.broadcast %mul3A_497 : i32 to vector<16xi32>
      %mul3A_499 = arith.muli %and3A_496, %mul3A_498 : vector<16xi32>
      %add3A_500 = arith.addi %mul3A_499, %iota3A : vector<16xi32>
      %gather3A_501 = tpu.vector_load_idx %arg15[%add3A_500] : memref<4096xi32, #tpu.memory_space<vmem>>[vector<16xi32>], vector<16xi32>,
      %add3A_502 = arith.constant 1 : i32
      %add3A_503 = vector.broadcast %add3A_502 : i32 to vector<16xi32>
      %add3A_504 = arith.addi %gather3A_501, %add3A_503 : vector<16xi32>
      tpu.vector_store_idx %arg15[%add3A_500], %add3A_504 : memref<4096xi32, #tpu.memory_space<vmem>>[vector<16xi32>], vector<16xi32>,
      %scan3A_505 = arith.constant 0 : i32
      scf.yield %scan3A_505 : i32
    }
    %scan3A_65 = arith.constant 256 : i32
    %scan3A_66 = arith.constant 0 : i32
    %scan3A_67 = arith.constant 0 : i32
    %scan3A_68 = arith.constant 256 : i32
    %scan3A_69 = arith.addi %scan3A_67, %scan3A_68 : i32
    %scan3A_70 = arith.constant 2 : i32
    %scan3A_71 = scf.for %scan3A_463 = %scan3A_67 to %scan3A_69 step %scan3A_70 iter_args(%scan3A_464 = %scan3A_66) -> (i32)  : i32 {
      %mul3A_465 = arith.constant 16 : i32
      %mul3A_466 = arith.muli %scan3A_463, %mul3A_465 : i32
      %get3A_467 = arith.index_cast %mul3A_466 : i32 to index
      %get3A_468 = tpu.vector_load %arg15[%get3A_467] {strides = array<i32>} : memref<4096xi32, #tpu.memory_space<vmem>>, vector<16xi32>,
      %broadcast_in_dim3A_469 = arith.constant true
      %broadcast_in_dim3A_470 = vector.broadcast %broadcast_in_dim3A_469 : i1 to vector<16xi1>
      %masked_cumsum3A = tpu.scan <sum>, %get3A_468 masked %broadcast_in_dim3A_470 : vector<16xi32>, vector<16xi1> -> vector<16xi32>
      %sub3A_471 = arith.subi %masked_cumsum3A, %get3A_468 : vector<16xi32>
      %add3A_472 = vector.broadcast %scan3A_464 : i32 to vector<16xi32>
      %add3A_473 = arith.addi %sub3A_471, %add3A_472 : vector<16xi32>
      %mul3A_474 = arith.constant 16 : i32
      %mul3A_475 = arith.muli %scan3A_463, %mul3A_474 : i32
      %swap3A_476 = arith.index_cast %mul3A_475 : i32 to index
      %swap3A_477 = tpu.vector_load %arg15[%swap3A_476] {strides = array<i32>} : memref<4096xi32, #tpu.memory_space<vmem>>, vector<16xi32>,
      tpu.vector_store %arg15[%swap3A_476], %add3A_473 {strides = array<i32>} : memref<4096xi32, #tpu.memory_space<vmem>>, vector<16xi32>,
      %reduce_max3A_478 = arith.constant true
      %reduce_max3A_479 = vector.broadcast %reduce_max3A_478 : i1 to vector<16xi1>
      %reduce_max3A_480 = arith.constant -2147483648 : i32
      %reduce_max3A_481 = vector.broadcast %reduce_max3A_480 : i32 to vector<16xi32>
      %reduce_max3A_482 = arith.xori %masked_cumsum3A, %reduce_max3A_481 : vector<16xi32>
      %reduce_max3A_483 = tpu.scan <max>, %reduce_max3A_482 masked %reduce_max3A_479 : vector<16xi32>, vector<16xi1> -> vector<16xi32>
      %reduce_max3A_484 = arith.xori %reduce_max3A_483, %reduce_max3A_481 : vector<16xi32>
      %reduce_max3A_485 = vector.extract %reduce_max3A_484[15] : i32 from vector<16xi32>
      %add3A_486 = arith.addi %scan3A_464, %reduce_max3A_485 : i32
      %scan3A_487 = arith.constant 1 : i32
      %scan3A_488 = arith.addi %scan3A_463, %scan3A_487 : i32
      %mul3A_489 = arith.constant 16 : i32
      %mul3A_490 = arith.muli %scan3A_488, %mul3A_489 : i32
      %get3A_491 = arith.index_cast %mul3A_490 : i32 to index
      %get3A_492 = tpu.vector_load %arg15[%get3A_491] {strides = array<i32>} : memref<4096xi32, #tpu.memory_space<vmem>>, vector<16xi32>,
      %broadcast_in_dim3A_493 = arith.constant true
      %broadcast_in_dim3A_494 = vector.broadcast %broadcast_in_dim3A_493 : i1 to vector<16xi1>
      %masked_cumsum3A_495 = tpu.scan <sum>, %get3A_492 masked %broadcast_in_dim3A_494 : vector<16xi32>, vector<16xi1> -> vector<16xi32>
      %sub3A_496 = arith.subi %masked_cumsum3A_495, %get3A_492 : vector<16xi32>
      %add3A_497 = vector.broadcast %add3A_486 : i32 to vector<16xi32>
      %add3A_498 = arith.addi %sub3A_496, %add3A_497 : vector<16xi32>
      %mul3A_499 = arith.constant 16 : i32
      %mul3A_500 = arith.muli %scan3A_488, %mul3A_499 : i32
      %swap3A_501 = arith.index_cast %mul3A_500 : i32 to index
      %swap3A_502 = tpu.vector_load %arg15[%swap3A_501] {strides = array<i32>} : memref<4096xi32, #tpu.memory_space<vmem>>, vector<16xi32>,
      tpu.vector_store %arg15[%swap3A_501], %add3A_498 {strides = array<i32>} : memref<4096xi32, #tpu.memory_space<vmem>>, vector<16xi32>,
      %reduce_max3A_503 = arith.constant true
      %reduce_max3A_504 = vector.broadcast %reduce_max3A_503 : i1 to vector<16xi1>
      %reduce_max3A_505 = arith.constant -2147483648 : i32
      %reduce_max3A_506 = vector.broadcast %reduce_max3A_505 : i32 to vector<16xi32>
      %reduce_max3A_507 = arith.xori %masked_cumsum3A_495, %reduce_max3A_506 : vector<16xi32>
      %reduce_max3A_508 = tpu.scan <max>, %reduce_max3A_507 masked %reduce_max3A_504 : vector<16xi32>, vector<16xi1> -> vector<16xi32>
      %reduce_max3A_509 = arith.xori %reduce_max3A_508, %reduce_max3A_506 : vector<16xi32>
      %reduce_max3A_510 = vector.extract %reduce_max3A_509[15] : i32 from vector<16xi32>
      %add3A_511 = arith.addi %add3A_486, %reduce_max3A_510 : i32
      scf.yield %add3A_511 : i32
    }
    %scan3A_72 = arith.constant 256 : i32
    %scan3A_73 = arith.constant 0 : i32
    %scan3A_74 = arith.constant 0 : i32
    %scan3A_75 = arith.constant 256 : i32
    %scan3A_76 = arith.addi %scan3A_74, %scan3A_75 : i32
    %scan3A_77 = arith.constant 2 : i32
    %scan3A_78 = scf.for %scan3A_463 = %scan3A_74 to %scan3A_76 step %scan3A_77 iter_args(%scan3A_464 = %scan3A_73) -> (i32)  : i32 {
      %mul3A_465 = arith.constant 16 : i32
      %mul3A_466 = arith.muli %scan3A_463, %mul3A_465 : i32
      %get3A_467 = arith.index_cast %mul3A_466 : i32 to index
      %get3A_468 = tpu.vector_load %arg11[%get3A_467] {strides = array<i32>} : memref<4096xf32, #tpu.memory_space<vmem>>, vector<16xf32>,
      %mul3A_469 = arith.constant 16 : i32
      %mul3A_470 = arith.muli %scan3A_463, %mul3A_469 : i32
      %get3A_471 = arith.index_cast %mul3A_470 : i32 to index
      %get3A_472 = tpu.vector_load %arg12[%get3A_471] {strides = array<i32>} : memref<4096xi32, #tpu.memory_space<vmem>>, vector<16xi32>,
      %bitcast3A = vector.bitcast %get3A_468 : vector<16xf32> to vector<16xi32>
      %not3A = arith.constant dense<-1> : vector<16xi32>
      %not3A_473 = arith.xori %bitcast3A, %not3A : vector<16xi32>
      %shift_right_arithmetic3A = arith.constant 0 : i32
      %shift_right_arithmetic3A_474 = vector.broadcast %shift_right_arithmetic3A : i32 to vector<16xi32>
      %shift_right_arithmetic3A_475 = arith.shrsi %not3A_473, %shift_right_arithmetic3A_474 : vector<16xi32>
      %and3A = arith.constant 255 : i32
      %and3A_476 = vector.broadcast %and3A : i32 to vector<16xi32>
      %and3A_477 = arith.andi %shift_right_arithmetic3A_475, %and3A_476 : vector<16xi32>
      %mul3A_478 = arith.constant 16 : i32
      %mul3A_479 = vector.broadcast %mul3A_478 : i32 to vector<16xi32>
      %mul3A_480 = arith.muli %and3A_477, %mul3A_479 : vector<16xi32>
      %add3A_481 = arith.addi %mul3A_480, %iota3A : vector<16xi32>
      %gather3A = tpu.vector_load_idx %arg15[%add3A_481] : memref<4096xi32, #tpu.memory_space<vmem>>[vector<16xi32>], vector<16xi32>,
      %add3A_482 = arith.constant 1 : i32
      %add3A_483 = vector.broadcast %add3A_482 : i32 to vector<16xi32>
      %add3A_484 = arith.addi %gather3A, %add3A_483 : vector<16xi32>
      tpu.vector_store_idx %arg15[%add3A_481], %add3A_484 : memref<4096xi32, #tpu.memory_space<vmem>>[vector<16xi32>], vector<16xi32>,
      %and3A_485 = arith.constant 255 : i32
      %and3A_486 = vector.broadcast %and3A_485 : i32 to vector<16xi32>
      %and3A_487 = arith.andi %gather3A, %and3A_486 : vector<16xi32>
      %mul3A_488 = arith.constant 16 : i32
      %mul3A_489 = vector.broadcast %mul3A_488 : i32 to vector<16xi32>
      %mul3A_490 = arith.muli %and3A_487, %mul3A_489 : vector<16xi32>
      %shift_right_arithmetic3A_491 = arith.constant 8 : i32
      %shift_right_arithmetic3A_492 = vector.broadcast %shift_right_arithmetic3A_491 : i32 to vector<16xi32>
      %shift_right_arithmetic3A_493 = arith.shrsi %gather3A, %shift_right_arithmetic3A_492 : vector<16xi32>
      %add3A_494 = arith.addi %mul3A_490, %shift_right_arithmetic3A_493 : vector<16xi32>
      tpu.vector_store_idx %arg13[%add3A_494], %get3A_468 : memref<4096xf32, #tpu.memory_space<vmem>>[vector<16xi32>], vector<16xf32>,
      tpu.vector_store_idx %arg14[%add3A_494], %get3A_472 : memref<4096xi32, #tpu.memory_space<vmem>>[vector<16xi32>], vector<16xi32>,
      %scan3A_495 = arith.constant 0 : i32
      %scan3A_496 = arith.constant 1 : i32
      %scan3A_497 = arith.addi %scan3A_463, %scan3A_496 : i32
      %mul3A_498 = arith.constant 16 : i32
      %mul3A_499 = arith.muli %scan3A_497, %mul3A_498 : i32
      %get3A_500 = arith.index_cast %mul3A_499 : i32 to index
      %get3A_501 = tpu.vector_load %arg11[%get3A_500] {strides = array<i32>} : memref<4096xf32, #tpu.memory_space<vmem>>, vector<16xf32>,
      %mul3A_502 = arith.constant 16 : i32
      %mul3A_503 = arith.muli %scan3A_497, %mul3A_502 : i32
      %get3A_504 = arith.index_cast %mul3A_503 : i32 to index
      %get3A_505 = tpu.vector_load %arg12[%get3A_504] {strides = array<i32>} : memref<4096xi32, #tpu.memory_space<vmem>>, vector<16xi32>,
      %bitcast3A_506 = vector.bitcast %get3A_501 : vector<16xf32> to vector<16xi32>
      %not3A_507 = arith.constant dense<-1> : vector<16xi32>
      %not3A_508 = arith.xori %bitcast3A_506, %not3A_507 : vector<16xi32>
      %shift_right_arithmetic3A_509 = arith.constant 0 : i32
      %shift_right_arithmetic3A_510 = vector.broadcast %shift_right_arithmetic3A_509 : i32 to vector<16xi32>
      %shift_right_arithmetic3A_511 = arith.shrsi %not3A_508, %shift_right_arithmetic3A_510 : vector<16xi32>
      %and3A_512 = arith.constant 255 : i32
      %and3A_513 = vector.broadcast %and3A_512 : i32 to vector<16xi32>
      %and3A_514 = arith.andi %shift_right_arithmetic3A_511, %and3A_513 : vector<16xi32>
      %mul3A_515 = arith.constant 16 : i32
      %mul3A_516 = vector.broadcast %mul3A_515 : i32 to vector<16xi32>
      %mul3A_517 = arith.muli %and3A_514, %mul3A_516 : vector<16xi32>
      %add3A_518 = arith.addi %mul3A_517, %iota3A : vector<16xi32>
      %gather3A_519 = tpu.vector_load_idx %arg15[%add3A_518] : memref<4096xi32, #tpu.memory_space<vmem>>[vector<16xi32>], vector<16xi32>,
      %add3A_520 = arith.constant 1 : i32
      %add3A_521 = vector.broadcast %add3A_520 : i32 to vector<16xi32>
      %add3A_522 = arith.addi %gather3A_519, %add3A_521 : vector<16xi32>
      tpu.vector_store_idx %arg15[%add3A_518], %add3A_522 : memref<4096xi32, #tpu.memory_space<vmem>>[vector<16xi32>], vector<16xi32>,
      %and3A_523 = arith.constant 255 : i32
      %and3A_524 = vector.broadcast %and3A_523 : i32 to vector<16xi32>
      %and3A_525 = arith.andi %gather3A_519, %and3A_524 : vector<16xi32>
      %mul3A_526 = arith.constant 16 : i32
      %mul3A_527 = vector.broadcast %mul3A_526 : i32 to vector<16xi32>
      %mul3A_528 = arith.muli %and3A_525, %mul3A_527 : vector<16xi32>
      %shift_right_arithmetic3A_529 = arith.constant 8 : i32
      %shift_right_arithmetic3A_530 = vector.broadcast %shift_right_arithmetic3A_529 : i32 to vector<16xi32>
      %shift_right_arithmetic3A_531 = arith.shrsi %gather3A_519, %shift_right_arithmetic3A_530 : vector<16xi32>
      %add3A_532 = arith.addi %mul3A_528, %shift_right_arithmetic3A_531 : vector<16xi32>
      tpu.vector_store_idx %arg13[%add3A_532], %get3A_501 : memref<4096xf32, #tpu.memory_space<vmem>>[vector<16xi32>], vector<16xf32>,
      tpu.vector_store_idx %arg14[%add3A_532], %get3A_505 : memref<4096xi32, #tpu.memory_space<vmem>>[vector<16xi32>], vector<16xi32>,
      %scan3A_533 = arith.constant 0 : i32
      scf.yield %scan3A_533 : i32
    }
    %scan3A_79 = arith.constant 256 : i32
    %scan3A_80 = arith.constant 0 : i32
    %scan3A_81 = arith.constant 0 : i32
    %scan3A_82 = arith.constant 256 : i32
    %scan3A_83 = arith.addi %scan3A_81, %scan3A_82 : i32
    %scan3A_84 = arith.constant 4 : i32
    %scan3A_85 = scf.for %scan3A_463 = %scan3A_81 to %scan3A_83 step %scan3A_84 iter_args(%scan3A_464 = %scan3A_80) -> (i32)  : i32 {
      %broadcast_in_dim3A_465 = arith.constant 0 : i32
      %broadcast_in_dim3A_466 = vector.broadcast %broadcast_in_dim3A_465 : i32 to vector<16xi32>
      %mul3A_467 = arith.constant 16 : i32
      %mul3A_468 = arith.muli %scan3A_463, %mul3A_467 : i32
      %swap3A_469 = arith.index_cast %mul3A_468 : i32 to index
      %swap3A_470 = tpu.vector_load %arg15[%swap3A_469] {strides = array<i32>} : memref<4096xi32, #tpu.memory_space<vmem>>, vector<16xi32>,
      tpu.vector_store %arg15[%swap3A_469], %broadcast_in_dim3A_466 {strides = array<i32>} : memref<4096xi32, #tpu.memory_space<vmem>>, vector<16xi32>,
      %scan3A_471 = arith.constant 0 : i32
      %scan3A_472 = arith.constant 1 : i32
      %scan3A_473 = arith.addi %scan3A_463, %scan3A_472 : i32
      %broadcast_in_dim3A_474 = arith.constant 0 : i32
      %broadcast_in_dim3A_475 = vector.broadcast %broadcast_in_dim3A_474 : i32 to vector<16xi32>
      %mul3A_476 = arith.constant 16 : i32
      %mul3A_477 = arith.muli %scan3A_473, %mul3A_476 : i32
      %swap3A_478 = arith.index_cast %mul3A_477 : i32 to index
      %swap3A_479 = tpu.vector_load %arg15[%swap3A_478] {strides = array<i32>} : memref<4096xi32, #tpu.memory_space<vmem>>, vector<16xi32>,
      tpu.vector_store %arg15[%swap3A_478], %broadcast_in_dim3A_475 {strides = array<i32>} : memref<4096xi32, #tpu.memory_space<vmem>>, vector<16xi32>,
      %scan3A_480 = arith.constant 0 : i32
      %scan3A_481 = arith.constant 2 : i32
      %scan3A_482 = arith.addi %scan3A_463, %scan3A_481 : i32
      %broadcast_in_dim3A_483 = arith.constant 0 : i32
      %broadcast_in_dim3A_484 = vector.broadcast %broadcast_in_dim3A_483 : i32 to vector<16xi32>
      %mul3A_485 = arith.constant 16 : i32
      %mul3A_486 = arith.muli %scan3A_482, %mul3A_485 : i32
      %swap3A_487 = arith.index_cast %mul3A_486 : i32 to index
      %swap3A_488 = tpu.vector_load %arg15[%swap3A_487] {strides = array<i32>} : memref<4096xi32, #tpu.memory_space<vmem>>, vector<16xi32>,
      tpu.vector_store %arg15[%swap3A_487], %broadcast_in_dim3A_484 {strides = array<i32>} : memref<4096xi32, #tpu.memory_space<vmem>>, vector<16xi32>,
      %scan3A_489 = arith.constant 0 : i32
      %scan3A_490 = arith.constant 3 : i32
      %scan3A_491 = arith.addi %scan3A_463, %scan3A_490 : i32
      %broadcast_in_dim3A_492 = arith.constant 0 : i32
      %broadcast_in_dim3A_493 = vector.broadcast %broadcast_in_dim3A_492 : i32 to vector<16xi32>
      %mul3A_494 = arith.constant 16 : i32
      %mul3A_495 = arith.muli %scan3A_491, %mul3A_494 : i32
      %swap3A_496 = arith.index_cast %mul3A_495 : i32 to index
      %swap3A_497 = tpu.vector_load %arg15[%swap3A_496] {strides = array<i32>} : memref<4096xi32, #tpu.memory_space<vmem>>, vector<16xi32>,
      tpu.vector_store %arg15[%swap3A_496], %broadcast_in_dim3A_493 {strides = array<i32>} : memref<4096xi32, #tpu.memory_space<vmem>>, vector<16xi32>,
      %scan3A_498 = arith.constant 0 : i32
      scf.yield %scan3A_498 : i32
    }
    %scan3A_86 = arith.constant 256 : i32
    %scan3A_87 = arith.constant 0 : i32
    %scan3A_88 = arith.constant 0 : i32
    %scan3A_89 = arith.constant 256 : i32
    %scan3A_90 = arith.addi %scan3A_88, %scan3A_89 : i32
    %scan3A_91 = arith.constant 2 : i32
    %scan3A_92 = scf.for %scan3A_463 = %scan3A_88 to %scan3A_90 step %scan3A_91 iter_args(%scan3A_464 = %scan3A_87) -> (i32)  : i32 {
      %mul3A_465 = arith.constant 16 : i32
      %mul3A_466 = arith.muli %scan3A_463, %mul3A_465 : i32
      %get3A_467 = arith.index_cast %mul3A_466 : i32 to index
      %get3A_468 = tpu.vector_load %arg13[%get3A_467] {strides = array<i32>} : memref<4096xf32, #tpu.memory_space<vmem>>, vector<16xf32>,
      %bitcast3A = vector.bitcast %get3A_468 : vector<16xf32> to vector<16xi32>
      %not3A = arith.constant dense<-1> : vector<16xi32>
      %not3A_469 = arith.xori %bitcast3A, %not3A : vector<16xi32>
      %shift_right_arithmetic3A = arith.constant 8 : i32
      %shift_right_arithmetic3A_470 = vector.broadcast %shift_right_arithmetic3A : i32 to vector<16xi32>
      %shift_right_arithmetic3A_471 = arith.shrsi %not3A_469, %shift_right_arithmetic3A_470 : vector<16xi32>
      %and3A = arith.constant 255 : i32
      %and3A_472 = vector.broadcast %and3A : i32 to vector<16xi32>
      %and3A_473 = arith.andi %shift_right_arithmetic3A_471, %and3A_472 : vector<16xi32>
      %mul3A_474 = arith.constant 16 : i32
      %mul3A_475 = vector.broadcast %mul3A_474 : i32 to vector<16xi32>
      %mul3A_476 = arith.muli %and3A_473, %mul3A_475 : vector<16xi32>
      %add3A_477 = arith.addi %mul3A_476, %iota3A : vector<16xi32>
      %gather3A = tpu.vector_load_idx %arg15[%add3A_477] : memref<4096xi32, #tpu.memory_space<vmem>>[vector<16xi32>], vector<16xi32>,
      %add3A_478 = arith.constant 1 : i32
      %add3A_479 = vector.broadcast %add3A_478 : i32 to vector<16xi32>
      %add3A_480 = arith.addi %gather3A, %add3A_479 : vector<16xi32>
      tpu.vector_store_idx %arg15[%add3A_477], %add3A_480 : memref<4096xi32, #tpu.memory_space<vmem>>[vector<16xi32>], vector<16xi32>,
      %scan3A_481 = arith.constant 0 : i32
      %scan3A_482 = arith.constant 1 : i32
      %scan3A_483 = arith.addi %scan3A_463, %scan3A_482 : i32
      %mul3A_484 = arith.constant 16 : i32
      %mul3A_485 = arith.muli %scan3A_483, %mul3A_484 : i32
      %get3A_486 = arith.index_cast %mul3A_485 : i32 to index
      %get3A_487 = tpu.vector_load %arg13[%get3A_486] {strides = array<i32>} : memref<4096xf32, #tpu.memory_space<vmem>>, vector<16xf32>,
      %bitcast3A_488 = vector.bitcast %get3A_487 : vector<16xf32> to vector<16xi32>
      %not3A_489 = arith.constant dense<-1> : vector<16xi32>
      %not3A_490 = arith.xori %bitcast3A_488, %not3A_489 : vector<16xi32>
      %shift_right_arithmetic3A_491 = arith.constant 8 : i32
      %shift_right_arithmetic3A_492 = vector.broadcast %shift_right_arithmetic3A_491 : i32 to vector<16xi32>
      %shift_right_arithmetic3A_493 = arith.shrsi %not3A_490, %shift_right_arithmetic3A_492 : vector<16xi32>
      %and3A_494 = arith.constant 255 : i32
      %and3A_495 = vector.broadcast %and3A_494 : i32 to vector<16xi32>
      %and3A_496 = arith.andi %shift_right_arithmetic3A_493, %and3A_495 : vector<16xi32>
      %mul3A_497 = arith.constant 16 : i32
      %mul3A_498 = vector.broadcast %mul3A_497 : i32 to vector<16xi32>
      %mul3A_499 = arith.muli %and3A_496, %mul3A_498 : vector<16xi32>
      %add3A_500 = arith.addi %mul3A_499, %iota3A : vector<16xi32>
      %gather3A_501 = tpu.vector_load_idx %arg15[%add3A_500] : memref<4096xi32, #tpu.memory_space<vmem>>[vector<16xi32>], vector<16xi32>,
      %add3A_502 = arith.constant 1 : i32
      %add3A_503 = vector.broadcast %add3A_502 : i32 to vector<16xi32>
      %add3A_504 = arith.addi %gather3A_501, %add3A_503 : vector<16xi32>
      tpu.vector_store_idx %arg15[%add3A_500], %add3A_504 : memref<4096xi32, #tpu.memory_space<vmem>>[vector<16xi32>], vector<16xi32>,
      %scan3A_505 = arith.constant 0 : i32
      scf.yield %scan3A_505 : i32
    }
    %scan3A_93 = arith.constant 256 : i32
    %scan3A_94 = arith.constant 0 : i32
    %scan3A_95 = arith.constant 0 : i32
    %scan3A_96 = arith.constant 256 : i32
    %scan3A_97 = arith.addi %scan3A_95, %scan3A_96 : i32
    %scan3A_98 = arith.constant 2 : i32
    %scan3A_99 = scf.for %scan3A_463 = %scan3A_95 to %scan3A_97 step %scan3A_98 iter_args(%scan3A_464 = %scan3A_94) -> (i32)  : i32 {
      %mul3A_465 = arith.constant 16 : i32
      %mul3A_466 = arith.muli %scan3A_463, %mul3A_465 : i32
      %get3A_467 = arith.index_cast %mul3A_466 : i32 to index
      %get3A_468 = tpu.vector_load %arg15[%get3A_467] {strides = array<i32>} : memref<4096xi32, #tpu.memory_space<vmem>>, vector<16xi32>,
      %broadcast_in_dim3A_469 = arith.constant true
      %broadcast_in_dim3A_470 = vector.broadcast %broadcast_in_dim3A_469 : i1 to vector<16xi1>
      %masked_cumsum3A = tpu.scan <sum>, %get3A_468 masked %broadcast_in_dim3A_470 : vector<16xi32>, vector<16xi1> -> vector<16xi32>
      %sub3A_471 = arith.subi %masked_cumsum3A, %get3A_468 : vector<16xi32>
      %add3A_472 = vector.broadcast %scan3A_464 : i32 to vector<16xi32>
      %add3A_473 = arith.addi %sub3A_471, %add3A_472 : vector<16xi32>
      %mul3A_474 = arith.constant 16 : i32
      %mul3A_475 = arith.muli %scan3A_463, %mul3A_474 : i32
      %swap3A_476 = arith.index_cast %mul3A_475 : i32 to index
      %swap3A_477 = tpu.vector_load %arg15[%swap3A_476] {strides = array<i32>} : memref<4096xi32, #tpu.memory_space<vmem>>, vector<16xi32>,
      tpu.vector_store %arg15[%swap3A_476], %add3A_473 {strides = array<i32>} : memref<4096xi32, #tpu.memory_space<vmem>>, vector<16xi32>,
      %reduce_max3A_478 = arith.constant true
      %reduce_max3A_479 = vector.broadcast %reduce_max3A_478 : i1 to vector<16xi1>
      %reduce_max3A_480 = arith.constant -2147483648 : i32
      %reduce_max3A_481 = vector.broadcast %reduce_max3A_480 : i32 to vector<16xi32>
      %reduce_max3A_482 = arith.xori %masked_cumsum3A, %reduce_max3A_481 : vector<16xi32>
      %reduce_max3A_483 = tpu.scan <max>, %reduce_max3A_482 masked %reduce_max3A_479 : vector<16xi32>, vector<16xi1> -> vector<16xi32>
      %reduce_max3A_484 = arith.xori %reduce_max3A_483, %reduce_max3A_481 : vector<16xi32>
      %reduce_max3A_485 = vector.extract %reduce_max3A_484[15] : i32 from vector<16xi32>
      %add3A_486 = arith.addi %scan3A_464, %reduce_max3A_485 : i32
      %scan3A_487 = arith.constant 1 : i32
      %scan3A_488 = arith.addi %scan3A_463, %scan3A_487 : i32
      %mul3A_489 = arith.constant 16 : i32
      %mul3A_490 = arith.muli %scan3A_488, %mul3A_489 : i32
      %get3A_491 = arith.index_cast %mul3A_490 : i32 to index
      %get3A_492 = tpu.vector_load %arg15[%get3A_491] {strides = array<i32>} : memref<4096xi32, #tpu.memory_space<vmem>>, vector<16xi32>,
      %broadcast_in_dim3A_493 = arith.constant true
      %broadcast_in_dim3A_494 = vector.broadcast %broadcast_in_dim3A_493 : i1 to vector<16xi1>
      %masked_cumsum3A_495 = tpu.scan <sum>, %get3A_492 masked %broadcast_in_dim3A_494 : vector<16xi32>, vector<16xi1> -> vector<16xi32>
      %sub3A_496 = arith.subi %masked_cumsum3A_495, %get3A_492 : vector<16xi32>
      %add3A_497 = vector.broadcast %add3A_486 : i32 to vector<16xi32>
      %add3A_498 = arith.addi %sub3A_496, %add3A_497 : vector<16xi32>
      %mul3A_499 = arith.constant 16 : i32
      %mul3A_500 = arith.muli %scan3A_488, %mul3A_499 : i32
      %swap3A_501 = arith.index_cast %mul3A_500 : i32 to index
      %swap3A_502 = tpu.vector_load %arg15[%swap3A_501] {strides = array<i32>} : memref<4096xi32, #tpu.memory_space<vmem>>, vector<16xi32>,
      tpu.vector_store %arg15[%swap3A_501], %add3A_498 {strides = array<i32>} : memref<4096xi32, #tpu.memory_space<vmem>>, vector<16xi32>,
      %reduce_max3A_503 = arith.constant true
      %reduce_max3A_504 = vector.broadcast %reduce_max3A_503 : i1 to vector<16xi1>
      %reduce_max3A_505 = arith.constant -2147483648 : i32
      %reduce_max3A_506 = vector.broadcast %reduce_max3A_505 : i32 to vector<16xi32>
      %reduce_max3A_507 = arith.xori %masked_cumsum3A_495, %reduce_max3A_506 : vector<16xi32>
      %reduce_max3A_508 = tpu.scan <max>, %reduce_max3A_507 masked %reduce_max3A_504 : vector<16xi32>, vector<16xi1> -> vector<16xi32>
      %reduce_max3A_509 = arith.xori %reduce_max3A_508, %reduce_max3A_506 : vector<16xi32>
      %reduce_max3A_510 = vector.extract %reduce_max3A_509[15] : i32 from vector<16xi32>
      %add3A_511 = arith.addi %add3A_486, %reduce_max3A_510 : i32
      scf.yield %add3A_511 : i32
    }
    %scan3A_100 = arith.constant 256 : i32
    %scan3A_101 = arith.constant 0 : i32
    %scan3A_102 = arith.constant 0 : i32
    %scan3A_103 = arith.constant 256 : i32
    %scan3A_104 = arith.addi %scan3A_102, %scan3A_103 : i32
    %scan3A_105 = arith.constant 2 : i32
    %scan3A_106 = scf.for %scan3A_463 = %scan3A_102 to %scan3A_104 step %scan3A_105 iter_args(%scan3A_464 = %scan3A_101) -> (i32)  : i32 {
      %mul3A_465 = arith.constant 16 : i32
      %mul3A_466 = arith.muli %scan3A_463, %mul3A_465 : i32
      %get3A_467 = arith.index_cast %mul3A_466 : i32 to index
      %get3A_468 = tpu.vector_load %arg13[%get3A_467] {strides = array<i32>} : memref<4096xf32, #tpu.memory_space<vmem>>, vector<16xf32>,
      %mul3A_469 = arith.constant 16 : i32
      %mul3A_470 = arith.muli %scan3A_463, %mul3A_469 : i32
      %get3A_471 = arith.index_cast %mul3A_470 : i32 to index
      %get3A_472 = tpu.vector_load %arg14[%get3A_471] {strides = array<i32>} : memref<4096xi32, #tpu.memory_space<vmem>>, vector<16xi32>,
      %bitcast3A = vector.bitcast %get3A_468 : vector<16xf32> to vector<16xi32>
      %not3A = arith.constant dense<-1> : vector<16xi32>
      %not3A_473 = arith.xori %bitcast3A, %not3A : vector<16xi32>
      %shift_right_arithmetic3A = arith.constant 8 : i32
      %shift_right_arithmetic3A_474 = vector.broadcast %shift_right_arithmetic3A : i32 to vector<16xi32>
      %shift_right_arithmetic3A_475 = arith.shrsi %not3A_473, %shift_right_arithmetic3A_474 : vector<16xi32>
      %and3A = arith.constant 255 : i32
      %and3A_476 = vector.broadcast %and3A : i32 to vector<16xi32>
      %and3A_477 = arith.andi %shift_right_arithmetic3A_475, %and3A_476 : vector<16xi32>
      %mul3A_478 = arith.constant 16 : i32
      %mul3A_479 = vector.broadcast %mul3A_478 : i32 to vector<16xi32>
      %mul3A_480 = arith.muli %and3A_477, %mul3A_479 : vector<16xi32>
      %add3A_481 = arith.addi %mul3A_480, %iota3A : vector<16xi32>
      %gather3A = tpu.vector_load_idx %arg15[%add3A_481] : memref<4096xi32, #tpu.memory_space<vmem>>[vector<16xi32>], vector<16xi32>,
      %add3A_482 = arith.constant 1 : i32
      %add3A_483 = vector.broadcast %add3A_482 : i32 to vector<16xi32>
      %add3A_484 = arith.addi %gather3A, %add3A_483 : vector<16xi32>
      tpu.vector_store_idx %arg15[%add3A_481], %add3A_484 : memref<4096xi32, #tpu.memory_space<vmem>>[vector<16xi32>], vector<16xi32>,
      %and3A_485 = arith.constant 255 : i32
      %and3A_486 = vector.broadcast %and3A_485 : i32 to vector<16xi32>
      %and3A_487 = arith.andi %gather3A, %and3A_486 : vector<16xi32>
      %mul3A_488 = arith.constant 16 : i32
      %mul3A_489 = vector.broadcast %mul3A_488 : i32 to vector<16xi32>
      %mul3A_490 = arith.muli %and3A_487, %mul3A_489 : vector<16xi32>
      %shift_right_arithmetic3A_491 = arith.constant 8 : i32
      %shift_right_arithmetic3A_492 = vector.broadcast %shift_right_arithmetic3A_491 : i32 to vector<16xi32>
      %shift_right_arithmetic3A_493 = arith.shrsi %gather3A, %shift_right_arithmetic3A_492 : vector<16xi32>
      %add3A_494 = arith.addi %mul3A_490, %shift_right_arithmetic3A_493 : vector<16xi32>
      tpu.vector_store_idx %arg11[%add3A_494], %get3A_468 : memref<4096xf32, #tpu.memory_space<vmem>>[vector<16xi32>], vector<16xf32>,
      tpu.vector_store_idx %arg12[%add3A_494], %get3A_472 : memref<4096xi32, #tpu.memory_space<vmem>>[vector<16xi32>], vector<16xi32>,
      %scan3A_495 = arith.constant 0 : i32
      %scan3A_496 = arith.constant 1 : i32
      %scan3A_497 = arith.addi %scan3A_463, %scan3A_496 : i32
      %mul3A_498 = arith.constant 16 : i32
      %mul3A_499 = arith.muli %scan3A_497, %mul3A_498 : i32
      %get3A_500 = arith.index_cast %mul3A_499 : i32 to index
      %get3A_501 = tpu.vector_load %arg13[%get3A_500] {strides = array<i32>} : memref<4096xf32, #tpu.memory_space<vmem>>, vector<16xf32>,
      %mul3A_502 = arith.constant 16 : i32
      %mul3A_503 = arith.muli %scan3A_497, %mul3A_502 : i32
      %get3A_504 = arith.index_cast %mul3A_503 : i32 to index
      %get3A_505 = tpu.vector_load %arg14[%get3A_504] {strides = array<i32>} : memref<4096xi32, #tpu.memory_space<vmem>>, vector<16xi32>,
      %bitcast3A_506 = vector.bitcast %get3A_501 : vector<16xf32> to vector<16xi32>
      %not3A_507 = arith.constant dense<-1> : vector<16xi32>
      %not3A_508 = arith.xori %bitcast3A_506, %not3A_507 : vector<16xi32>
      %shift_right_arithmetic3A_509 = arith.constant 8 : i32
      %shift_right_arithmetic3A_510 = vector.broadcast %shift_right_arithmetic3A_509 : i32 to vector<16xi32>
      %shift_right_arithmetic3A_511 = arith.shrsi %not3A_508, %shift_right_arithmetic3A_510 : vector<16xi32>
      %and3A_512 = arith.constant 255 : i32
      %and3A_513 = vector.broadcast %and3A_512 : i32 to vector<16xi32>
      %and3A_514 = arith.andi %shift_right_arithmetic3A_511, %and3A_513 : vector<16xi32>
      %mul3A_515 = arith.constant 16 : i32
      %mul3A_516 = vector.broadcast %mul3A_515 : i32 to vector<16xi32>
      %mul3A_517 = arith.muli %and3A_514, %mul3A_516 : vector<16xi32>
      %add3A_518 = arith.addi %mul3A_517, %iota3A : vector<16xi32>
      %gather3A_519 = tpu.vector_load_idx %arg15[%add3A_518] : memref<4096xi32, #tpu.memory_space<vmem>>[vector<16xi32>], vector<16xi32>,
      %add3A_520 = arith.constant 1 : i32
      %add3A_521 = vector.broadcast %add3A_520 : i32 to vector<16xi32>
      %add3A_522 = arith.addi %gather3A_519, %add3A_521 : vector<16xi32>
      tpu.vector_store_idx %arg15[%add3A_518], %add3A_522 : memref<4096xi32, #tpu.memory_space<vmem>>[vector<16xi32>], vector<16xi32>,
      %and3A_523 = arith.constant 255 : i32
      %and3A_524 = vector.broadcast %and3A_523 : i32 to vector<16xi32>
      %and3A_525 = arith.andi %gather3A_519, %and3A_524 : vector<16xi32>
      %mul3A_526 = arith.constant 16 : i32
      %mul3A_527 = vector.broadcast %mul3A_526 : i32 to vector<16xi32>
      %mul3A_528 = arith.muli %and3A_525, %mul3A_527 : vector<16xi32>
      %shift_right_arithmetic3A_529 = arith.constant 8 : i32
      %shift_right_arithmetic3A_530 = vector.broadcast %shift_right_arithmetic3A_529 : i32 to vector<16xi32>
      %shift_right_arithmetic3A_531 = arith.shrsi %gather3A_519, %shift_right_arithmetic3A_530 : vector<16xi32>
      %add3A_532 = arith.addi %mul3A_528, %shift_right_arithmetic3A_531 : vector<16xi32>
      tpu.vector_store_idx %arg11[%add3A_532], %get3A_501 : memref<4096xf32, #tpu.memory_space<vmem>>[vector<16xi32>], vector<16xf32>,
      tpu.vector_store_idx %arg12[%add3A_532], %get3A_505 : memref<4096xi32, #tpu.memory_space<vmem>>[vector<16xi32>], vector<16xi32>,
      %scan3A_533 = arith.constant 0 : i32
      scf.yield %scan3A_533 : i32
    }
    %scan3A_107 = arith.constant 256 : i32
    %scan3A_108 = arith.constant 0 : i32
    %scan3A_109 = arith.constant 0 : i32
    %scan3A_110 = arith.constant 256 : i32
    %scan3A_111 = arith.addi %scan3A_109, %scan3A_110 : i32
    %scan3A_112 = arith.constant 4 : i32
    %scan3A_113 = scf.for %scan3A_463 = %scan3A_109 to %scan3A_111 step %scan3A_112 iter_args(%scan3A_464 = %scan3A_108) -> (i32)  : i32 {
      %broadcast_in_dim3A_465 = arith.constant 0 : i32
      %broadcast_in_dim3A_466 = vector.broadcast %broadcast_in_dim3A_465 : i32 to vector<16xi32>
      %mul3A_467 = arith.constant 16 : i32
      %mul3A_468 = arith.muli %scan3A_463, %mul3A_467 : i32
      %swap3A_469 = arith.index_cast %mul3A_468 : i32 to index
      %swap3A_470 = tpu.vector_load %arg15[%swap3A_469] {strides = array<i32>} : memref<4096xi32, #tpu.memory_space<vmem>>, vector<16xi32>,
      tpu.vector_store %arg15[%swap3A_469], %broadcast_in_dim3A_466 {strides = array<i32>} : memref<4096xi32, #tpu.memory_space<vmem>>, vector<16xi32>,
      %scan3A_471 = arith.constant 0 : i32
      %scan3A_472 = arith.constant 1 : i32
      %scan3A_473 = arith.addi %scan3A_463, %scan3A_472 : i32
      %broadcast_in_dim3A_474 = arith.constant 0 : i32
      %broadcast_in_dim3A_475 = vector.broadcast %broadcast_in_dim3A_474 : i32 to vector<16xi32>
      %mul3A_476 = arith.constant 16 : i32
      %mul3A_477 = arith.muli %scan3A_473, %mul3A_476 : i32
      %swap3A_478 = arith.index_cast %mul3A_477 : i32 to index
      %swap3A_479 = tpu.vector_load %arg15[%swap3A_478] {strides = array<i32>} : memref<4096xi32, #tpu.memory_space<vmem>>, vector<16xi32>,
      tpu.vector_store %arg15[%swap3A_478], %broadcast_in_dim3A_475 {strides = array<i32>} : memref<4096xi32, #tpu.memory_space<vmem>>, vector<16xi32>,
      %scan3A_480 = arith.constant 0 : i32
      %scan3A_481 = arith.constant 2 : i32
      %scan3A_482 = arith.addi %scan3A_463, %scan3A_481 : i32
      %broadcast_in_dim3A_483 = arith.constant 0 : i32
      %broadcast_in_dim3A_484 = vector.broadcast %broadcast_in_dim3A_483 : i32 to vector<16xi32>
      %mul3A_485 = arith.constant 16 : i32
      %mul3A_486 = arith.muli %scan3A_482, %mul3A_485 : i32
      %swap3A_487 = arith.index_cast %mul3A_486 : i32 to index
      %swap3A_488 = tpu.vector_load %arg15[%swap3A_487] {strides = array<i32>} : memref<4096xi32, #tpu.memory_space<vmem>>, vector<16xi32>,
      tpu.vector_store %arg15[%swap3A_487], %broadcast_in_dim3A_484 {strides = array<i32>} : memref<4096xi32, #tpu.memory_space<vmem>>, vector<16xi32>,
      %scan3A_489 = arith.constant 0 : i32
      %scan3A_490 = arith.constant 3 : i32
      %scan3A_491 = arith.addi %scan3A_463, %scan3A_490 : i32
      %broadcast_in_dim3A_492 = arith.constant 0 : i32
      %broadcast_in_dim3A_493 = vector.broadcast %broadcast_in_dim3A_492 : i32 to vector<16xi32>
      %mul3A_494 = arith.constant 16 : i32
      %mul3A_495 = arith.muli %scan3A_491, %mul3A_494 : i32
      %swap3A_496 = arith.index_cast %mul3A_495 : i32 to index
      %swap3A_497 = tpu.vector_load %arg15[%swap3A_496] {strides = array<i32>} : memref<4096xi32, #tpu.memory_space<vmem>>, vector<16xi32>,
      tpu.vector_store %arg15[%swap3A_496], %broadcast_in_dim3A_493 {strides = array<i32>} : memref<4096xi32, #tpu.memory_space<vmem>>, vector<16xi32>,
      %scan3A_498 = arith.constant 0 : i32
      scf.yield %scan3A_498 : i32
    }
    %scan3A_114 = arith.constant 256 : i32
    %scan3A_115 = arith.constant 0 : i32
    %scan3A_116 = arith.constant 0 : i32
    %scan3A_117 = arith.constant 256 : i32
    %scan3A_118 = arith.addi %scan3A_116, %scan3A_117 : i32
    %scan3A_119 = arith.constant 2 : i32
    %scan3A_120 = scf.for %scan3A_463 = %scan3A_116 to %scan3A_118 step %scan3A_119 iter_args(%scan3A_464 = %scan3A_115) -> (i32)  : i32 {
      %mul3A_465 = arith.constant 16 : i32
      %mul3A_466 = arith.muli %scan3A_463, %mul3A_465 : i32
      %get3A_467 = arith.index_cast %mul3A_466 : i32 to index
      %get3A_468 = tpu.vector_load %arg11[%get3A_467] {strides = array<i32>} : memref<4096xf32, #tpu.memory_space<vmem>>, vector<16xf32>,
      %bitcast3A = vector.bitcast %get3A_468 : vector<16xf32> to vector<16xi32>
      %not3A = arith.constant dense<-1> : vector<16xi32>
      %not3A_469 = arith.xori %bitcast3A, %not3A : vector<16xi32>
      %shift_right_arithmetic3A = arith.constant 16 : i32
      %shift_right_arithmetic3A_470 = vector.broadcast %shift_right_arithmetic3A : i32 to vector<16xi32>
      %shift_right_arithmetic3A_471 = arith.shrsi %not3A_469, %shift_right_arithmetic3A_470 : vector<16xi32>
      %and3A = arith.constant 255 : i32
      %and3A_472 = vector.broadcast %and3A : i32 to vector<16xi32>
      %and3A_473 = arith.andi %shift_right_arithmetic3A_471, %and3A_472 : vector<16xi32>
      %mul3A_474 = arith.constant 16 : i32
      %mul3A_475 = vector.broadcast %mul3A_474 : i32 to vector<16xi32>
      %mul3A_476 = arith.muli %and3A_473, %mul3A_475 : vector<16xi32>
      %add3A_477 = arith.addi %mul3A_476, %iota3A : vector<16xi32>
      %gather3A = tpu.vector_load_idx %arg15[%add3A_477] : memref<4096xi32, #tpu.memory_space<vmem>>[vector<16xi32>], vector<16xi32>,
      %add3A_478 = arith.constant 1 : i32
      %add3A_479 = vector.broadcast %add3A_478 : i32 to vector<16xi32>
      %add3A_480 = arith.addi %gather3A, %add3A_479 : vector<16xi32>
      tpu.vector_store_idx %arg15[%add3A_477], %add3A_480 : memref<4096xi32, #tpu.memory_space<vmem>>[vector<16xi32>], vector<16xi32>,
      %scan3A_481 = arith.constant 0 : i32
      %scan3A_482 = arith.constant 1 : i32
      %scan3A_483 = arith.addi %scan3A_463, %scan3A_482 : i32
      %mul3A_484 = arith.constant 16 : i32
      %mul3A_485 = arith.muli %scan3A_483, %mul3A_484 : i32
      %get3A_486 = arith.index_cast %mul3A_485 : i32 to index
      %get3A_487 = tpu.vector_load %arg11[%get3A_486] {strides = array<i32>} : memref<4096xf32, #tpu.memory_space<vmem>>, vector<16xf32>,
      %bitcast3A_488 = vector.bitcast %get3A_487 : vector<16xf32> to vector<16xi32>
      %not3A_489 = arith.constant dense<-1> : vector<16xi32>
      %not3A_490 = arith.xori %bitcast3A_488, %not3A_489 : vector<16xi32>
      %shift_right_arithmetic3A_491 = arith.constant 16 : i32
      %shift_right_arithmetic3A_492 = vector.broadcast %shift_right_arithmetic3A_491 : i32 to vector<16xi32>
      %shift_right_arithmetic3A_493 = arith.shrsi %not3A_490, %shift_right_arithmetic3A_492 : vector<16xi32>
      %and3A_494 = arith.constant 255 : i32
      %and3A_495 = vector.broadcast %and3A_494 : i32 to vector<16xi32>
      %and3A_496 = arith.andi %shift_right_arithmetic3A_493, %and3A_495 : vector<16xi32>
      %mul3A_497 = arith.constant 16 : i32
      %mul3A_498 = vector.broadcast %mul3A_497 : i32 to vector<16xi32>
      %mul3A_499 = arith.muli %and3A_496, %mul3A_498 : vector<16xi32>
      %add3A_500 = arith.addi %mul3A_499, %iota3A : vector<16xi32>
      %gather3A_501 = tpu.vector_load_idx %arg15[%add3A_500] : memref<4096xi32, #tpu.memory_space<vmem>>[vector<16xi32>], vector<16xi32>,
      %add3A_502 = arith.constant 1 : i32
      %add3A_503 = vector.broadcast %add3A_502 : i32 to vector<16xi32>
      %add3A_504 = arith.addi %gather3A_501, %add3A_503 : vector<16xi32>
      tpu.vector_store_idx %arg15[%add3A_500], %add3A_504 : memref<4096xi32, #tpu.memory_space<vmem>>[vector<16xi32>], vector<16xi32>,
      %scan3A_505 = arith.constant 0 : i32
      scf.yield %scan3A_505 : i32
    }
    %scan3A_121 = arith.constant 256 : i32
    %scan3A_122 = arith.constant 0 : i32
    %scan3A_123 = arith.constant 0 : i32
    %scan3A_124 = arith.constant 256 : i32
    %scan3A_125 = arith.addi %scan3A_123, %scan3A_124 : i32
    %scan3A_126 = arith.constant 2 : i32
    %scan3A_127 = scf.for %scan3A_463 = %scan3A_123 to %scan3A_125 step %scan3A_126 iter_args(%scan3A_464 = %scan3A_122) -> (i32)  : i32 {
      %mul3A_465 = arith.constant 16 : i32
      %mul3A_466 = arith.muli %scan3A_463, %mul3A_465 : i32
      %get3A_467 = arith.index_cast %mul3A_466 : i32 to index
      %get3A_468 = tpu.vector_load %arg15[%get3A_467] {strides = array<i32>} : memref<4096xi32, #tpu.memory_space<vmem>>, vector<16xi32>,
      %broadcast_in_dim3A_469 = arith.constant true
      %broadcast_in_dim3A_470 = vector.broadcast %broadcast_in_dim3A_469 : i1 to vector<16xi1>
      %masked_cumsum3A = tpu.scan <sum>, %get3A_468 masked %broadcast_in_dim3A_470 : vector<16xi32>, vector<16xi1> -> vector<16xi32>
      %sub3A_471 = arith.subi %masked_cumsum3A, %get3A_468 : vector<16xi32>
      %add3A_472 = vector.broadcast %scan3A_464 : i32 to vector<16xi32>
      %add3A_473 = arith.addi %sub3A_471, %add3A_472 : vector<16xi32>
      %mul3A_474 = arith.constant 16 : i32
      %mul3A_475 = arith.muli %scan3A_463, %mul3A_474 : i32
      %swap3A_476 = arith.index_cast %mul3A_475 : i32 to index
      %swap3A_477 = tpu.vector_load %arg15[%swap3A_476] {strides = array<i32>} : memref<4096xi32, #tpu.memory_space<vmem>>, vector<16xi32>,
      tpu.vector_store %arg15[%swap3A_476], %add3A_473 {strides = array<i32>} : memref<4096xi32, #tpu.memory_space<vmem>>, vector<16xi32>,
      %reduce_max3A_478 = arith.constant true
      %reduce_max3A_479 = vector.broadcast %reduce_max3A_478 : i1 to vector<16xi1>
      %reduce_max3A_480 = arith.constant -2147483648 : i32
      %reduce_max3A_481 = vector.broadcast %reduce_max3A_480 : i32 to vector<16xi32>
      %reduce_max3A_482 = arith.xori %masked_cumsum3A, %reduce_max3A_481 : vector<16xi32>
      %reduce_max3A_483 = tpu.scan <max>, %reduce_max3A_482 masked %reduce_max3A_479 : vector<16xi32>, vector<16xi1> -> vector<16xi32>
      %reduce_max3A_484 = arith.xori %reduce_max3A_483, %reduce_max3A_481 : vector<16xi32>
      %reduce_max3A_485 = vector.extract %reduce_max3A_484[15] : i32 from vector<16xi32>
      %add3A_486 = arith.addi %scan3A_464, %reduce_max3A_485 : i32
      %scan3A_487 = arith.constant 1 : i32
      %scan3A_488 = arith.addi %scan3A_463, %scan3A_487 : i32
      %mul3A_489 = arith.constant 16 : i32
      %mul3A_490 = arith.muli %scan3A_488, %mul3A_489 : i32
      %get3A_491 = arith.index_cast %mul3A_490 : i32 to index
      %get3A_492 = tpu.vector_load %arg15[%get3A_491] {strides = array<i32>} : memref<4096xi32, #tpu.memory_space<vmem>>, vector<16xi32>,
      %broadcast_in_dim3A_493 = arith.constant true
      %broadcast_in_dim3A_494 = vector.broadcast %broadcast_in_dim3A_493 : i1 to vector<16xi1>
      %masked_cumsum3A_495 = tpu.scan <sum>, %get3A_492 masked %broadcast_in_dim3A_494 : vector<16xi32>, vector<16xi1> -> vector<16xi32>
      %sub3A_496 = arith.subi %masked_cumsum3A_495, %get3A_492 : vector<16xi32>
      %add3A_497 = vector.broadcast %add3A_486 : i32 to vector<16xi32>
      %add3A_498 = arith.addi %sub3A_496, %add3A_497 : vector<16xi32>
      %mul3A_499 = arith.constant 16 : i32
      %mul3A_500 = arith.muli %scan3A_488, %mul3A_499 : i32
      %swap3A_501 = arith.index_cast %mul3A_500 : i32 to index
      %swap3A_502 = tpu.vector_load %arg15[%swap3A_501] {strides = array<i32>} : memref<4096xi32, #tpu.memory_space<vmem>>, vector<16xi32>,
      tpu.vector_store %arg15[%swap3A_501], %add3A_498 {strides = array<i32>} : memref<4096xi32, #tpu.memory_space<vmem>>, vector<16xi32>,
      %reduce_max3A_503 = arith.constant true
      %reduce_max3A_504 = vector.broadcast %reduce_max3A_503 : i1 to vector<16xi1>
      %reduce_max3A_505 = arith.constant -2147483648 : i32
      %reduce_max3A_506 = vector.broadcast %reduce_max3A_505 : i32 to vector<16xi32>
      %reduce_max3A_507 = arith.xori %masked_cumsum3A_495, %reduce_max3A_506 : vector<16xi32>
      %reduce_max3A_508 = tpu.scan <max>, %reduce_max3A_507 masked %reduce_max3A_504 : vector<16xi32>, vector<16xi1> -> vector<16xi32>
      %reduce_max3A_509 = arith.xori %reduce_max3A_508, %reduce_max3A_506 : vector<16xi32>
      %reduce_max3A_510 = vector.extract %reduce_max3A_509[15] : i32 from vector<16xi32>
      %add3A_511 = arith.addi %add3A_486, %reduce_max3A_510 : i32
      scf.yield %add3A_511 : i32
    }
    %scan3A_128 = arith.constant 256 : i32
    %scan3A_129 = arith.constant 0 : i32
    %scan3A_130 = arith.constant 0 : i32
    %scan3A_131 = arith.constant 256 : i32
    %scan3A_132 = arith.addi %scan3A_130, %scan3A_131 : i32
    %scan3A_133 = arith.constant 2 : i32
    %scan3A_134 = scf.for %scan3A_463 = %scan3A_130 to %scan3A_132 step %scan3A_133 iter_args(%scan3A_464 = %scan3A_129) -> (i32)  : i32 {
      %mul3A_465 = arith.constant 16 : i32
      %mul3A_466 = arith.muli %scan3A_463, %mul3A_465 : i32
      %get3A_467 = arith.index_cast %mul3A_466 : i32 to index
      %get3A_468 = tpu.vector_load %arg11[%get3A_467] {strides = array<i32>} : memref<4096xf32, #tpu.memory_space<vmem>>, vector<16xf32>,
      %mul3A_469 = arith.constant 16 : i32
      %mul3A_470 = arith.muli %scan3A_463, %mul3A_469 : i32
      %get3A_471 = arith.index_cast %mul3A_470 : i32 to index
      %get3A_472 = tpu.vector_load %arg12[%get3A_471] {strides = array<i32>} : memref<4096xi32, #tpu.memory_space<vmem>>, vector<16xi32>,
      %bitcast3A = vector.bitcast %get3A_468 : vector<16xf32> to vector<16xi32>
      %not3A = arith.constant dense<-1> : vector<16xi32>
      %not3A_473 = arith.xori %bitcast3A, %not3A : vector<16xi32>
      %shift_right_arithmetic3A = arith.constant 16 : i32
      %shift_right_arithmetic3A_474 = vector.broadcast %shift_right_arithmetic3A : i32 to vector<16xi32>
      %shift_right_arithmetic3A_475 = arith.shrsi %not3A_473, %shift_right_arithmetic3A_474 : vector<16xi32>
      %and3A = arith.constant 255 : i32
      %and3A_476 = vector.broadcast %and3A : i32 to vector<16xi32>
      %and3A_477 = arith.andi %shift_right_arithmetic3A_475, %and3A_476 : vector<16xi32>
      %mul3A_478 = arith.constant 16 : i32
      %mul3A_479 = vector.broadcast %mul3A_478 : i32 to vector<16xi32>
      %mul3A_480 = arith.muli %and3A_477, %mul3A_479 : vector<16xi32>
      %add3A_481 = arith.addi %mul3A_480, %iota3A : vector<16xi32>
      %gather3A = tpu.vector_load_idx %arg15[%add3A_481] : memref<4096xi32, #tpu.memory_space<vmem>>[vector<16xi32>], vector<16xi32>,
      %add3A_482 = arith.constant 1 : i32
      %add3A_483 = vector.broadcast %add3A_482 : i32 to vector<16xi32>
      %add3A_484 = arith.addi %gather3A, %add3A_483 : vector<16xi32>
      tpu.vector_store_idx %arg15[%add3A_481], %add3A_484 : memref<4096xi32, #tpu.memory_space<vmem>>[vector<16xi32>], vector<16xi32>,
      %and3A_485 = arith.constant 255 : i32
      %and3A_486 = vector.broadcast %and3A_485 : i32 to vector<16xi32>
      %and3A_487 = arith.andi %gather3A, %and3A_486 : vector<16xi32>
      %mul3A_488 = arith.constant 16 : i32
      %mul3A_489 = vector.broadcast %mul3A_488 : i32 to vector<16xi32>
      %mul3A_490 = arith.muli %and3A_487, %mul3A_489 : vector<16xi32>
      %shift_right_arithmetic3A_491 = arith.constant 8 : i32
      %shift_right_arithmetic3A_492 = vector.broadcast %shift_right_arithmetic3A_491 : i32 to vector<16xi32>
      %shift_right_arithmetic3A_493 = arith.shrsi %gather3A, %shift_right_arithmetic3A_492 : vector<16xi32>
      %add3A_494 = arith.addi %mul3A_490, %shift_right_arithmetic3A_493 : vector<16xi32>
      tpu.vector_store_idx %arg13[%add3A_494], %get3A_468 : memref<4096xf32, #tpu.memory_space<vmem>>[vector<16xi32>], vector<16xf32>,
      tpu.vector_store_idx %arg14[%add3A_494], %get3A_472 : memref<4096xi32, #tpu.memory_space<vmem>>[vector<16xi32>], vector<16xi32>,
      %scan3A_495 = arith.constant 0 : i32
      %scan3A_496 = arith.constant 1 : i32
      %scan3A_497 = arith.addi %scan3A_463, %scan3A_496 : i32
      %mul3A_498 = arith.constant 16 : i32
      %mul3A_499 = arith.muli %scan3A_497, %mul3A_498 : i32
      %get3A_500 = arith.index_cast %mul3A_499 : i32 to index
      %get3A_501 = tpu.vector_load %arg11[%get3A_500] {strides = array<i32>} : memref<4096xf32, #tpu.memory_space<vmem>>, vector<16xf32>,
      %mul3A_502 = arith.constant 16 : i32
      %mul3A_503 = arith.muli %scan3A_497, %mul3A_502 : i32
      %get3A_504 = arith.index_cast %mul3A_503 : i32 to index
      %get3A_505 = tpu.vector_load %arg12[%get3A_504] {strides = array<i32>} : memref<4096xi32, #tpu.memory_space<vmem>>, vector<16xi32>,
      %bitcast3A_506 = vector.bitcast %get3A_501 : vector<16xf32> to vector<16xi32>
      %not3A_507 = arith.constant dense<-1> : vector<16xi32>
      %not3A_508 = arith.xori %bitcast3A_506, %not3A_507 : vector<16xi32>
      %shift_right_arithmetic3A_509 = arith.constant 16 : i32
      %shift_right_arithmetic3A_510 = vector.broadcast %shift_right_arithmetic3A_509 : i32 to vector<16xi32>
      %shift_right_arithmetic3A_511 = arith.shrsi %not3A_508, %shift_right_arithmetic3A_510 : vector<16xi32>
      %and3A_512 = arith.constant 255 : i32
      %and3A_513 = vector.broadcast %and3A_512 : i32 to vector<16xi32>
      %and3A_514 = arith.andi %shift_right_arithmetic3A_511, %and3A_513 : vector<16xi32>
      %mul3A_515 = arith.constant 16 : i32
      %mul3A_516 = vector.broadcast %mul3A_515 : i32 to vector<16xi32>
      %mul3A_517 = arith.muli %and3A_514, %mul3A_516 : vector<16xi32>
      %add3A_518 = arith.addi %mul3A_517, %iota3A : vector<16xi32>
      %gather3A_519 = tpu.vector_load_idx %arg15[%add3A_518] : memref<4096xi32, #tpu.memory_space<vmem>>[vector<16xi32>], vector<16xi32>,
      %add3A_520 = arith.constant 1 : i32
      %add3A_521 = vector.broadcast %add3A_520 : i32 to vector<16xi32>
      %add3A_522 = arith.addi %gather3A_519, %add3A_521 : vector<16xi32>
      tpu.vector_store_idx %arg15[%add3A_518], %add3A_522 : memref<4096xi32, #tpu.memory_space<vmem>>[vector<16xi32>], vector<16xi32>,
      %and3A_523 = arith.constant 255 : i32
      %and3A_524 = vector.broadcast %and3A_523 : i32 to vector<16xi32>
      %and3A_525 = arith.andi %gather3A_519, %and3A_524 : vector<16xi32>
      %mul3A_526 = arith.constant 16 : i32
      %mul3A_527 = vector.broadcast %mul3A_526 : i32 to vector<16xi32>
      %mul3A_528 = arith.muli %and3A_525, %mul3A_527 : vector<16xi32>
      %shift_right_arithmetic3A_529 = arith.constant 8 : i32
      %shift_right_arithmetic3A_530 = vector.broadcast %shift_right_arithmetic3A_529 : i32 to vector<16xi32>
      %shift_right_arithmetic3A_531 = arith.shrsi %gather3A_519, %shift_right_arithmetic3A_530 : vector<16xi32>
      %add3A_532 = arith.addi %mul3A_528, %shift_right_arithmetic3A_531 : vector<16xi32>
      tpu.vector_store_idx %arg13[%add3A_532], %get3A_501 : memref<4096xf32, #tpu.memory_space<vmem>>[vector<16xi32>], vector<16xf32>,
      tpu.vector_store_idx %arg14[%add3A_532], %get3A_505 : memref<4096xi32, #tpu.memory_space<vmem>>[vector<16xi32>], vector<16xi32>,
      %scan3A_533 = arith.constant 0 : i32
      scf.yield %scan3A_533 : i32
    }
    %scan3A_135 = arith.constant 256 : i32
    %scan3A_136 = arith.constant 0 : i32
    %scan3A_137 = arith.constant 0 : i32
    %scan3A_138 = arith.constant 256 : i32
    %scan3A_139 = arith.addi %scan3A_137, %scan3A_138 : i32
    %scan3A_140 = arith.constant 4 : i32
    %scan3A_141 = scf.for %scan3A_463 = %scan3A_137 to %scan3A_139 step %scan3A_140 iter_args(%scan3A_464 = %scan3A_136) -> (i32)  : i32 {
      %broadcast_in_dim3A_465 = arith.constant 0 : i32
      %broadcast_in_dim3A_466 = vector.broadcast %broadcast_in_dim3A_465 : i32 to vector<16xi32>
      %mul3A_467 = arith.constant 16 : i32
      %mul3A_468 = arith.muli %scan3A_463, %mul3A_467 : i32
      %swap3A_469 = arith.index_cast %mul3A_468 : i32 to index
      %swap3A_470 = tpu.vector_load %arg15[%swap3A_469] {strides = array<i32>} : memref<4096xi32, #tpu.memory_space<vmem>>, vector<16xi32>,
      tpu.vector_store %arg15[%swap3A_469], %broadcast_in_dim3A_466 {strides = array<i32>} : memref<4096xi32, #tpu.memory_space<vmem>>, vector<16xi32>,
      %scan3A_471 = arith.constant 0 : i32
      %scan3A_472 = arith.constant 1 : i32
      %scan3A_473 = arith.addi %scan3A_463, %scan3A_472 : i32
      %broadcast_in_dim3A_474 = arith.constant 0 : i32
      %broadcast_in_dim3A_475 = vector.broadcast %broadcast_in_dim3A_474 : i32 to vector<16xi32>
      %mul3A_476 = arith.constant 16 : i32
      %mul3A_477 = arith.muli %scan3A_473, %mul3A_476 : i32
      %swap3A_478 = arith.index_cast %mul3A_477 : i32 to index
      %swap3A_479 = tpu.vector_load %arg15[%swap3A_478] {strides = array<i32>} : memref<4096xi32, #tpu.memory_space<vmem>>, vector<16xi32>,
      tpu.vector_store %arg15[%swap3A_478], %broadcast_in_dim3A_475 {strides = array<i32>} : memref<4096xi32, #tpu.memory_space<vmem>>, vector<16xi32>,
      %scan3A_480 = arith.constant 0 : i32
      %scan3A_481 = arith.constant 2 : i32
      %scan3A_482 = arith.addi %scan3A_463, %scan3A_481 : i32
      %broadcast_in_dim3A_483 = arith.constant 0 : i32
      %broadcast_in_dim3A_484 = vector.broadcast %broadcast_in_dim3A_483 : i32 to vector<16xi32>
      %mul3A_485 = arith.constant 16 : i32
      %mul3A_486 = arith.muli %scan3A_482, %mul3A_485 : i32
      %swap3A_487 = arith.index_cast %mul3A_486 : i32 to index
      %swap3A_488 = tpu.vector_load %arg15[%swap3A_487] {strides = array<i32>} : memref<4096xi32, #tpu.memory_space<vmem>>, vector<16xi32>,
      tpu.vector_store %arg15[%swap3A_487], %broadcast_in_dim3A_484 {strides = array<i32>} : memref<4096xi32, #tpu.memory_space<vmem>>, vector<16xi32>,
      %scan3A_489 = arith.constant 0 : i32
      %scan3A_490 = arith.constant 3 : i32
      %scan3A_491 = arith.addi %scan3A_463, %scan3A_490 : i32
      %broadcast_in_dim3A_492 = arith.constant 0 : i32
      %broadcast_in_dim3A_493 = vector.broadcast %broadcast_in_dim3A_492 : i32 to vector<16xi32>
      %mul3A_494 = arith.constant 16 : i32
      %mul3A_495 = arith.muli %scan3A_491, %mul3A_494 : i32
      %swap3A_496 = arith.index_cast %mul3A_495 : i32 to index
      %swap3A_497 = tpu.vector_load %arg15[%swap3A_496] {strides = array<i32>} : memref<4096xi32, #tpu.memory_space<vmem>>, vector<16xi32>,
      tpu.vector_store %arg15[%swap3A_496], %broadcast_in_dim3A_493 {strides = array<i32>} : memref<4096xi32, #tpu.memory_space<vmem>>, vector<16xi32>,
      %scan3A_498 = arith.constant 0 : i32
      scf.yield %scan3A_498 : i32
    }
    %scan3A_142 = arith.constant 256 : i32
    %scan3A_143 = arith.constant 0 : i32
    %scan3A_144 = arith.constant 0 : i32
    %scan3A_145 = arith.constant 256 : i32
    %scan3A_146 = arith.addi %scan3A_144, %scan3A_145 : i32
    %scan3A_147 = arith.constant 2 : i32
    %scan3A_148 = scf.for %scan3A_463 = %scan3A_144 to %scan3A_146 step %scan3A_147 iter_args(%scan3A_464 = %scan3A_143) -> (i32)  : i32 {
      %mul3A_465 = arith.constant 16 : i32
      %mul3A_466 = arith.muli %scan3A_463, %mul3A_465 : i32
      %get3A_467 = arith.index_cast %mul3A_466 : i32 to index
      %get3A_468 = tpu.vector_load %arg13[%get3A_467] {strides = array<i32>} : memref<4096xf32, #tpu.memory_space<vmem>>, vector<16xf32>,
      %bitcast3A = vector.bitcast %get3A_468 : vector<16xf32> to vector<16xi32>
      %not3A = arith.constant dense<-1> : vector<16xi32>
      %not3A_469 = arith.xori %bitcast3A, %not3A : vector<16xi32>
      %shift_right_arithmetic3A = arith.constant 24 : i32
      %shift_right_arithmetic3A_470 = vector.broadcast %shift_right_arithmetic3A : i32 to vector<16xi32>
      %shift_right_arithmetic3A_471 = arith.shrsi %not3A_469, %shift_right_arithmetic3A_470 : vector<16xi32>
      %and3A = arith.constant 255 : i32
      %and3A_472 = vector.broadcast %and3A : i32 to vector<16xi32>
      %and3A_473 = arith.andi %shift_right_arithmetic3A_471, %and3A_472 : vector<16xi32>
      %mul3A_474 = arith.constant 16 : i32
      %mul3A_475 = vector.broadcast %mul3A_474 : i32 to vector<16xi32>
      %mul3A_476 = arith.muli %and3A_473, %mul3A_475 : vector<16xi32>
      %add3A_477 = arith.addi %mul3A_476, %iota3A : vector<16xi32>
      %gather3A = tpu.vector_load_idx %arg15[%add3A_477] : memref<4096xi32, #tpu.memory_space<vmem>>[vector<16xi32>], vector<16xi32>,
      %add3A_478 = arith.constant 1 : i32
      %add3A_479 = vector.broadcast %add3A_478 : i32 to vector<16xi32>
      %add3A_480 = arith.addi %gather3A, %add3A_479 : vector<16xi32>
      tpu.vector_store_idx %arg15[%add3A_477], %add3A_480 : memref<4096xi32, #tpu.memory_space<vmem>>[vector<16xi32>], vector<16xi32>,
      %scan3A_481 = arith.constant 0 : i32
      %scan3A_482 = arith.constant 1 : i32
      %scan3A_483 = arith.addi %scan3A_463, %scan3A_482 : i32
      %mul3A_484 = arith.constant 16 : i32
      %mul3A_485 = arith.muli %scan3A_483, %mul3A_484 : i32
      %get3A_486 = arith.index_cast %mul3A_485 : i32 to index
      %get3A_487 = tpu.vector_load %arg13[%get3A_486] {strides = array<i32>} : memref<4096xf32, #tpu.memory_space<vmem>>, vector<16xf32>,
      %bitcast3A_488 = vector.bitcast %get3A_487 : vector<16xf32> to vector<16xi32>
      %not3A_489 = arith.constant dense<-1> : vector<16xi32>
      %not3A_490 = arith.xori %bitcast3A_488, %not3A_489 : vector<16xi32>
      %shift_right_arithmetic3A_491 = arith.constant 24 : i32
      %shift_right_arithmetic3A_492 = vector.broadcast %shift_right_arithmetic3A_491 : i32 to vector<16xi32>
      %shift_right_arithmetic3A_493 = arith.shrsi %not3A_490, %shift_right_arithmetic3A_492 : vector<16xi32>
      %and3A_494 = arith.constant 255 : i32
      %and3A_495 = vector.broadcast %and3A_494 : i32 to vector<16xi32>
      %and3A_496 = arith.andi %shift_right_arithmetic3A_493, %and3A_495 : vector<16xi32>
      %mul3A_497 = arith.constant 16 : i32
      %mul3A_498 = vector.broadcast %mul3A_497 : i32 to vector<16xi32>
      %mul3A_499 = arith.muli %and3A_496, %mul3A_498 : vector<16xi32>
      %add3A_500 = arith.addi %mul3A_499, %iota3A : vector<16xi32>
      %gather3A_501 = tpu.vector_load_idx %arg15[%add3A_500] : memref<4096xi32, #tpu.memory_space<vmem>>[vector<16xi32>], vector<16xi32>,
      %add3A_502 = arith.constant 1 : i32
      %add3A_503 = vector.broadcast %add3A_502 : i32 to vector<16xi32>
      %add3A_504 = arith.addi %gather3A_501, %add3A_503 : vector<16xi32>
      tpu.vector_store_idx %arg15[%add3A_500], %add3A_504 : memref<4096xi32, #tpu.memory_space<vmem>>[vector<16xi32>], vector<16xi32>,
      %scan3A_505 = arith.constant 0 : i32
      scf.yield %scan3A_505 : i32
    }
    %scan3A_149 = arith.constant 256 : i32
    %scan3A_150 = arith.constant 0 : i32
    %scan3A_151 = arith.constant 0 : i32
    %scan3A_152 = arith.constant 256 : i32
    %scan3A_153 = arith.addi %scan3A_151, %scan3A_152 : i32
    %scan3A_154 = arith.constant 2 : i32
    %scan3A_155 = scf.for %scan3A_463 = %scan3A_151 to %scan3A_153 step %scan3A_154 iter_args(%scan3A_464 = %scan3A_150) -> (i32)  : i32 {
      %mul3A_465 = arith.constant 16 : i32
      %mul3A_466 = arith.muli %scan3A_463, %mul3A_465 : i32
      %get3A_467 = arith.index_cast %mul3A_466 : i32 to index
      %get3A_468 = tpu.vector_load %arg15[%get3A_467] {strides = array<i32>} : memref<4096xi32, #tpu.memory_space<vmem>>, vector<16xi32>,
      %broadcast_in_dim3A_469 = arith.constant true
      %broadcast_in_dim3A_470 = vector.broadcast %broadcast_in_dim3A_469 : i1 to vector<16xi1>
      %masked_cumsum3A = tpu.scan <sum>, %get3A_468 masked %broadcast_in_dim3A_470 : vector<16xi32>, vector<16xi1> -> vector<16xi32>
      %sub3A_471 = arith.subi %masked_cumsum3A, %get3A_468 : vector<16xi32>
      %add3A_472 = vector.broadcast %scan3A_464 : i32 to vector<16xi32>
      %add3A_473 = arith.addi %sub3A_471, %add3A_472 : vector<16xi32>
      %mul3A_474 = arith.constant 16 : i32
      %mul3A_475 = arith.muli %scan3A_463, %mul3A_474 : i32
      %swap3A_476 = arith.index_cast %mul3A_475 : i32 to index
      %swap3A_477 = tpu.vector_load %arg15[%swap3A_476] {strides = array<i32>} : memref<4096xi32, #tpu.memory_space<vmem>>, vector<16xi32>,
      tpu.vector_store %arg15[%swap3A_476], %add3A_473 {strides = array<i32>} : memref<4096xi32, #tpu.memory_space<vmem>>, vector<16xi32>,
      %reduce_max3A_478 = arith.constant true
      %reduce_max3A_479 = vector.broadcast %reduce_max3A_478 : i1 to vector<16xi1>
      %reduce_max3A_480 = arith.constant -2147483648 : i32
      %reduce_max3A_481 = vector.broadcast %reduce_max3A_480 : i32 to vector<16xi32>
      %reduce_max3A_482 = arith.xori %masked_cumsum3A, %reduce_max3A_481 : vector<16xi32>
      %reduce_max3A_483 = tpu.scan <max>, %reduce_max3A_482 masked %reduce_max3A_479 : vector<16xi32>, vector<16xi1> -> vector<16xi32>
      %reduce_max3A_484 = arith.xori %reduce_max3A_483, %reduce_max3A_481 : vector<16xi32>
      %reduce_max3A_485 = vector.extract %reduce_max3A_484[15] : i32 from vector<16xi32>
      %add3A_486 = arith.addi %scan3A_464, %reduce_max3A_485 : i32
      %scan3A_487 = arith.constant 1 : i32
      %scan3A_488 = arith.addi %scan3A_463, %scan3A_487 : i32
      %mul3A_489 = arith.constant 16 : i32
      %mul3A_490 = arith.muli %scan3A_488, %mul3A_489 : i32
      %get3A_491 = arith.index_cast %mul3A_490 : i32 to index
      %get3A_492 = tpu.vector_load %arg15[%get3A_491] {strides = array<i32>} : memref<4096xi32, #tpu.memory_space<vmem>>, vector<16xi32>,
      %broadcast_in_dim3A_493 = arith.constant true
      %broadcast_in_dim3A_494 = vector.broadcast %broadcast_in_dim3A_493 : i1 to vector<16xi1>
      %masked_cumsum3A_495 = tpu.scan <sum>, %get3A_492 masked %broadcast_in_dim3A_494 : vector<16xi32>, vector<16xi1> -> vector<16xi32>
      %sub3A_496 = arith.subi %masked_cumsum3A_495, %get3A_492 : vector<16xi32>
      %add3A_497 = vector.broadcast %add3A_486 : i32 to vector<16xi32>
      %add3A_498 = arith.addi %sub3A_496, %add3A_497 : vector<16xi32>
      %mul3A_499 = arith.constant 16 : i32
      %mul3A_500 = arith.muli %scan3A_488, %mul3A_499 : i32
      %swap3A_501 = arith.index_cast %mul3A_500 : i32 to index
      %swap3A_502 = tpu.vector_load %arg15[%swap3A_501] {strides = array<i32>} : memref<4096xi32, #tpu.memory_space<vmem>>, vector<16xi32>,
      tpu.vector_store %arg15[%swap3A_501], %add3A_498 {strides = array<i32>} : memref<4096xi32, #tpu.memory_space<vmem>>, vector<16xi32>,
      %reduce_max3A_503 = arith.constant true
      %reduce_max3A_504 = vector.broadcast %reduce_max3A_503 : i1 to vector<16xi1>
      %reduce_max3A_505 = arith.constant -2147483648 : i32
      %reduce_max3A_506 = vector.broadcast %reduce_max3A_505 : i32 to vector<16xi32>
      %reduce_max3A_507 = arith.xori %masked_cumsum3A_495, %reduce_max3A_506 : vector<16xi32>
      %reduce_max3A_508 = tpu.scan <max>, %reduce_max3A_507 masked %reduce_max3A_504 : vector<16xi32>, vector<16xi1> -> vector<16xi32>
      %reduce_max3A_509 = arith.xori %reduce_max3A_508, %reduce_max3A_506 : vector<16xi32>
      %reduce_max3A_510 = vector.extract %reduce_max3A_509[15] : i32 from vector<16xi32>
      %add3A_511 = arith.addi %add3A_486, %reduce_max3A_510 : i32
      scf.yield %add3A_511 : i32
    }
    %scan3A_156 = arith.constant 256 : i32
    %scan3A_157 = arith.constant 0 : i32
    %scan3A_158 = arith.constant 0 : i32
    %scan3A_159 = arith.constant 256 : i32
    %scan3A_160 = arith.addi %scan3A_158, %scan3A_159 : i32
    %scan3A_161 = arith.constant 2 : i32
    %scan3A_162 = scf.for %scan3A_463 = %scan3A_158 to %scan3A_160 step %scan3A_161 iter_args(%scan3A_464 = %scan3A_157) -> (i32)  : i32 {
      %mul3A_465 = arith.constant 16 : i32
      %mul3A_466 = arith.muli %scan3A_463, %mul3A_465 : i32
      %get3A_467 = arith.index_cast %mul3A_466 : i32 to index
      %get3A_468 = tpu.vector_load %arg13[%get3A_467] {strides = array<i32>} : memref<4096xf32, #tpu.memory_space<vmem>>, vector<16xf32>,
      %mul3A_469 = arith.constant 16 : i32
      %mul3A_470 = arith.muli %scan3A_463, %mul3A_469 : i32
      %get3A_471 = arith.index_cast %mul3A_470 : i32 to index
      %get3A_472 = tpu.vector_load %arg14[%get3A_471] {strides = array<i32>} : memref<4096xi32, #tpu.memory_space<vmem>>, vector<16xi32>,
      %bitcast3A = vector.bitcast %get3A_468 : vector<16xf32> to vector<16xi32>
      %not3A = arith.constant dense<-1> : vector<16xi32>
      %not3A_473 = arith.xori %bitcast3A, %not3A : vector<16xi32>
      %shift_right_arithmetic3A = arith.constant 24 : i32
      %shift_right_arithmetic3A_474 = vector.broadcast %shift_right_arithmetic3A : i32 to vector<16xi32>
      %shift_right_arithmetic3A_475 = arith.shrsi %not3A_473, %shift_right_arithmetic3A_474 : vector<16xi32>
      %and3A = arith.constant 255 : i32
      %and3A_476 = vector.broadcast %and3A : i32 to vector<16xi32>
      %and3A_477 = arith.andi %shift_right_arithmetic3A_475, %and3A_476 : vector<16xi32>
      %mul3A_478 = arith.constant 16 : i32
      %mul3A_479 = vector.broadcast %mul3A_478 : i32 to vector<16xi32>
      %mul3A_480 = arith.muli %and3A_477, %mul3A_479 : vector<16xi32>
      %add3A_481 = arith.addi %mul3A_480, %iota3A : vector<16xi32>
      %gather3A = tpu.vector_load_idx %arg15[%add3A_481] : memref<4096xi32, #tpu.memory_space<vmem>>[vector<16xi32>], vector<16xi32>,
      %add3A_482 = arith.constant 1 : i32
      %add3A_483 = vector.broadcast %add3A_482 : i32 to vector<16xi32>
      %add3A_484 = arith.addi %gather3A, %add3A_483 : vector<16xi32>
      tpu.vector_store_idx %arg15[%add3A_481], %add3A_484 : memref<4096xi32, #tpu.memory_space<vmem>>[vector<16xi32>], vector<16xi32>,
      tpu.vector_store_idx %arg11[%gather3A], %get3A_468 : memref<4096xf32, #tpu.memory_space<vmem>>[vector<16xi32>], vector<16xf32>,
      tpu.vector_store_idx %arg12[%gather3A], %get3A_472 : memref<4096xi32, #tpu.memory_space<vmem>>[vector<16xi32>], vector<16xi32>,
      %scan3A_485 = arith.constant 0 : i32
      %scan3A_486 = arith.constant 1 : i32
      %scan3A_487 = arith.addi %scan3A_463, %scan3A_486 : i32
      %mul3A_488 = arith.constant 16 : i32
      %mul3A_489 = arith.muli %scan3A_487, %mul3A_488 : i32
      %get3A_490 = arith.index_cast %mul3A_489 : i32 to index
      %get3A_491 = tpu.vector_load %arg13[%get3A_490] {strides = array<i32>} : memref<4096xf32, #tpu.memory_space<vmem>>, vector<16xf32>,
      %mul3A_492 = arith.constant 16 : i32
      %mul3A_493 = arith.muli %scan3A_487, %mul3A_492 : i32
      %get3A_494 = arith.index_cast %mul3A_493 : i32 to index
      %get3A_495 = tpu.vector_load %arg14[%get3A_494] {strides = array<i32>} : memref<4096xi32, #tpu.memory_space<vmem>>, vector<16xi32>,
      %bitcast3A_496 = vector.bitcast %get3A_491 : vector<16xf32> to vector<16xi32>
      %not3A_497 = arith.constant dense<-1> : vector<16xi32>
      %not3A_498 = arith.xori %bitcast3A_496, %not3A_497 : vector<16xi32>
      %shift_right_arithmetic3A_499 = arith.constant 24 : i32
      %shift_right_arithmetic3A_500 = vector.broadcast %shift_right_arithmetic3A_499 : i32 to vector<16xi32>
      %shift_right_arithmetic3A_501 = arith.shrsi %not3A_498, %shift_right_arithmetic3A_500 : vector<16xi32>
      %and3A_502 = arith.constant 255 : i32
      %and3A_503 = vector.broadcast %and3A_502 : i32 to vector<16xi32>
      %and3A_504 = arith.andi %shift_right_arithmetic3A_501, %and3A_503 : vector<16xi32>
      %mul3A_505 = arith.constant 16 : i32
      %mul3A_506 = vector.broadcast %mul3A_505 : i32 to vector<16xi32>
      %mul3A_507 = arith.muli %and3A_504, %mul3A_506 : vector<16xi32>
      %add3A_508 = arith.addi %mul3A_507, %iota3A : vector<16xi32>
      %gather3A_509 = tpu.vector_load_idx %arg15[%add3A_508] : memref<4096xi32, #tpu.memory_space<vmem>>[vector<16xi32>], vector<16xi32>,
      %add3A_510 = arith.constant 1 : i32
      %add3A_511 = vector.broadcast %add3A_510 : i32 to vector<16xi32>
      %add3A_512 = arith.addi %gather3A_509, %add3A_511 : vector<16xi32>
      tpu.vector_store_idx %arg15[%add3A_508], %add3A_512 : memref<4096xi32, #tpu.memory_space<vmem>>[vector<16xi32>], vector<16xi32>,
      tpu.vector_store_idx %arg11[%gather3A_509], %get3A_491 : memref<4096xf32, #tpu.memory_space<vmem>>[vector<16xi32>], vector<16xf32>,
      tpu.vector_store_idx %arg12[%gather3A_509], %get3A_495 : memref<4096xi32, #tpu.memory_space<vmem>>[vector<16xi32>], vector<16xi32>,
      %scan3A_513 = arith.constant 0 : i32
      scf.yield %scan3A_513 : i32
    }
    %scan3A_163 = arith.constant 256 : i32
    "tpu.region"() ({
      %run_scoped3A_463 = tpu.sem_alloc : memref<!tpu.dma_semaphore, #tpu.memory_space<semaphore_mem>>
      %dma_start3A_464 = arith.constant 0 : i32
      %dma_start3A_465 = tpu.memref_slice %arg12[%dma_start3A_464] : memref<4096xi32, #tpu.memory_space<vmem>> -> memref<2048xi32, #tpu.memory_space<vmem>>
      %dma_start3A_466 = arith.constant 0 : i32
      %dma_start3A_467 = tpu.memref_slice %arg10[%add3A, %dma_start3A_466] : memref<32x2048xi32, #tpu.memory_space<hbm>> -> memref<1x2048xi32, #tpu.memory_space<hbm>>
      %dma_start3A_468 = tpu.memref_squeeze %dma_start3A_467 : memref<1x2048xi32, #tpu.memory_space<hbm>> -> memref<2048xi32, #tpu.memory_space<hbm>>
      %dma_start3A_469 = arith.constant 0 : i32
      %dma_start3A_470 = tpu.memref_slice %arg10[%add3A, %dma_start3A_469] : memref<32x2048xi32, #tpu.memory_space<hbm>> -> memref<1x2048xi32, #tpu.memory_space<hbm>>
      %dma_start3A_471 = tpu.memref_squeeze %dma_start3A_470 : memref<1x2048xi32, #tpu.memory_space<hbm>> -> memref<2048xi32, #tpu.memory_space<hbm>>
      %dma_start3A_472 = arith.constant 0 : i32
      %dma_start3A_473 = tpu.memref_slice %arg12[%dma_start3A_472] : memref<4096xi32, #tpu.memory_space<vmem>> -> memref<2048xi32, #tpu.memory_space<vmem>>
      tpu.enqueue_dma source(%dma_start3A_473 : memref<2048xi32, #tpu.memory_space<vmem>>) target(%dma_start3A_471 : memref<2048xi32, #tpu.memory_space<hbm>>) target_semaphore(%run_scoped3A_463 : memref<!tpu.dma_semaphore, #tpu.memory_space<semaphore_mem>>)
      %dma_wait3A_474 = arith.constant 0 : i32
      %dma_wait3A_475 = tpu.memref_slice %arg12[%dma_wait3A_474] : memref<4096xi32, #tpu.memory_space<vmem>> -> memref<2048xi32, #tpu.memory_space<vmem>>
      %dma_wait3A_476 = arith.constant 0 : i32
      %dma_wait3A_477 = tpu.memref_slice %arg10[%add3A, %dma_wait3A_476] : memref<32x2048xi32, #tpu.memory_space<hbm>> -> memref<1x2048xi32, #tpu.memory_space<hbm>>
      %dma_wait3A_478 = tpu.memref_squeeze %dma_wait3A_477 : memref<1x2048xi32, #tpu.memory_space<hbm>> -> memref<2048xi32, #tpu.memory_space<hbm>>
      %dma_wait3A_479 = arith.constant 0 : i32
      %dma_wait3A_480 = tpu.memref_slice %arg10[%add3A, %dma_wait3A_479] : memref<32x2048xi32, #tpu.memory_space<hbm>> -> memref<1x2048xi32, #tpu.memory_space<hbm>>
      %dma_wait3A_481 = tpu.memref_squeeze %dma_wait3A_480 : memref<1x2048xi32, #tpu.memory_space<hbm>> -> memref<2048xi32, #tpu.memory_space<hbm>>
      %dma_wait3A_482 = arith.constant 0 : i32
      %dma_wait3A_483 = tpu.memref_slice %arg12[%dma_wait3A_482] : memref<4096xi32, #tpu.memory_space<vmem>> -> memref<2048xi32, #tpu.memory_space<vmem>>
      tpu.wait_dma2 semaphore(%run_scoped3A_463 : memref<!tpu.dma_semaphore, #tpu.memory_space<semaphore_mem>>) src(%dma_wait3A_483 : memref<2048xi32, #tpu.memory_space<vmem>>) dst(%dma_wait3A_481 : memref<2048xi32, #tpu.memory_space<hbm>>)
      tpu.yield
    }) : () -> ()
    %get3A = arith.constant 0 : index
    %get3A_164 = tpu.vector_load %arg11[%get3A] {strides = array<i32>} : memref<4096xf32, #tpu.memory_space<vmem>>, vector<16xf32>,
    %reduce_max3A_165 = arith.constant true
    %reduce_max3A_166 = vector.broadcast %reduce_max3A_165 : i1 to vector<16xi1>
    %reduce_max3A_167 = tpu.scan <max>, %get3A_164 masked %reduce_max3A_166 : vector<16xf32>, vector<16xi1> -> vector<16xf32>
    %reduce_max3A_168 = vector.extract %reduce_max3A_167[15] : f32 from vector<16xf32>
    %broadcast_in_dim3A_169 = arith.constant 0.000000e+00 : f32
    %broadcast_in_dim3A_170 = vector.broadcast %broadcast_in_dim3A_169 : f32 to vector<16xf32>
    %scan3A_171 = arith.constant 0 : i32
    %scan3A_172 = arith.constant 128 : i32
    %scan3A_173 = arith.addi %scan3A_171, %scan3A_172 : i32
    %scan3A_174 = arith.constant 1 : i32
    %scan3A_175 = scf.for %scan3A_463 = %scan3A_171 to %scan3A_173 step %scan3A_174 iter_args(%scan3A_464 = %broadcast_in_dim3A_170) -> (vector<16xf32>)  : i32 {
      %mul3A_465 = arith.constant 16 : i32
      %mul3A_466 = arith.muli %scan3A_463, %mul3A_465 : i32
      %get3A_467 = arith.index_cast %mul3A_466 : i32 to index
      %get3A_468 = tpu.vector_load %arg11[%get3A_467] {strides = array<i32>} : memref<4096xf32, #tpu.memory_space<vmem>>, vector<16xf32>,
      %sub3A_469 = vector.broadcast %reduce_max3A_168 : f32 to vector<16xf32>
      %sub3A_470 = arith.subf %get3A_468, %sub3A_469 : vector<16xf32>
      %exp3A = math.exp %sub3A_470 : vector<16xf32>
      %mul3A_471 = arith.constant 16 : i32
      %mul3A_472 = arith.muli %scan3A_463, %mul3A_471 : i32
      %swap3A_473 = arith.index_cast %mul3A_472 : i32 to index
      %swap3A_474 = tpu.vector_load %arg17[%swap3A_473] {strides = array<i32>} : memref<2048xf32, #tpu.memory_space<vmem>>, vector<16xf32>,
      tpu.vector_store %arg17[%swap3A_473], %exp3A {strides = array<i32>} : memref<2048xf32, #tpu.memory_space<vmem>>, vector<16xf32>,
      %add3A_475 = arith.addf %scan3A_464, %exp3A : vector<16xf32>
      scf.yield %add3A_475 : vector<16xf32>
    }
    %scan3A_176 = arith.constant 128 : i32
    %reduce_sum3A = arith.constant true
    %reduce_sum3A_177 = vector.broadcast %reduce_sum3A : i1 to vector<16xi1>
    %reduce_sum3A_178 = tpu.scan <sum>, %scan3A_175 masked %reduce_sum3A_177 : vector<16xf32>, vector<16xi1> -> vector<16xf32>
    %reduce_sum3A_179 = vector.extract %reduce_sum3A_178[15] : f32 from vector<16xf32>
    %scan3A_180 = arith.constant 0 : i32
    %scan3A_181 = arith.constant 0 : i32
    %scan3A_182 = arith.constant 128 : i32
    %scan3A_183 = arith.addi %scan3A_181, %scan3A_182 : i32
    %scan3A_184 = arith.constant 1 : i32
    %scan3A_185 = scf.for %scan3A_463 = %scan3A_181 to %scan3A_183 step %scan3A_184 iter_args(%scan3A_464 = %scan3A_180) -> (i32)  : i32 {
      %mul3A_465 = arith.constant 16 : i32
      %mul3A_466 = arith.muli %scan3A_463, %mul3A_465 : i32
      %get3A_467 = arith.index_cast %mul3A_466 : i32 to index
      %get3A_468 = tpu.vector_load %arg17[%get3A_467] {strides = array<i32>} : memref<2048xf32, #tpu.memory_space<vmem>>, vector<16xf32>,
      %div3A = vector.broadcast %reduce_sum3A_179 : f32 to vector<16xf32>
      %div3A_469 = arith.divf %get3A_468, %div3A : vector<16xf32>
      %mul3A_470 = arith.constant 16 : i32
      %mul3A_471 = arith.muli %scan3A_463, %mul3A_470 : i32
      %swap3A_472 = arith.index_cast %mul3A_471 : i32 to index
      %swap3A_473 = tpu.vector_load %arg17[%swap3A_472] {strides = array<i32>} : memref<2048xf32, #tpu.memory_space<vmem>>, vector<16xf32>,
      tpu.vector_store %arg17[%swap3A_472], %div3A_469 {strides = array<i32>} : memref<2048xf32, #tpu.memory_space<vmem>>, vector<16xf32>,
      %scan3A_474 = arith.constant 0 : i32
      scf.yield %scan3A_474 : i32
    }
    %scan3A_186 = arith.constant 128 : i32
    "tpu.region"() ({
      %run_scoped3A_463 = tpu.sem_alloc : memref<!tpu.dma_semaphore, #tpu.memory_space<semaphore_mem>>
      %dma_start3A_464 = arith.constant 0 : i32
      %dma_start3A_465 = tpu.memref_slice %arg9[%add3A, %dma_start3A_464] : memref<32x2048xf32, #tpu.memory_space<hbm>> -> memref<1x2048xf32, #tpu.memory_space<hbm>>
      %dma_start3A_466 = tpu.memref_squeeze %dma_start3A_465 : memref<1x2048xf32, #tpu.memory_space<hbm>> -> memref<2048xf32, #tpu.memory_space<hbm>>
      %dma_start3A_467 = arith.constant 0 : i32
      %dma_start3A_468 = tpu.memref_slice %arg9[%add3A, %dma_start3A_467] : memref<32x2048xf32, #tpu.memory_space<hbm>> -> memref<1x2048xf32, #tpu.memory_space<hbm>>
      %dma_start3A_469 = tpu.memref_squeeze %dma_start3A_468 : memref<1x2048xf32, #tpu.memory_space<hbm>> -> memref<2048xf32, #tpu.memory_space<hbm>>
      tpu.enqueue_dma source(%arg17 : memref<2048xf32, #tpu.memory_space<vmem>>) target(%dma_start3A_469 : memref<2048xf32, #tpu.memory_space<hbm>>) target_semaphore(%run_scoped3A_463 : memref<!tpu.dma_semaphore, #tpu.memory_space<semaphore_mem>>)
      %dma_wait3A_470 = arith.constant 0 : i32
      %dma_wait3A_471 = tpu.memref_slice %arg9[%add3A, %dma_wait3A_470] : memref<32x2048xf32, #tpu.memory_space<hbm>> -> memref<1x2048xf32, #tpu.memory_space<hbm>>
      %dma_wait3A_472 = tpu.memref_squeeze %dma_wait3A_471 : memref<1x2048xf32, #tpu.memory_space<hbm>> -> memref<2048xf32, #tpu.memory_space<hbm>>
      %dma_wait3A_473 = arith.constant 0 : i32
      %dma_wait3A_474 = tpu.memref_slice %arg9[%add3A, %dma_wait3A_473] : memref<32x2048xf32, #tpu.memory_space<hbm>> -> memref<1x2048xf32, #tpu.memory_space<hbm>>
      %dma_wait3A_475 = tpu.memref_squeeze %dma_wait3A_474 : memref<1x2048xf32, #tpu.memory_space<hbm>> -> memref<2048xf32, #tpu.memory_space<hbm>>
      tpu.wait_dma2 semaphore(%run_scoped3A_463 : memref<!tpu.dma_semaphore, #tpu.memory_space<semaphore_mem>>) src(%arg17 : memref<2048xf32, #tpu.memory_space<vmem>>) dst(%dma_wait3A_475 : memref<2048xf32, #tpu.memory_space<hbm>>)
      tpu.yield
    }) : () -> ()
    %get3A_187 = arith.constant 2048 : index
    %get3A_188 = tpu.vector_load %arg11[%get3A_187] {strides = array<i32>} : memref<4096xf32, #tpu.memory_space<vmem>>, vector<16xf32>,
    %reduce_max3A_189 = arith.constant true
    %reduce_max3A_190 = vector.broadcast %reduce_max3A_189 : i1 to vector<16xi1>
    %reduce_max3A_191 = tpu.scan <max>, %get3A_188 masked %reduce_max3A_190 : vector<16xf32>, vector<16xi1> -> vector<16xf32>
    %reduce_max3A_192 = vector.extract %reduce_max3A_191[15] : f32 from vector<16xf32>
    %broadcast_in_dim3A_193 = arith.constant 0.000000e+00 : f32
    %broadcast_in_dim3A_194 = vector.broadcast %broadcast_in_dim3A_193 : f32 to vector<16xf32>
    %scan3A_195 = arith.constant 0 : i32
    %scan3A_196 = arith.constant 128 : i32
    %scan3A_197 = arith.addi %scan3A_195, %scan3A_196 : i32
    %scan3A_198 = arith.constant 1 : i32
    %scan3A_199 = scf.for %scan3A_463 = %scan3A_195 to %scan3A_197 step %scan3A_198 iter_args(%scan3A_464 = %broadcast_in_dim3A_194) -> (vector<16xf32>)  : i32 {
      %mul3A_465 = arith.constant 16 : i32
      %mul3A_466 = arith.muli %scan3A_463, %mul3A_465 : i32
      %add3A_467 = arith.constant 2048 : i32
      %add3A_468 = arith.addi %add3A_467, %mul3A_466 : i32
      %get3A_469 = arith.index_cast %add3A_468 : i32 to index
      %get3A_470 = tpu.vector_load %arg11[%get3A_469] {strides = array<i32>} : memref<4096xf32, #tpu.memory_space<vmem>>, vector<16xf32>,
      %sub3A_471 = vector.broadcast %reduce_max3A_192 : f32 to vector<16xf32>
      %sub3A_472 = arith.subf %get3A_470, %sub3A_471 : vector<16xf32>
      %exp3A = math.exp %sub3A_472 : vector<16xf32>
      %mul3A_473 = arith.constant 16 : i32
      %mul3A_474 = arith.muli %scan3A_463, %mul3A_473 : i32
      %swap3A_475 = arith.index_cast %mul3A_474 : i32 to index
      %swap3A_476 = tpu.vector_load %arg18[%swap3A_475] {strides = array<i32>} : memref<2048xf32, #tpu.memory_space<vmem>>, vector<16xf32>,
      tpu.vector_store %arg18[%swap3A_475], %exp3A {strides = array<i32>} : memref<2048xf32, #tpu.memory_space<vmem>>, vector<16xf32>,
      %add3A_477 = arith.addf %scan3A_464, %exp3A : vector<16xf32>
      scf.yield %add3A_477 : vector<16xf32>
    }
    %scan3A_200 = arith.constant 128 : i32
    %reduce_sum3A_201 = arith.constant true
    %reduce_sum3A_202 = vector.broadcast %reduce_sum3A_201 : i1 to vector<16xi1>
    %reduce_sum3A_203 = tpu.scan <sum>, %scan3A_199 masked %reduce_sum3A_202 : vector<16xf32>, vector<16xi1> -> vector<16xf32>
    %reduce_sum3A_204 = vector.extract %reduce_sum3A_203[15] : f32 from vector<16xf32>
    %scan3A_205 = arith.constant 0 : i32
    %scan3A_206 = arith.constant 0 : i32
    %scan3A_207 = arith.constant 128 : i32
    %scan3A_208 = arith.addi %scan3A_206, %scan3A_207 : i32
    %scan3A_209 = arith.constant 1 : i32
    %scan3A_210 = scf.for %scan3A_463 = %scan3A_206 to %scan3A_208 step %scan3A_209 iter_args(%scan3A_464 = %scan3A_205) -> (i32)  : i32 {
      %mul3A_465 = arith.constant 16 : i32
      %mul3A_466 = arith.muli %scan3A_463, %mul3A_465 : i32
      %get3A_467 = arith.index_cast %mul3A_466 : i32 to index
      %get3A_468 = tpu.vector_load %arg18[%get3A_467] {strides = array<i32>} : memref<2048xf32, #tpu.memory_space<vmem>>, vector<16xf32>,
      %div3A = vector.broadcast %reduce_sum3A_204 : f32 to vector<16xf32>
      %div3A_469 = arith.divf %get3A_468, %div3A : vector<16xf32>
      %mul3A_470 = arith.constant 16 : i32
      %mul3A_471 = arith.muli %scan3A_463, %mul3A_470 : i32
      %swap3A_472 = arith.index_cast %mul3A_471 : i32 to index
      %swap3A_473 = tpu.vector_load %arg18[%swap3A_472] {strides = array<i32>} : memref<2048xf32, #tpu.memory_space<vmem>>, vector<16xf32>,
      tpu.vector_store %arg18[%swap3A_472], %div3A_469 {strides = array<i32>} : memref<2048xf32, #tpu.memory_space<vmem>>, vector<16xf32>,
      %scan3A_474 = arith.constant 0 : i32
      scf.yield %scan3A_474 : i32
    }
    %scan3A_211 = arith.constant 128 : i32
    %scan3A_212 = arith.constant 0 : i32
    %scan3A_213 = arith.constant 0 : i32
    %scan3A_214 = arith.constant 256 : i32
    %scan3A_215 = arith.addi %scan3A_213, %scan3A_214 : i32
    %scan3A_216 = arith.constant 1 : i32
    %scan3A_217 = scf.for %scan3A_463 = %scan3A_213 to %scan3A_215 step %scan3A_216 iter_args(%scan3A_464 = %scan3A_212) -> (i32)  : i32 {
      %broadcast_in_dim3A_465 = arith.constant 0.000000e+00 : f32
      %broadcast_in_dim3A_466 = vector.broadcast %broadcast_in_dim3A_465 : f32 to vector<16xf32>
      %mul3A_467 = arith.constant 16 : i32
      %mul3A_468 = arith.muli %scan3A_463, %mul3A_467 : i32
      %swap3A_469 = arith.index_cast %mul3A_468 : i32 to index
      %swap3A_470 = tpu.vector_load %arg19[%swap3A_469] {strides = array<i32>} : memref<4096xf32, #tpu.memory_space<vmem>>, vector<16xf32>,
      tpu.vector_store %arg19[%swap3A_469], %broadcast_in_dim3A_466 {strides = array<i32>} : memref<4096xf32, #tpu.memory_space<vmem>>, vector<16xf32>,
      %scan3A_471 = arith.constant 0 : i32
      scf.yield %scan3A_471 : i32
    }
    %scan3A_218 = arith.constant 256 : i32
    %broadcast_in_dim3A_219 = arith.constant 1.000000e+00 : f32
    %broadcast_in_dim3A_220 = vector.broadcast %broadcast_in_dim3A_219 : f32 to vector<16xf32>
    %scan3A_221 = arith.constant 0 : i32
    %scan3A_222 = arith.constant 0 : i32
    %scan3A_223 = arith.constant 128 : i32
    %scan3A_224 = arith.addi %scan3A_222, %scan3A_223 : i32
    %scan3A_225 = arith.constant 1 : i32
    %scan3A_226 = scf.for %scan3A_463 = %scan3A_222 to %scan3A_224 step %scan3A_225 iter_args(%scan3A_464 = %scan3A_221) -> (i32)  : i32 {
      %mul3A_465 = arith.constant 16 : i32
      %mul3A_466 = arith.muli %scan3A_463, %mul3A_465 : i32
      %get3A_467 = arith.index_cast %mul3A_466 : i32 to index
      %get3A_468 = tpu.vector_load %arg12[%get3A_467] {strides = array<i32>} : memref<4096xi32, #tpu.memory_space<vmem>>, vector<16xi32>,
      tpu.vector_store_idx %arg19[%get3A_468], %broadcast_in_dim3A_220 : memref<4096xf32, #tpu.memory_space<vmem>>[vector<16xi32>], vector<16xf32>,
      %scan3A_469 = arith.constant 0 : i32
      scf.yield %scan3A_469 : i32
    }
    %scan3A_227 = arith.constant 128 : i32
    "tpu.region"() ({
      %run_scoped3A_463 = tpu.sem_alloc : memref<!tpu.dma_semaphore, #tpu.memory_space<semaphore_mem>>
      %dma_start3A_464 = arith.constant 0 : i32
      %dma_start3A_465 = tpu.memref_slice %arg8[%add3A, %dma_start3A_464] : memref<32x4096xf32, #tpu.memory_space<hbm>> -> memref<1x4096xf32, #tpu.memory_space<hbm>>
      %dma_start3A_466 = tpu.memref_squeeze %dma_start3A_465 : memref<1x4096xf32, #tpu.memory_space<hbm>> -> memref<4096xf32, #tpu.memory_space<hbm>>
      %dma_start3A_467 = arith.constant 0 : i32
      %dma_start3A_468 = tpu.memref_slice %arg8[%add3A, %dma_start3A_467] : memref<32x4096xf32, #tpu.memory_space<hbm>> -> memref<1x4096xf32, #tpu.memory_space<hbm>>
      %dma_start3A_469 = tpu.memref_squeeze %dma_start3A_468 : memref<1x4096xf32, #tpu.memory_space<hbm>> -> memref<4096xf32, #tpu.memory_space<hbm>>
      tpu.enqueue_dma source(%arg19 : memref<4096xf32, #tpu.memory_space<vmem>>) target(%dma_start3A_469 : memref<4096xf32, #tpu.memory_space<hbm>>) target_semaphore(%run_scoped3A_463 : memref<!tpu.dma_semaphore, #tpu.memory_space<semaphore_mem>>)
      %dma_wait3A_470 = arith.constant 0 : i32
      %dma_wait3A_471 = tpu.memref_slice %arg8[%add3A, %dma_wait3A_470] : memref<32x4096xf32, #tpu.memory_space<hbm>> -> memref<1x4096xf32, #tpu.memory_space<hbm>>
      %dma_wait3A_472 = tpu.memref_squeeze %dma_wait3A_471 : memref<1x4096xf32, #tpu.memory_space<hbm>> -> memref<4096xf32, #tpu.memory_space<hbm>>
      %dma_wait3A_473 = arith.constant 0 : i32
      %dma_wait3A_474 = tpu.memref_slice %arg8[%add3A, %dma_wait3A_473] : memref<32x4096xf32, #tpu.memory_space<hbm>> -> memref<1x4096xf32, #tpu.memory_space<hbm>>
      %dma_wait3A_475 = tpu.memref_squeeze %dma_wait3A_474 : memref<1x4096xf32, #tpu.memory_space<hbm>> -> memref<4096xf32, #tpu.memory_space<hbm>>
      tpu.wait_dma2 semaphore(%run_scoped3A_463 : memref<!tpu.dma_semaphore, #tpu.memory_space<semaphore_mem>>) src(%arg19 : memref<4096xf32, #tpu.memory_space<vmem>>) dst(%dma_wait3A_475 : memref<4096xf32, #tpu.memory_space<hbm>>)
      tpu.yield
    }) : () -> ()
    %mul3A_228 = arith.constant 4096 : i32
    %mul3A_229 = arith.muli %add3A, %mul3A_228 : i32
    %scan3A_230 = arith.constant 0 : i32
    %scan3A_231 = arith.constant 0 : i32
    %scan3A_232 = arith.constant 256 : i32
    %scan3A_233 = arith.addi %scan3A_231, %scan3A_232 : i32
    %scan3A_234 = arith.constant 1 : i32
    %scan3A_235 = scf.for %scan3A_463 = %scan3A_231 to %scan3A_233 step %scan3A_234 iter_args(%scan3A_464 = %scan3A_230) -> (i32)  : i32 {
      %mul3A_465 = arith.constant 16 : i32
      %mul3A_466 = arith.muli %scan3A_463, %mul3A_465 : i32
      %get3A_467 = arith.index_cast %mul3A_466 : i32 to index
      %get3A_468 = tpu.vector_load %arg12[%get3A_467] {strides = array<i32>} : memref<4096xi32, #tpu.memory_space<vmem>>, vector<16xi32>,
      %add3A_469 = vector.broadcast %mul3A_229 : i32 to vector<16xi32>
      %add3A_470 = arith.addi %get3A_468, %add3A_469 : vector<16xi32>
      %mul3A_471 = arith.constant 16 : i32
      %mul3A_472 = arith.muli %scan3A_463, %mul3A_471 : i32
      %swap3A_473 = arith.index_cast %mul3A_472 : i32 to index
      %swap3A_474 = tpu.vector_load %arg16[%swap3A_473] {strides = array<i32>} : memref<4096xi32, #tpu.memory_space<vmem>>, vector<16xi32>,
      tpu.vector_store %arg16[%swap3A_473], %add3A_470 {strides = array<i32>} : memref<4096xi32, #tpu.memory_space<vmem>>, vector<16xi32>,
      %scan3A_475 = arith.constant 0 : i32
      scf.yield %scan3A_475 : i32
    }
    %scan3A_236 = arith.constant 256 : i32
    %dma_start3A = arith.constant 0 : i32
    %dma_start3A_237 = tpu.memref_slice %arg16[%dma_start3A] : memref<4096xi32, #tpu.memory_space<vmem>> -> memref<64xi32, #tpu.memory_space<vmem>>
    %dma_start3A_238 = arith.constant 0 : i32
    %dma_start3A_239 = arith.constant 0 : i32
    %dma_start3A_240 = tpu.memref_slice %arg2[%dma_start3A_238, %dma_start3A_239] : memref<131072x512xf32, #tpu.memory_space<hbm>> -> memref<131072x512xf32, #tpu.memory_space<hbm>>
    tpu.enqueue_indirect_dma source(%dma_start3A_240 : memref<131072x512xf32, #tpu.memory_space<hbm>>) target(%arg23 : memref<64x512xf32, #tpu.memory_space<vmem>>) offsets(%dma_start3A_237 : memref<64xi32, #tpu.memory_space<vmem>>) semaphore(%arg26 : memref<!tpu.dma_semaphore, #tpu.memory_space<semaphore_mem>>)
    %dma_start3A_241 = arith.constant 64 : i32
    %dma_start3A_242 = tpu.memref_slice %arg16[%dma_start3A_241] : memref<4096xi32, #tpu.memory_space<vmem>> -> memref<64xi32, #tpu.memory_space<vmem>>
    %dma_start3A_243 = arith.constant 0 : i32
    %dma_start3A_244 = arith.constant 0 : i32
    %dma_start3A_245 = tpu.memref_slice %arg2[%dma_start3A_243, %dma_start3A_244] : memref<131072x512xf32, #tpu.memory_space<hbm>> -> memref<131072x512xf32, #tpu.memory_space<hbm>>
    tpu.enqueue_indirect_dma source(%dma_start3A_245 : memref<131072x512xf32, #tpu.memory_space<hbm>>) target(%arg24 : memref<64x512xf32, #tpu.memory_space<vmem>>) offsets(%dma_start3A_242 : memref<64xi32, #tpu.memory_space<vmem>>) semaphore(%arg27 : memref<!tpu.dma_semaphore, #tpu.memory_space<semaphore_mem>>)
    %scan3A_246 = arith.constant 0 : i32
    %scan3A_247 = arith.constant 0 : i32
    %scan3A_248 = arith.constant 15 : i32
    %scan3A_249 = arith.addi %scan3A_247, %scan3A_248 : i32
    %scan3A_250 = arith.constant 1 : i32
    %scan3A_251 = scf.for %scan3A_463 = %scan3A_247 to %scan3A_249 step %scan3A_250 iter_args(%scan3A_464 = %scan3A_246) -> (i32)  : i32 {
      %mul3A_465 = arith.constant 2 : i32
      %mul3A_466 = arith.muli %mul3A_465, %scan3A_463 : i32
      %dma_wait3A_467 = arith.constant 0 : i32
      %dma_wait3A_468 = arith.constant 0 : i32
      %dma_wait3A_469 = tpu.memref_slice %arg2[%dma_wait3A_467, %dma_wait3A_468] : memref<131072x512xf32, #tpu.memory_space<hbm>> -> memref<64x512xf32, #tpu.memory_space<hbm>>
      %dma_wait3A_470 = arith.constant 0 : i32
      %dma_wait3A_471 = arith.constant 0 : i32
      %dma_wait3A_472 = tpu.memref_slice %arg2[%dma_wait3A_470, %dma_wait3A_471] : memref<131072x512xf32, #tpu.memory_space<hbm>> -> memref<64x512xf32, #tpu.memory_space<hbm>>
      tpu.wait_dma2 semaphore(%arg26 : memref<!tpu.dma_semaphore, #tpu.memory_space<semaphore_mem>>) src(%dma_wait3A_472 : memref<64x512xf32, #tpu.memory_space<hbm>>) dst(%arg23 : memref<64x512xf32, #tpu.memory_space<vmem>>)
      %mul3A_473 = arith.constant 64 : i32
      %mul3A_474 = arith.muli %mul3A_466, %mul3A_473 : i32
      %dma_start3A_475 = arith.constant 0 : i32
      %dma_start3A_476 = tpu.memref_slice %arg6[%add3A, %mul3A_474, %dma_start3A_475] : memref<32x2048x512xf32, #tpu.memory_space<hbm>> -> memref<1x64x512xf32, #tpu.memory_space<hbm>>
      %dma_start3A_477 = tpu.memref_squeeze %dma_start3A_476 : memref<1x64x512xf32, #tpu.memory_space<hbm>> -> memref<64x512xf32, #tpu.memory_space<hbm>>
      %dma_start3A_478 = arith.constant 0 : i32
      %dma_start3A_479 = tpu.memref_slice %arg6[%add3A, %mul3A_474, %dma_start3A_478] : memref<32x2048x512xf32, #tpu.memory_space<hbm>> -> memref<1x64x512xf32, #tpu.memory_space<hbm>>
      %dma_start3A_480 = tpu.memref_squeeze %dma_start3A_479 : memref<1x64x512xf32, #tpu.memory_space<hbm>> -> memref<64x512xf32, #tpu.memory_space<hbm>>
      tpu.enqueue_dma source(%arg23 : memref<64x512xf32, #tpu.memory_space<vmem>>) target(%dma_start3A_480 : memref<64x512xf32, #tpu.memory_space<hbm>>) target_semaphore(%arg28 : memref<!tpu.dma_semaphore, #tpu.memory_space<semaphore_mem>>)
      %dma_wait3A_481 = arith.constant 0 : i32
      %dma_wait3A_482 = arith.constant 0 : i32
      %dma_wait3A_483 = tpu.memref_slice %arg2[%dma_wait3A_481, %dma_wait3A_482] : memref<131072x512xf32, #tpu.memory_space<hbm>> -> memref<64x512xf32, #tpu.memory_space<hbm>>
      %dma_wait3A_484 = arith.constant 0 : i32
      %dma_wait3A_485 = arith.constant 0 : i32
      %dma_wait3A_486 = tpu.memref_slice %arg2[%dma_wait3A_484, %dma_wait3A_485] : memref<131072x512xf32, #tpu.memory_space<hbm>> -> memref<64x512xf32, #tpu.memory_space<hbm>>
      tpu.wait_dma2 semaphore(%arg27 : memref<!tpu.dma_semaphore, #tpu.memory_space<semaphore_mem>>) src(%dma_wait3A_486 : memref<64x512xf32, #tpu.memory_space<hbm>>) dst(%arg24 : memref<64x512xf32, #tpu.memory_space<vmem>>)
      %add3A_487 = arith.constant 1 : i32
      %add3A_488 = arith.addi %mul3A_466, %add3A_487 : i32
      %mul3A_489 = arith.constant 64 : i32
      %mul3A_490 = arith.muli %add3A_488, %mul3A_489 : i32
      %dma_start3A_491 = arith.constant 0 : i32
      %dma_start3A_492 = tpu.memref_slice %arg6[%add3A, %mul3A_490, %dma_start3A_491] : memref<32x2048x512xf32, #tpu.memory_space<hbm>> -> memref<1x64x512xf32, #tpu.memory_space<hbm>>
      %dma_start3A_493 = tpu.memref_squeeze %dma_start3A_492 : memref<1x64x512xf32, #tpu.memory_space<hbm>> -> memref<64x512xf32, #tpu.memory_space<hbm>>
      %dma_start3A_494 = arith.constant 0 : i32
      %dma_start3A_495 = tpu.memref_slice %arg6[%add3A, %mul3A_490, %dma_start3A_494] : memref<32x2048x512xf32, #tpu.memory_space<hbm>> -> memref<1x64x512xf32, #tpu.memory_space<hbm>>
      %dma_start3A_496 = tpu.memref_squeeze %dma_start3A_495 : memref<1x64x512xf32, #tpu.memory_space<hbm>> -> memref<64x512xf32, #tpu.memory_space<hbm>>
      tpu.enqueue_dma source(%arg24 : memref<64x512xf32, #tpu.memory_space<vmem>>) target(%dma_start3A_496 : memref<64x512xf32, #tpu.memory_space<hbm>>) target_semaphore(%arg29 : memref<!tpu.dma_semaphore, #tpu.memory_space<semaphore_mem>>)
      %dma_wait3A_497 = arith.constant 0 : i32
      %dma_wait3A_498 = arith.constant 0 : i32
      %dma_wait3A_499 = tpu.memref_slice %arg6[%add3A, %dma_wait3A_497, %dma_wait3A_498] : memref<32x2048x512xf32, #tpu.memory_space<hbm>> -> memref<1x64x512xf32, #tpu.memory_space<hbm>>
      %dma_wait3A_500 = tpu.memref_squeeze %dma_wait3A_499 : memref<1x64x512xf32, #tpu.memory_space<hbm>> -> memref<64x512xf32, #tpu.memory_space<hbm>>
      %dma_wait3A_501 = arith.constant 0 : i32
      %dma_wait3A_502 = arith.constant 0 : i32
      %dma_wait3A_503 = tpu.memref_slice %arg6[%add3A, %dma_wait3A_501, %dma_wait3A_502] : memref<32x2048x512xf32, #tpu.memory_space<hbm>> -> memref<1x64x512xf32, #tpu.memory_space<hbm>>
      %dma_wait3A_504 = tpu.memref_squeeze %dma_wait3A_503 : memref<1x64x512xf32, #tpu.memory_space<hbm>> -> memref<64x512xf32, #tpu.memory_space<hbm>>
      tpu.wait_dma2 semaphore(%arg28 : memref<!tpu.dma_semaphore, #tpu.memory_space<semaphore_mem>>) src(%arg23 : memref<64x512xf32, #tpu.memory_space<vmem>>) dst(%dma_wait3A_504 : memref<64x512xf32, #tpu.memory_space<hbm>>)
      %add3A_505 = arith.constant 2 : i32
      %add3A_506 = arith.addi %mul3A_466, %add3A_505 : i32
      %mul3A_507 = arith.constant 64 : i32
      %mul3A_508 = arith.muli %add3A_506, %mul3A_507 : i32
      %dma_start3A_509 = tpu.memref_slice %arg16[%mul3A_508] : memref<4096xi32, #tpu.memory_space<vmem>> -> memref<64xi32, #tpu.memory_space<vmem>>
      %dma_start3A_510 = arith.constant 0 : i32
      %dma_start3A_511 = arith.constant 0 : i32
      %dma_start3A_512 = tpu.memref_slice %arg2[%dma_start3A_510, %dma_start3A_511] : memref<131072x512xf32, #tpu.memory_space<hbm>> -> memref<131072x512xf32, #tpu.memory_space<hbm>>
      tpu.enqueue_indirect_dma source(%dma_start3A_512 : memref<131072x512xf32, #tpu.memory_space<hbm>>) target(%arg23 : memref<64x512xf32, #tpu.memory_space<vmem>>) offsets(%dma_start3A_509 : memref<64xi32, #tpu.memory_space<vmem>>) semaphore(%arg26 : memref<!tpu.dma_semaphore, #tpu.memory_space<semaphore_mem>>)
      %dma_wait3A_513 = arith.constant 0 : i32
      %dma_wait3A_514 = arith.constant 0 : i32
      %dma_wait3A_515 = tpu.memref_slice %arg6[%add3A, %dma_wait3A_513, %dma_wait3A_514] : memref<32x2048x512xf32, #tpu.memory_space<hbm>> -> memref<1x64x512xf32, #tpu.memory_space<hbm>>
      %dma_wait3A_516 = tpu.memref_squeeze %dma_wait3A_515 : memref<1x64x512xf32, #tpu.memory_space<hbm>> -> memref<64x512xf32, #tpu.memory_space<hbm>>
      %dma_wait3A_517 = arith.constant 0 : i32
      %dma_wait3A_518 = arith.constant 0 : i32
      %dma_wait3A_519 = tpu.memref_slice %arg6[%add3A, %dma_wait3A_517, %dma_wait3A_518] : memref<32x2048x512xf32, #tpu.memory_space<hbm>> -> memref<1x64x512xf32, #tpu.memory_space<hbm>>
      %dma_wait3A_520 = tpu.memref_squeeze %dma_wait3A_519 : memref<1x64x512xf32, #tpu.memory_space<hbm>> -> memref<64x512xf32, #tpu.memory_space<hbm>>
      tpu.wait_dma2 semaphore(%arg29 : memref<!tpu.dma_semaphore, #tpu.memory_space<semaphore_mem>>) src(%arg24 : memref<64x512xf32, #tpu.memory_space<vmem>>) dst(%dma_wait3A_520 : memref<64x512xf32, #tpu.memory_space<hbm>>)
      %add3A_521 = arith.constant 3 : i32
      %add3A_522 = arith.addi %mul3A_466, %add3A_521 : i32
      %mul3A_523 = arith.constant 64 : i32
      %mul3A_524 = arith.muli %add3A_522, %mul3A_523 : i32
      %dma_start3A_525 = tpu.memref_slice %arg16[%mul3A_524] : memref<4096xi32, #tpu.memory_space<vmem>> -> memref<64xi32, #tpu.memory_space<vmem>>
      %dma_start3A_526 = arith.constant 0 : i32
      %dma_start3A_527 = arith.constant 0 : i32
      %dma_start3A_528 = tpu.memref_slice %arg2[%dma_start3A_526, %dma_start3A_527] : memref<131072x512xf32, #tpu.memory_space<hbm>> -> memref<131072x512xf32, #tpu.memory_space<hbm>>
      tpu.enqueue_indirect_dma source(%dma_start3A_528 : memref<131072x512xf32, #tpu.memory_space<hbm>>) target(%arg24 : memref<64x512xf32, #tpu.memory_space<vmem>>) offsets(%dma_start3A_525 : memref<64xi32, #tpu.memory_space<vmem>>) semaphore(%arg27 : memref<!tpu.dma_semaphore, #tpu.memory_space<semaphore_mem>>)
      %scan3A_529 = arith.constant 0 : i32
      scf.yield %scan3A_529 : i32
    }
    %scan3A_252 = arith.constant 15 : i32
    %dma_wait3A = arith.constant 0 : i32
    %dma_wait3A_253 = arith.constant 0 : i32
    %dma_wait3A_254 = tpu.memref_slice %arg2[%dma_wait3A, %dma_wait3A_253] : memref<131072x512xf32, #tpu.memory_space<hbm>> -> memref<64x512xf32, #tpu.memory_space<hbm>>
    %dma_wait3A_255 = arith.constant 0 : i32
    %dma_wait3A_256 = arith.constant 0 : i32
    %dma_wait3A_257 = tpu.memref_slice %arg2[%dma_wait3A_255, %dma_wait3A_256] : memref<131072x512xf32, #tpu.memory_space<hbm>> -> memref<64x512xf32, #tpu.memory_space<hbm>>
    tpu.wait_dma2 semaphore(%arg26 : memref<!tpu.dma_semaphore, #tpu.memory_space<semaphore_mem>>) src(%dma_wait3A_257 : memref<64x512xf32, #tpu.memory_space<hbm>>) dst(%arg23 : memref<64x512xf32, #tpu.memory_space<vmem>>)
    %dma_start3A_258 = arith.constant 1920 : i32
    %dma_start3A_259 = arith.constant 0 : i32
    %dma_start3A_260 = tpu.memref_slice %arg6[%add3A, %dma_start3A_258, %dma_start3A_259] : memref<32x2048x512xf32, #tpu.memory_space<hbm>> -> memref<1x64x512xf32, #tpu.memory_space<hbm>>
    %dma_start3A_261 = tpu.memref_squeeze %dma_start3A_260 : memref<1x64x512xf32, #tpu.memory_space<hbm>> -> memref<64x512xf32, #tpu.memory_space<hbm>>
    %dma_start3A_262 = arith.constant 1920 : i32
    %dma_start3A_263 = arith.constant 0 : i32
    %dma_start3A_264 = tpu.memref_slice %arg6[%add3A, %dma_start3A_262, %dma_start3A_263] : memref<32x2048x512xf32, #tpu.memory_space<hbm>> -> memref<1x64x512xf32, #tpu.memory_space<hbm>>
    %dma_start3A_265 = tpu.memref_squeeze %dma_start3A_264 : memref<1x64x512xf32, #tpu.memory_space<hbm>> -> memref<64x512xf32, #tpu.memory_space<hbm>>
    tpu.enqueue_dma source(%arg23 : memref<64x512xf32, #tpu.memory_space<vmem>>) target(%dma_start3A_265 : memref<64x512xf32, #tpu.memory_space<hbm>>) target_semaphore(%arg28 : memref<!tpu.dma_semaphore, #tpu.memory_space<semaphore_mem>>)
    %dma_wait3A_266 = arith.constant 0 : i32
    %dma_wait3A_267 = arith.constant 0 : i32
    %dma_wait3A_268 = tpu.memref_slice %arg2[%dma_wait3A_266, %dma_wait3A_267] : memref<131072x512xf32, #tpu.memory_space<hbm>> -> memref<64x512xf32, #tpu.memory_space<hbm>>
    %dma_wait3A_269 = arith.constant 0 : i32
    %dma_wait3A_270 = arith.constant 0 : i32
    %dma_wait3A_271 = tpu.memref_slice %arg2[%dma_wait3A_269, %dma_wait3A_270] : memref<131072x512xf32, #tpu.memory_space<hbm>> -> memref<64x512xf32, #tpu.memory_space<hbm>>
    tpu.wait_dma2 semaphore(%arg27 : memref<!tpu.dma_semaphore, #tpu.memory_space<semaphore_mem>>) src(%dma_wait3A_271 : memref<64x512xf32, #tpu.memory_space<hbm>>) dst(%arg24 : memref<64x512xf32, #tpu.memory_space<vmem>>)
    %dma_start3A_272 = arith.constant 1984 : i32
    %dma_start3A_273 = arith.constant 0 : i32
    %dma_start3A_274 = tpu.memref_slice %arg6[%add3A, %dma_start3A_272, %dma_start3A_273] : memref<32x2048x512xf32, #tpu.memory_space<hbm>> -> memref<1x64x512xf32, #tpu.memory_space<hbm>>
    %dma_start3A_275 = tpu.memref_squeeze %dma_start3A_274 : memref<1x64x512xf32, #tpu.memory_space<hbm>> -> memref<64x512xf32, #tpu.memory_space<hbm>>
    %dma_start3A_276 = arith.constant 1984 : i32
    %dma_start3A_277 = arith.constant 0 : i32
    %dma_start3A_278 = tpu.memref_slice %arg6[%add3A, %dma_start3A_276, %dma_start3A_277] : memref<32x2048x512xf32, #tpu.memory_space<hbm>> -> memref<1x64x512xf32, #tpu.memory_space<hbm>>
    %dma_start3A_279 = tpu.memref_squeeze %dma_start3A_278 : memref<1x64x512xf32, #tpu.memory_space<hbm>> -> memref<64x512xf32, #tpu.memory_space<hbm>>
    tpu.enqueue_dma source(%arg24 : memref<64x512xf32, #tpu.memory_space<vmem>>) target(%dma_start3A_279 : memref<64x512xf32, #tpu.memory_space<hbm>>) target_semaphore(%arg29 : memref<!tpu.dma_semaphore, #tpu.memory_space<semaphore_mem>>)
    %dma_wait3A_280 = arith.constant 0 : i32
    %dma_wait3A_281 = arith.constant 0 : i32
    %dma_wait3A_282 = tpu.memref_slice %arg6[%add3A, %dma_wait3A_280, %dma_wait3A_281] : memref<32x2048x512xf32, #tpu.memory_space<hbm>> -> memref<1x64x512xf32, #tpu.memory_space<hbm>>
    %dma_wait3A_283 = tpu.memref_squeeze %dma_wait3A_282 : memref<1x64x512xf32, #tpu.memory_space<hbm>> -> memref<64x512xf32, #tpu.memory_space<hbm>>
    %dma_wait3A_284 = arith.constant 0 : i32
    %dma_wait3A_285 = arith.constant 0 : i32
    %dma_wait3A_286 = tpu.memref_slice %arg6[%add3A, %dma_wait3A_284, %dma_wait3A_285] : memref<32x2048x512xf32, #tpu.memory_space<hbm>> -> memref<1x64x512xf32, #tpu.memory_space<hbm>>
    %dma_wait3A_287 = tpu.memref_squeeze %dma_wait3A_286 : memref<1x64x512xf32, #tpu.memory_space<hbm>> -> memref<64x512xf32, #tpu.memory_space<hbm>>
    tpu.wait_dma2 semaphore(%arg28 : memref<!tpu.dma_semaphore, #tpu.memory_space<semaphore_mem>>) src(%arg23 : memref<64x512xf32, #tpu.memory_space<vmem>>) dst(%dma_wait3A_287 : memref<64x512xf32, #tpu.memory_space<hbm>>)
    %dma_wait3A_288 = arith.constant 0 : i32
    %dma_wait3A_289 = arith.constant 0 : i32
    %dma_wait3A_290 = tpu.memref_slice %arg6[%add3A, %dma_wait3A_288, %dma_wait3A_289] : memref<32x2048x512xf32, #tpu.memory_space<hbm>> -> memref<1x64x512xf32, #tpu.memory_space<hbm>>
    %dma_wait3A_291 = tpu.memref_squeeze %dma_wait3A_290 : memref<1x64x512xf32, #tpu.memory_space<hbm>> -> memref<64x512xf32, #tpu.memory_space<hbm>>
    %dma_wait3A_292 = arith.constant 0 : i32
    %dma_wait3A_293 = arith.constant 0 : i32
    %dma_wait3A_294 = tpu.memref_slice %arg6[%add3A, %dma_wait3A_292, %dma_wait3A_293] : memref<32x2048x512xf32, #tpu.memory_space<hbm>> -> memref<1x64x512xf32, #tpu.memory_space<hbm>>
    %dma_wait3A_295 = tpu.memref_squeeze %dma_wait3A_294 : memref<1x64x512xf32, #tpu.memory_space<hbm>> -> memref<64x512xf32, #tpu.memory_space<hbm>>
    tpu.wait_dma2 semaphore(%arg29 : memref<!tpu.dma_semaphore, #tpu.memory_space<semaphore_mem>>) src(%arg24 : memref<64x512xf32, #tpu.memory_space<vmem>>) dst(%dma_wait3A_295 : memref<64x512xf32, #tpu.memory_space<hbm>>)
    %dma_start3A_296 = arith.constant 2048 : i32
    %dma_start3A_297 = tpu.memref_slice %arg16[%dma_start3A_296] : memref<4096xi32, #tpu.memory_space<vmem>> -> memref<64xi32, #tpu.memory_space<vmem>>
    %dma_start3A_298 = arith.constant 0 : i32
    %dma_start3A_299 = arith.constant 0 : i32
    %dma_start3A_300 = tpu.memref_slice %arg2[%dma_start3A_298, %dma_start3A_299] : memref<131072x512xf32, #tpu.memory_space<hbm>> -> memref<131072x512xf32, #tpu.memory_space<hbm>>
    tpu.enqueue_indirect_dma source(%dma_start3A_300 : memref<131072x512xf32, #tpu.memory_space<hbm>>) target(%arg23 : memref<64x512xf32, #tpu.memory_space<vmem>>) offsets(%dma_start3A_297 : memref<64xi32, #tpu.memory_space<vmem>>) semaphore(%arg26 : memref<!tpu.dma_semaphore, #tpu.memory_space<semaphore_mem>>)
    %dma_start3A_301 = arith.constant 2112 : i32
    %dma_start3A_302 = tpu.memref_slice %arg16[%dma_start3A_301] : memref<4096xi32, #tpu.memory_space<vmem>> -> memref<64xi32, #tpu.memory_space<vmem>>
    %dma_start3A_303 = arith.constant 0 : i32
    %dma_start3A_304 = arith.constant 0 : i32
    %dma_start3A_305 = tpu.memref_slice %arg2[%dma_start3A_303, %dma_start3A_304] : memref<131072x512xf32, #tpu.memory_space<hbm>> -> memref<131072x512xf32, #tpu.memory_space<hbm>>
    tpu.enqueue_indirect_dma source(%dma_start3A_305 : memref<131072x512xf32, #tpu.memory_space<hbm>>) target(%arg24 : memref<64x512xf32, #tpu.memory_space<vmem>>) offsets(%dma_start3A_302 : memref<64xi32, #tpu.memory_space<vmem>>) semaphore(%arg27 : memref<!tpu.dma_semaphore, #tpu.memory_space<semaphore_mem>>)
    %broadcast_in_dim3A_306 = arith.constant 0.000000e+00 : f32
    %broadcast_in_dim3A_307 = vector.broadcast %broadcast_in_dim3A_306 : f32 to vector<16xf32>
    %broadcast_in_dim3A_308 = arith.constant 0.000000e+00 : f32
    %broadcast_in_dim3A_309 = vector.broadcast %broadcast_in_dim3A_308 : f32 to vector<16xf32>
    %broadcast_in_dim3A_310 = arith.constant 0.000000e+00 : f32
    %broadcast_in_dim3A_311 = vector.broadcast %broadcast_in_dim3A_310 : f32 to vector<16xf32>
    %broadcast_in_dim3A_312 = arith.constant 0.000000e+00 : f32
    %broadcast_in_dim3A_313 = vector.broadcast %broadcast_in_dim3A_312 : f32 to vector<16xf32>
    %broadcast_in_dim3A_314 = arith.constant 0.000000e+00 : f32
    %broadcast_in_dim3A_315 = vector.broadcast %broadcast_in_dim3A_314 : f32 to vector<16xf32>
    %broadcast_in_dim3A_316 = arith.constant 0.000000e+00 : f32
    %broadcast_in_dim3A_317 = vector.broadcast %broadcast_in_dim3A_316 : f32 to vector<16xf32>
    %broadcast_in_dim3A_318 = arith.constant 0.000000e+00 : f32
    %broadcast_in_dim3A_319 = vector.broadcast %broadcast_in_dim3A_318 : f32 to vector<16xf32>
    %broadcast_in_dim3A_320 = arith.constant 0.000000e+00 : f32
    %broadcast_in_dim3A_321 = vector.broadcast %broadcast_in_dim3A_320 : f32 to vector<16xf32>
    %broadcast_in_dim3A_322 = arith.constant 0.000000e+00 : f32
    %broadcast_in_dim3A_323 = vector.broadcast %broadcast_in_dim3A_322 : f32 to vector<16xf32>
    %broadcast_in_dim3A_324 = arith.constant 0.000000e+00 : f32
    %broadcast_in_dim3A_325 = vector.broadcast %broadcast_in_dim3A_324 : f32 to vector<16xf32>
    %broadcast_in_dim3A_326 = arith.constant 0.000000e+00 : f32
    %broadcast_in_dim3A_327 = vector.broadcast %broadcast_in_dim3A_326 : f32 to vector<16xf32>
    %broadcast_in_dim3A_328 = arith.constant 0.000000e+00 : f32
    %broadcast_in_dim3A_329 = vector.broadcast %broadcast_in_dim3A_328 : f32 to vector<16xf32>
    %broadcast_in_dim3A_330 = arith.constant 0.000000e+00 : f32
    %broadcast_in_dim3A_331 = vector.broadcast %broadcast_in_dim3A_330 : f32 to vector<16xf32>
    %broadcast_in_dim3A_332 = arith.constant 0.000000e+00 : f32
    %broadcast_in_dim3A_333 = vector.broadcast %broadcast_in_dim3A_332 : f32 to vector<16xf32>
    %broadcast_in_dim3A_334 = arith.constant 0.000000e+00 : f32
    %broadcast_in_dim3A_335 = vector.broadcast %broadcast_in_dim3A_334 : f32 to vector<16xf32>
    %broadcast_in_dim3A_336 = arith.constant 0.000000e+00 : f32
    %broadcast_in_dim3A_337 = vector.broadcast %broadcast_in_dim3A_336 : f32 to vector<16xf32>
    %broadcast_in_dim3A_338 = arith.constant 0.000000e+00 : f32
    %broadcast_in_dim3A_339 = vector.broadcast %broadcast_in_dim3A_338 : f32 to vector<16xf32>
    %broadcast_in_dim3A_340 = arith.constant 0.000000e+00 : f32
    %broadcast_in_dim3A_341 = vector.broadcast %broadcast_in_dim3A_340 : f32 to vector<16xf32>
    %broadcast_in_dim3A_342 = arith.constant 0.000000e+00 : f32
    %broadcast_in_dim3A_343 = vector.broadcast %broadcast_in_dim3A_342 : f32 to vector<16xf32>
    %broadcast_in_dim3A_344 = arith.constant 0.000000e+00 : f32
    %broadcast_in_dim3A_345 = vector.broadcast %broadcast_in_dim3A_344 : f32 to vector<16xf32>
    %broadcast_in_dim3A_346 = arith.constant 0.000000e+00 : f32
    %broadcast_in_dim3A_347 = vector.broadcast %broadcast_in_dim3A_346 : f32 to vector<16xf32>
    %broadcast_in_dim3A_348 = arith.constant 0.000000e+00 : f32
    %broadcast_in_dim3A_349 = vector.broadcast %broadcast_in_dim3A_348 : f32 to vector<16xf32>
    %broadcast_in_dim3A_350 = arith.constant 0.000000e+00 : f32
    %broadcast_in_dim3A_351 = vector.broadcast %broadcast_in_dim3A_350 : f32 to vector<16xf32>
    %broadcast_in_dim3A_352 = arith.constant 0.000000e+00 : f32
    %broadcast_in_dim3A_353 = vector.broadcast %broadcast_in_dim3A_352 : f32 to vector<16xf32>
    %broadcast_in_dim3A_354 = arith.constant 0.000000e+00 : f32
    %broadcast_in_dim3A_355 = vector.broadcast %broadcast_in_dim3A_354 : f32 to vector<16xf32>
    %broadcast_in_dim3A_356 = arith.constant 0.000000e+00 : f32
    %broadcast_in_dim3A_357 = vector.broadcast %broadcast_in_dim3A_356 : f32 to vector<16xf32>
    %broadcast_in_dim3A_358 = arith.constant 0.000000e+00 : f32
    %broadcast_in_dim3A_359 = vector.broadcast %broadcast_in_dim3A_358 : f32 to vector<16xf32>
    %broadcast_in_dim3A_360 = arith.constant 0.000000e+00 : f32
    %broadcast_in_dim3A_361 = vector.broadcast %broadcast_in_dim3A_360 : f32 to vector<16xf32>
    %broadcast_in_dim3A_362 = arith.constant 0.000000e+00 : f32
    %broadcast_in_dim3A_363 = vector.broadcast %broadcast_in_dim3A_362 : f32 to vector<16xf32>
    %broadcast_in_dim3A_364 = arith.constant 0.000000e+00 : f32
    %broadcast_in_dim3A_365 = vector.broadcast %broadcast_in_dim3A_364 : f32 to vector<16xf32>
    %broadcast_in_dim3A_366 = arith.constant 0.000000e+00 : f32
    %broadcast_in_dim3A_367 = vector.broadcast %broadcast_in_dim3A_366 : f32 to vector<16xf32>
    %broadcast_in_dim3A_368 = arith.constant 0.000000e+00 : f32
    %broadcast_in_dim3A_369 = vector.broadcast %broadcast_in_dim3A_368 : f32 to vector<16xf32>
    %scan3A_370 = arith.constant 0 : i32
    %scan3A_371 = arith.constant 15 : i32
    %scan3A_372 = arith.addi %scan3A_370, %scan3A_371 : i32
    %scan3A_373 = arith.constant 1 : i32
    %scan3A_374:32 = scf.for %scan3A_463 = %scan3A_370 to %scan3A_372 step %scan3A_373 iter_args(%scan3A_464 = %broadcast_in_dim3A_307, %scan3A_465 = %broadcast_in_dim3A_309, %scan3A_466 = %broadcast_in_dim3A_311, %scan3A_467 = %broadcast_in_dim3A_313, %scan3A_468 = %broadcast_in_dim3A_315, %scan3A_469 = %broadcast_in_dim3A_317, %scan3A_470 = %broadcast_in_dim3A_319, %scan3A_471 = %broadcast_in_dim3A_321, %scan3A_472 = %broadcast_in_dim3A_323, %scan3A_473 = %broadcast_in_dim3A_325, %scan3A_474 = %broadcast_in_dim3A_327, %scan3A_475 = %broadcast_in_dim3A_329, %scan3A_476 = %broadcast_in_dim3A_331, %scan3A_477 = %broadcast_in_dim3A_333, %scan3A_478 = %broadcast_in_dim3A_335, %scan3A_479 = %broadcast_in_dim3A_337, %scan3A_480 = %broadcast_in_dim3A_339, %scan3A_481 = %broadcast_in_dim3A_341, %scan3A_482 = %broadcast_in_dim3A_343, %scan3A_483 = %broadcast_in_dim3A_345, %scan3A_484 = %broadcast_in_dim3A_347, %scan3A_485 = %broadcast_in_dim3A_349, %scan3A_486 = %broadcast_in_dim3A_351, %scan3A_487 = %broadcast_in_dim3A_353, %scan3A_488 = %broadcast_in_dim3A_355, %scan3A_489 = %broadcast_in_dim3A_357, %scan3A_490 = %broadcast_in_dim3A_359, %scan3A_491 = %broadcast_in_dim3A_361, %scan3A_492 = %broadcast_in_dim3A_363, %scan3A_493 = %broadcast_in_dim3A_365, %scan3A_494 = %broadcast_in_dim3A_367, %scan3A_495 = %broadcast_in_dim3A_369) -> (vector<16xf32>, vector<16xf32>, vector<16xf32>, vector<16xf32>, vector<16xf32>, vector<16xf32>, vector<16xf32>, vector<16xf32>, vector<16xf32>, vector<16xf32>, vector<16xf32>, vector<16xf32>, vector<16xf32>, vector<16xf32>, vector<16xf32>, vector<16xf32>, vector<16xf32>, vector<16xf32>, vector<16xf32>, vector<16xf32>, vector<16xf32>, vector<16xf32>, vector<16xf32>, vector<16xf32>, vector<16xf32>, vector<16xf32>, vector<16xf32>, vector<16xf32>, vector<16xf32>, vector<16xf32>, vector<16xf32>, vector<16xf32>)  : i32 {
      %mul3A_496 = arith.constant 2 : i32
      %mul3A_497 = arith.muli %mul3A_496, %scan3A_463 : i32
      %dma_wait3A_498 = arith.constant 0 : i32
      %dma_wait3A_499 = arith.constant 0 : i32
      %dma_wait3A_500 = tpu.memref_slice %arg2[%dma_wait3A_498, %dma_wait3A_499] : memref<131072x512xf32, #tpu.memory_space<hbm>> -> memref<64x512xf32, #tpu.memory_space<hbm>>
      %dma_wait3A_501 = arith.constant 0 : i32
      %dma_wait3A_502 = arith.constant 0 : i32
      %dma_wait3A_503 = tpu.memref_slice %arg2[%dma_wait3A_501, %dma_wait3A_502] : memref<131072x512xf32, #tpu.memory_space<hbm>> -> memref<64x512xf32, #tpu.memory_space<hbm>>
      tpu.wait_dma2 semaphore(%arg26 : memref<!tpu.dma_semaphore, #tpu.memory_space<semaphore_mem>>) src(%dma_wait3A_503 : memref<64x512xf32, #tpu.memory_space<hbm>>) dst(%arg23 : memref<64x512xf32, #tpu.memory_space<vmem>>)
      %scan3A_504 = arith.constant 0 : i32
      %scan3A_505 = arith.constant 64 : i32
      %scan3A_506 = arith.addi %scan3A_504, %scan3A_505 : i32
      %scan3A_507 = arith.constant 1 : i32
      %scan3A_508:32 = scf.for %scan3A_544 = %scan3A_504 to %scan3A_506 step %scan3A_507 iter_args(%scan3A_545 = %scan3A_464, %scan3A_546 = %scan3A_465, %scan3A_547 = %scan3A_466, %scan3A_548 = %scan3A_467, %scan3A_549 = %scan3A_468, %scan3A_550 = %scan3A_469, %scan3A_551 = %scan3A_470, %scan3A_552 = %scan3A_471, %scan3A_553 = %scan3A_472, %scan3A_554 = %scan3A_473, %scan3A_555 = %scan3A_474, %scan3A_556 = %scan3A_475, %scan3A_557 = %scan3A_476, %scan3A_558 = %scan3A_477, %scan3A_559 = %scan3A_478, %scan3A_560 = %scan3A_479, %scan3A_561 = %scan3A_480, %scan3A_562 = %scan3A_481, %scan3A_563 = %scan3A_482, %scan3A_564 = %scan3A_483, %scan3A_565 = %scan3A_484, %scan3A_566 = %scan3A_485, %scan3A_567 = %scan3A_486, %scan3A_568 = %scan3A_487, %scan3A_569 = %scan3A_488, %scan3A_570 = %scan3A_489, %scan3A_571 = %scan3A_490, %scan3A_572 = %scan3A_491, %scan3A_573 = %scan3A_492, %scan3A_574 = %scan3A_493, %scan3A_575 = %scan3A_494, %scan3A_576 = %scan3A_495) -> (vector<16xf32>, vector<16xf32>, vector<16xf32>, vector<16xf32>, vector<16xf32>, vector<16xf32>, vector<16xf32>, vector<16xf32>, vector<16xf32>, vector<16xf32>, vector<16xf32>, vector<16xf32>, vector<16xf32>, vector<16xf32>, vector<16xf32>, vector<16xf32>, vector<16xf32>, vector<16xf32>, vector<16xf32>, vector<16xf32>, vector<16xf32>, vector<16xf32>, vector<16xf32>, vector<16xf32>, vector<16xf32>, vector<16xf32>, vector<16xf32>, vector<16xf32>, vector<16xf32>, vector<16xf32>, vector<16xf32>, vector<16xf32>)  : i32 {
        %mul3A_577 = arith.constant 64 : i32
        %mul3A_578 = arith.muli %mul3A_497, %mul3A_577 : i32
        %add3A_579 = arith.addi %mul3A_578, %scan3A_544 : i32
        %broadcast_in_dim3A_580 = vector.broadcast %add3A_579 : i32 to vector<16xi32>
        %gather3A = tpu.vector_load_idx %arg18[%broadcast_in_dim3A_580] : memref<2048xf32, #tpu.memory_space<vmem>>[vector<16xi32>], vector<16xf32>,
        %get3A_581 = arith.index_cast %scan3A_544 : i32 to index
        %get3A_582 = arith.constant 0 : index
        %get3A_583 = tpu.vector_load %arg23[%get3A_581, %get3A_582] {strides = array<i32>} : memref<64x512xf32, #tpu.memory_space<vmem>>, vector<16xf32>,
        %mul3A_584 = arith.mulf %gather3A, %get3A_583 : vector<16xf32>
        %add3A_585 = arith.addf %scan3A_545, %mul3A_584 : vector<16xf32>
        %get3A_586 = arith.index_cast %scan3A_544 : i32 to index
        %get3A_587 = arith.constant 16 : index
        %get3A_588 = tpu.vector_load %arg23[%get3A_586, %get3A_587] {strides = array<i32>} : memref<64x512xf32, #tpu.memory_space<vmem>>, vector<16xf32>,
        %mul3A_589 = arith.mulf %gather3A, %get3A_588 : vector<16xf32>
        %add3A_590 = arith.addf %scan3A_546, %mul3A_589 : vector<16xf32>
        %get3A_591 = arith.index_cast %scan3A_544 : i32 to index
        %get3A_592 = arith.constant 32 : index
        %get3A_593 = tpu.vector_load %arg23[%get3A_591, %get3A_592] {strides = array<i32>} : memref<64x512xf32, #tpu.memory_space<vmem>>, vector<16xf32>,
        %mul3A_594 = arith.mulf %gather3A, %get3A_593 : vector<16xf32>
        %add3A_595 = arith.addf %scan3A_547, %mul3A_594 : vector<16xf32>
        %get3A_596 = arith.index_cast %scan3A_544 : i32 to index
        %get3A_597 = arith.constant 48 : index
        %get3A_598 = tpu.vector_load %arg23[%get3A_596, %get3A_597] {strides = array<i32>} : memref<64x512xf32, #tpu.memory_space<vmem>>, vector<16xf32>,
        %mul3A_599 = arith.mulf %gather3A, %get3A_598 : vector<16xf32>
        %add3A_600 = arith.addf %scan3A_548, %mul3A_599 : vector<16xf32>
        %get3A_601 = arith.index_cast %scan3A_544 : i32 to index
        %get3A_602 = arith.constant 64 : index
        %get3A_603 = tpu.vector_load %arg23[%get3A_601, %get3A_602] {strides = array<i32>} : memref<64x512xf32, #tpu.memory_space<vmem>>, vector<16xf32>,
        %mul3A_604 = arith.mulf %gather3A, %get3A_603 : vector<16xf32>
        %add3A_605 = arith.addf %scan3A_549, %mul3A_604 : vector<16xf32>
        %get3A_606 = arith.index_cast %scan3A_544 : i32 to index
        %get3A_607 = arith.constant 80 : index
        %get3A_608 = tpu.vector_load %arg23[%get3A_606, %get3A_607] {strides = array<i32>} : memref<64x512xf32, #tpu.memory_space<vmem>>, vector<16xf32>,
        %mul3A_609 = arith.mulf %gather3A, %get3A_608 : vector<16xf32>
        %add3A_610 = arith.addf %scan3A_550, %mul3A_609 : vector<16xf32>
        %get3A_611 = arith.index_cast %scan3A_544 : i32 to index
        %get3A_612 = arith.constant 96 : index
        %get3A_613 = tpu.vector_load %arg23[%get3A_611, %get3A_612] {strides = array<i32>} : memref<64x512xf32, #tpu.memory_space<vmem>>, vector<16xf32>,
        %mul3A_614 = arith.mulf %gather3A, %get3A_613 : vector<16xf32>
        %add3A_615 = arith.addf %scan3A_551, %mul3A_614 : vector<16xf32>
        %get3A_616 = arith.index_cast %scan3A_544 : i32 to index
        %get3A_617 = arith.constant 112 : index
        %get3A_618 = tpu.vector_load %arg23[%get3A_616, %get3A_617] {strides = array<i32>} : memref<64x512xf32, #tpu.memory_space<vmem>>, vector<16xf32>,
        %mul3A_619 = arith.mulf %gather3A, %get3A_618 : vector<16xf32>
        %add3A_620 = arith.addf %scan3A_552, %mul3A_619 : vector<16xf32>
        %get3A_621 = arith.index_cast %scan3A_544 : i32 to index
        %get3A_622 = arith.constant 128 : index
        %get3A_623 = tpu.vector_load %arg23[%get3A_621, %get3A_622] {strides = array<i32>} : memref<64x512xf32, #tpu.memory_space<vmem>>, vector<16xf32>,
        %mul3A_624 = arith.mulf %gather3A, %get3A_623 : vector<16xf32>
        %add3A_625 = arith.addf %scan3A_553, %mul3A_624 : vector<16xf32>
        %get3A_626 = arith.index_cast %scan3A_544 : i32 to index
        %get3A_627 = arith.constant 144 : index
        %get3A_628 = tpu.vector_load %arg23[%get3A_626, %get3A_627] {strides = array<i32>} : memref<64x512xf32, #tpu.memory_space<vmem>>, vector<16xf32>,
        %mul3A_629 = arith.mulf %gather3A, %get3A_628 : vector<16xf32>
        %add3A_630 = arith.addf %scan3A_554, %mul3A_629 : vector<16xf32>
        %get3A_631 = arith.index_cast %scan3A_544 : i32 to index
        %get3A_632 = arith.constant 160 : index
        %get3A_633 = tpu.vector_load %arg23[%get3A_631, %get3A_632] {strides = array<i32>} : memref<64x512xf32, #tpu.memory_space<vmem>>, vector<16xf32>,
        %mul3A_634 = arith.mulf %gather3A, %get3A_633 : vector<16xf32>
        %add3A_635 = arith.addf %scan3A_555, %mul3A_634 : vector<16xf32>
        %get3A_636 = arith.index_cast %scan3A_544 : i32 to index
        %get3A_637 = arith.constant 176 : index
        %get3A_638 = tpu.vector_load %arg23[%get3A_636, %get3A_637] {strides = array<i32>} : memref<64x512xf32, #tpu.memory_space<vmem>>, vector<16xf32>,
        %mul3A_639 = arith.mulf %gather3A, %get3A_638 : vector<16xf32>
        %add3A_640 = arith.addf %scan3A_556, %mul3A_639 : vector<16xf32>
        %get3A_641 = arith.index_cast %scan3A_544 : i32 to index
        %get3A_642 = arith.constant 192 : index
        %get3A_643 = tpu.vector_load %arg23[%get3A_641, %get3A_642] {strides = array<i32>} : memref<64x512xf32, #tpu.memory_space<vmem>>, vector<16xf32>,
        %mul3A_644 = arith.mulf %gather3A, %get3A_643 : vector<16xf32>
        %add3A_645 = arith.addf %scan3A_557, %mul3A_644 : vector<16xf32>
        %get3A_646 = arith.index_cast %scan3A_544 : i32 to index
        %get3A_647 = arith.constant 208 : index
        %get3A_648 = tpu.vector_load %arg23[%get3A_646, %get3A_647] {strides = array<i32>} : memref<64x512xf32, #tpu.memory_space<vmem>>, vector<16xf32>,
        %mul3A_649 = arith.mulf %gather3A, %get3A_648 : vector<16xf32>
        %add3A_650 = arith.addf %scan3A_558, %mul3A_649 : vector<16xf32>
        %get3A_651 = arith.index_cast %scan3A_544 : i32 to index
        %get3A_652 = arith.constant 224 : index
        %get3A_653 = tpu.vector_load %arg23[%get3A_651, %get3A_652] {strides = array<i32>} : memref<64x512xf32, #tpu.memory_space<vmem>>, vector<16xf32>,
        %mul3A_654 = arith.mulf %gather3A, %get3A_653 : vector<16xf32>
        %add3A_655 = arith.addf %scan3A_559, %mul3A_654 : vector<16xf32>
        %get3A_656 = arith.index_cast %scan3A_544 : i32 to index
        %get3A_657 = arith.constant 240 : index
        %get3A_658 = tpu.vector_load %arg23[%get3A_656, %get3A_657] {strides = array<i32>} : memref<64x512xf32, #tpu.memory_space<vmem>>, vector<16xf32>,
        %mul3A_659 = arith.mulf %gather3A, %get3A_658 : vector<16xf32>
        %add3A_660 = arith.addf %scan3A_560, %mul3A_659 : vector<16xf32>
        %get3A_661 = arith.index_cast %scan3A_544 : i32 to index
        %get3A_662 = arith.constant 256 : index
        %get3A_663 = tpu.vector_load %arg23[%get3A_661, %get3A_662] {strides = array<i32>} : memref<64x512xf32, #tpu.memory_space<vmem>>, vector<16xf32>,
        %mul3A_664 = arith.mulf %gather3A, %get3A_663 : vector<16xf32>
        %add3A_665 = arith.addf %scan3A_561, %mul3A_664 : vector<16xf32>
        %get3A_666 = arith.index_cast %scan3A_544 : i32 to index
        %get3A_667 = arith.constant 272 : index
        %get3A_668 = tpu.vector_load %arg23[%get3A_666, %get3A_667] {strides = array<i32>} : memref<64x512xf32, #tpu.memory_space<vmem>>, vector<16xf32>,
        %mul3A_669 = arith.mulf %gather3A, %get3A_668 : vector<16xf32>
        %add3A_670 = arith.addf %scan3A_562, %mul3A_669 : vector<16xf32>
        %get3A_671 = arith.index_cast %scan3A_544 : i32 to index
        %get3A_672 = arith.constant 288 : index
        %get3A_673 = tpu.vector_load %arg23[%get3A_671, %get3A_672] {strides = array<i32>} : memref<64x512xf32, #tpu.memory_space<vmem>>, vector<16xf32>,
        %mul3A_674 = arith.mulf %gather3A, %get3A_673 : vector<16xf32>
        %add3A_675 = arith.addf %scan3A_563, %mul3A_674 : vector<16xf32>
        %get3A_676 = arith.index_cast %scan3A_544 : i32 to index
        %get3A_677 = arith.constant 304 : index
        %get3A_678 = tpu.vector_load %arg23[%get3A_676, %get3A_677] {strides = array<i32>} : memref<64x512xf32, #tpu.memory_space<vmem>>, vector<16xf32>,
        %mul3A_679 = arith.mulf %gather3A, %get3A_678 : vector<16xf32>
        %add3A_680 = arith.addf %scan3A_564, %mul3A_679 : vector<16xf32>
        %get3A_681 = arith.index_cast %scan3A_544 : i32 to index
        %get3A_682 = arith.constant 320 : index
        %get3A_683 = tpu.vector_load %arg23[%get3A_681, %get3A_682] {strides = array<i32>} : memref<64x512xf32, #tpu.memory_space<vmem>>, vector<16xf32>,
        %mul3A_684 = arith.mulf %gather3A, %get3A_683 : vector<16xf32>
        %add3A_685 = arith.addf %scan3A_565, %mul3A_684 : vector<16xf32>
        %get3A_686 = arith.index_cast %scan3A_544 : i32 to index
        %get3A_687 = arith.constant 336 : index
        %get3A_688 = tpu.vector_load %arg23[%get3A_686, %get3A_687] {strides = array<i32>} : memref<64x512xf32, #tpu.memory_space<vmem>>, vector<16xf32>,
        %mul3A_689 = arith.mulf %gather3A, %get3A_688 : vector<16xf32>
        %add3A_690 = arith.addf %scan3A_566, %mul3A_689 : vector<16xf32>
        %get3A_691 = arith.index_cast %scan3A_544 : i32 to index
        %get3A_692 = arith.constant 352 : index
        %get3A_693 = tpu.vector_load %arg23[%get3A_691, %get3A_692] {strides = array<i32>} : memref<64x512xf32, #tpu.memory_space<vmem>>, vector<16xf32>,
        %mul3A_694 = arith.mulf %gather3A, %get3A_693 : vector<16xf32>
        %add3A_695 = arith.addf %scan3A_567, %mul3A_694 : vector<16xf32>
        %get3A_696 = arith.index_cast %scan3A_544 : i32 to index
        %get3A_697 = arith.constant 368 : index
        %get3A_698 = tpu.vector_load %arg23[%get3A_696, %get3A_697] {strides = array<i32>} : memref<64x512xf32, #tpu.memory_space<vmem>>, vector<16xf32>,
        %mul3A_699 = arith.mulf %gather3A, %get3A_698 : vector<16xf32>
        %add3A_700 = arith.addf %scan3A_568, %mul3A_699 : vector<16xf32>
        %get3A_701 = arith.index_cast %scan3A_544 : i32 to index
        %get3A_702 = arith.constant 384 : index
        %get3A_703 = tpu.vector_load %arg23[%get3A_701, %get3A_702] {strides = array<i32>} : memref<64x512xf32, #tpu.memory_space<vmem>>, vector<16xf32>,
        %mul3A_704 = arith.mulf %gather3A, %get3A_703 : vector<16xf32>
        %add3A_705 = arith.addf %scan3A_569, %mul3A_704 : vector<16xf32>
        %get3A_706 = arith.index_cast %scan3A_544 : i32 to index
        %get3A_707 = arith.constant 400 : index
        %get3A_708 = tpu.vector_load %arg23[%get3A_706, %get3A_707] {strides = array<i32>} : memref<64x512xf32, #tpu.memory_space<vmem>>, vector<16xf32>,
        %mul3A_709 = arith.mulf %gather3A, %get3A_708 : vector<16xf32>
        %add3A_710 = arith.addf %scan3A_570, %mul3A_709 : vector<16xf32>
        %get3A_711 = arith.index_cast %scan3A_544 : i32 to index
        %get3A_712 = arith.constant 416 : index
        %get3A_713 = tpu.vector_load %arg23[%get3A_711, %get3A_712] {strides = array<i32>} : memref<64x512xf32, #tpu.memory_space<vmem>>, vector<16xf32>,
        %mul3A_714 = arith.mulf %gather3A, %get3A_713 : vector<16xf32>
        %add3A_715 = arith.addf %scan3A_571, %mul3A_714 : vector<16xf32>
        %get3A_716 = arith.index_cast %scan3A_544 : i32 to index
        %get3A_717 = arith.constant 432 : index
        %get3A_718 = tpu.vector_load %arg23[%get3A_716, %get3A_717] {strides = array<i32>} : memref<64x512xf32, #tpu.memory_space<vmem>>, vector<16xf32>,
        %mul3A_719 = arith.mulf %gather3A, %get3A_718 : vector<16xf32>
        %add3A_720 = arith.addf %scan3A_572, %mul3A_719 : vector<16xf32>
        %get3A_721 = arith.index_cast %scan3A_544 : i32 to index
        %get3A_722 = arith.constant 448 : index
        %get3A_723 = tpu.vector_load %arg23[%get3A_721, %get3A_722] {strides = array<i32>} : memref<64x512xf32, #tpu.memory_space<vmem>>, vector<16xf32>,
        %mul3A_724 = arith.mulf %gather3A, %get3A_723 : vector<16xf32>
        %add3A_725 = arith.addf %scan3A_573, %mul3A_724 : vector<16xf32>
        %get3A_726 = arith.index_cast %scan3A_544 : i32 to index
        %get3A_727 = arith.constant 464 : index
        %get3A_728 = tpu.vector_load %arg23[%get3A_726, %get3A_727] {strides = array<i32>} : memref<64x512xf32, #tpu.memory_space<vmem>>, vector<16xf32>,
        %mul3A_729 = arith.mulf %gather3A, %get3A_728 : vector<16xf32>
        %add3A_730 = arith.addf %scan3A_574, %mul3A_729 : vector<16xf32>
        %get3A_731 = arith.index_cast %scan3A_544 : i32 to index
        %get3A_732 = arith.constant 480 : index
        %get3A_733 = tpu.vector_load %arg23[%get3A_731, %get3A_732] {strides = array<i32>} : memref<64x512xf32, #tpu.memory_space<vmem>>, vector<16xf32>,
        %mul3A_734 = arith.mulf %gather3A, %get3A_733 : vector<16xf32>
        %add3A_735 = arith.addf %scan3A_575, %mul3A_734 : vector<16xf32>
        %get3A_736 = arith.index_cast %scan3A_544 : i32 to index
        %get3A_737 = arith.constant 496 : index
        %get3A_738 = tpu.vector_load %arg23[%get3A_736, %get3A_737] {strides = array<i32>} : memref<64x512xf32, #tpu.memory_space<vmem>>, vector<16xf32>,
        %mul3A_739 = arith.mulf %gather3A, %get3A_738 : vector<16xf32>
        %add3A_740 = arith.addf %scan3A_576, %mul3A_739 : vector<16xf32>
        scf.yield %add3A_585, %add3A_590, %add3A_595, %add3A_600, %add3A_605, %add3A_610, %add3A_615, %add3A_620, %add3A_625, %add3A_630, %add3A_635, %add3A_640, %add3A_645, %add3A_650, %add3A_655, %add3A_660, %add3A_665, %add3A_670, %add3A_675, %add3A_680, %add3A_685, %add3A_690, %add3A_695, %add3A_700, %add3A_705, %add3A_710, %add3A_715, %add3A_720, %add3A_725, %add3A_730, %add3A_735, %add3A_740 : vector<16xf32>, vector<16xf32>, vector<16xf32>, vector<16xf32>, vector<16xf32>, vector<16xf32>, vector<16xf32>, vector<16xf32>, vector<16xf32>, vector<16xf32>, vector<16xf32>, vector<16xf32>, vector<16xf32>, vector<16xf32>, vector<16xf32>, vector<16xf32>, vector<16xf32>, vector<16xf32>, vector<16xf32>, vector<16xf32>, vector<16xf32>, vector<16xf32>, vector<16xf32>, vector<16xf32>, vector<16xf32>, vector<16xf32>, vector<16xf32>, vector<16xf32>, vector<16xf32>, vector<16xf32>, vector<16xf32>, vector<16xf32>
      }
      %scan3A_509 = arith.constant 64 : i32
      %add3A_510 = arith.constant 32 : i32
      %add3A_511 = arith.addi %add3A_510, %mul3A_497 : i32
      %add3A_512 = arith.constant 2 : i32
      %add3A_513 = arith.addi %add3A_511, %add3A_512 : i32
      %mul3A_514 = arith.constant 64 : i32
      %mul3A_515 = arith.muli %add3A_513, %mul3A_514 : i32
      %dma_start3A_516 = tpu.memref_slice %arg16[%mul3A_515] : memref<4096xi32, #tpu.memory_space<vmem>> -> memref<64xi32, #tpu.memory_space<vmem>>
      %dma_start3A_517 = arith.constant 0 : i32
      %dma_start3A_518 = arith.constant 0 : i32
      %dma_start3A_519 = tpu.memref_slice %arg2[%dma_start3A_517, %dma_start3A_518] : memref<131072x512xf32, #tpu.memory_space<hbm>> -> memref<131072x512xf32, #tpu.memory_space<hbm>>
      tpu.enqueue_indirect_dma source(%dma_start3A_519 : memref<131072x512xf32, #tpu.memory_space<hbm>>) target(%arg23 : memref<64x512xf32, #tpu.memory_space<vmem>>) offsets(%dma_start3A_516 : memref<64xi32, #tpu.memory_space<vmem>>) semaphore(%arg26 : memref<!tpu.dma_semaphore, #tpu.memory_space<semaphore_mem>>)
      %dma_wait3A_520 = arith.constant 0 : i32
      %dma_wait3A_521 = arith.constant 0 : i32
      %dma_wait3A_522 = tpu.memref_slice %arg2[%dma_wait3A_520, %dma_wait3A_521] : memref<131072x512xf32, #tpu.memory_space<hbm>> -> memref<64x512xf32, #tpu.memory_space<hbm>>
      %dma_wait3A_523 = arith.constant 0 : i32
      %dma_wait3A_524 = arith.constant 0 : i32
      %dma_wait3A_525 = tpu.memref_slice %arg2[%dma_wait3A_523, %dma_wait3A_524] : memref<131072x512xf32, #tpu.memory_space<hbm>> -> memref<64x512xf32, #tpu.memory_space<hbm>>
      tpu.wait_dma2 semaphore(%arg27 : memref<!tpu.dma_semaphore, #tpu.memory_space<semaphore_mem>>) src(%dma_wait3A_525 : memref<64x512xf32, #tpu.memory_space<hbm>>) dst(%arg24 : memref<64x512xf32, #tpu.memory_space<vmem>>)
      %add3A_526 = arith.constant 1 : i32
      %add3A_527 = arith.addi %mul3A_497, %add3A_526 : i32
      %scan3A_528 = arith.constant 0 : i32
      %scan3A_529 = arith.constant 64 : i32
      %scan3A_530 = arith.addi %scan3A_528, %scan3A_529 : i32
      %scan3A_531 = arith.constant 1 : i32
      %scan3A_532:32 = scf.for %scan3A_544 = %scan3A_528 to %scan3A_530 step %scan3A_531 iter_args(%scan3A_545 = %scan3A_508#0, %scan3A_546 = %scan3A_508#1, %scan3A_547 = %scan3A_508#2, %scan3A_548 = %scan3A_508#3, %scan3A_549 = %scan3A_508#4, %scan3A_550 = %scan3A_508#5, %scan3A_551 = %scan3A_508#6, %scan3A_552 = %scan3A_508#7, %scan3A_553 = %scan3A_508#8, %scan3A_554 = %scan3A_508#9, %scan3A_555 = %scan3A_508#10, %scan3A_556 = %scan3A_508#11, %scan3A_557 = %scan3A_508#12, %scan3A_558 = %scan3A_508#13, %scan3A_559 = %scan3A_508#14, %scan3A_560 = %scan3A_508#15, %scan3A_561 = %scan3A_508#16, %scan3A_562 = %scan3A_508#17, %scan3A_563 = %scan3A_508#18, %scan3A_564 = %scan3A_508#19, %scan3A_565 = %scan3A_508#20, %scan3A_566 = %scan3A_508#21, %scan3A_567 = %scan3A_508#22, %scan3A_568 = %scan3A_508#23, %scan3A_569 = %scan3A_508#24, %scan3A_570 = %scan3A_508#25, %scan3A_571 = %scan3A_508#26, %scan3A_572 = %scan3A_508#27, %scan3A_573 = %scan3A_508#28, %scan3A_574 = %scan3A_508#29, %scan3A_575 = %scan3A_508#30, %scan3A_576 = %scan3A_508#31) -> (vector<16xf32>, vector<16xf32>, vector<16xf32>, vector<16xf32>, vector<16xf32>, vector<16xf32>, vector<16xf32>, vector<16xf32>, vector<16xf32>, vector<16xf32>, vector<16xf32>, vector<16xf32>, vector<16xf32>, vector<16xf32>, vector<16xf32>, vector<16xf32>, vector<16xf32>, vector<16xf32>, vector<16xf32>, vector<16xf32>, vector<16xf32>, vector<16xf32>, vector<16xf32>, vector<16xf32>, vector<16xf32>, vector<16xf32>, vector<16xf32>, vector<16xf32>, vector<16xf32>, vector<16xf32>, vector<16xf32>, vector<16xf32>)  : i32 {
        %mul3A_577 = arith.constant 64 : i32
        %mul3A_578 = arith.muli %add3A_527, %mul3A_577 : i32
        %add3A_579 = arith.addi %mul3A_578, %scan3A_544 : i32
        %broadcast_in_dim3A_580 = vector.broadcast %add3A_579 : i32 to vector<16xi32>
        %gather3A = tpu.vector_load_idx %arg18[%broadcast_in_dim3A_580] : memref<2048xf32, #tpu.memory_space<vmem>>[vector<16xi32>], vector<16xf32>,
        %get3A_581 = arith.index_cast %scan3A_544 : i32 to index
        %get3A_582 = arith.constant 0 : index
        %get3A_583 = tpu.vector_load %arg24[%get3A_581, %get3A_582] {strides = array<i32>} : memref<64x512xf32, #tpu.memory_space<vmem>>, vector<16xf32>,
        %mul3A_584 = arith.mulf %gather3A, %get3A_583 : vector<16xf32>
        %add3A_585 = arith.addf %scan3A_545, %mul3A_584 : vector<16xf32>
        %get3A_586 = arith.index_cast %scan3A_544 : i32 to index
        %get3A_587 = arith.constant 16 : index
        %get3A_588 = tpu.vector_load %arg24[%get3A_586, %get3A_587] {strides = array<i32>} : memref<64x512xf32, #tpu.memory_space<vmem>>, vector<16xf32>,
        %mul3A_589 = arith.mulf %gather3A, %get3A_588 : vector<16xf32>
        %add3A_590 = arith.addf %scan3A_546, %mul3A_589 : vector<16xf32>
        %get3A_591 = arith.index_cast %scan3A_544 : i32 to index
        %get3A_592 = arith.constant 32 : index
        %get3A_593 = tpu.vector_load %arg24[%get3A_591, %get3A_592] {strides = array<i32>} : memref<64x512xf32, #tpu.memory_space<vmem>>, vector<16xf32>,
        %mul3A_594 = arith.mulf %gather3A, %get3A_593 : vector<16xf32>
        %add3A_595 = arith.addf %scan3A_547, %mul3A_594 : vector<16xf32>
        %get3A_596 = arith.index_cast %scan3A_544 : i32 to index
        %get3A_597 = arith.constant 48 : index
        %get3A_598 = tpu.vector_load %arg24[%get3A_596, %get3A_597] {strides = array<i32>} : memref<64x512xf32, #tpu.memory_space<vmem>>, vector<16xf32>,
        %mul3A_599 = arith.mulf %gather3A, %get3A_598 : vector<16xf32>
        %add3A_600 = arith.addf %scan3A_548, %mul3A_599 : vector<16xf32>
        %get3A_601 = arith.index_cast %scan3A_544 : i32 to index
        %get3A_602 = arith.constant 64 : index
        %get3A_603 = tpu.vector_load %arg24[%get3A_601, %get3A_602] {strides = array<i32>} : memref<64x512xf32, #tpu.memory_space<vmem>>, vector<16xf32>,
        %mul3A_604 = arith.mulf %gather3A, %get3A_603 : vector<16xf32>
        %add3A_605 = arith.addf %scan3A_549, %mul3A_604 : vector<16xf32>
        %get3A_606 = arith.index_cast %scan3A_544 : i32 to index
        %get3A_607 = arith.constant 80 : index
        %get3A_608 = tpu.vector_load %arg24[%get3A_606, %get3A_607] {strides = array<i32>} : memref<64x512xf32, #tpu.memory_space<vmem>>, vector<16xf32>,
        %mul3A_609 = arith.mulf %gather3A, %get3A_608 : vector<16xf32>
        %add3A_610 = arith.addf %scan3A_550, %mul3A_609 : vector<16xf32>
        %get3A_611 = arith.index_cast %scan3A_544 : i32 to index
        %get3A_612 = arith.constant 96 : index
        %get3A_613 = tpu.vector_load %arg24[%get3A_611, %get3A_612] {strides = array<i32>} : memref<64x512xf32, #tpu.memory_space<vmem>>, vector<16xf32>,
        %mul3A_614 = arith.mulf %gather3A, %get3A_613 : vector<16xf32>
        %add3A_615 = arith.addf %scan3A_551, %mul3A_614 : vector<16xf32>
        %get3A_616 = arith.index_cast %scan3A_544 : i32 to index
        %get3A_617 = arith.constant 112 : index
        %get3A_618 = tpu.vector_load %arg24[%get3A_616, %get3A_617] {strides = array<i32>} : memref<64x512xf32, #tpu.memory_space<vmem>>, vector<16xf32>,
        %mul3A_619 = arith.mulf %gather3A, %get3A_618 : vector<16xf32>
        %add3A_620 = arith.addf %scan3A_552, %mul3A_619 : vector<16xf32>
        %get3A_621 = arith.index_cast %scan3A_544 : i32 to index
        %get3A_622 = arith.constant 128 : index
        %get3A_623 = tpu.vector_load %arg24[%get3A_621, %get3A_622] {strides = array<i32>} : memref<64x512xf32, #tpu.memory_space<vmem>>, vector<16xf32>,
        %mul3A_624 = arith.mulf %gather3A, %get3A_623 : vector<16xf32>
        %add3A_625 = arith.addf %scan3A_553, %mul3A_624 : vector<16xf32>
        %get3A_626 = arith.index_cast %scan3A_544 : i32 to index
        %get3A_627 = arith.constant 144 : index
        %get3A_628 = tpu.vector_load %arg24[%get3A_626, %get3A_627] {strides = array<i32>} : memref<64x512xf32, #tpu.memory_space<vmem>>, vector<16xf32>,
        %mul3A_629 = arith.mulf %gather3A, %get3A_628 : vector<16xf32>
        %add3A_630 = arith.addf %scan3A_554, %mul3A_629 : vector<16xf32>
        %get3A_631 = arith.index_cast %scan3A_544 : i32 to index
        %get3A_632 = arith.constant 160 : index
        %get3A_633 = tpu.vector_load %arg24[%get3A_631, %get3A_632] {strides = array<i32>} : memref<64x512xf32, #tpu.memory_space<vmem>>, vector<16xf32>,
        %mul3A_634 = arith.mulf %gather3A, %get3A_633 : vector<16xf32>
        %add3A_635 = arith.addf %scan3A_555, %mul3A_634 : vector<16xf32>
        %get3A_636 = arith.index_cast %scan3A_544 : i32 to index
        %get3A_637 = arith.constant 176 : index
        %get3A_638 = tpu.vector_load %arg24[%get3A_636, %get3A_637] {strides = array<i32>} : memref<64x512xf32, #tpu.memory_space<vmem>>, vector<16xf32>,
        %mul3A_639 = arith.mulf %gather3A, %get3A_638 : vector<16xf32>
        %add3A_640 = arith.addf %scan3A_556, %mul3A_639 : vector<16xf32>
        %get3A_641 = arith.index_cast %scan3A_544 : i32 to index
        %get3A_642 = arith.constant 192 : index
        %get3A_643 = tpu.vector_load %arg24[%get3A_641, %get3A_642] {strides = array<i32>} : memref<64x512xf32, #tpu.memory_space<vmem>>, vector<16xf32>,
        %mul3A_644 = arith.mulf %gather3A, %get3A_643 : vector<16xf32>
        %add3A_645 = arith.addf %scan3A_557, %mul3A_644 : vector<16xf32>
        %get3A_646 = arith.index_cast %scan3A_544 : i32 to index
        %get3A_647 = arith.constant 208 : index
        %get3A_648 = tpu.vector_load %arg24[%get3A_646, %get3A_647] {strides = array<i32>} : memref<64x512xf32, #tpu.memory_space<vmem>>, vector<16xf32>,
        %mul3A_649 = arith.mulf %gather3A, %get3A_648 : vector<16xf32>
        %add3A_650 = arith.addf %scan3A_558, %mul3A_649 : vector<16xf32>
        %get3A_651 = arith.index_cast %scan3A_544 : i32 to index
        %get3A_652 = arith.constant 224 : index
        %get3A_653 = tpu.vector_load %arg24[%get3A_651, %get3A_652] {strides = array<i32>} : memref<64x512xf32, #tpu.memory_space<vmem>>, vector<16xf32>,
        %mul3A_654 = arith.mulf %gather3A, %get3A_653 : vector<16xf32>
        %add3A_655 = arith.addf %scan3A_559, %mul3A_654 : vector<16xf32>
        %get3A_656 = arith.index_cast %scan3A_544 : i32 to index
        %get3A_657 = arith.constant 240 : index
        %get3A_658 = tpu.vector_load %arg24[%get3A_656, %get3A_657] {strides = array<i32>} : memref<64x512xf32, #tpu.memory_space<vmem>>, vector<16xf32>,
        %mul3A_659 = arith.mulf %gather3A, %get3A_658 : vector<16xf32>
        %add3A_660 = arith.addf %scan3A_560, %mul3A_659 : vector<16xf32>
        %get3A_661 = arith.index_cast %scan3A_544 : i32 to index
        %get3A_662 = arith.constant 256 : index
        %get3A_663 = tpu.vector_load %arg24[%get3A_661, %get3A_662] {strides = array<i32>} : memref<64x512xf32, #tpu.memory_space<vmem>>, vector<16xf32>,
        %mul3A_664 = arith.mulf %gather3A, %get3A_663 : vector<16xf32>
        %add3A_665 = arith.addf %scan3A_561, %mul3A_664 : vector<16xf32>
        %get3A_666 = arith.index_cast %scan3A_544 : i32 to index
        %get3A_667 = arith.constant 272 : index
        %get3A_668 = tpu.vector_load %arg24[%get3A_666, %get3A_667] {strides = array<i32>} : memref<64x512xf32, #tpu.memory_space<vmem>>, vector<16xf32>,
        %mul3A_669 = arith.mulf %gather3A, %get3A_668 : vector<16xf32>
        %add3A_670 = arith.addf %scan3A_562, %mul3A_669 : vector<16xf32>
        %get3A_671 = arith.index_cast %scan3A_544 : i32 to index
        %get3A_672 = arith.constant 288 : index
        %get3A_673 = tpu.vector_load %arg24[%get3A_671, %get3A_672] {strides = array<i32>} : memref<64x512xf32, #tpu.memory_space<vmem>>, vector<16xf32>,
        %mul3A_674 = arith.mulf %gather3A, %get3A_673 : vector<16xf32>
        %add3A_675 = arith.addf %scan3A_563, %mul3A_674 : vector<16xf32>
        %get3A_676 = arith.index_cast %scan3A_544 : i32 to index
        %get3A_677 = arith.constant 304 : index
        %get3A_678 = tpu.vector_load %arg24[%get3A_676, %get3A_677] {strides = array<i32>} : memref<64x512xf32, #tpu.memory_space<vmem>>, vector<16xf32>,
        %mul3A_679 = arith.mulf %gather3A, %get3A_678 : vector<16xf32>
        %add3A_680 = arith.addf %scan3A_564, %mul3A_679 : vector<16xf32>
        %get3A_681 = arith.index_cast %scan3A_544 : i32 to index
        %get3A_682 = arith.constant 320 : index
        %get3A_683 = tpu.vector_load %arg24[%get3A_681, %get3A_682] {strides = array<i32>} : memref<64x512xf32, #tpu.memory_space<vmem>>, vector<16xf32>,
        %mul3A_684 = arith.mulf %gather3A, %get3A_683 : vector<16xf32>
        %add3A_685 = arith.addf %scan3A_565, %mul3A_684 : vector<16xf32>
        %get3A_686 = arith.index_cast %scan3A_544 : i32 to index
        %get3A_687 = arith.constant 336 : index
        %get3A_688 = tpu.vector_load %arg24[%get3A_686, %get3A_687] {strides = array<i32>} : memref<64x512xf32, #tpu.memory_space<vmem>>, vector<16xf32>,
        %mul3A_689 = arith.mulf %gather3A, %get3A_688 : vector<16xf32>
        %add3A_690 = arith.addf %scan3A_566, %mul3A_689 : vector<16xf32>
        %get3A_691 = arith.index_cast %scan3A_544 : i32 to index
        %get3A_692 = arith.constant 352 : index
        %get3A_693 = tpu.vector_load %arg24[%get3A_691, %get3A_692] {strides = array<i32>} : memref<64x512xf32, #tpu.memory_space<vmem>>, vector<16xf32>,
        %mul3A_694 = arith.mulf %gather3A, %get3A_693 : vector<16xf32>
        %add3A_695 = arith.addf %scan3A_567, %mul3A_694 : vector<16xf32>
        %get3A_696 = arith.index_cast %scan3A_544 : i32 to index
        %get3A_697 = arith.constant 368 : index
        %get3A_698 = tpu.vector_load %arg24[%get3A_696, %get3A_697] {strides = array<i32>} : memref<64x512xf32, #tpu.memory_space<vmem>>, vector<16xf32>,
        %mul3A_699 = arith.mulf %gather3A, %get3A_698 : vector<16xf32>
        %add3A_700 = arith.addf %scan3A_568, %mul3A_699 : vector<16xf32>
        %get3A_701 = arith.index_cast %scan3A_544 : i32 to index
        %get3A_702 = arith.constant 384 : index
        %get3A_703 = tpu.vector_load %arg24[%get3A_701, %get3A_702] {strides = array<i32>} : memref<64x512xf32, #tpu.memory_space<vmem>>, vector<16xf32>,
        %mul3A_704 = arith.mulf %gather3A, %get3A_703 : vector<16xf32>
        %add3A_705 = arith.addf %scan3A_569, %mul3A_704 : vector<16xf32>
        %get3A_706 = arith.index_cast %scan3A_544 : i32 to index
        %get3A_707 = arith.constant 400 : index
        %get3A_708 = tpu.vector_load %arg24[%get3A_706, %get3A_707] {strides = array<i32>} : memref<64x512xf32, #tpu.memory_space<vmem>>, vector<16xf32>,
        %mul3A_709 = arith.mulf %gather3A, %get3A_708 : vector<16xf32>
        %add3A_710 = arith.addf %scan3A_570, %mul3A_709 : vector<16xf32>
        %get3A_711 = arith.index_cast %scan3A_544 : i32 to index
        %get3A_712 = arith.constant 416 : index
        %get3A_713 = tpu.vector_load %arg24[%get3A_711, %get3A_712] {strides = array<i32>} : memref<64x512xf32, #tpu.memory_space<vmem>>, vector<16xf32>,
        %mul3A_714 = arith.mulf %gather3A, %get3A_713 : vector<16xf32>
        %add3A_715 = arith.addf %scan3A_571, %mul3A_714 : vector<16xf32>
        %get3A_716 = arith.index_cast %scan3A_544 : i32 to index
        %get3A_717 = arith.constant 432 : index
        %get3A_718 = tpu.vector_load %arg24[%get3A_716, %get3A_717] {strides = array<i32>} : memref<64x512xf32, #tpu.memory_space<vmem>>, vector<16xf32>,
        %mul3A_719 = arith.mulf %gather3A, %get3A_718 : vector<16xf32>
        %add3A_720 = arith.addf %scan3A_572, %mul3A_719 : vector<16xf32>
        %get3A_721 = arith.index_cast %scan3A_544 : i32 to index
        %get3A_722 = arith.constant 448 : index
        %get3A_723 = tpu.vector_load %arg24[%get3A_721, %get3A_722] {strides = array<i32>} : memref<64x512xf32, #tpu.memory_space<vmem>>, vector<16xf32>,
        %mul3A_724 = arith.mulf %gather3A, %get3A_723 : vector<16xf32>
        %add3A_725 = arith.addf %scan3A_573, %mul3A_724 : vector<16xf32>
        %get3A_726 = arith.index_cast %scan3A_544 : i32 to index
        %get3A_727 = arith.constant 464 : index
        %get3A_728 = tpu.vector_load %arg24[%get3A_726, %get3A_727] {strides = array<i32>} : memref<64x512xf32, #tpu.memory_space<vmem>>, vector<16xf32>,
        %mul3A_729 = arith.mulf %gather3A, %get3A_728 : vector<16xf32>
        %add3A_730 = arith.addf %scan3A_574, %mul3A_729 : vector<16xf32>
        %get3A_731 = arith.index_cast %scan3A_544 : i32 to index
        %get3A_732 = arith.constant 480 : index
        %get3A_733 = tpu.vector_load %arg24[%get3A_731, %get3A_732] {strides = array<i32>} : memref<64x512xf32, #tpu.memory_space<vmem>>, vector<16xf32>,
        %mul3A_734 = arith.mulf %gather3A, %get3A_733 : vector<16xf32>
        %add3A_735 = arith.addf %scan3A_575, %mul3A_734 : vector<16xf32>
        %get3A_736 = arith.index_cast %scan3A_544 : i32 to index
        %get3A_737 = arith.constant 496 : index
        %get3A_738 = tpu.vector_load %arg24[%get3A_736, %get3A_737] {strides = array<i32>} : memref<64x512xf32, #tpu.memory_space<vmem>>, vector<16xf32>,
        %mul3A_739 = arith.mulf %gather3A, %get3A_738 : vector<16xf32>
        %add3A_740 = arith.addf %scan3A_576, %mul3A_739 : vector<16xf32>
        scf.yield %add3A_585, %add3A_590, %add3A_595, %add3A_600, %add3A_605, %add3A_610, %add3A_615, %add3A_620, %add3A_625, %add3A_630, %add3A_635, %add3A_640, %add3A_645, %add3A_650, %add3A_655, %add3A_660, %add3A_665, %add3A_670, %add3A_675, %add3A_680, %add3A_685, %add3A_690, %add3A_695, %add3A_700, %add3A_705, %add3A_710, %add3A_715, %add3A_720, %add3A_725, %add3A_730, %add3A_735, %add3A_740 : vector<16xf32>, vector<16xf32>, vector<16xf32>, vector<16xf32>, vector<16xf32>, vector<16xf32>, vector<16xf32>, vector<16xf32>, vector<16xf32>, vector<16xf32>, vector<16xf32>, vector<16xf32>, vector<16xf32>, vector<16xf32>, vector<16xf32>, vector<16xf32>, vector<16xf32>, vector<16xf32>, vector<16xf32>, vector<16xf32>, vector<16xf32>, vector<16xf32>, vector<16xf32>, vector<16xf32>, vector<16xf32>, vector<16xf32>, vector<16xf32>, vector<16xf32>, vector<16xf32>, vector<16xf32>, vector<16xf32>, vector<16xf32>
      }
      %scan3A_533 = arith.constant 64 : i32
      %add3A_534 = arith.constant 32 : i32
      %add3A_535 = arith.addi %add3A_534, %mul3A_497 : i32
      %add3A_536 = arith.constant 3 : i32
      %add3A_537 = arith.addi %add3A_535, %add3A_536 : i32
      %mul3A_538 = arith.constant 64 : i32
      %mul3A_539 = arith.muli %add3A_537, %mul3A_538 : i32
      %dma_start3A_540 = tpu.memref_slice %arg16[%mul3A_539] : memref<4096xi32, #tpu.memory_space<vmem>> -> memref<64xi32, #tpu.memory_space<vmem>>
      %dma_start3A_541 = arith.constant 0 : i32
      %dma_start3A_542 = arith.constant 0 : i32
      %dma_start3A_543 = tpu.memref_slice %arg2[%dma_start3A_541, %dma_start3A_542] : memref<131072x512xf32, #tpu.memory_space<hbm>> -> memref<131072x512xf32, #tpu.memory_space<hbm>>
      tpu.enqueue_indirect_dma source(%dma_start3A_543 : memref<131072x512xf32, #tpu.memory_space<hbm>>) target(%arg24 : memref<64x512xf32, #tpu.memory_space<vmem>>) offsets(%dma_start3A_540 : memref<64xi32, #tpu.memory_space<vmem>>) semaphore(%arg27 : memref<!tpu.dma_semaphore, #tpu.memory_space<semaphore_mem>>)
      scf.yield %scan3A_532#0, %scan3A_532#1, %scan3A_532#2, %scan3A_532#3, %scan3A_532#4, %scan3A_532#5, %scan3A_532#6, %scan3A_532#7, %scan3A_532#8, %scan3A_532#9, %scan3A_532#10, %scan3A_532#11, %scan3A_532#12, %scan3A_532#13, %scan3A_532#14, %scan3A_532#15, %scan3A_532#16, %scan3A_532#17, %scan3A_532#18, %scan3A_532#19, %scan3A_532#20, %scan3A_532#21, %scan3A_532#22, %scan3A_532#23, %scan3A_532#24, %scan3A_532#25, %scan3A_532#26, %scan3A_532#27, %scan3A_532#28, %scan3A_532#29, %scan3A_532#30, %scan3A_532#31 : vector<16xf32>, vector<16xf32>, vector<16xf32>, vector<16xf32>, vector<16xf32>, vector<16xf32>, vector<16xf32>, vector<16xf32>, vector<16xf32>, vector<16xf32>, vector<16xf32>, vector<16xf32>, vector<16xf32>, vector<16xf32>, vector<16xf32>, vector<16xf32>, vector<16xf32>, vector<16xf32>, vector<16xf32>, vector<16xf32>, vector<16xf32>, vector<16xf32>, vector<16xf32>, vector<16xf32>, vector<16xf32>, vector<16xf32>, vector<16xf32>, vector<16xf32>, vector<16xf32>, vector<16xf32>, vector<16xf32>, vector<16xf32>
    }
    %scan3A_375 = arith.constant 15 : i32
    %dma_wait3A_376 = arith.constant 0 : i32
    %dma_wait3A_377 = arith.constant 0 : i32
    %dma_wait3A_378 = tpu.memref_slice %arg2[%dma_wait3A_376, %dma_wait3A_377] : memref<131072x512xf32, #tpu.memory_space<hbm>> -> memref<64x512xf32, #tpu.memory_space<hbm>>
    %dma_wait3A_379 = arith.constant 0 : i32
    %dma_wait3A_380 = arith.constant 0 : i32
    %dma_wait3A_381 = tpu.memref_slice %arg2[%dma_wait3A_379, %dma_wait3A_380] : memref<131072x512xf32, #tpu.memory_space<hbm>> -> memref<64x512xf32, #tpu.memory_space<hbm>>
    tpu.wait_dma2 semaphore(%arg26 : memref<!tpu.dma_semaphore, #tpu.memory_space<semaphore_mem>>) src(%dma_wait3A_381 : memref<64x512xf32, #tpu.memory_space<hbm>>) dst(%arg23 : memref<64x512xf32, #tpu.memory_space<vmem>>)
    %scan3A_382 = arith.constant 0 : i32
    %scan3A_383 = arith.constant 64 : i32
    %scan3A_384 = arith.addi %scan3A_382, %scan3A_383 : i32
    %scan3A_385 = arith.constant 1 : i32
    %scan3A_386:32 = scf.for %scan3A_463 = %scan3A_382 to %scan3A_384 step %scan3A_385 iter_args(%scan3A_464 = %scan3A_374#0, %scan3A_465 = %scan3A_374#1, %scan3A_466 = %scan3A_374#2, %scan3A_467 = %scan3A_374#3, %scan3A_468 = %scan3A_374#4, %scan3A_469 = %scan3A_374#5, %scan3A_470 = %scan3A_374#6, %scan3A_471 = %scan3A_374#7, %scan3A_472 = %scan3A_374#8, %scan3A_473 = %scan3A_374#9, %scan3A_474 = %scan3A_374#10, %scan3A_475 = %scan3A_374#11, %scan3A_476 = %scan3A_374#12, %scan3A_477 = %scan3A_374#13, %scan3A_478 = %scan3A_374#14, %scan3A_479 = %scan3A_374#15, %scan3A_480 = %scan3A_374#16, %scan3A_481 = %scan3A_374#17, %scan3A_482 = %scan3A_374#18, %scan3A_483 = %scan3A_374#19, %scan3A_484 = %scan3A_374#20, %scan3A_485 = %scan3A_374#21, %scan3A_486 = %scan3A_374#22, %scan3A_487 = %scan3A_374#23, %scan3A_488 = %scan3A_374#24, %scan3A_489 = %scan3A_374#25, %scan3A_490 = %scan3A_374#26, %scan3A_491 = %scan3A_374#27, %scan3A_492 = %scan3A_374#28, %scan3A_493 = %scan3A_374#29, %scan3A_494 = %scan3A_374#30, %scan3A_495 = %scan3A_374#31) -> (vector<16xf32>, vector<16xf32>, vector<16xf32>, vector<16xf32>, vector<16xf32>, vector<16xf32>, vector<16xf32>, vector<16xf32>, vector<16xf32>, vector<16xf32>, vector<16xf32>, vector<16xf32>, vector<16xf32>, vector<16xf32>, vector<16xf32>, vector<16xf32>, vector<16xf32>, vector<16xf32>, vector<16xf32>, vector<16xf32>, vector<16xf32>, vector<16xf32>, vector<16xf32>, vector<16xf32>, vector<16xf32>, vector<16xf32>, vector<16xf32>, vector<16xf32>, vector<16xf32>, vector<16xf32>, vector<16xf32>, vector<16xf32>)  : i32 {
      %add3A_496 = arith.constant 1920 : i32
      %add3A_497 = arith.addi %add3A_496, %scan3A_463 : i32
      %broadcast_in_dim3A_498 = vector.broadcast %add3A_497 : i32 to vector<16xi32>
      %gather3A = tpu.vector_load_idx %arg18[%broadcast_in_dim3A_498] : memref<2048xf32, #tpu.memory_space<vmem>>[vector<16xi32>], vector<16xf32>,
      %get3A_499 = arith.index_cast %scan3A_463 : i32 to index
      %get3A_500 = arith.constant 0 : index
      %get3A_501 = tpu.vector_load %arg23[%get3A_499, %get3A_500] {strides = array<i32>} : memref<64x512xf32, #tpu.memory_space<vmem>>, vector<16xf32>,
      %mul3A_502 = arith.mulf %gather3A, %get3A_501 : vector<16xf32>
      %add3A_503 = arith.addf %scan3A_464, %mul3A_502 : vector<16xf32>
      %get3A_504 = arith.index_cast %scan3A_463 : i32 to index
      %get3A_505 = arith.constant 16 : index
      %get3A_506 = tpu.vector_load %arg23[%get3A_504, %get3A_505] {strides = array<i32>} : memref<64x512xf32, #tpu.memory_space<vmem>>, vector<16xf32>,
      %mul3A_507 = arith.mulf %gather3A, %get3A_506 : vector<16xf32>
      %add3A_508 = arith.addf %scan3A_465, %mul3A_507 : vector<16xf32>
      %get3A_509 = arith.index_cast %scan3A_463 : i32 to index
      %get3A_510 = arith.constant 32 : index
      %get3A_511 = tpu.vector_load %arg23[%get3A_509, %get3A_510] {strides = array<i32>} : memref<64x512xf32, #tpu.memory_space<vmem>>, vector<16xf32>,
      %mul3A_512 = arith.mulf %gather3A, %get3A_511 : vector<16xf32>
      %add3A_513 = arith.addf %scan3A_466, %mul3A_512 : vector<16xf32>
      %get3A_514 = arith.index_cast %scan3A_463 : i32 to index
      %get3A_515 = arith.constant 48 : index
      %get3A_516 = tpu.vector_load %arg23[%get3A_514, %get3A_515] {strides = array<i32>} : memref<64x512xf32, #tpu.memory_space<vmem>>, vector<16xf32>,
      %mul3A_517 = arith.mulf %gather3A, %get3A_516 : vector<16xf32>
      %add3A_518 = arith.addf %scan3A_467, %mul3A_517 : vector<16xf32>
      %get3A_519 = arith.index_cast %scan3A_463 : i32 to index
      %get3A_520 = arith.constant 64 : index
      %get3A_521 = tpu.vector_load %arg23[%get3A_519, %get3A_520] {strides = array<i32>} : memref<64x512xf32, #tpu.memory_space<vmem>>, vector<16xf32>,
      %mul3A_522 = arith.mulf %gather3A, %get3A_521 : vector<16xf32>
      %add3A_523 = arith.addf %scan3A_468, %mul3A_522 : vector<16xf32>
      %get3A_524 = arith.index_cast %scan3A_463 : i32 to index
      %get3A_525 = arith.constant 80 : index
      %get3A_526 = tpu.vector_load %arg23[%get3A_524, %get3A_525] {strides = array<i32>} : memref<64x512xf32, #tpu.memory_space<vmem>>, vector<16xf32>,
      %mul3A_527 = arith.mulf %gather3A, %get3A_526 : vector<16xf32>
      %add3A_528 = arith.addf %scan3A_469, %mul3A_527 : vector<16xf32>
      %get3A_529 = arith.index_cast %scan3A_463 : i32 to index
      %get3A_530 = arith.constant 96 : index
      %get3A_531 = tpu.vector_load %arg23[%get3A_529, %get3A_530] {strides = array<i32>} : memref<64x512xf32, #tpu.memory_space<vmem>>, vector<16xf32>,
      %mul3A_532 = arith.mulf %gather3A, %get3A_531 : vector<16xf32>
      %add3A_533 = arith.addf %scan3A_470, %mul3A_532 : vector<16xf32>
      %get3A_534 = arith.index_cast %scan3A_463 : i32 to index
      %get3A_535 = arith.constant 112 : index
      %get3A_536 = tpu.vector_load %arg23[%get3A_534, %get3A_535] {strides = array<i32>} : memref<64x512xf32, #tpu.memory_space<vmem>>, vector<16xf32>,
      %mul3A_537 = arith.mulf %gather3A, %get3A_536 : vector<16xf32>
      %add3A_538 = arith.addf %scan3A_471, %mul3A_537 : vector<16xf32>
      %get3A_539 = arith.index_cast %scan3A_463 : i32 to index
      %get3A_540 = arith.constant 128 : index
      %get3A_541 = tpu.vector_load %arg23[%get3A_539, %get3A_540] {strides = array<i32>} : memref<64x512xf32, #tpu.memory_space<vmem>>, vector<16xf32>,
      %mul3A_542 = arith.mulf %gather3A, %get3A_541 : vector<16xf32>
      %add3A_543 = arith.addf %scan3A_472, %mul3A_542 : vector<16xf32>
      %get3A_544 = arith.index_cast %scan3A_463 : i32 to index
      %get3A_545 = arith.constant 144 : index
      %get3A_546 = tpu.vector_load %arg23[%get3A_544, %get3A_545] {strides = array<i32>} : memref<64x512xf32, #tpu.memory_space<vmem>>, vector<16xf32>,
      %mul3A_547 = arith.mulf %gather3A, %get3A_546 : vector<16xf32>
      %add3A_548 = arith.addf %scan3A_473, %mul3A_547 : vector<16xf32>
      %get3A_549 = arith.index_cast %scan3A_463 : i32 to index
      %get3A_550 = arith.constant 160 : index
      %get3A_551 = tpu.vector_load %arg23[%get3A_549, %get3A_550] {strides = array<i32>} : memref<64x512xf32, #tpu.memory_space<vmem>>, vector<16xf32>,
      %mul3A_552 = arith.mulf %gather3A, %get3A_551 : vector<16xf32>
      %add3A_553 = arith.addf %scan3A_474, %mul3A_552 : vector<16xf32>
      %get3A_554 = arith.index_cast %scan3A_463 : i32 to index
      %get3A_555 = arith.constant 176 : index
      %get3A_556 = tpu.vector_load %arg23[%get3A_554, %get3A_555] {strides = array<i32>} : memref<64x512xf32, #tpu.memory_space<vmem>>, vector<16xf32>,
      %mul3A_557 = arith.mulf %gather3A, %get3A_556 : vector<16xf32>
      %add3A_558 = arith.addf %scan3A_475, %mul3A_557 : vector<16xf32>
      %get3A_559 = arith.index_cast %scan3A_463 : i32 to index
      %get3A_560 = arith.constant 192 : index
      %get3A_561 = tpu.vector_load %arg23[%get3A_559, %get3A_560] {strides = array<i32>} : memref<64x512xf32, #tpu.memory_space<vmem>>, vector<16xf32>,
      %mul3A_562 = arith.mulf %gather3A, %get3A_561 : vector<16xf32>
      %add3A_563 = arith.addf %scan3A_476, %mul3A_562 : vector<16xf32>
      %get3A_564 = arith.index_cast %scan3A_463 : i32 to index
      %get3A_565 = arith.constant 208 : index
      %get3A_566 = tpu.vector_load %arg23[%get3A_564, %get3A_565] {strides = array<i32>} : memref<64x512xf32, #tpu.memory_space<vmem>>, vector<16xf32>,
      %mul3A_567 = arith.mulf %gather3A, %get3A_566 : vector<16xf32>
      %add3A_568 = arith.addf %scan3A_477, %mul3A_567 : vector<16xf32>
      %get3A_569 = arith.index_cast %scan3A_463 : i32 to index
      %get3A_570 = arith.constant 224 : index
      %get3A_571 = tpu.vector_load %arg23[%get3A_569, %get3A_570] {strides = array<i32>} : memref<64x512xf32, #tpu.memory_space<vmem>>, vector<16xf32>,
      %mul3A_572 = arith.mulf %gather3A, %get3A_571 : vector<16xf32>
      %add3A_573 = arith.addf %scan3A_478, %mul3A_572 : vector<16xf32>
      %get3A_574 = arith.index_cast %scan3A_463 : i32 to index
      %get3A_575 = arith.constant 240 : index
      %get3A_576 = tpu.vector_load %arg23[%get3A_574, %get3A_575] {strides = array<i32>} : memref<64x512xf32, #tpu.memory_space<vmem>>, vector<16xf32>,
      %mul3A_577 = arith.mulf %gather3A, %get3A_576 : vector<16xf32>
      %add3A_578 = arith.addf %scan3A_479, %mul3A_577 : vector<16xf32>
      %get3A_579 = arith.index_cast %scan3A_463 : i32 to index
      %get3A_580 = arith.constant 256 : index
      %get3A_581 = tpu.vector_load %arg23[%get3A_579, %get3A_580] {strides = array<i32>} : memref<64x512xf32, #tpu.memory_space<vmem>>, vector<16xf32>,
      %mul3A_582 = arith.mulf %gather3A, %get3A_581 : vector<16xf32>
      %add3A_583 = arith.addf %scan3A_480, %mul3A_582 : vector<16xf32>
      %get3A_584 = arith.index_cast %scan3A_463 : i32 to index
      %get3A_585 = arith.constant 272 : index
      %get3A_586 = tpu.vector_load %arg23[%get3A_584, %get3A_585] {strides = array<i32>} : memref<64x512xf32, #tpu.memory_space<vmem>>, vector<16xf32>,
      %mul3A_587 = arith.mulf %gather3A, %get3A_586 : vector<16xf32>
      %add3A_588 = arith.addf %scan3A_481, %mul3A_587 : vector<16xf32>
      %get3A_589 = arith.index_cast %scan3A_463 : i32 to index
      %get3A_590 = arith.constant 288 : index
      %get3A_591 = tpu.vector_load %arg23[%get3A_589, %get3A_590] {strides = array<i32>} : memref<64x512xf32, #tpu.memory_space<vmem>>, vector<16xf32>,
      %mul3A_592 = arith.mulf %gather3A, %get3A_591 : vector<16xf32>
      %add3A_593 = arith.addf %scan3A_482, %mul3A_592 : vector<16xf32>
      %get3A_594 = arith.index_cast %scan3A_463 : i32 to index
      %get3A_595 = arith.constant 304 : index
      %get3A_596 = tpu.vector_load %arg23[%get3A_594, %get3A_595] {strides = array<i32>} : memref<64x512xf32, #tpu.memory_space<vmem>>, vector<16xf32>,
      %mul3A_597 = arith.mulf %gather3A, %get3A_596 : vector<16xf32>
      %add3A_598 = arith.addf %scan3A_483, %mul3A_597 : vector<16xf32>
      %get3A_599 = arith.index_cast %scan3A_463 : i32 to index
      %get3A_600 = arith.constant 320 : index
      %get3A_601 = tpu.vector_load %arg23[%get3A_599, %get3A_600] {strides = array<i32>} : memref<64x512xf32, #tpu.memory_space<vmem>>, vector<16xf32>,
      %mul3A_602 = arith.mulf %gather3A, %get3A_601 : vector<16xf32>
      %add3A_603 = arith.addf %scan3A_484, %mul3A_602 : vector<16xf32>
      %get3A_604 = arith.index_cast %scan3A_463 : i32 to index
      %get3A_605 = arith.constant 336 : index
      %get3A_606 = tpu.vector_load %arg23[%get3A_604, %get3A_605] {strides = array<i32>} : memref<64x512xf32, #tpu.memory_space<vmem>>, vector<16xf32>,
      %mul3A_607 = arith.mulf %gather3A, %get3A_606 : vector<16xf32>
      %add3A_608 = arith.addf %scan3A_485, %mul3A_607 : vector<16xf32>
      %get3A_609 = arith.index_cast %scan3A_463 : i32 to index
      %get3A_610 = arith.constant 352 : index
      %get3A_611 = tpu.vector_load %arg23[%get3A_609, %get3A_610] {strides = array<i32>} : memref<64x512xf32, #tpu.memory_space<vmem>>, vector<16xf32>,
      %mul3A_612 = arith.mulf %gather3A, %get3A_611 : vector<16xf32>
      %add3A_613 = arith.addf %scan3A_486, %mul3A_612 : vector<16xf32>
      %get3A_614 = arith.index_cast %scan3A_463 : i32 to index
      %get3A_615 = arith.constant 368 : index
      %get3A_616 = tpu.vector_load %arg23[%get3A_614, %get3A_615] {strides = array<i32>} : memref<64x512xf32, #tpu.memory_space<vmem>>, vector<16xf32>,
      %mul3A_617 = arith.mulf %gather3A, %get3A_616 : vector<16xf32>
      %add3A_618 = arith.addf %scan3A_487, %mul3A_617 : vector<16xf32>
      %get3A_619 = arith.index_cast %scan3A_463 : i32 to index
      %get3A_620 = arith.constant 384 : index
      %get3A_621 = tpu.vector_load %arg23[%get3A_619, %get3A_620] {strides = array<i32>} : memref<64x512xf32, #tpu.memory_space<vmem>>, vector<16xf32>,
      %mul3A_622 = arith.mulf %gather3A, %get3A_621 : vector<16xf32>
      %add3A_623 = arith.addf %scan3A_488, %mul3A_622 : vector<16xf32>
      %get3A_624 = arith.index_cast %scan3A_463 : i32 to index
      %get3A_625 = arith.constant 400 : index
      %get3A_626 = tpu.vector_load %arg23[%get3A_624, %get3A_625] {strides = array<i32>} : memref<64x512xf32, #tpu.memory_space<vmem>>, vector<16xf32>,
      %mul3A_627 = arith.mulf %gather3A, %get3A_626 : vector<16xf32>
      %add3A_628 = arith.addf %scan3A_489, %mul3A_627 : vector<16xf32>
      %get3A_629 = arith.index_cast %scan3A_463 : i32 to index
      %get3A_630 = arith.constant 416 : index
      %get3A_631 = tpu.vector_load %arg23[%get3A_629, %get3A_630] {strides = array<i32>} : memref<64x512xf32, #tpu.memory_space<vmem>>, vector<16xf32>,
      %mul3A_632 = arith.mulf %gather3A, %get3A_631 : vector<16xf32>
      %add3A_633 = arith.addf %scan3A_490, %mul3A_632 : vector<16xf32>
      %get3A_634 = arith.index_cast %scan3A_463 : i32 to index
      %get3A_635 = arith.constant 432 : index
      %get3A_636 = tpu.vector_load %arg23[%get3A_634, %get3A_635] {strides = array<i32>} : memref<64x512xf32, #tpu.memory_space<vmem>>, vector<16xf32>,
      %mul3A_637 = arith.mulf %gather3A, %get3A_636 : vector<16xf32>
      %add3A_638 = arith.addf %scan3A_491, %mul3A_637 : vector<16xf32>
      %get3A_639 = arith.index_cast %scan3A_463 : i32 to index
      %get3A_640 = arith.constant 448 : index
      %get3A_641 = tpu.vector_load %arg23[%get3A_639, %get3A_640] {strides = array<i32>} : memref<64x512xf32, #tpu.memory_space<vmem>>, vector<16xf32>,
      %mul3A_642 = arith.mulf %gather3A, %get3A_641 : vector<16xf32>
      %add3A_643 = arith.addf %scan3A_492, %mul3A_642 : vector<16xf32>
      %get3A_644 = arith.index_cast %scan3A_463 : i32 to index
      %get3A_645 = arith.constant 464 : index
      %get3A_646 = tpu.vector_load %arg23[%get3A_644, %get3A_645] {strides = array<i32>} : memref<64x512xf32, #tpu.memory_space<vmem>>, vector<16xf32>,
      %mul3A_647 = arith.mulf %gather3A, %get3A_646 : vector<16xf32>
      %add3A_648 = arith.addf %scan3A_493, %mul3A_647 : vector<16xf32>
      %get3A_649 = arith.index_cast %scan3A_463 : i32 to index
      %get3A_650 = arith.constant 480 : index
      %get3A_651 = tpu.vector_load %arg23[%get3A_649, %get3A_650] {strides = array<i32>} : memref<64x512xf32, #tpu.memory_space<vmem>>, vector<16xf32>,
      %mul3A_652 = arith.mulf %gather3A, %get3A_651 : vector<16xf32>
      %add3A_653 = arith.addf %scan3A_494, %mul3A_652 : vector<16xf32>
      %get3A_654 = arith.index_cast %scan3A_463 : i32 to index
      %get3A_655 = arith.constant 496 : index
      %get3A_656 = tpu.vector_load %arg23[%get3A_654, %get3A_655] {strides = array<i32>} : memref<64x512xf32, #tpu.memory_space<vmem>>, vector<16xf32>,
      %mul3A_657 = arith.mulf %gather3A, %get3A_656 : vector<16xf32>
      %add3A_658 = arith.addf %scan3A_495, %mul3A_657 : vector<16xf32>
      scf.yield %add3A_503, %add3A_508, %add3A_513, %add3A_518, %add3A_523, %add3A_528, %add3A_533, %add3A_538, %add3A_543, %add3A_548, %add3A_553, %add3A_558, %add3A_563, %add3A_568, %add3A_573, %add3A_578, %add3A_583, %add3A_588, %add3A_593, %add3A_598, %add3A_603, %add3A_608, %add3A_613, %add3A_618, %add3A_623, %add3A_628, %add3A_633, %add3A_638, %add3A_643, %add3A_648, %add3A_653, %add3A_658 : vector<16xf32>, vector<16xf32>, vector<16xf32>, vector<16xf32>, vector<16xf32>, vector<16xf32>, vector<16xf32>, vector<16xf32>, vector<16xf32>, vector<16xf32>, vector<16xf32>, vector<16xf32>, vector<16xf32>, vector<16xf32>, vector<16xf32>, vector<16xf32>, vector<16xf32>, vector<16xf32>, vector<16xf32>, vector<16xf32>, vector<16xf32>, vector<16xf32>, vector<16xf32>, vector<16xf32>, vector<16xf32>, vector<16xf32>, vector<16xf32>, vector<16xf32>, vector<16xf32>, vector<16xf32>, vector<16xf32>, vector<16xf32>
    }
    %scan3A_387 = arith.constant 64 : i32
    %dma_wait3A_388 = arith.constant 0 : i32
    %dma_wait3A_389 = arith.constant 0 : i32
    %dma_wait3A_390 = tpu.memref_slice %arg2[%dma_wait3A_388, %dma_wait3A_389] : memref<131072x512xf32, #tpu.memory_space<hbm>> -> memref<64x512xf32, #tpu.memory_space<hbm>>
    %dma_wait3A_391 = arith.constant 0 : i32
    %dma_wait3A_392 = arith.constant 0 : i32
    %dma_wait3A_393 = tpu.memref_slice %arg2[%dma_wait3A_391, %dma_wait3A_392] : memref<131072x512xf32, #tpu.memory_space<hbm>> -> memref<64x512xf32, #tpu.memory_space<hbm>>
    tpu.wait_dma2 semaphore(%arg27 : memref<!tpu.dma_semaphore, #tpu.memory_space<semaphore_mem>>) src(%dma_wait3A_393 : memref<64x512xf32, #tpu.memory_space<hbm>>) dst(%arg24 : memref<64x512xf32, #tpu.memory_space<vmem>>)
    %scan3A_394 = arith.constant 0 : i32
    %scan3A_395 = arith.constant 64 : i32
    %scan3A_396 = arith.addi %scan3A_394, %scan3A_395 : i32
    %scan3A_397 = arith.constant 1 : i32
    %scan3A_398:32 = scf.for %scan3A_463 = %scan3A_394 to %scan3A_396 step %scan3A_397 iter_args(%scan3A_464 = %scan3A_386#0, %scan3A_465 = %scan3A_386#1, %scan3A_466 = %scan3A_386#2, %scan3A_467 = %scan3A_386#3, %scan3A_468 = %scan3A_386#4, %scan3A_469 = %scan3A_386#5, %scan3A_470 = %scan3A_386#6, %scan3A_471 = %scan3A_386#7, %scan3A_472 = %scan3A_386#8, %scan3A_473 = %scan3A_386#9, %scan3A_474 = %scan3A_386#10, %scan3A_475 = %scan3A_386#11, %scan3A_476 = %scan3A_386#12, %scan3A_477 = %scan3A_386#13, %scan3A_478 = %scan3A_386#14, %scan3A_479 = %scan3A_386#15, %scan3A_480 = %scan3A_386#16, %scan3A_481 = %scan3A_386#17, %scan3A_482 = %scan3A_386#18, %scan3A_483 = %scan3A_386#19, %scan3A_484 = %scan3A_386#20, %scan3A_485 = %scan3A_386#21, %scan3A_486 = %scan3A_386#22, %scan3A_487 = %scan3A_386#23, %scan3A_488 = %scan3A_386#24, %scan3A_489 = %scan3A_386#25, %scan3A_490 = %scan3A_386#26, %scan3A_491 = %scan3A_386#27, %scan3A_492 = %scan3A_386#28, %scan3A_493 = %scan3A_386#29, %scan3A_494 = %scan3A_386#30, %scan3A_495 = %scan3A_386#31) -> (vector<16xf32>, vector<16xf32>, vector<16xf32>, vector<16xf32>, vector<16xf32>, vector<16xf32>, vector<16xf32>, vector<16xf32>, vector<16xf32>, vector<16xf32>, vector<16xf32>, vector<16xf32>, vector<16xf32>, vector<16xf32>, vector<16xf32>, vector<16xf32>, vector<16xf32>, vector<16xf32>, vector<16xf32>, vector<16xf32>, vector<16xf32>, vector<16xf32>, vector<16xf32>, vector<16xf32>, vector<16xf32>, vector<16xf32>, vector<16xf32>, vector<16xf32>, vector<16xf32>, vector<16xf32>, vector<16xf32>, vector<16xf32>)  : i32 {
      %add3A_496 = arith.constant 1984 : i32
      %add3A_497 = arith.addi %add3A_496, %scan3A_463 : i32
      %broadcast_in_dim3A_498 = vector.broadcast %add3A_497 : i32 to vector<16xi32>
      %gather3A = tpu.vector_load_idx %arg18[%broadcast_in_dim3A_498] : memref<2048xf32, #tpu.memory_space<vmem>>[vector<16xi32>], vector<16xf32>,
      %get3A_499 = arith.index_cast %scan3A_463 : i32 to index
      %get3A_500 = arith.constant 0 : index
      %get3A_501 = tpu.vector_load %arg24[%get3A_499, %get3A_500] {strides = array<i32>} : memref<64x512xf32, #tpu.memory_space<vmem>>, vector<16xf32>,
      %mul3A_502 = arith.mulf %gather3A, %get3A_501 : vector<16xf32>
      %add3A_503 = arith.addf %scan3A_464, %mul3A_502 : vector<16xf32>
      %get3A_504 = arith.index_cast %scan3A_463 : i32 to index
      %get3A_505 = arith.constant 16 : index
      %get3A_506 = tpu.vector_load %arg24[%get3A_504, %get3A_505] {strides = array<i32>} : memref<64x512xf32, #tpu.memory_space<vmem>>, vector<16xf32>,
      %mul3A_507 = arith.mulf %gather3A, %get3A_506 : vector<16xf32>
      %add3A_508 = arith.addf %scan3A_465, %mul3A_507 : vector<16xf32>
      %get3A_509 = arith.index_cast %scan3A_463 : i32 to index
      %get3A_510 = arith.constant 32 : index
      %get3A_511 = tpu.vector_load %arg24[%get3A_509, %get3A_510] {strides = array<i32>} : memref<64x512xf32, #tpu.memory_space<vmem>>, vector<16xf32>,
      %mul3A_512 = arith.mulf %gather3A, %get3A_511 : vector<16xf32>
      %add3A_513 = arith.addf %scan3A_466, %mul3A_512 : vector<16xf32>
      %get3A_514 = arith.index_cast %scan3A_463 : i32 to index
      %get3A_515 = arith.constant 48 : index
      %get3A_516 = tpu.vector_load %arg24[%get3A_514, %get3A_515] {strides = array<i32>} : memref<64x512xf32, #tpu.memory_space<vmem>>, vector<16xf32>,
      %mul3A_517 = arith.mulf %gather3A, %get3A_516 : vector<16xf32>
      %add3A_518 = arith.addf %scan3A_467, %mul3A_517 : vector<16xf32>
      %get3A_519 = arith.index_cast %scan3A_463 : i32 to index
      %get3A_520 = arith.constant 64 : index
      %get3A_521 = tpu.vector_load %arg24[%get3A_519, %get3A_520] {strides = array<i32>} : memref<64x512xf32, #tpu.memory_space<vmem>>, vector<16xf32>,
      %mul3A_522 = arith.mulf %gather3A, %get3A_521 : vector<16xf32>
      %add3A_523 = arith.addf %scan3A_468, %mul3A_522 : vector<16xf32>
      %get3A_524 = arith.index_cast %scan3A_463 : i32 to index
      %get3A_525 = arith.constant 80 : index
      %get3A_526 = tpu.vector_load %arg24[%get3A_524, %get3A_525] {strides = array<i32>} : memref<64x512xf32, #tpu.memory_space<vmem>>, vector<16xf32>,
      %mul3A_527 = arith.mulf %gather3A, %get3A_526 : vector<16xf32>
      %add3A_528 = arith.addf %scan3A_469, %mul3A_527 : vector<16xf32>
      %get3A_529 = arith.index_cast %scan3A_463 : i32 to index
      %get3A_530 = arith.constant 96 : index
      %get3A_531 = tpu.vector_load %arg24[%get3A_529, %get3A_530] {strides = array<i32>} : memref<64x512xf32, #tpu.memory_space<vmem>>, vector<16xf32>,
      %mul3A_532 = arith.mulf %gather3A, %get3A_531 : vector<16xf32>
      %add3A_533 = arith.addf %scan3A_470, %mul3A_532 : vector<16xf32>
      %get3A_534 = arith.index_cast %scan3A_463 : i32 to index
      %get3A_535 = arith.constant 112 : index
      %get3A_536 = tpu.vector_load %arg24[%get3A_534, %get3A_535] {strides = array<i32>} : memref<64x512xf32, #tpu.memory_space<vmem>>, vector<16xf32>,
      %mul3A_537 = arith.mulf %gather3A, %get3A_536 : vector<16xf32>
      %add3A_538 = arith.addf %scan3A_471, %mul3A_537 : vector<16xf32>
      %get3A_539 = arith.index_cast %scan3A_463 : i32 to index
      %get3A_540 = arith.constant 128 : index
      %get3A_541 = tpu.vector_load %arg24[%get3A_539, %get3A_540] {strides = array<i32>} : memref<64x512xf32, #tpu.memory_space<vmem>>, vector<16xf32>,
      %mul3A_542 = arith.mulf %gather3A, %get3A_541 : vector<16xf32>
      %add3A_543 = arith.addf %scan3A_472, %mul3A_542 : vector<16xf32>
      %get3A_544 = arith.index_cast %scan3A_463 : i32 to index
      %get3A_545 = arith.constant 144 : index
      %get3A_546 = tpu.vector_load %arg24[%get3A_544, %get3A_545] {strides = array<i32>} : memref<64x512xf32, #tpu.memory_space<vmem>>, vector<16xf32>,
      %mul3A_547 = arith.mulf %gather3A, %get3A_546 : vector<16xf32>
      %add3A_548 = arith.addf %scan3A_473, %mul3A_547 : vector<16xf32>
      %get3A_549 = arith.index_cast %scan3A_463 : i32 to index
      %get3A_550 = arith.constant 160 : index
      %get3A_551 = tpu.vector_load %arg24[%get3A_549, %get3A_550] {strides = array<i32>} : memref<64x512xf32, #tpu.memory_space<vmem>>, vector<16xf32>,
      %mul3A_552 = arith.mulf %gather3A, %get3A_551 : vector<16xf32>
      %add3A_553 = arith.addf %scan3A_474, %mul3A_552 : vector<16xf32>
      %get3A_554 = arith.index_cast %scan3A_463 : i32 to index
      %get3A_555 = arith.constant 176 : index
      %get3A_556 = tpu.vector_load %arg24[%get3A_554, %get3A_555] {strides = array<i32>} : memref<64x512xf32, #tpu.memory_space<vmem>>, vector<16xf32>,
      %mul3A_557 = arith.mulf %gather3A, %get3A_556 : vector<16xf32>
      %add3A_558 = arith.addf %scan3A_475, %mul3A_557 : vector<16xf32>
      %get3A_559 = arith.index_cast %scan3A_463 : i32 to index
      %get3A_560 = arith.constant 192 : index
      %get3A_561 = tpu.vector_load %arg24[%get3A_559, %get3A_560] {strides = array<i32>} : memref<64x512xf32, #tpu.memory_space<vmem>>, vector<16xf32>,
      %mul3A_562 = arith.mulf %gather3A, %get3A_561 : vector<16xf32>
      %add3A_563 = arith.addf %scan3A_476, %mul3A_562 : vector<16xf32>
      %get3A_564 = arith.index_cast %scan3A_463 : i32 to index
      %get3A_565 = arith.constant 208 : index
      %get3A_566 = tpu.vector_load %arg24[%get3A_564, %get3A_565] {strides = array<i32>} : memref<64x512xf32, #tpu.memory_space<vmem>>, vector<16xf32>,
      %mul3A_567 = arith.mulf %gather3A, %get3A_566 : vector<16xf32>
      %add3A_568 = arith.addf %scan3A_477, %mul3A_567 : vector<16xf32>
      %get3A_569 = arith.index_cast %scan3A_463 : i32 to index
      %get3A_570 = arith.constant 224 : index
      %get3A_571 = tpu.vector_load %arg24[%get3A_569, %get3A_570] {strides = array<i32>} : memref<64x512xf32, #tpu.memory_space<vmem>>, vector<16xf32>,
      %mul3A_572 = arith.mulf %gather3A, %get3A_571 : vector<16xf32>
      %add3A_573 = arith.addf %scan3A_478, %mul3A_572 : vector<16xf32>
      %get3A_574 = arith.index_cast %scan3A_463 : i32 to index
      %get3A_575 = arith.constant 240 : index
      %get3A_576 = tpu.vector_load %arg24[%get3A_574, %get3A_575] {strides = array<i32>} : memref<64x512xf32, #tpu.memory_space<vmem>>, vector<16xf32>,
      %mul3A_577 = arith.mulf %gather3A, %get3A_576 : vector<16xf32>
      %add3A_578 = arith.addf %scan3A_479, %mul3A_577 : vector<16xf32>
      %get3A_579 = arith.index_cast %scan3A_463 : i32 to index
      %get3A_580 = arith.constant 256 : index
      %get3A_581 = tpu.vector_load %arg24[%get3A_579, %get3A_580] {strides = array<i32>} : memref<64x512xf32, #tpu.memory_space<vmem>>, vector<16xf32>,
      %mul3A_582 = arith.mulf %gather3A, %get3A_581 : vector<16xf32>
      %add3A_583 = arith.addf %scan3A_480, %mul3A_582 : vector<16xf32>
      %get3A_584 = arith.index_cast %scan3A_463 : i32 to index
      %get3A_585 = arith.constant 272 : index
      %get3A_586 = tpu.vector_load %arg24[%get3A_584, %get3A_585] {strides = array<i32>} : memref<64x512xf32, #tpu.memory_space<vmem>>, vector<16xf32>,
      %mul3A_587 = arith.mulf %gather3A, %get3A_586 : vector<16xf32>
      %add3A_588 = arith.addf %scan3A_481, %mul3A_587 : vector<16xf32>
      %get3A_589 = arith.index_cast %scan3A_463 : i32 to index
      %get3A_590 = arith.constant 288 : index
      %get3A_591 = tpu.vector_load %arg24[%get3A_589, %get3A_590] {strides = array<i32>} : memref<64x512xf32, #tpu.memory_space<vmem>>, vector<16xf32>,
      %mul3A_592 = arith.mulf %gather3A, %get3A_591 : vector<16xf32>
      %add3A_593 = arith.addf %scan3A_482, %mul3A_592 : vector<16xf32>
      %get3A_594 = arith.index_cast %scan3A_463 : i32 to index
      %get3A_595 = arith.constant 304 : index
      %get3A_596 = tpu.vector_load %arg24[%get3A_594, %get3A_595] {strides = array<i32>} : memref<64x512xf32, #tpu.memory_space<vmem>>, vector<16xf32>,
      %mul3A_597 = arith.mulf %gather3A, %get3A_596 : vector<16xf32>
      %add3A_598 = arith.addf %scan3A_483, %mul3A_597 : vector<16xf32>
      %get3A_599 = arith.index_cast %scan3A_463 : i32 to index
      %get3A_600 = arith.constant 320 : index
      %get3A_601 = tpu.vector_load %arg24[%get3A_599, %get3A_600] {strides = array<i32>} : memref<64x512xf32, #tpu.memory_space<vmem>>, vector<16xf32>,
      %mul3A_602 = arith.mulf %gather3A, %get3A_601 : vector<16xf32>
      %add3A_603 = arith.addf %scan3A_484, %mul3A_602 : vector<16xf32>
      %get3A_604 = arith.index_cast %scan3A_463 : i32 to index
      %get3A_605 = arith.constant 336 : index
      %get3A_606 = tpu.vector_load %arg24[%get3A_604, %get3A_605] {strides = array<i32>} : memref<64x512xf32, #tpu.memory_space<vmem>>, vector<16xf32>,
      %mul3A_607 = arith.mulf %gather3A, %get3A_606 : vector<16xf32>
      %add3A_608 = arith.addf %scan3A_485, %mul3A_607 : vector<16xf32>
      %get3A_609 = arith.index_cast %scan3A_463 : i32 to index
      %get3A_610 = arith.constant 352 : index
      %get3A_611 = tpu.vector_load %arg24[%get3A_609, %get3A_610] {strides = array<i32>} : memref<64x512xf32, #tpu.memory_space<vmem>>, vector<16xf32>,
      %mul3A_612 = arith.mulf %gather3A, %get3A_611 : vector<16xf32>
      %add3A_613 = arith.addf %scan3A_486, %mul3A_612 : vector<16xf32>
      %get3A_614 = arith.index_cast %scan3A_463 : i32 to index
      %get3A_615 = arith.constant 368 : index
      %get3A_616 = tpu.vector_load %arg24[%get3A_614, %get3A_615] {strides = array<i32>} : memref<64x512xf32, #tpu.memory_space<vmem>>, vector<16xf32>,
      %mul3A_617 = arith.mulf %gather3A, %get3A_616 : vector<16xf32>
      %add3A_618 = arith.addf %scan3A_487, %mul3A_617 : vector<16xf32>
      %get3A_619 = arith.index_cast %scan3A_463 : i32 to index
      %get3A_620 = arith.constant 384 : index
      %get3A_621 = tpu.vector_load %arg24[%get3A_619, %get3A_620] {strides = array<i32>} : memref<64x512xf32, #tpu.memory_space<vmem>>, vector<16xf32>,
      %mul3A_622 = arith.mulf %gather3A, %get3A_621 : vector<16xf32>
      %add3A_623 = arith.addf %scan3A_488, %mul3A_622 : vector<16xf32>
      %get3A_624 = arith.index_cast %scan3A_463 : i32 to index
      %get3A_625 = arith.constant 400 : index
      %get3A_626 = tpu.vector_load %arg24[%get3A_624, %get3A_625] {strides = array<i32>} : memref<64x512xf32, #tpu.memory_space<vmem>>, vector<16xf32>,
      %mul3A_627 = arith.mulf %gather3A, %get3A_626 : vector<16xf32>
      %add3A_628 = arith.addf %scan3A_489, %mul3A_627 : vector<16xf32>
      %get3A_629 = arith.index_cast %scan3A_463 : i32 to index
      %get3A_630 = arith.constant 416 : index
      %get3A_631 = tpu.vector_load %arg24[%get3A_629, %get3A_630] {strides = array<i32>} : memref<64x512xf32, #tpu.memory_space<vmem>>, vector<16xf32>,
      %mul3A_632 = arith.mulf %gather3A, %get3A_631 : vector<16xf32>
      %add3A_633 = arith.addf %scan3A_490, %mul3A_632 : vector<16xf32>
      %get3A_634 = arith.index_cast %scan3A_463 : i32 to index
      %get3A_635 = arith.constant 432 : index
      %get3A_636 = tpu.vector_load %arg24[%get3A_634, %get3A_635] {strides = array<i32>} : memref<64x512xf32, #tpu.memory_space<vmem>>, vector<16xf32>,
      %mul3A_637 = arith.mulf %gather3A, %get3A_636 : vector<16xf32>
      %add3A_638 = arith.addf %scan3A_491, %mul3A_637 : vector<16xf32>
      %get3A_639 = arith.index_cast %scan3A_463 : i32 to index
      %get3A_640 = arith.constant 448 : index
      %get3A_641 = tpu.vector_load %arg24[%get3A_639, %get3A_640] {strides = array<i32>} : memref<64x512xf32, #tpu.memory_space<vmem>>, vector<16xf32>,
      %mul3A_642 = arith.mulf %gather3A, %get3A_641 : vector<16xf32>
      %add3A_643 = arith.addf %scan3A_492, %mul3A_642 : vector<16xf32>
      %get3A_644 = arith.index_cast %scan3A_463 : i32 to index
      %get3A_645 = arith.constant 464 : index
      %get3A_646 = tpu.vector_load %arg24[%get3A_644, %get3A_645] {strides = array<i32>} : memref<64x512xf32, #tpu.memory_space<vmem>>, vector<16xf32>,
      %mul3A_647 = arith.mulf %gather3A, %get3A_646 : vector<16xf32>
      %add3A_648 = arith.addf %scan3A_493, %mul3A_647 : vector<16xf32>
      %get3A_649 = arith.index_cast %scan3A_463 : i32 to index
      %get3A_650 = arith.constant 480 : index
      %get3A_651 = tpu.vector_load %arg24[%get3A_649, %get3A_650] {strides = array<i32>} : memref<64x512xf32, #tpu.memory_space<vmem>>, vector<16xf32>,
      %mul3A_652 = arith.mulf %gather3A, %get3A_651 : vector<16xf32>
      %add3A_653 = arith.addf %scan3A_494, %mul3A_652 : vector<16xf32>
      %get3A_654 = arith.index_cast %scan3A_463 : i32 to index
      %get3A_655 = arith.constant 496 : index
      %get3A_656 = tpu.vector_load %arg24[%get3A_654, %get3A_655] {strides = array<i32>} : memref<64x512xf32, #tpu.memory_space<vmem>>, vector<16xf32>,
      %mul3A_657 = arith.mulf %gather3A, %get3A_656 : vector<16xf32>
      %add3A_658 = arith.addf %scan3A_495, %mul3A_657 : vector<16xf32>
      scf.yield %add3A_503, %add3A_508, %add3A_513, %add3A_518, %add3A_523, %add3A_528, %add3A_533, %add3A_538, %add3A_543, %add3A_548, %add3A_553, %add3A_558, %add3A_563, %add3A_568, %add3A_573, %add3A_578, %add3A_583, %add3A_588, %add3A_593, %add3A_598, %add3A_603, %add3A_608, %add3A_613, %add3A_618, %add3A_623, %add3A_628, %add3A_633, %add3A_638, %add3A_643, %add3A_648, %add3A_653, %add3A_658 : vector<16xf32>, vector<16xf32>, vector<16xf32>, vector<16xf32>, vector<16xf32>, vector<16xf32>, vector<16xf32>, vector<16xf32>, vector<16xf32>, vector<16xf32>, vector<16xf32>, vector<16xf32>, vector<16xf32>, vector<16xf32>, vector<16xf32>, vector<16xf32>, vector<16xf32>, vector<16xf32>, vector<16xf32>, vector<16xf32>, vector<16xf32>, vector<16xf32>, vector<16xf32>, vector<16xf32>, vector<16xf32>, vector<16xf32>, vector<16xf32>, vector<16xf32>, vector<16xf32>, vector<16xf32>, vector<16xf32>, vector<16xf32>
    }
    %scan3A_399 = arith.constant 64 : i32
    %swap3A = arith.constant 0 : index
    %swap3A_400 = tpu.vector_load %arg25[%swap3A] {strides = array<i32>} : memref<512xf32, #tpu.memory_space<vmem>>, vector<16xf32>,
    tpu.vector_store %arg25[%swap3A], %scan3A_398#0 {strides = array<i32>} : memref<512xf32, #tpu.memory_space<vmem>>, vector<16xf32>,
    %swap3A_401 = arith.constant 16 : index
    %swap3A_402 = tpu.vector_load %arg25[%swap3A_401] {strides = array<i32>} : memref<512xf32, #tpu.memory_space<vmem>>, vector<16xf32>,
    tpu.vector_store %arg25[%swap3A_401], %scan3A_398#1 {strides = array<i32>} : memref<512xf32, #tpu.memory_space<vmem>>, vector<16xf32>,
    %swap3A_403 = arith.constant 32 : index
    %swap3A_404 = tpu.vector_load %arg25[%swap3A_403] {strides = array<i32>} : memref<512xf32, #tpu.memory_space<vmem>>, vector<16xf32>,
    tpu.vector_store %arg25[%swap3A_403], %scan3A_398#2 {strides = array<i32>} : memref<512xf32, #tpu.memory_space<vmem>>, vector<16xf32>,
    %swap3A_405 = arith.constant 48 : index
    %swap3A_406 = tpu.vector_load %arg25[%swap3A_405] {strides = array<i32>} : memref<512xf32, #tpu.memory_space<vmem>>, vector<16xf32>,
    tpu.vector_store %arg25[%swap3A_405], %scan3A_398#3 {strides = array<i32>} : memref<512xf32, #tpu.memory_space<vmem>>, vector<16xf32>,
    %swap3A_407 = arith.constant 64 : index
    %swap3A_408 = tpu.vector_load %arg25[%swap3A_407] {strides = array<i32>} : memref<512xf32, #tpu.memory_space<vmem>>, vector<16xf32>,
    tpu.vector_store %arg25[%swap3A_407], %scan3A_398#4 {strides = array<i32>} : memref<512xf32, #tpu.memory_space<vmem>>, vector<16xf32>,
    %swap3A_409 = arith.constant 80 : index
    %swap3A_410 = tpu.vector_load %arg25[%swap3A_409] {strides = array<i32>} : memref<512xf32, #tpu.memory_space<vmem>>, vector<16xf32>,
    tpu.vector_store %arg25[%swap3A_409], %scan3A_398#5 {strides = array<i32>} : memref<512xf32, #tpu.memory_space<vmem>>, vector<16xf32>,
    %swap3A_411 = arith.constant 96 : index
    %swap3A_412 = tpu.vector_load %arg25[%swap3A_411] {strides = array<i32>} : memref<512xf32, #tpu.memory_space<vmem>>, vector<16xf32>,
    tpu.vector_store %arg25[%swap3A_411], %scan3A_398#6 {strides = array<i32>} : memref<512xf32, #tpu.memory_space<vmem>>, vector<16xf32>,
    %swap3A_413 = arith.constant 112 : index
    %swap3A_414 = tpu.vector_load %arg25[%swap3A_413] {strides = array<i32>} : memref<512xf32, #tpu.memory_space<vmem>>, vector<16xf32>,
    tpu.vector_store %arg25[%swap3A_413], %scan3A_398#7 {strides = array<i32>} : memref<512xf32, #tpu.memory_space<vmem>>, vector<16xf32>,
    %swap3A_415 = arith.constant 128 : index
    %swap3A_416 = tpu.vector_load %arg25[%swap3A_415] {strides = array<i32>} : memref<512xf32, #tpu.memory_space<vmem>>, vector<16xf32>,
    tpu.vector_store %arg25[%swap3A_415], %scan3A_398#8 {strides = array<i32>} : memref<512xf32, #tpu.memory_space<vmem>>, vector<16xf32>,
    %swap3A_417 = arith.constant 144 : index
    %swap3A_418 = tpu.vector_load %arg25[%swap3A_417] {strides = array<i32>} : memref<512xf32, #tpu.memory_space<vmem>>, vector<16xf32>,
    tpu.vector_store %arg25[%swap3A_417], %scan3A_398#9 {strides = array<i32>} : memref<512xf32, #tpu.memory_space<vmem>>, vector<16xf32>,
    %swap3A_419 = arith.constant 160 : index
    %swap3A_420 = tpu.vector_load %arg25[%swap3A_419] {strides = array<i32>} : memref<512xf32, #tpu.memory_space<vmem>>, vector<16xf32>,
    tpu.vector_store %arg25[%swap3A_419], %scan3A_398#10 {strides = array<i32>} : memref<512xf32, #tpu.memory_space<vmem>>, vector<16xf32>,
    %swap3A_421 = arith.constant 176 : index
    %swap3A_422 = tpu.vector_load %arg25[%swap3A_421] {strides = array<i32>} : memref<512xf32, #tpu.memory_space<vmem>>, vector<16xf32>,
    tpu.vector_store %arg25[%swap3A_421], %scan3A_398#11 {strides = array<i32>} : memref<512xf32, #tpu.memory_space<vmem>>, vector<16xf32>,
    %swap3A_423 = arith.constant 192 : index
    %swap3A_424 = tpu.vector_load %arg25[%swap3A_423] {strides = array<i32>} : memref<512xf32, #tpu.memory_space<vmem>>, vector<16xf32>,
    tpu.vector_store %arg25[%swap3A_423], %scan3A_398#12 {strides = array<i32>} : memref<512xf32, #tpu.memory_space<vmem>>, vector<16xf32>,
    %swap3A_425 = arith.constant 208 : index
    %swap3A_426 = tpu.vector_load %arg25[%swap3A_425] {strides = array<i32>} : memref<512xf32, #tpu.memory_space<vmem>>, vector<16xf32>,
    tpu.vector_store %arg25[%swap3A_425], %scan3A_398#13 {strides = array<i32>} : memref<512xf32, #tpu.memory_space<vmem>>, vector<16xf32>,
    %swap3A_427 = arith.constant 224 : index
    %swap3A_428 = tpu.vector_load %arg25[%swap3A_427] {strides = array<i32>} : memref<512xf32, #tpu.memory_space<vmem>>, vector<16xf32>,
    tpu.vector_store %arg25[%swap3A_427], %scan3A_398#14 {strides = array<i32>} : memref<512xf32, #tpu.memory_space<vmem>>, vector<16xf32>,
    %swap3A_429 = arith.constant 240 : index
    %swap3A_430 = tpu.vector_load %arg25[%swap3A_429] {strides = array<i32>} : memref<512xf32, #tpu.memory_space<vmem>>, vector<16xf32>,
    tpu.vector_store %arg25[%swap3A_429], %scan3A_398#15 {strides = array<i32>} : memref<512xf32, #tpu.memory_space<vmem>>, vector<16xf32>,
    %swap3A_431 = arith.constant 256 : index
    %swap3A_432 = tpu.vector_load %arg25[%swap3A_431] {strides = array<i32>} : memref<512xf32, #tpu.memory_space<vmem>>, vector<16xf32>,
    tpu.vector_store %arg25[%swap3A_431], %scan3A_398#16 {strides = array<i32>} : memref<512xf32, #tpu.memory_space<vmem>>, vector<16xf32>,
    %swap3A_433 = arith.constant 272 : index
    %swap3A_434 = tpu.vector_load %arg25[%swap3A_433] {strides = array<i32>} : memref<512xf32, #tpu.memory_space<vmem>>, vector<16xf32>,
    tpu.vector_store %arg25[%swap3A_433], %scan3A_398#17 {strides = array<i32>} : memref<512xf32, #tpu.memory_space<vmem>>, vector<16xf32>,
    %swap3A_435 = arith.constant 288 : index
    %swap3A_436 = tpu.vector_load %arg25[%swap3A_435] {strides = array<i32>} : memref<512xf32, #tpu.memory_space<vmem>>, vector<16xf32>,
    tpu.vector_store %arg25[%swap3A_435], %scan3A_398#18 {strides = array<i32>} : memref<512xf32, #tpu.memory_space<vmem>>, vector<16xf32>,
    %swap3A_437 = arith.constant 304 : index
    %swap3A_438 = tpu.vector_load %arg25[%swap3A_437] {strides = array<i32>} : memref<512xf32, #tpu.memory_space<vmem>>, vector<16xf32>,
    tpu.vector_store %arg25[%swap3A_437], %scan3A_398#19 {strides = array<i32>} : memref<512xf32, #tpu.memory_space<vmem>>, vector<16xf32>,
    %swap3A_439 = arith.constant 320 : index
    %swap3A_440 = tpu.vector_load %arg25[%swap3A_439] {strides = array<i32>} : memref<512xf32, #tpu.memory_space<vmem>>, vector<16xf32>,
    tpu.vector_store %arg25[%swap3A_439], %scan3A_398#20 {strides = array<i32>} : memref<512xf32, #tpu.memory_space<vmem>>, vector<16xf32>,
    %swap3A_441 = arith.constant 336 : index
    %swap3A_442 = tpu.vector_load %arg25[%swap3A_441] {strides = array<i32>} : memref<512xf32, #tpu.memory_space<vmem>>, vector<16xf32>,
    tpu.vector_store %arg25[%swap3A_441], %scan3A_398#21 {strides = array<i32>} : memref<512xf32, #tpu.memory_space<vmem>>, vector<16xf32>,
    %swap3A_443 = arith.constant 352 : index
    %swap3A_444 = tpu.vector_load %arg25[%swap3A_443] {strides = array<i32>} : memref<512xf32, #tpu.memory_space<vmem>>, vector<16xf32>,
    tpu.vector_store %arg25[%swap3A_443], %scan3A_398#22 {strides = array<i32>} : memref<512xf32, #tpu.memory_space<vmem>>, vector<16xf32>,
    %swap3A_445 = arith.constant 368 : index
    %swap3A_446 = tpu.vector_load %arg25[%swap3A_445] {strides = array<i32>} : memref<512xf32, #tpu.memory_space<vmem>>, vector<16xf32>,
    tpu.vector_store %arg25[%swap3A_445], %scan3A_398#23 {strides = array<i32>} : memref<512xf32, #tpu.memory_space<vmem>>, vector<16xf32>,
    %swap3A_447 = arith.constant 384 : index
    %swap3A_448 = tpu.vector_load %arg25[%swap3A_447] {strides = array<i32>} : memref<512xf32, #tpu.memory_space<vmem>>, vector<16xf32>,
    tpu.vector_store %arg25[%swap3A_447], %scan3A_398#24 {strides = array<i32>} : memref<512xf32, #tpu.memory_space<vmem>>, vector<16xf32>,
    %swap3A_449 = arith.constant 400 : index
    %swap3A_450 = tpu.vector_load %arg25[%swap3A_449] {strides = array<i32>} : memref<512xf32, #tpu.memory_space<vmem>>, vector<16xf32>,
    tpu.vector_store %arg25[%swap3A_449], %scan3A_398#25 {strides = array<i32>} : memref<512xf32, #tpu.memory_space<vmem>>, vector<16xf32>,
    %swap3A_451 = arith.constant 416 : index
    %swap3A_452 = tpu.vector_load %arg25[%swap3A_451] {strides = array<i32>} : memref<512xf32, #tpu.memory_space<vmem>>, vector<16xf32>,
    tpu.vector_store %arg25[%swap3A_451], %scan3A_398#26 {strides = array<i32>} : memref<512xf32, #tpu.memory_space<vmem>>, vector<16xf32>,
    %swap3A_453 = arith.constant 432 : index
    %swap3A_454 = tpu.vector_load %arg25[%swap3A_453] {strides = array<i32>} : memref<512xf32, #tpu.memory_space<vmem>>, vector<16xf32>,
    tpu.vector_store %arg25[%swap3A_453], %scan3A_398#27 {strides = array<i32>} : memref<512xf32, #tpu.memory_space<vmem>>, vector<16xf32>,
    %swap3A_455 = arith.constant 448 : index
    %swap3A_456 = tpu.vector_load %arg25[%swap3A_455] {strides = array<i32>} : memref<512xf32, #tpu.memory_space<vmem>>, vector<16xf32>,
    tpu.vector_store %arg25[%swap3A_455], %scan3A_398#28 {strides = array<i32>} : memref<512xf32, #tpu.memory_space<vmem>>, vector<16xf32>,
    %swap3A_457 = arith.constant 464 : index
    %swap3A_458 = tpu.vector_load %arg25[%swap3A_457] {strides = array<i32>} : memref<512xf32, #tpu.memory_space<vmem>>, vector<16xf32>,
    tpu.vector_store %arg25[%swap3A_457], %scan3A_398#29 {strides = array<i32>} : memref<512xf32, #tpu.memory_space<vmem>>, vector<16xf32>,
    %swap3A_459 = arith.constant 480 : index
    %swap3A_460 = tpu.vector_load %arg25[%swap3A_459] {strides = array<i32>} : memref<512xf32, #tpu.memory_space<vmem>>, vector<16xf32>,
    tpu.vector_store %arg25[%swap3A_459], %scan3A_398#30 {strides = array<i32>} : memref<512xf32, #tpu.memory_space<vmem>>, vector<16xf32>,
    %swap3A_461 = arith.constant 496 : index
    %swap3A_462 = tpu.vector_load %arg25[%swap3A_461] {strides = array<i32>} : memref<512xf32, #tpu.memory_space<vmem>>, vector<16xf32>,
    tpu.vector_store %arg25[%swap3A_461], %scan3A_398#31 {strides = array<i32>} : memref<512xf32, #tpu.memory_space<vmem>>, vector<16xf32>,
    %run_scoped3A = arith.constant 0 : i32
    "tpu.region"() ({
      %run_scoped3A_463 = tpu.sem_alloc : memref<!tpu.dma_semaphore, #tpu.memory_space<semaphore_mem>>
      %dma_start3A_464 = arith.constant 0 : i32
      %dma_start3A_465 = tpu.memref_slice %arg7[%add3A, %run_scoped3A, %dma_start3A_464] : memref<32x1x512xf32, #tpu.memory_space<hbm>> -> memref<1x1x512xf32, #tpu.memory_space<hbm>>
      %dma_start3A_466 = tpu.memref_squeeze %dma_start3A_465 : memref<1x1x512xf32, #tpu.memory_space<hbm>> -> memref<512xf32, #tpu.memory_space<hbm>>
      %dma_start3A_467 = arith.constant 0 : i32
      %dma_start3A_468 = tpu.memref_slice %arg7[%add3A, %run_scoped3A, %dma_start3A_467] : memref<32x1x512xf32, #tpu.memory_space<hbm>> -> memref<1x1x512xf32, #tpu.memory_space<hbm>>
      %dma_start3A_469 = tpu.memref_squeeze %dma_start3A_468 : memref<1x1x512xf32, #tpu.memory_space<hbm>> -> memref<512xf32, #tpu.memory_space<hbm>>
      tpu.enqueue_dma source(%arg25 : memref<512xf32, #tpu.memory_space<vmem>>) target(%dma_start3A_469 : memref<512xf32, #tpu.memory_space<hbm>>) target_semaphore(%run_scoped3A_463 : memref<!tpu.dma_semaphore, #tpu.memory_space<semaphore_mem>>)
      %dma_wait3A_470 = arith.constant 0 : i32
      %dma_wait3A_471 = tpu.memref_slice %arg7[%add3A, %run_scoped3A, %dma_wait3A_470] : memref<32x1x512xf32, #tpu.memory_space<hbm>> -> memref<1x1x512xf32, #tpu.memory_space<hbm>>
      %dma_wait3A_472 = tpu.memref_squeeze %dma_wait3A_471 : memref<1x1x512xf32, #tpu.memory_space<hbm>> -> memref<512xf32, #tpu.memory_space<hbm>>
      %dma_wait3A_473 = arith.constant 0 : i32
      %dma_wait3A_474 = tpu.memref_slice %arg7[%add3A, %run_scoped3A, %dma_wait3A_473] : memref<32x1x512xf32, #tpu.memory_space<hbm>> -> memref<1x1x512xf32, #tpu.memory_space<hbm>>
      %dma_wait3A_475 = tpu.memref_squeeze %dma_wait3A_474 : memref<1x1x512xf32, #tpu.memory_space<hbm>> -> memref<512xf32, #tpu.memory_space<hbm>>
      tpu.wait_dma2 semaphore(%run_scoped3A_463 : memref<!tpu.dma_semaphore, #tpu.memory_space<semaphore_mem>>) src(%arg25 : memref<512xf32, #tpu.memory_space<vmem>>) dst(%dma_wait3A_475 : memref<512xf32, #tpu.memory_space<hbm>>)
      tpu.yield
    }) : () -> ()
    return
  }
}

</mosaic_0001>

<sc_bundles>
// kernel: kernel.3.cloned.1.call-start
scs
__scs_entry_jumppad:
0x0: {  	(pc) =	sbr.rel $0x88, $3  }
0x1: {  	(tag) =	ssettag $0x0;
	lr =	simm.s32 $0x1  }
0x2: {  	[smem:$0x3F9D] =	sst lr;
	_ =	strace $0xD0000000  }
0x3: {  	_ = 	snop  }
0x4: {  	_ = 	snop  }
0x5: {  	_ = 	snop  }
0x6: {  	_ = 	snop  }
0x7: {  	_ = 	snop  }
__scs_overlays_trampoline_lowered:
0x8: {  	[smem:$0x3FAC] =	sst s0  }
0x9: {  	[smem:$0x3FAD] =	sst s1  }
0xa: {  	[smem:$0x3FAE] =	sst s2  }
0xb: {  	[smem:$0x3FAF] =	sst s3  }
0xc: {  	[smem:$0x3FB0] =	sst s4  }
0xd: {  	[smem:$0x3FB1] =	sst s5  }
0xe: {  	[smem:$0x3FB2] =	sst s6  }
0xf: {  	[smem:$0x3FB3] =	sst s7  }
0x10: {  	[smem:$0x3FB4] =	sst s8  }
0x11: {  	[smem:$0x3FB5] =	sst s9;
	s0 =	simm.s32 @!p0 $0x0  }
0x12: {  	s1 =	sld [smem:$0x3F9B];
	s0 =	simm.s32 @p0 $0x1  }
0x13: {  	[smem:$0x3FB6] =	sst s0;
	s0 =	simm.s32 @!p1 $0x0  }
0x14: {  	s2 =	sld [smem:$0x3F9A];
	s0 =	simm.s32 @p1 $0x1  }
0x15: {  	[smem:$0x3FB7] =	sst s0;
	s0 =	simm.s32 @!p2 $0x0  }
0x16: {  	s3 =	sld [smem:$0x3FDB];
	s0 =	simm.s32 @p2 $0x1  }
0x17: {  	s4 =	simm.s32 $0x1BF5;
	[smem:$0x3FB9] =	sst s0  }
0x18: {  	s0 =	sld [smem:$0x3F9C];
	_ =	swait.ge [sflag:s4], $0x0  }
0x19: {  	s7 =	sld [smem:$0x3F9D]  }
0x1a: {  	s8 =	sadd.s32 $0xFFFFE003, lr  }
0x1b: {  	s9 =	sadd.s32 $0xFFFFFEF7, lr;
	s5 =	simm.s32 $0xFFFFFFFF;
	p2 =	slt.u32 s8, $0xFFFFF086  }
0x1c: {  	p1 =	slt.u32 s9, $0xF7A;
	s5 =	simm.s32 @!p2 $0x0  }
0x1d: {  	s5 =	simm.s32 @p1 $0x1;
	p0 =	seq.s32 s7, s2  }
0x1e: {  	s7 =	smul.u32 @!p0 $0xF7A, s2;
	p2 =	seq.s32 @!p0 s5, $0x0  }
0x1f: {  	s9 =	smul.u32 $0xF7A, s1;
	s8 =	simm.s32 @!p0 $0x1BF5;
	p2 =	por !p2, p0  }
0x20: {  	[sflag:s8] =	ssyncset.s32 @!p0 $0xFFFFF086;
	s6 =	sadd.s32 @!p0 s3, s7;
	s7 =	simm.s32 @!p0 $0x108  }
0x21: {  	s3 =	sadd.s32 s3, s9;
	s6 =	sadd.s32 @!p0 $0x88, s6;
	s7 =	simm.s32 @p2 $0x1082  }
0x22: {  	[simem:s7], [sflag:s8] =	dma.local @!p0 [hbm:s6], $0xF7A  }
0x23: {  	s9 =	sor.u32 $0xD0000000, s2;
	s6 =	simm.s32 $0x108;
	_ =	swait.ge @!p0 [sflag:s8], $0x0  }
0x24: {  	s3 =	sadd.s32 $0x88, s3;
	s6 =	simm.s32 @!p1 $0x1082;
	[sflag:s4] =	ssyncset.s32 $0xFFFFF086  }
0x25: {  	[simem:s6], [sflag:s4] =	dma.local [hbm:s3], $0xF7A  }
0x26: {  	[smem:$0x3F9D] =	sst s1;
	(tag) =	ssettag s2;
	_ =	strace s9  }
0x27: {  	s1 =	sld [smem:$0x3FAD]  }
0x28: {  	s2 =	sld [smem:$0x3FAE]  }
0x29: {  	s4 =	sld [smem:$0x3FB0]  }
0x2a: {  	p0 =	seq.s32 s5, $0x0;
	s5 =	sld [smem:$0x3FB1]  }
0x2b: {  	s6 =	sld [smem:$0x3FB2]  }
0x2c: {  	s7 =	sld [smem:$0x3FB3]  }
0x2d: {  	s3 =	simm.s32 $0x108;
	s8 =	sld [smem:$0x3FB4]  }
0x2e: {  	s3 =	simm.s32 @!p0 $0x1082;
	s9 =	sld [smem:$0x3FB5]  }
0x2f: {  	lr =	sadd.s32 s0, s3;
	s0 =	sld [smem:$0x3FAC]  }
0x30: {  	s3 =	sld [smem:$0x3FAF]  }
0x31: {  	[smem:$0x3FB8] =	sst s10  }
0x32: {  	s10 =	sld [smem:$0x3FB6];
	_ =	sdelay $0x3  }
0x33: {  	p0 =	seq.s32 s10, $0x1;
	s10 =	sld [smem:$0x3FB8];
	_ =	sdelay $0x3  }
0x34: {  	[smem:$0x3FB8] =	sst s10  }
0x35: {  	s10 =	sld [smem:$0x3FB7];
	_ =	sdelay $0x3  }
0x36: {  	p1 =	seq.s32 s10, $0x1;
	s10 =	sld [smem:$0x3FB8];
	_ =	sdelay $0x3  }
0x37: {  	[smem:$0x3FB8] =	sst s10  }
0x38: {  	s10 =	sld [smem:$0x3FB9]  }
0x39: {  	_ = 	snop;
	(pc) =	sbr.ind lr, $3  }
0x3a: {  	_ = 	snop  }
0x3b: {  	_ = 	snop  }
0x3c: {  	p2 =	seq.s32 s10, $0x1;
	s10 =	sld [smem:$0x3FB8]  }
0x3d: {  	_ =	shalt  }
0x3e: {  	_ =	shalt  }
0x3f: {  	_ =	shalt  }
0x40: {  	_ =	shalt  }
0x41: {  	_ =	shalt  }
0x42: {  	_ =	shalt  }
0x43: {  	_ =	shalt  }
0x44: {  	_ =	shalt  }
0x45: {  	_ =	shalt  }
0x46: {  	_ =	shalt  }
0x47: {  	_ =	shalt  }
0x48: {  	_ =	shalt  }
0x49: {  	_ =	shalt  }
0x4a: {  	_ =	shalt  }
0x4b: {  	_ =	shalt  }
0x4c: {  	_ =	shalt  }
0x4d: {  	_ =	shalt  }
0x4e: {  	_ =	shalt  }
0x4f: {  	_ =	shalt  }
0x50: {  	_ =	shalt  }
0x51: {  	_ =	shalt  }
0x52: {  	_ =	shalt  }
0x53: {  	_ =	shalt  }
0x54: {  	_ =	shalt  }
0x55: {  	_ =	shalt  }
0x56: {  	_ =	shalt  }
0x57: {  	_ =	shalt  }
0x58: {  	_ =	shalt  }
0x59: {  	_ =	shalt  }
0x5a: {  	_ =	shalt  }
0x5b: {  	_ =	shalt  }
0x5c: {  	_ =	shalt  }
0x5d: {  	_ =	shalt  }
0x5e: {  	_ =	shalt  }
0x5f: {  	_ =	shalt  }
0x60: {  	_ =	shalt  }
0x61: {  	_ =	shalt  }
0x62: {  	_ =	shalt  }
0x63: {  	_ =	shalt  }
0x64: {  	_ =	shalt  }
0x65: {  	_ =	shalt  }
0x66: {  	_ =	shalt  }
0x67: {  	_ =	shalt  }
0x68: {  	_ =	shalt  }
0x69: {  	_ =	shalt  }
0x6a: {  	_ =	shalt  }
0x6b: {  	_ =	shalt  }
0x6c: {  	_ =	shalt  }
0x6d: {  	_ =	shalt  }
0x6e: {  	_ =	shalt  }
0x6f: {  	_ =	shalt  }
0x70: {  	_ =	shalt  }
0x71: {  	_ =	shalt  }
0x72: {  	_ =	shalt  }
0x73: {  	_ =	shalt  }
0x74: {  	_ =	shalt  }
0x75: {  	_ =	shalt  }
0x76: {  	_ =	shalt  }
0x77: {  	_ =	shalt  }
0x78: {  	_ =	shalt  }
0x79: {  	_ =	shalt  }
0x7a: {  	_ =	shalt  }
0x7b: {  	_ =	shalt  }
0x7c: {  	_ =	shalt  }
0x7d: {  	_ =	shalt  }
0x7e: {  	_ =	shalt  }
0x7f: {  	_ =	shalt  }
0x80: {  	_ =	shalt  }
0x81: {  	_ =	shalt  }
0x82: {  	_ =	shalt  }
0x83: {  	_ =	shalt  }
0x84: {  	_ =	shalt  }
0x85: {  	_ =	shalt  }
0x86: {  	_ =	shalt  }
0x87: {  	_ =	shalt  }
.Lfunc_end0:
.L_simem_size_0:
called_computation_lowered:
.L_overlay_start_0:
0x88: {  	s2 =	sld [smem:$0x3FD9]  }
0x89: {  	s3 =	sld [smem:$0x3FFE];
	_ =	sdelay $0x1  }
0x8a: {  	s1 =	srdreg.scid  }
0x8b: {  	s0 =	sand.u32 $0x1, s1  }
0x8c: {  	s15 =	sshll.u32 s0, $0xA;
	s2 =	sadd.s32 s3, s2  }
0x8d: {  	s2 =	sadd.s32 s2, s15  }
0x8e: {  	[smem:$0x3FC4] =	sst s2  }
0x8f: {  	_ = 	snop  }
0x90: {  	s2 =	sld [smem:$0x3FC9]  }
0x91: {  	s16 =	sld [smem:$0x3FD0]  }
0x92: {  	s4 =	sld [smem:$0x3FC8]  }
0x93: {  	s5 =	sld [smem:$0x3FC7]  }
0x94: {  	s7 =	simm.s32 $0xA;
	s8 =	simm.s32 $0x10;
	s6 =	sld [smem:$0x3FC6]  }
0x95: {  	[smem:s8], [sflag:s7] =	dma.local [hbm:s16], $0x1  }
0x96: {  	_ =	swait.eq [sflag:s7], $0x1  }
0x97: {  	s17 =	sld [smem:$0x10]  }
0x98: {  	s18 =	sld [smem:$0x11]  }
0x99: {  	s9 =	sld [smem:$0x12];
	[sflag:s7] =	ssyncset.done $0x0  }
0x9a: {  	s10 =	sld [smem:$0x13];
	[sflag:s7] =	ssyncadd.s32 $0xFFFFFFFF  }
0x9b: {  	s19 =	sld [smem:$0x14];
	(tm) =	ssettm $0x1  }
0x9c: {  	s11 =	sld [smem:$0x3FFB];
	_ =	sdelay $0x3  }
0x9d: {  	_ =	strace s11  }
0x9e: {  	s11 =	sld [smem:$0x3FFC];
	_ =	sdelay $0x3  }
0x9f: {  	_ =	strace s11  }
0xa0: {  	s11 =	sld [smem:$0x3FFD];
	_ =	sdelay $0x3  }
0xa1: {  	_ =	strace s11  }
0xa2: {  	_ =	strace $0x8FFFFFFF  }
0xa3: {  	s20 =	sld [smem:$0x3FDB];
	_ =	sdelay $0x1  }
0xa4: {  	s12 =	simm.s32 $_scs_section_size  }
0xa5: {  	s13 =	simm.s32 $_size__tile_overlayer_lowered;
	s14 =	simm.s32 $_tile_overlayer_lowered  }
0xa6: {  	s23 =	simm.s32 $0x1BFF;
	s22 =	sshll.u32 s14, $0x1;
	s11 =	sadd.s32 s12, s20  }
0xa7: {  	s21 =	sshll.u32 s13, $0x1;
	s15 =	simm.s32 $0x0;
	s13 =	sadd.s32 s22, s11  }
0xa8: {  	[timem:s15], [sflag:s23] =	dma.local [hbm:s13], s21  }
0xa9: {  	_ =	swait.ge [sflag:s23], s21  }
0xaa: {  	s12 =	ssub.s32 $0x0, s21;
	[sflag:s23] =	ssyncset.done $0x0  }
0xab: {  	[sflag:s23] =	ssyncadd.s32 s12;
	_ =	sdelay $0x1  }
0xac: {  	s24 =	simm.s32 $0x1B8B  }
0xad: {  	_ =	swait.ge [sflag:s24], $0x1  }
0xae: {  	[sflag:s24] =	ssyncset.done $0x0  }
0xaf: {  	s25 =	simm.s32 $0x1B8E;
	[sflag:s24] =	ssyncadd.s32 $0xFFFFFFFF  }
0xb0: {  	s26 =	simm.s32 $execute0_lowered;
	[smem:$0x3FD2] =	sst s25  }
0xb1: {  	s12 =	sshll.u32 s26, $0x1;
	_ =	strace $0x80000046;
	[dreg:$0x1] =	wrdreg $0xFFFFFFFF  }
0xb2: {  	s28 =	simm.s32 $_size_execute0_lowered;
	s11 =	sadd.s32 s11, s12;
	[dreg:$0x0] =	wrdreg $0x0  }
0xb3: {  	s12 =	sshll.u32 s28, $0x1;
	[dreg:$0x2] =	wrdreg s11  }
0xb4: {  	[dreg:$0x3] =	wrdreg s12  }
0xb5: {  	[dreg:$0x4] =	wrdreg $0xC0  }
0xb6: {  	_ =	task [dreg:s15], $0x5FFFF  }
0xb7: {  	[dreg:$0x1] =	wrdreg $0xFFFFFFFF  }
0xb8: {  	[dreg:$0x0] =	wrdreg $0x60  }
0xb9: {  	[dreg:$0x2] =	wrdreg s2  }
0xba: {  	[dreg:$0x3] =	wrdreg s4  }
0xbb: {  	[dreg:$0x4] =	wrdreg s5  }
0xbc: {  	[dreg:$0x5] =	wrdreg s6  }
0xbd: {  	[dreg:$0x6] =	wrdreg s17  }
0xbe: {  	[dreg:$0x7] =	wrdreg s18  }
0xbf: {  	[dreg:$0x8] =	wrdreg s9  }
0xc0: {  	[dreg:$0x9] =	wrdreg s10  }
0xc1: {  	[dreg:$0xa] =	wrdreg s19  }
0xc2: {  	[dreg:$0xb] =	wrdreg $0x9  }
0xc3: {  	_ =	task.clear_ibuf [dreg:s15], $0xCFFFF;
	_ =	strace $0x90000046  }
0xc4: {  	s29 =	simm.s32 $0x9;
	_ =	strace $0x80000048  }
0xc5: {  	_ =	swait.ge [sflag:s29], $0x1  }
0xc6: {  	[sflag:s29] =	ssyncadd.s32 $0xFFFFFFFF  }
0xc7: {  	_ =	strace $0x90000048  }
0xc8: {  	_ =	sfence  }
0xc9: {  	s30 =	sld [smem:$0x0];
	_ =	sdelay $0x2  }
0xca: {  	s31 =	sshll.u32 s1, $0xD;
	s1 =	sshrl.u32 s1, $0x2  }
0xcb: {  	s3 =	sand.u32 $0x4000, s31;
	s1 =	sadd.s32 s1, s30  }
0xcc: {  	s0 =	sor.u32 s3, s0;
	s1 =	sshll.u32 s1, $0x11  }
0xcd: {  	s0 =	sor.u32 s1, s0  }
0xce: {  	s0 =	sadd.s32 $0x8F2B, s0  }
0xcf: {  	[sflag:s0] =	ssyncadd.remote.s32 $0x1  }
0xd0: {  	_ =	sfence.sel $0xFFFF  }
0xd1: {  	[dreg:$0x0] =	wrdreg $0xFFFFFFFF;
	(pc) =	sbr.abs _section_cstart, $3  }
0xd2: {  	[dreg:$0x1] =	wrdreg $0xFFFFFFFF  }
0xd3: {  	_ =	task.clear_ibuf [dreg:s15], $0x2FFFF;
	_ =	strace $0x9FFFFFFF  }
0xd4: {  	(tm) =	ssettm $0x7FFFFFFF  }
0xd5: {  	_ =	shalt  }
tec
execute0_lowered:
.L_overlay_start_1:
0x0: {  	(tag) =	ssettag $0x1  }
0x1: {  	s0 =	rddreg [dreg:$0x0]  }
0x2: {  	s1 =	rddreg [dreg:$0x1]  }
0x3: {  	s2 =	rddreg [dreg:$0x2]  }
0x4: {  	s4 =	rddreg [dreg:$0x3]  }
0x5: {  	s5 =	rddreg [dreg:$0x4]  }
0x6: {  	s6 =	rddreg [dreg:$0x5]  }
0x7: {  	s7 =	rddreg [dreg:$0x6]  }
0x8: {  	s8 =	rddreg [dreg:$0x7];
	s3 =	srdreg.scid  }
0x9: {  	s17 =	stileid.u32;
	s9 =	rddreg [dreg:$0x8];
	s28 =	simm.s32 $0xC800  }
0xa: {  	s18 =	simm.s32 $0x11000;
	s10 =	sand.u32 $0x1, s3;
	s11 =	sshll.u32 s17, $0x1  }
0xb: {  	s3 =	simm.s32 $0x0;
	s12 =	sshrl.u32 s17, $0x2;
	s21 =	sshll.u32 s17, $0x15  }
0xc: {  	s17 =	simm.s32 $0x5;
	s11 =	sor.u32 s10, s11;
	[smem:$0x7FF] =	sst s3  }
0xd: {  	s14 =	sshll.u32 s12, $0xF;
	s15 =	ssub.s32 $0x2, s10;
	s12 =	sshll.u32 s12, $0xE  }
0xe: {  	s22 =	sshll.u32 s10, $0x14;
	s10 =	sadd.s32 $0x100, s0;
	s13 =	sshll.u32 s11, $0x7  }
0xf: {  	_ =	strace $0x80000047;
	s16 =	sshrl.u32 s15, $0x1;
	s20 =	sshll.u32 s11, $0x11  }
0x10: {  	s26 =	sshll.u32 s11, $0x6;
	s13 =	sand.u32 $0x380, s13;
	s19 =	ssub.s32 s15, s16  }
0x11: {  	s30 =	sadd.s32 s6, s26;
	s15 =	simm.s32 $0x80;
	s14 =	sor.u32 s14, s13  }
0x12: {  	s16 =	simm.s32 $0x400;
	s6 =	simm.s32 $0x2000;
	s14 =	sshrl.u32 s14, $0x3  }
0x13: {  	s26 =	simm.s32 $0x7000;
	[dreg:$0x14] =	wrdreg s30;
	s1 =	sadd.s32 s1, s14  }
0x14: {  	s12 =	sor.u32 s12, s13;
	s2 =	sadd.s32 s2, s14;
	[dreg:$0xc] =	wrdreg s1  }
0x15: {  	s31 =	sshrl.u32 s12, $0x3;
	s4 =	sadd.s32 s4, s14;
	[dreg:$0xd] =	wrdreg s2  }
0x16: {  	v0 =	vimm.f32 $3.000000000e+00;
	s9 =	sadd.s32 s9, s31;
	s12 =	sadd.s32 s7, s14;
	[dreg:$0xe] =	wrdreg s4  }
0x17: {  	(erf) = vrcp.f32 v0;
	s14 =	sshll.u32 s11, $0xC;
	s7 =	simm.s32 $0x3000;
	[dreg:$0xf] =	wrdreg s9  }
0x18: {  	s11 =	simm.s32 $0x10800;
	s1 =	sadd.s32 s8, s31;
	[dreg:$0x11] =	wrdreg s12  }
0x19: {  	s4 =	sor.u32 s22, s21;
	s31 =	smax.u32 s19, $0x1;
	s21 =	simm.s32 $0x1000  }
0x1a: {  	s22 =	simm.s32 $0x4000;
	s19 =	simm.s32 $0x11800;
	s8 =	simm.s32 $0x6800  }
0x1b: {  	s2 =	simm.s32 $0x0;
	[dreg:$0x10] =	wrdreg s1;
	s1 =	sadd.s32 s20, s5  }
0x1c: {  	s24 =	sshrl.u32 s4, $0x3;
	[dreg:$0x15] =	wrdreg s31;
	s23 =	sadd.s32 $0x1E000, s1  }
0x1d: {  	v1 =	vlaneseq.u32;
	s4 =	sor.u32 $0x8000, s4;
	s1 =	sadd.s32 $0x1F000, s1;
	[dreg:$0x12] =	wrdreg s23  }
0x1e: {  	v16 =	vor.u32 $0xFF0, v1;
	s20 =	simm.s32 $0x12000;
	s25 =	sadd.s32 s24, s5;
	[dreg:$0x13] =	wrdreg s1  }
0x1f: {  	[tilespmem:$0x1FFF0] =	vst v16;
	v0 =	vmov s14;
	s4 =	sshrl.u32 s4, $0x3;
	s24 =	simm.s32 $0xB800;
	[dreg:$0xa] =	wrdreg s25  }
0x20: {  	v2 =	vimm.s32 $0x0;
	[tilespmem:$0x1FFD0] =	vst v0;
	s29 =	sadd.s32 s4, s5;
	s4 =	simm.s32 $0xB000;
	s25 =	simm.s32 $0xC000;
	v3 =	vpop (erf)  }
0x21: {  	v17 =	vimm.f32 $0.0e+00;
	v18 =	vimm.f32 $1.000000000e+00;
	vm0 =	vmmov $0xffff;
	s5 =	simm.s32 $0x10000;
	s23 =	simm.s32 $0x12800;
	[dreg:$0xb] =	wrdreg s29;
	[tilespmem:$0x1FFE0] =	vst v3  }
.LBB2_1:
0x22: {  	[dreg:$0x16] =	wrdreg s2  }
0x23: {  	s1 =	rddreg [dreg:$0xc];
	s13 =	simm.s32 $0x8000  }
0x24: {  	[tilespmem:s13], [sflag:$0x5] =	stream.strided.gather [hbm4b:s1+s15], $0x1000, s16, s15, $0x38;
	[tilespmem:$0x1B200] =	vst v63  }
0x25: {  	_ =	swait.ge [sflag:s17], $0x1000  }
0x26: {  	[sflag:s17] =	ssyncset.done $0x0  }
0x27: {  	s29 =	simm.s32 $0x9000;
	s14 =	rddreg [dreg:$0xd];
	[sflag:s17] =	ssyncadd.s32 $0xFFFFF000  }
0x28: {  	[tilespmem:s29], [sflag:$0x5] =	stream.strided.gather [hbm4b:s14+s15], $0x1000, s16, s15, $0x38;
	[tilespmem:$0x1B200] =	vst v63  }
0x29: {  	_ =	swait.ge [sflag:s17], $0x1000  }
0x2a: {  	[sflag:s17] =	ssyncset.done $0x0  }
0x2b: {  	s31 =	simm.s32 $0xA000;
	s30 =	rddreg [dreg:$0xe];
	[sflag:s17] =	ssyncadd.s32 $0xFFFFF000  }
0x2c: {  	[tilespmem:s31], [sflag:$0x5] =	stream.strided.gather [hbm4b:s30+s15], $0x1000, s16, s15, $0x38;
	[tilespmem:$0x1B200] =	vst v63  }
0x2d: {  	_ =	swait.ge [sflag:s17], $0x1000  }
0x2e: {  	[sflag:s17] =	ssyncset.done $0x0  }
0x2f: {  	s9 =	simm.s32 $0x0;
	[sflag:s17] =	ssyncadd.s32 $0xFFFFF000  }
0x30: {  	v4 =	vld [tilespmem:s9+$0xA000]  }
0x31: {  	v6 =	vimm.f32 $+Inf;
	v5 =	vimm.f32 $-Inf;
	v8 =	vimm.f32 $+Inf;
	v9 =	vld [tilespmem:s9+$0x8000]  }
0x32: {  	s2 =	simm.s32 $0x40;
	v12 =	vimm.f32 $-Inf;
	v11 =	vimm.f32 $+Inf;
	v10 =	vimm.f32 $-Inf;
	v7 =	vld [tilespmem:s9+$0x9000]  }
.LBB2_2:
0x33: {  	p0 =	sne.s32 s2, $0x3FC0  }
.Ltmp0:
0x34: {  	_ = 	snop;
	(pc) =	sbr.rel @p0 .LBB2_2-.Ltmp0, $4  }
0x35: {  	s9 =	sshra.s32 s2, $0x2  }
0x36: {  	v6 =	vmin.f32 v6, v4;
	v5 =	vmax.f32 v5, v4;
	v4 =	vld [tilespmem:s9+$0xA000]  }
0x37: {  	v8 =	vmin.f32 v8, v9;
	v12 =	vmax.f32 v12, v9;
	v9 =	vld [tilespmem:s9+$0x8000]  }
0x38: {  	s2 =	sadd.s32 $0x40, s2;
	v11 =	vmin.f32 v11, v7;
	v10 =	vmax.f32 v10, v7;
	v7 =	vld [tilespmem:s9+$0x9000]  }
0x39: {  	_ =	sdelay $0x2  }
0x3a: {  	v8 =	vmin.f32 v8, v9  }
0x3b: {  	v9 =	vmax.f32 v12, v9;
	(xrf0) =	vmin.scan.msk.f32 $0xffff, v8  }
0x3c: {  	v8 =	vmin.f32 v11, v7;
	(xrf0) =	vmax.scan.msk.f32 $0xffff, v9  }
0x3d: {  	v7 =	vmax.f32 v10, v7;
	(xrf0) =	vmin.scan.msk.f32 $0xffff, v8  }
0x3e: {  	v6 =	vmin.f32 v6, v4;
	(xrf0) =	vmax.scan.msk.f32 $0xffff, v7  }
0x3f: {  	v4 =	vmax.f32 v5, v4;
	(xrf0) =	vmin.scan.msk.f32 $0xffff, v6  }
0x40: {  	(xrf0) =	vmax.scan.msk.f32 $0xffff, v4  }
0x41: {  	v6, _, _ =	vpop (xrf0)  }
0x42: {  	v4, _, _ =	vpop (xrf0);
	(v2sf) =	vpush v6, $0xF  }
0x43: {  	v7, _, _ =	vpop (xrf0);
	(v2sf) =	vpush v4, $0xF  }
0x44: {  	v4, _, _ =	vpop (xrf0);
	(v2sf) =	vpush v7, $0xF  }
0x45: {  	v9, _, _ =	vpop (xrf0);
	(v2sf) =	vpush v4, $0xF  }
0x46: {  	(v2sf) =	vpush v9, $0xF;
	v4, _, _ =	vpop (xrf0)  }
0x47: {  	(v2sf) =	vpush v4, $0xF;
	_ =	sdelay $0x9  }
0x48: {  	s2 =	spop (v2sf)  }
0x49: {  	s9 =	spop (v2sf)  }
0x4a: {  	s12 =	spop (v2sf);
	s2 =	ssub.f32 s9, s2  }
0x4b: {  	s30 =	spop (v2sf)  }
0x4c: {  	s13 =	spop (v2sf);
	s2 =	sadd.f32 $9.999999930e-09, s2  }
0x4d: {  	s9 =	ssub.f32 s30, s12;
	s14 =	spop (v2sf)  }
0x4e: {  	s31 =	ssub.f32 s14, s13  }
0x4f: {  	s9 =	sadd.f32 $9.999999930e-09, s9  }
0x50: {  	v4 =	vmov s2;
	s12 =	sadd.f32 $9.999999930e-09, s31  }
0x51: {  	(erf) = vrcp.f32 v4;
	v4 =	vmov s9  }
0x52: {  	(erf) = vrcp.f32 v4;
	v4 =	vmov s12  }
0x53: {  	(erf) = vrcp.f32 v4;
	_ =	sdelay $0x5  }
0x54: {  	s2 =	simm.s32 $0x9000  }
0x55: {  	v10 =	vld [tilespmem:s2+$0x0];
	s9 =	simm.s32 $0xA000;
	v4 =	vpop (erf)  }
0x56: {  	v6 =	vbroadcast v6, $0xF;
	v11 =	vld [tilespmem:s9+$0x0];
	v5 =	vpop (erf)  }
0x57: {  	v8 =	vbroadcast v7, $0xF;
	v9 =	vbroadcast v9, $0xF;
	s13 =	simm.s32 $0x8000;
	s14 =	simm.s32 $0x10;
	s12 =	simm.s32 $0x0;
	v7 =	vpop (erf)  }
.LBB2_4:
0x58: {  	p0 =	sne.s32 s14, $0xFF0;
	v12 =	vld [tilespmem:s13+$0x0];
	_ =	sdelay $0x2  }
0x59: {  	v10 =	vsub.f32 v10, v8;
	v11 =	vsub.f32 v11, v9  }
0x5a: {  	v13 =	vmov s12;
	v14 =	vor.u32 s12, v1;
	s12 =	smov.u32 s14  }
0x5b: {  	v10 =	vmul.f32 v10, v5;
	v12 =	vsub.f32 v12, v6;
	v11 =	vmul.f32 v11, v7  }
0x5c: {  	v15 =	vshll.u32 v14, $0x4;
	v13 =	vshrl.u32 v13, $0x8  }
0x5d: {  	v12 =	vmul.f32 v12, v4;
	v10 =	vadd.f32 v11, v10;
	v11 =	vand.u32 $0xFF0, v15  }
0x5e: {  	v11 =	vor.u32 v13, v11  }
0x5f: {  	v10 =	vadd.f32 v10, v12;
	_ =	sdelay $0x1  }
0x60: {  	v10 =	vmul.f32 v10, v3;
	_ =	sdelay $0x1  }
.Ltmp1:
0x61: {  	[tilespmem:v11+s3+$0x0] =	vst.idx.msk $0xffff, v10;
	(pc) =	sbr.rel @p0 .LBB2_4-.Ltmp1, $4  }
0x62: {  	s2 =	sadd.s32 $0x10, s2;
	[tilespmem:v11+s21+$0x0] =	vst.idx.msk $0xffff, v14  }
0x63: {  	s9 =	sadd.s32 $0x10, s9;
	v10 =	vld [tilespmem:s2+$0x0]  }
0x64: {  	v11 =	vld [tilespmem:s9+$0x0]  }
0x65: {  	s14 =	sadd.s32 $0x10, s14;
	s13 =	sadd.s32 $0x10, s13  }
0x66: {  	v12 =	vld [tilespmem:s13+$0x0];
	_ =	sdelay $0x2  }
0x67: {  	v8 =	vsub.f32 v10, v8;
	v9 =	vsub.f32 v11, v9  }
0x68: {  	v59 =	vmov s12;
	v60 =	vor.u32 s12, v1  }
0x69: {  	v5 =	vmul.f32 v8, v5;
	v6 =	vsub.f32 v12, v6;
	v7 =	vmul.f32 v9, v7  }
0x6a: {  	v61 =	vshll.u32 v60, $0x4;
	v62 =	vshrl.u32 v59, $0x8  }
0x6b: {  	v63 =	vand.u32 $0xFF0, v61;
	v4 =	vmul.f32 v6, v4;
	v5 =	vadd.f32 v7, v5  }
0x6c: {  	v6 =	vor.u32 v62, v63  }
0x6d: {  	v4 =	vadd.f32 v5, v4;
	_ =	sdelay $0x1  }
0x6e: {  	v4 =	vmul.f32 v4, v3;
	_ =	sdelay $0x1  }
0x6f: {  	[tilespmem:v6+s3+$0x0] =	vst.idx.msk $0xffff, v4  }
0x70: {  	s12 =	simm.s32 $0x4020;
	[tilespmem:v6+s21+$0x0] =	vst.idx.msk $0xffff, v60  }
0x71: {  	[tilespmem:s12+$0xFFFFFFE0] =	vst v2  }
0x72: {  	[tilespmem:s12+$0x10] =	vst v2  }
0x73: {  	s13 =	simm.s32 $0x0;
	s2 =	simm.s32 $0x10;
	[tilespmem:s12+$0x0] =	vst v2  }
.LBB2_6:
0x74: {  	s13 =	sadd.s32 $0x4, s13  }
0x75: {  	[tilespmem:s12+$0xFFFFFFF0] =	vst v2;
	s12 =	sadd.s32 $0x40, s12;
	s9 =	simm.s32 $0xFFFFFFFE;
	p0 =	slt.u32 s13, $0xFC  }
.Ltmp2:
0x76: {  	[tilespmem:s12+$0xFFFFFFE0] =	vst v2;
	(pc) =	sbr.rel @p0 .LBB2_6-.Ltmp2, $3  }
0x77: {  	_ =	sdelay $0x1  }
0x78: {  	[tilespmem:s12+$0x10] =	vst v2  }
0x79: {  	[tilespmem:s12+$0x0] =	vst v2  }
0x7a: {  	[tilespmem:s12+$0xFFFFFFF0] =	vst v2  }
.LBB2_8:
0x7b: {  	v4 =	vld [tilespmem:s2+$0xFFFFFFF0];
	_ =	sdelay $0x4  }
0x7c: {  	v4 =	vshll.u32 v4, $0x4  }
0x7d: {  	v4 =	vand.u32 $0xFF0, v4  }
0x7e: {  	v4 =	vxor.u32 v16, v4;
	_ =	sdelay $0x4  }
0x7f: {  	v5 =	vld.idx.msk [tilespmem:v4+s22+$0x0], $0xffff;
	_ =	sdelay $0x4  }
0x80: {  	v5 =	vadd.s32 $0x1, v5  }
0x81: {  	[tilespmem:v4+s22+$0x0] =	vst.idx.msk $0xffff, v5  }
0x82: {  	v4 =	vld [tilespmem:s2+$0x0];
	_ =	sdelay $0x4  }
0x83: {  	v4 =	vshll.u32 v4, $0x4  }
0x84: {  	v4 =	vand.u32 $0xFF0, v4  }
0x85: {  	v4 =	vxor.u32 v16, v4;
	_ =	sdelay $0x4  }
0x86: {  	s9 =	sadd.s32 $0x2, s9;
	v5 =	vld.idx.msk [tilespmem:v4+s22+$0x0], $0xffff  }
0x87: {  	p0 =	slt.u32 s9, $0xFE  }
.Ltmp3:
0x88: {  	_ = 	snop;
	(pc) =	sbr.rel @p0 .LBB2_8-.Ltmp3, $3  }
0x89: {  	_ =	sdelay $0x1  }
0x8a: {  	v5 =	vadd.s32 $0x1, v5  }
0x8b: {  	s13 =	simm.s32 $0x0;
	s12 =	simm.s32 $0x4010;
	s2 =	sadd.s32 $0x20, s2;
	[tilespmem:v4+s22+$0x0] =	vst.idx.msk $0xffff, v5  }
0x8c: {  	v6 =	vld [tilespmem:s12+$0xFFFFFFF0];
	_ =	sdelay $0x4  }
0x8d: {  	(xrf0) =	vadd.scan.msk.s32 $0xffff, v6;
	_ =	sdelay $0x5  }
0x8e: {  	v7, _, _ =	vpop (xrf0)  }
0x8f: {  	v4 =	vxor.u32 $0x80000000, v7  }
0x90: {  	(xrf0) =	vmax.scan.msk.u32 $0xffff, v4;
	_ =	sdelay $0x1  }
0x91: {  	v8 =	vld [tilespmem:s12+$0x0];
	_ =	sdelay $0x3  }
0x92: {  	v4, _, _ =	vpop (xrf0)  }
0x93: {  	(xrf0) =	vadd.scan.msk.s32 $0xffff, v8;
	(v2sf) =	vpush v4, $0xF  }
0x94: {  	s9 =	simm.s32 $0x4030  }
0x95: {  	v4 =	vld [tilespmem:s9+$0xFFFFFFF0];
	_ =	sdelay $0x3  }
0x96: {  	v9, _, _ =	vpop (xrf0)  }
0x97: {  	v5 =	vxor.u32 $0x80000000, v9;
	(xrf0) =	vadd.scan.msk.s32 $0xffff, v4  }
0x98: {  	(xrf0) =	vmax.scan.msk.u32 $0xffff, v5;
	_ =	sdelay $0x4  }
0x99: {  	v6 =	vsub.s32 s13, v6;
	v5, _, _ =	vpop (xrf0)  }
0x9a: {  	v6 =	vadd.s32 v7, v6;
	v7, _, _ =	vpop (xrf0)  }
0x9b: {  	s2 =	spop (v2sf);
	(v2sf) =	vpush v7, $0xF;
	_ =	sdelay $0x6  }
0x9c: {  	v7 =	vxor.u32 $0x80000000, v5  }
0x9d: {  	(xrf0) =	vmax.scan.msk.u32 $0xffff, v7;
	_ =	sdelay $0x1  }
0x9e: {  	s2 =	sadd.s32 $0x0, s2  }
0x9f: {  	v8 =	vsub.s32 v9, v8;
	s31 =	sadd.s32 $0x80000000, s2  }
0xa0: {  	[tilespmem:s12+$0xFFFFFFF0] =	vst v6;
	v6 =	vadd.s32 s31, v8  }
0xa1: {  	[tilespmem:s12+$0x0] =	vst v6  }
0xa2: {  	v8 =	vld [tilespmem:s9+$0x0];
	v9, _, _ =	vpop (xrf0)  }
0xa3: {  	s2 =	simm.s32 $0x4050;
	s14 =	spop (v2sf);
	(v2sf) =	vpush v9, $0xF  }
0xa4: {  	v6 =	vld [tilespmem:s2+$0xFFFFFFF0];
	_ =	sdelay $0x2  }
0xa5: {  	(xrf0) =	vadd.scan.msk.s32 $0xffff, v8;
	_ =	sdelay $0x1  }
0xa6: {  	(xrf0) =	vadd.scan.msk.s32 $0xffff, v6;
	_ =	sdelay $0x3  }
0xa7: {  	v10, _, _ =	vpop (xrf0)  }
0xa8: {  	v11 =	vxor.u32 $0x80000000, v10  }
0xa9: {  	v7, _, _ =	vpop (xrf0);
	(xrf0) =	vmax.scan.msk.u32 $0xffff, v11  }
0xaa: {  	v11 =	vxor.u32 $0x80000000, v7  }
0xab: {  	s12 =	simm.s32 $0x4;
	s13 =	sadd.s32 s14, s31;
	v8 =	vsub.s32 v10, v8;
	(xrf0) =	vmax.scan.msk.u32 $0xffff, v11  }
.LBB2_10:
0xac: {  	s12 =	sadd.s32 $0x2, s12;
	s14 =	spop (v2sf);
	s13 =	sadd.s32 $0x80000000, s13  }
0xad: {  	p0 =	slt.u32 s12, $0xFE;
	v9 =	vsub.s32 s13, v4;
	s13 =	sadd.s32 s14, s13;
	v4 =	vmov v6  }
0xae: {  	v6 =	vadd.s32 v5, v9;
	s13 =	sadd.s32 $0x80000000, s13;
	v5 =	vmov v7  }
0xaf: {  	[tilespmem:s9+$0xFFFFFFF0] =	vst v6;
	v3 =	vadd.s32 s13, v8;
	v7, _, _ =	vpop (xrf0)  }
0xb0: {  	[tilespmem:s9+$0x0] =	vst v3;
	(v2sf) =	vpush v7, $0xF;
	s9 =	smov.u32 s2  }
0xb1: {  	v7 =	vld [tilespmem:s2+$0x0];
	v6, _, _ =	vpop (xrf0)  }
0xb2: {  	s2 =	sadd.s32 $0x20, s2;
	(v2sf) =	vpush v6, $0xF  }
0xb3: {  	v6 =	vld [tilespmem:s2+$0xFFFFFFF0];
	_ =	sdelay $0x2  }
0xb4: {  	(xrf0) =	vadd.scan.msk.s32 $0xffff, v7;
	_ =	sdelay $0x1  }
0xb5: {  	(xrf0) =	vadd.scan.msk.s32 $0xffff, v6;
	_ =	sdelay $0x3  }
.Ltmp4:
0xb6: {  	v9, _, _ =	vpop (xrf0);
	(pc) =	sbr.rel @p0 .LBB2_10-.Ltmp4, $4  }
0xb7: {  	v8 =	vsub.s32 v9, v7;
	v9 =	vxor.u32 $0x80000000, v9  }
0xb8: {  	v7, _, _ =	vpop (xrf0);
	(xrf0) =	vmax.scan.msk.u32 $0xffff, v9  }
0xb9: {  	v9 =	vxor.u32 $0x80000000, v7;
	s14 =	spop (v2sf)  }
0xba: {  	(xrf0) =	vmax.scan.msk.u32 $0xffff, v9;
	s13 =	sadd.s32 s14, s13  }
0xbb: {  	s12 =	spop (v2sf);
	s13 =	sadd.s32 $0x80000000, s13  }
0xbc: {  	v4 =	vsub.s32 s13, v4;
	s12 =	sadd.s32 s12, s13  }
0xbd: {  	v4 =	vadd.s32 v5, v4;
	s12 =	sadd.s32 $0x80000000, s12  }
0xbe: {  	[tilespmem:s9+$0xFFFFFFF0] =	vst v4;
	v59 =	vadd.s32 s12, v8  }
0xbf: {  	[tilespmem:s9+$0x0] =	vst v59  }
0xc0: {  	v4 =	vld [tilespmem:s2+$0x0];
	_ =	sdelay $0x4  }
0xc1: {  	(xrf0) =	vadd.scan.msk.s32 $0xffff, v4;
	_ =	sdelay $0x3  }
0xc2: {  	v60, _, _ =	vpop (xrf0)  }
0xc3: {  	v61, _, _ =	vpop (xrf0)  }
0xc4: {  	v9, _, _ =	vpop (xrf0)  }
0xc5: {  	v10 =	vxor.u32 $0x80000000, v9  }
0xc6: {  	(xrf0) =	vmax.scan.msk.u32 $0xffff, v10  }
0xc7: {  	(v2sf) =	vpush v60, $0xF;
	_ =	sdelay $0x1  }
0xc8: {  	(v2sf) =	vpush v61, $0xF;
	_ =	sdelay $0x2  }
0xc9: {  	v62, _, _ =	vpop (xrf0)  }
0xca: {  	(v2sf) =	vpush v62, $0xF;
	_ =	sdelay $0x8  }
0xcb: {  	s29 =	spop (v2sf)  }
0xcc: {  	s9 =	sadd.s32 s29, s12  }
0xcd: {  	s30 =	spop (v2sf);
	s9 =	sadd.s32 $0x80000000, s9  }
0xce: {  	v63 =	vsub.s32 s9, v6;
	s9 =	sadd.s32 s30, s9  }
0xcf: {  	v4 =	vsub.s32 v9, v4;
	v5 =	vadd.s32 v7, v63;
	s9 =	sadd.s32 $0x80000000, s9  }
0xd0: {  	s12 =	simm.s32 $0x1010;
	[tilespmem:s2+$0xFFFFFFF0] =	vst v5;
	v4 =	vadd.s32 s9, v4  }
0xd1: {  	s9 =	simm.s32 $0x10;
	[tilespmem:s2+$0x0] =	vst v4;
	s2 =	simm.s32 $0xFFFFFFFE;
	s31 =	spop (v2sf)  }
.LBB2_12:
0xd2: {  	v4 =	vld [tilespmem:s9+$0xFFFFFFF0];
	_ =	sdelay $0x4  }
0xd3: {  	v5 =	vshll.u32 v4, $0x4  }
0xd4: {  	v5 =	vand.u32 $0xFF0, v5  }
0xd5: {  	v5 =	vxor.u32 v16, v5;
	_ =	sdelay $0x4  }
0xd6: {  	v6 =	vld.idx.msk [tilespmem:v5+s22+$0x0], $0xffff;
	_ =	sdelay $0x4  }
0xd7: {  	v7 =	vshll.u32 v6, $0x4  }
0xd8: {  	v8 =	vshra.s32 v6, $0x8;
	v7 =	vand.u32 $0xFF0, v7  }
0xd9: {  	v7 =	vadd.s32 v8, v7  }
0xda: {  	v59 =	vld [tilespmem:s12+$0xFFFFFFF0];
	_ =	sdelay $0x1  }
0xdb: {  	v6 =	vadd.s32 $0x1, v6  }
0xdc: {  	[tilespmem:v5+s22+$0x0] =	vst.idx.msk $0xffff, v6  }
0xdd: {  	[tilespmem:v7+s6+$0x0] =	vst.idx.msk $0xffff, v4  }
0xde: {  	[tilespmem:v7+s7+$0x0] =	vst.idx.msk $0xffff, v59  }
0xdf: {  	v4 =	vld [tilespmem:s9+$0x0];
	_ =	sdelay $0x4  }
0xe0: {  	v60 =	vshll.u32 v4, $0x4  }
0xe1: {  	v5 =	vand.u32 $0xFF0, v60  }
0xe2: {  	v5 =	vxor.u32 v16, v5;
	_ =	sdelay $0x4  }
0xe3: {  	v6 =	vld.idx.msk [tilespmem:v5+s22+$0x0], $0xffff;
	_ =	sdelay $0x4  }
0xe4: {  	v61 =	vshll.u32 v6, $0x4  }
0xe5: {  	v62 =	vshra.s32 v6, $0x8;
	v7 =	vand.u32 $0xFF0, v61  }
0xe6: {  	s2 =	sadd.s32 $0x2, s2;
	v7 =	vadd.s32 v62, v7  }
0xe7: {  	p0 =	slt.u32 s2, $0xFE;
	v63 =	vld [tilespmem:s12+$0x0]  }
.Ltmp5:
0xe8: {  	_ = 	snop;
	(pc) =	sbr.rel @p0 .LBB2_12-.Ltmp5, $4  }
0xe9: {  	v6 =	vadd.s32 $0x1, v6  }
0xea: {  	[tilespmem:v5+s22+$0x0] =	vst.idx.msk $0xffff, v6  }
0xeb: {  	s14 =	simm.s32 $0xFFFFFFFC;
	[tilespmem:v7+s6+$0x0] =	vst.idx.msk $0xffff, v4  }
0xec: {  	s13 =	simm.s32 $0x4020;
	s12 =	sadd.s32 $0x20, s12;
	s9 =	sadd.s32 $0x20, s9;
	[tilespmem:v7+s7+$0x0] =	vst.idx.msk $0xffff, v63  }
0xed: {  	[tilespmem:s13+$0xFFFFFFE0] =	vst v2  }
0xee: {  	[tilespmem:s13+$0x10] =	vst v2  }
0xef: {  	s9 =	sadd.s32 $0x4, s14;
	[tilespmem:s13+$0x0] =	vst v2;
	s2 =	simm.s32 $0x2010  }
.LBB2_14:
0xf0: {  	s9 =	sadd.s32 $0x4, s9  }
0xf1: {  	[tilespmem:s13+$0xFFFFFFF0] =	vst v2;
	s13 =	sadd.s32 $0x40, s13;
	p0 =	slt.u32 s9, $0xFC  }
.Ltmp6:
0xf2: {  	[tilespmem:s13+$0xFFFFFFE0] =	vst v2;
	(pc) =	sbr.rel @p0 .LBB2_14-.Ltmp6, $3  }
0xf3: {  	_ =	sdelay $0x1  }
0xf4: {  	[tilespmem:s13+$0x10] =	vst v2  }
0xf5: {  	[tilespmem:s13+$0x0] =	vst v2  }
0xf6: {  	[tilespmem:s13+$0xFFFFFFF0] =	vst v2;
	s9 =	simm.s32 $0xFFFFFFFE  }
.LBB2_16:
0xf7: {  	v4 =	vld [tilespmem:s2+$0xFFFFFFF0];
	_ =	sdelay $0x4  }
0xf8: {  	v4 =	vshrl.u32 v4, $0x4  }
0xf9: {  	v4 =	vand.u32 $0xFF0, v4  }
0xfa: {  	v4 =	vxor.u32 v16, v4;
	_ =	sdelay $0x4  }
0xfb: {  	v5 =	vld.idx.msk [tilespmem:v4+s22+$0x0], $0xffff;
	_ =	sdelay $0x4  }
0xfc: {  	v5 =	vadd.s32 $0x1, v5  }
0xfd: {  	[tilespmem:v4+s22+$0x0] =	vst.idx.msk $0xffff, v5  }
0xfe: {  	v4 =	vld [tilespmem:s2+$0x0];
	_ =	sdelay $0x4  }
0xff: {  	v4 =	vshrl.u32 v4, $0x4  }
0x100: {  	v4 =	vand.u32 $0xFF0, v4  }
0x101: {  	v4 =	vxor.u32 v16, v4;
	_ =	sdelay $0x4  }
0x102: {  	s9 =	sadd.s32 $0x2, s9;
	v5 =	vld.idx.msk [tilespmem:v4+s22+$0x0], $0xffff  }
0x103: {  	p0 =	slt.u32 s9, $0xFE  }
.Ltmp7:
0x104: {  	_ = 	snop;
	(pc) =	sbr.rel @p0 .LBB2_16-.Ltmp7, $3  }
0x105: {  	_ =	sdelay $0x1  }
0x106: {  	v5 =	vadd.s32 $0x1, v5  }
0x107: {  	s13 =	simm.s32 $0x0;
	s12 =	simm.s32 $0x4010;
	s2 =	sadd.s32 $0x20, s2;
	[tilespmem:v4+s22+$0x0] =	vst.idx.msk $0xffff, v5  }
0x108: {  	v6 =	vld [tilespmem:s12+$0xFFFFFFF0];
	_ =	sdelay $0x4  }
0x109: {  	(xrf0) =	vadd.scan.msk.s32 $0xffff, v6;
	_ =	sdelay $0x5  }
0x10a: {  	v7, _, _ =	vpop (xrf0)  }
0x10b: {  	v4 =	vxor.u32 $0x80000000, v7  }
0x10c: {  	(xrf0) =	vmax.scan.msk.u32 $0xffff, v4;
	_ =	sdelay $0x1  }
0x10d: {  	v8 =	vld [tilespmem:s12+$0x0];
	_ =	sdelay $0x3  }
0x10e: {  	v4, _, _ =	vpop (xrf0)  }
0x10f: {  	(xrf0) =	vadd.scan.msk.s32 $0xffff, v8;
	(v2sf) =	vpush v4, $0xF  }
0x110: {  	s9 =	simm.s32 $0x4030  }
0x111: {  	v4 =	vld [tilespmem:s9+$0xFFFFFFF0];
	_ =	sdelay $0x3  }
0x112: {  	v9, _, _ =	vpop (xrf0)  }
0x113: {  	v5 =	vxor.u32 $0x80000000, v9;
	(xrf0) =	vadd.scan.msk.s32 $0xffff, v4  }
0x114: {  	(xrf0) =	vmax.scan.msk.u32 $0xffff, v5;
	_ =	sdelay $0x4  }
0x115: {  	v6 =	vsub.s32 s13, v6;
	v5, _, _ =	vpop (xrf0)  }
0x116: {  	v6 =	vadd.s32 v7, v6;
	v7, _, _ =	vpop (xrf0)  }
0x117: {  	s2 =	spop (v2sf);
	(v2sf) =	vpush v7, $0xF;
	_ =	sdelay $0x6  }
0x118: {  	v7 =	vxor.u32 $0x80000000, v5  }
0x119: {  	(xrf0) =	vmax.scan.msk.u32 $0xffff, v7;
	_ =	sdelay $0x1  }
0x11a: {  	s2 =	sadd.s32 $0x0, s2  }
0x11b: {  	v8 =	vsub.s32 v9, v8;
	s31 =	sadd.s32 $0x80000000, s2  }
0x11c: {  	[tilespmem:s12+$0xFFFFFFF0] =	vst v6;
	v6 =	vadd.s32 s31, v8  }
0x11d: {  	[tilespmem:s12+$0x0] =	vst v6  }
0x11e: {  	v8 =	vld [tilespmem:s9+$0x0];
	v9, _, _ =	vpop (xrf0)  }
0x11f: {  	s2 =	simm.s32 $0x4050;
	s14 =	spop (v2sf);
	(v2sf) =	vpush v9, $0xF  }
0x120: {  	v6 =	vld [tilespmem:s2+$0xFFFFFFF0];
	_ =	sdelay $0x2  }
0x121: {  	(xrf0) =	vadd.scan.msk.s32 $0xffff, v8;
	_ =	sdelay $0x1  }
0x122: {  	(xrf0) =	vadd.scan.msk.s32 $0xffff, v6;
	_ =	sdelay $0x3  }
0x123: {  	v10, _, _ =	vpop (xrf0)  }
0x124: {  	v11 =	vxor.u32 $0x80000000, v10  }
0x125: {  	v7, _, _ =	vpop (xrf0);
	(xrf0) =	vmax.scan.msk.u32 $0xffff, v11  }
0x126: {  	v11 =	vxor.u32 $0x80000000, v7  }
0x127: {  	s12 =	simm.s32 $0x4;
	s13 =	sadd.s32 s14, s31;
	v8 =	vsub.s32 v10, v8;
	(xrf0) =	vmax.scan.msk.u32 $0xffff, v11  }
.LBB2_18:
0x128: {  	s12 =	sadd.s32 $0x2, s12;
	s14 =	spop (v2sf);
	s13 =	sadd.s32 $0x80000000, s13  }
0x129: {  	p0 =	slt.u32 s12, $0xFE;
	v9 =	vsub.s32 s13, v4;
	s13 =	sadd.s32 s14, s13;
	v4 =	vmov v6  }
0x12a: {  	v6 =	vadd.s32 v5, v9;
	s13 =	sadd.s32 $0x80000000, s13;
	v5 =	vmov v7  }
0x12b: {  	[tilespmem:s9+$0xFFFFFFF0] =	vst v6;
	v3 =	vadd.s32 s13, v8;
	v7, _, _ =	vpop (xrf0)  }
0x12c: {  	[tilespmem:s9+$0x0] =	vst v3;
	(v2sf) =	vpush v7, $0xF;
	s9 =	smov.u32 s2  }
0x12d: {  	v7 =	vld [tilespmem:s2+$0x0];
	v6, _, _ =	vpop (xrf0)  }
0x12e: {  	s2 =	sadd.s32 $0x20, s2;
	(v2sf) =	vpush v6, $0xF  }
0x12f: {  	v6 =	vld [tilespmem:s2+$0xFFFFFFF0];
	_ =	sdelay $0x2  }
0x130: {  	(xrf0) =	vadd.scan.msk.s32 $0xffff, v7;
	_ =	sdelay $0x1  }
0x131: {  	(xrf0) =	vadd.scan.msk.s32 $0xffff, v6;
	_ =	sdelay $0x3  }
.Ltmp8:
0x132: {  	v9, _, _ =	vpop (xrf0);
	(pc) =	sbr.rel @p0 .LBB2_18-.Ltmp8, $4  }
0x133: {  	v8 =	vsub.s32 v9, v7;
	v9 =	vxor.u32 $0x80000000, v9  }
0x134: {  	v7, _, _ =	vpop (xrf0);
	(xrf0) =	vmax.scan.msk.u32 $0xffff, v9  }
0x135: {  	v9 =	vxor.u32 $0x80000000, v7;
	s14 =	spop (v2sf)  }
0x136: {  	(xrf0) =	vmax.scan.msk.u32 $0xffff, v9;
	s13 =	sadd.s32 s14, s13  }
0x137: {  	s12 =	spop (v2sf);
	s13 =	sadd.s32 $0x80000000, s13  }
0x138: {  	v4 =	vsub.s32 s13, v4;
	s12 =	sadd.s32 s12, s13  }
0x139: {  	v4 =	vadd.s32 v5, v4;
	s12 =	sadd.s32 $0x80000000, s12  }
0x13a: {  	[tilespmem:s9+$0xFFFFFFF0] =	vst v4;
	v59 =	vadd.s32 s12, v8  }
0x13b: {  	[tilespmem:s9+$0x0] =	vst v59  }
0x13c: {  	v4 =	vld [tilespmem:s2+$0x0];
	_ =	sdelay $0x4  }
0x13d: {  	(xrf0) =	vadd.scan.msk.s32 $0xffff, v4;
	_ =	sdelay $0x3  }
0x13e: {  	v60, _, _ =	vpop (xrf0)  }
0x13f: {  	v61, _, _ =	vpop (xrf0)  }
0x140: {  	v9, _, _ =	vpop (xrf0)  }
0x141: {  	v10 =	vxor.u32 $0x80000000, v9  }
0x142: {  	(xrf0) =	vmax.scan.msk.u32 $0xffff, v10  }
0x143: {  	(v2sf) =	vpush v60, $0xF;
	_ =	sdelay $0x1  }
0x144: {  	(v2sf) =	vpush v61, $0xF;
	_ =	sdelay $0x2  }
0x145: {  	v62, _, _ =	vpop (xrf0)  }
0x146: {  	(v2sf) =	vpush v62, $0xF;
	_ =	sdelay $0x8  }
0x147: {  	s29 =	spop (v2sf)  }
0x148: {  	s9 =	sadd.s32 s29, s12  }
0x149: {  	s30 =	spop (v2sf);
	s9 =	sadd.s32 $0x80000000, s9  }
0x14a: {  	v63 =	vsub.s32 s9, v6;
	s9 =	sadd.s32 s30, s9  }
0x14b: {  	v4 =	vsub.s32 v9, v4;
	v5 =	vadd.s32 v7, v63;
	s9 =	sadd.s32 $0x80000000, s9  }
0x14c: {  	s12 =	simm.s32 $0x3010;
	[tilespmem:s2+$0xFFFFFFF0] =	vst v5;
	v4 =	vadd.s32 s9, v4  }
0x14d: {  	s9 =	simm.s32 $0x2010;
	[tilespmem:s2+$0x0] =	vst v4;
	s2 =	simm.s32 $0xFFFFFFFE;
	s31 =	spop (v2sf)  }
.LBB2_20:
0x14e: {  	v4 =	vld [tilespmem:s9+$0xFFFFFFF0];
	_ =	sdelay $0x4  }
0x14f: {  	v5 =	vshrl.u32 v4, $0x4  }
0x150: {  	v5 =	vand.u32 $0xFF0, v5  }
0x151: {  	v5 =	vxor.u32 v16, v5;
	_ =	sdelay $0x4  }
0x152: {  	v6 =	vld.idx.msk [tilespmem:v5+s22+$0x0], $0xffff;
	_ =	sdelay $0x4  }
0x153: {  	v7 =	vshll.u32 v6, $0x4  }
0x154: {  	v8 =	vshra.s32 v6, $0x8;
	v7 =	vand.u32 $0xFF0, v7  }
0x155: {  	v7 =	vadd.s32 v8, v7  }
0x156: {  	v59 =	vld [tilespmem:s12+$0xFFFFFFF0];
	_ =	sdelay $0x1  }
0x157: {  	v6 =	vadd.s32 $0x1, v6  }
0x158: {  	[tilespmem:v5+s22+$0x0] =	vst.idx.msk $0xffff, v6  }
0x159: {  	[tilespmem:v7+s3+$0x0] =	vst.idx.msk $0xffff, v4  }
0x15a: {  	[tilespmem:v7+s21+$0x0] =	vst.idx.msk $0xffff, v59  }
0x15b: {  	v4 =	vld [tilespmem:s9+$0x0];
	_ =	sdelay $0x4  }
0x15c: {  	v60 =	vshrl.u32 v4, $0x4  }
0x15d: {  	v5 =	vand.u32 $0xFF0, v60  }
0x15e: {  	v5 =	vxor.u32 v16, v5;
	_ =	sdelay $0x4  }
0x15f: {  	v6 =	vld.idx.msk [tilespmem:v5+s22+$0x0], $0xffff;
	_ =	sdelay $0x4  }
0x160: {  	v61 =	vshll.u32 v6, $0x4  }
0x161: {  	v62 =	vshra.s32 v6, $0x8;
	v7 =	vand.u32 $0xFF0, v61  }
0x162: {  	s2 =	sadd.s32 $0x2, s2;
	v7 =	vadd.s32 v62, v7  }
0x163: {  	p0 =	slt.u32 s2, $0xFE;
	v63 =	vld [tilespmem:s12+$0x0]  }
.Ltmp9:
0x164: {  	_ = 	snop;
	(pc) =	sbr.rel @p0 .LBB2_20-.Ltmp9, $4  }
0x165: {  	v6 =	vadd.s32 $0x1, v6  }
0x166: {  	[tilespmem:v5+s22+$0x0] =	vst.idx.msk $0xffff, v6  }
0x167: {  	s14 =	simm.s32 $0xFFFFFFFC;
	[tilespmem:v7+s3+$0x0] =	vst.idx.msk $0xffff, v4  }
0x168: {  	s13 =	simm.s32 $0x4020;
	s12 =	sadd.s32 $0x20, s12;
	s9 =	sadd.s32 $0x20, s9;
	[tilespmem:v7+s21+$0x0] =	vst.idx.msk $0xffff, v63  }
0x169: {  	[tilespmem:s13+$0xFFFFFFE0] =	vst v2  }
0x16a: {  	[tilespmem:s13+$0x10] =	vst v2  }
0x16b: {  	s2 =	sadd.s32 $0x4, s14;
	[tilespmem:s13+$0x0] =	vst v2  }
.LBB2_22:
0x16c: {  	s2 =	sadd.s32 $0x4, s2  }
0x16d: {  	[tilespmem:s13+$0xFFFFFFF0] =	vst v2;
	s13 =	sadd.s32 $0x40, s13;
	p0 =	slt.u32 s2, $0xFC  }
.Ltmp10:
0x16e: {  	[tilespmem:s13+$0xFFFFFFE0] =	vst v2;
	(pc) =	sbr.rel @p0 .LBB2_22-.Ltmp10, $3  }
0x16f: {  	_ =	sdelay $0x1  }
0x170: {  	[tilespmem:s13+$0x10] =	vst v2  }
0x171: {  	s9 =	simm.s32 $0x10;
	[tilespmem:s13+$0x0] =	vst v2  }
0x172: {  	[tilespmem:s13+$0xFFFFFFF0] =	vst v2;
	s12 =	simm.s32 $0xFFFFFFFE  }
.LBB2_24:
0x173: {  	v4 =	vld [tilespmem:s9+$0xFFFFFFF0];
	_ =	sdelay $0x4  }
0x174: {  	v4 =	vshrl.u32 v4, $0xC  }
0x175: {  	v4 =	vand.u32 $0xFF0, v4  }
0x176: {  	v4 =	vxor.u32 v16, v4;
	_ =	sdelay $0x4  }
0x177: {  	v5 =	vld.idx.msk [tilespmem:v4+s22+$0x0], $0xffff;
	_ =	sdelay $0x4  }
0x178: {  	v5 =	vadd.s32 $0x1, v5  }
0x179: {  	[tilespmem:v4+s22+$0x0] =	vst.idx.msk $0xffff, v5  }
0x17a: {  	v4 =	vld [tilespmem:s9+$0x0];
	_ =	sdelay $0x4  }
0x17b: {  	v4 =	vshrl.u32 v4, $0xC  }
0x17c: {  	v4 =	vand.u32 $0xFF0, v4  }
0x17d: {  	v4 =	vxor.u32 v16, v4;
	_ =	sdelay $0x4  }
0x17e: {  	s12 =	sadd.s32 $0x2, s12;
	v5 =	vld.idx.msk [tilespmem:v4+s22+$0x0], $0xffff  }
0x17f: {  	p0 =	slt.u32 s12, $0xFE  }
.Ltmp11:
0x180: {  	_ = 	snop;
	(pc) =	sbr.rel @p0 .LBB2_24-.Ltmp11, $3  }
0x181: {  	_ =	sdelay $0x1  }
0x182: {  	v5 =	vadd.s32 $0x1, v5  }
0x183: {  	s13 =	simm.s32 $0x0;
	s2 =	simm.s32 $0x4010;
	s9 =	sadd.s32 $0x20, s9;
	[tilespmem:v4+s22+$0x0] =	vst.idx.msk $0xffff, v5  }
0x184: {  	v6 =	vld [tilespmem:s2+$0xFFFFFFF0];
	_ =	sdelay $0x4  }
0x185: {  	(xrf0) =	vadd.scan.msk.s32 $0xffff, v6;
	_ =	sdelay $0x5  }
0x186: {  	v7, _, _ =	vpop (xrf0)  }
0x187: {  	v4 =	vxor.u32 $0x80000000, v7  }
0x188: {  	(xrf0) =	vmax.scan.msk.u32 $0xffff, v4;
	_ =	sdelay $0x1  }
0x189: {  	v8 =	vld [tilespmem:s2+$0x0];
	_ =	sdelay $0x3  }
0x18a: {  	v4, _, _ =	vpop (xrf0)  }
0x18b: {  	(xrf0) =	vadd.scan.msk.s32 $0xffff, v8;
	(v2sf) =	vpush v4, $0xF  }
0x18c: {  	s9 =	simm.s32 $0x4030  }
0x18d: {  	v4 =	vld [tilespmem:s9+$0xFFFFFFF0];
	_ =	sdelay $0x3  }
0x18e: {  	v9, _, _ =	vpop (xrf0)  }
0x18f: {  	v5 =	vxor.u32 $0x80000000, v9;
	(xrf0) =	vadd.scan.msk.s32 $0xffff, v4  }
0x190: {  	(xrf0) =	vmax.scan.msk.u32 $0xffff, v5;
	_ =	sdelay $0x4  }
0x191: {  	v6 =	vsub.s32 s13, v6;
	v5, _, _ =	vpop (xrf0)  }
0x192: {  	v6 =	vadd.s32 v7, v6;
	v7, _, _ =	vpop (xrf0)  }
0x193: {  	s12 =	spop (v2sf);
	(v2sf) =	vpush v7, $0xF;
	_ =	sdelay $0x6  }
0x194: {  	v7 =	vxor.u32 $0x80000000, v5  }
0x195: {  	(xrf0) =	vmax.scan.msk.u32 $0xffff, v7;
	_ =	sdelay $0x1  }
0x196: {  	s12 =	sadd.s32 $0x0, s12  }
0x197: {  	v8 =	vsub.s32 v9, v8;
	s31 =	sadd.s32 $0x80000000, s12  }
0x198: {  	[tilespmem:s2+$0xFFFFFFF0] =	vst v6;
	v6 =	vadd.s32 s31, v8  }
0x199: {  	[tilespmem:s2+$0x0] =	vst v6  }
0x19a: {  	v8 =	vld [tilespmem:s9+$0x0];
	v9, _, _ =	vpop (xrf0)  }
0x19b: {  	s2 =	simm.s32 $0x4050;
	s14 =	spop (v2sf);
	(v2sf) =	vpush v9, $0xF  }
0x19c: {  	v6 =	vld [tilespmem:s2+$0xFFFFFFF0];
	_ =	sdelay $0x2  }
0x19d: {  	(xrf0) =	vadd.scan.msk.s32 $0xffff, v8;
	_ =	sdelay $0x1  }
0x19e: {  	(xrf0) =	vadd.scan.msk.s32 $0xffff, v6;
	_ =	sdelay $0x3  }
0x19f: {  	v10, _, _ =	vpop (xrf0)  }
0x1a0: {  	v11 =	vxor.u32 $0x80000000, v10  }
0x1a1: {  	v7, _, _ =	vpop (xrf0);
	(xrf0) =	vmax.scan.msk.u32 $0xffff, v11  }
0x1a2: {  	v11 =	vxor.u32 $0x80000000, v7  }
0x1a3: {  	s12 =	simm.s32 $0x4;
	s13 =	sadd.s32 s14, s31;
	v8 =	vsub.s32 v10, v8;
	(xrf0) =	vmax.scan.msk.u32 $0xffff, v11  }
.LBB2_26:
0x1a4: {  	s12 =	sadd.s32 $0x2, s12;
	s14 =	spop (v2sf);
	s13 =	sadd.s32 $0x80000000, s13  }
0x1a5: {  	p0 =	slt.u32 s12, $0xFE;
	v9 =	vsub.s32 s13, v4;
	s13 =	sadd.s32 s14, s13;
	v4 =	vmov v6  }
0x1a6: {  	v6 =	vadd.s32 v5, v9;
	s13 =	sadd.s32 $0x80000000, s13;
	v5 =	vmov v7  }
0x1a7: {  	[tilespmem:s9+$0xFFFFFFF0] =	vst v6;
	v3 =	vadd.s32 s13, v8;
	v7, _, _ =	vpop (xrf0)  }
0x1a8: {  	[tilespmem:s9+$0x0] =	vst v3;
	(v2sf) =	vpush v7, $0xF;
	s9 =	smov.u32 s2  }
0x1a9: {  	v7 =	vld [tilespmem:s2+$0x0];
	v6, _, _ =	vpop (xrf0)  }
0x1aa: {  	s2 =	sadd.s32 $0x20, s2;
	(v2sf) =	vpush v6, $0xF  }
0x1ab: {  	v6 =	vld [tilespmem:s2+$0xFFFFFFF0];
	_ =	sdelay $0x2  }
0x1ac: {  	(xrf0) =	vadd.scan.msk.s32 $0xffff, v7;
	_ =	sdelay $0x1  }
0x1ad: {  	(xrf0) =	vadd.scan.msk.s32 $0xffff, v6;
	_ =	sdelay $0x3  }
.Ltmp12:
0x1ae: {  	v9, _, _ =	vpop (xrf0);
	(pc) =	sbr.rel @p0 .LBB2_26-.Ltmp12, $4  }
0x1af: {  	v8 =	vsub.s32 v9, v7;
	v9 =	vxor.u32 $0x80000000, v9  }
0x1b0: {  	v7, _, _ =	vpop (xrf0);
	(xrf0) =	vmax.scan.msk.u32 $0xffff, v9  }
0x1b1: {  	v9 =	vxor.u32 $0x80000000, v7;
	s14 =	spop (v2sf)  }
0x1b2: {  	(xrf0) =	vmax.scan.msk.u32 $0xffff, v9;
	s13 =	sadd.s32 s14, s13  }
0x1b3: {  	s12 =	spop (v2sf);
	s13 =	sadd.s32 $0x80000000, s13  }
0x1b4: {  	v4 =	vsub.s32 s13, v4;
	s12 =	sadd.s32 s12, s13  }
0x1b5: {  	v4 =	vadd.s32 v5, v4;
	s12 =	sadd.s32 $0x80000000, s12  }
0x1b6: {  	[tilespmem:s9+$0xFFFFFFF0] =	vst v4;
	v59 =	vadd.s32 s12, v8  }
0x1b7: {  	[tilespmem:s9+$0x0] =	vst v59  }
0x1b8: {  	v4 =	vld [tilespmem:s2+$0x0];
	_ =	sdelay $0x4  }
0x1b9: {  	(xrf0) =	vadd.scan.msk.s32 $0xffff, v4;
	_ =	sdelay $0x3  }
0x1ba: {  	v60, _, _ =	vpop (xrf0)  }
0x1bb: {  	v61, _, _ =	vpop (xrf0)  }
0x1bc: {  	v9, _, _ =	vpop (xrf0)  }
0x1bd: {  	v10 =	vxor.u32 $0x80000000, v9  }
0x1be: {  	(xrf0) =	vmax.scan.msk.u32 $0xffff, v10  }
0x1bf: {  	(v2sf) =	vpush v60, $0xF;
	_ =	sdelay $0x1  }
0x1c0: {  	(v2sf) =	vpush v61, $0xF;
	_ =	sdelay $0x2  }
0x1c1: {  	v62, _, _ =	vpop (xrf0)  }
0x1c2: {  	(v2sf) =	vpush v62, $0xF;
	_ =	sdelay $0x8  }
0x1c3: {  	s29 =	spop (v2sf)  }
0x1c4: {  	s9 =	sadd.s32 s29, s12  }
0x1c5: {  	s30 =	spop (v2sf);
	s9 =	sadd.s32 $0x80000000, s9  }
0x1c6: {  	v63 =	vsub.s32 s9, v6;
	s9 =	sadd.s32 s30, s9  }
0x1c7: {  	v4 =	vsub.s32 v9, v4;
	v5 =	vadd.s32 v7, v63;
	s9 =	sadd.s32 $0x80000000, s9  }
0x1c8: {  	s12 =	simm.s32 $0x1010;
	[tilespmem:s2+$0xFFFFFFF0] =	vst v5;
	v4 =	vadd.s32 s9, v4  }
0x1c9: {  	s9 =	simm.s32 $0x10;
	[tilespmem:s2+$0x0] =	vst v4;
	s2 =	simm.s32 $0xFFFFFFFE;
	s31 =	spop (v2sf)  }
.LBB2_28:
0x1ca: {  	v4 =	vld [tilespmem:s9+$0xFFFFFFF0];
	_ =	sdelay $0x4  }
0x1cb: {  	v5 =	vshrl.u32 v4, $0xC  }
0x1cc: {  	v5 =	vand.u32 $0xFF0, v5  }
0x1cd: {  	v5 =	vxor.u32 v16, v5;
	_ =	sdelay $0x4  }
0x1ce: {  	v6 =	vld.idx.msk [tilespmem:v5+s22+$0x0], $0xffff;
	_ =	sdelay $0x4  }
0x1cf: {  	v7 =	vshll.u32 v6, $0x4  }
0x1d0: {  	v8 =	vshra.s32 v6, $0x8;
	v7 =	vand.u32 $0xFF0, v7  }
0x1d1: {  	v7 =	vadd.s32 v8, v7  }
0x1d2: {  	v59 =	vld [tilespmem:s12+$0xFFFFFFF0];
	_ =	sdelay $0x1  }
0x1d3: {  	v6 =	vadd.s32 $0x1, v6  }
0x1d4: {  	[tilespmem:v5+s22+$0x0] =	vst.idx.msk $0xffff, v6  }
0x1d5: {  	[tilespmem:v7+s6+$0x0] =	vst.idx.msk $0xffff, v4  }
0x1d6: {  	[tilespmem:v7+s7+$0x0] =	vst.idx.msk $0xffff, v59  }
0x1d7: {  	v4 =	vld [tilespmem:s9+$0x0];
	_ =	sdelay $0x4  }
0x1d8: {  	v60 =	vshrl.u32 v4, $0xC  }
0x1d9: {  	v5 =	vand.u32 $0xFF0, v60  }
0x1da: {  	v5 =	vxor.u32 v16, v5;
	_ =	sdelay $0x4  }
0x1db: {  	v6 =	vld.idx.msk [tilespmem:v5+s22+$0x0], $0xffff;
	_ =	sdelay $0x4  }
0x1dc: {  	v61 =	vshll.u32 v6, $0x4  }
0x1dd: {  	v62 =	vshra.s32 v6, $0x8;
	v7 =	vand.u32 $0xFF0, v61  }
0x1de: {  	s2 =	sadd.s32 $0x2, s2;
	v7 =	vadd.s32 v62, v7  }
0x1df: {  	p0 =	slt.u32 s2, $0xFE;
	v63 =	vld [tilespmem:s12+$0x0]  }
.Ltmp13:
0x1e0: {  	_ = 	snop;
	(pc) =	sbr.rel @p0 .LBB2_28-.Ltmp13, $4  }
0x1e1: {  	v6 =	vadd.s32 $0x1, v6  }
0x1e2: {  	[tilespmem:v5+s22+$0x0] =	vst.idx.msk $0xffff, v6  }
0x1e3: {  	s14 =	simm.s32 $0xFFFFFFFC;
	[tilespmem:v7+s6+$0x0] =	vst.idx.msk $0xffff, v4  }
0x1e4: {  	s13 =	simm.s32 $0x4020;
	s12 =	sadd.s32 $0x20, s12;
	s9 =	sadd.s32 $0x20, s9;
	[tilespmem:v7+s7+$0x0] =	vst.idx.msk $0xffff, v63  }
0x1e5: {  	[tilespmem:s13+$0xFFFFFFE0] =	vst v2  }
0x1e6: {  	[tilespmem:s13+$0x10] =	vst v2  }
0x1e7: {  	s9 =	sadd.s32 $0x4, s14;
	[tilespmem:s13+$0x0] =	vst v2  }
.LBB2_30:
0x1e8: {  	s9 =	sadd.s32 $0x4, s9  }
0x1e9: {  	[tilespmem:s13+$0xFFFFFFF0] =	vst v2;
	s13 =	sadd.s32 $0x40, s13;
	p0 =	slt.u32 s9, $0xFC  }
.Ltmp14:
0x1ea: {  	[tilespmem:s13+$0xFFFFFFE0] =	vst v2;
	(pc) =	sbr.rel @p0 .LBB2_30-.Ltmp14, $3  }
0x1eb: {  	_ =	sdelay $0x1  }
0x1ec: {  	[tilespmem:s13+$0x10] =	vst v2  }
0x1ed: {  	s2 =	simm.s32 $0x2010;
	[tilespmem:s13+$0x0] =	vst v2  }
0x1ee: {  	[tilespmem:s13+$0xFFFFFFF0] =	vst v2;
	s9 =	simm.s32 $0xFFFFFFFE  }
.LBB2_32:
0x1ef: {  	v4 =	vld [tilespmem:s2+$0xFFFFFFF0];
	_ =	sdelay $0x4  }
0x1f0: {  	v4 =	vxor.u32 $0xFFFFFFFF, v4  }
0x1f1: {  	v4 =	vshrl.u32 v4, $0x14  }
0x1f2: {  	v4 =	vand.u32 $0xFF0, v4  }
0x1f3: {  	v4 =	vor.u32 v1, v4;
	_ =	sdelay $0x4  }
0x1f4: {  	v5 =	vld.idx.msk [tilespmem:v4+s22+$0x0], $0xffff;
	_ =	sdelay $0x4  }
0x1f5: {  	v5 =	vadd.s32 $0x1, v5  }
0x1f6: {  	[tilespmem:v4+s22+$0x0] =	vst.idx.msk $0xffff, v5  }
0x1f7: {  	v4 =	vld [tilespmem:s2+$0x0];
	_ =	sdelay $0x4  }
0x1f8: {  	v4 =	vxor.u32 $0xFFFFFFFF, v4  }
0x1f9: {  	v4 =	vshrl.u32 v4, $0x14  }
0x1fa: {  	v4 =	vand.u32 $0xFF0, v4  }
0x1fb: {  	v4 =	vor.u32 v1, v4;
	_ =	sdelay $0x4  }
0x1fc: {  	s9 =	sadd.s32 $0x2, s9;
	v5 =	vld.idx.msk [tilespmem:v4+s22+$0x0], $0xffff  }
0x1fd: {  	p0 =	slt.u32 s9, $0xFE  }
.Ltmp15:
0x1fe: {  	_ = 	snop;
	(pc) =	sbr.rel @p0 .LBB2_32-.Ltmp15, $3  }
0x1ff: {  	_ =	sdelay $0x1  }
0x200: {  	v5 =	vadd.s32 $0x1, v5  }
0x201: {  	s13 =	simm.s32 $0x0;
	s12 =	simm.s32 $0x4010;
	s2 =	sadd.s32 $0x20, s2;
	[tilespmem:v4+s22+$0x0] =	vst.idx.msk $0xffff, v5  }
0x202: {  	v6 =	vld [tilespmem:s12+$0xFFFFFFF0];
	_ =	sdelay $0x4  }
0x203: {  	(xrf0) =	vadd.scan.msk.s32 $0xffff, v6;
	_ =	sdelay $0x5  }
0x204: {  	v7, _, _ =	vpop (xrf0)  }
0x205: {  	v4 =	vxor.u32 $0x80000000, v7  }
0x206: {  	(xrf0) =	vmax.scan.msk.u32 $0xffff, v4;
	_ =	sdelay $0x1  }
0x207: {  	v8 =	vld [tilespmem:s12+$0x0];
	_ =	sdelay $0x3  }
0x208: {  	v4, _, _ =	vpop (xrf0)  }
0x209: {  	(xrf0) =	vadd.scan.msk.s32 $0xffff, v8;
	(v2sf) =	vpush v4, $0xF  }
0x20a: {  	s9 =	simm.s32 $0x4030  }
0x20b: {  	v4 =	vld [tilespmem:s9+$0xFFFFFFF0];
	_ =	sdelay $0x3  }
0x20c: {  	v9, _, _ =	vpop (xrf0)  }
0x20d: {  	v5 =	vxor.u32 $0x80000000, v9;
	(xrf0) =	vadd.scan.msk.s32 $0xffff, v4  }
0x20e: {  	(xrf0) =	vmax.scan.msk.u32 $0xffff, v5;
	_ =	sdelay $0x4  }
0x20f: {  	v6 =	vsub.s32 s13, v6;
	v5, _, _ =	vpop (xrf0)  }
0x210: {  	v6 =	vadd.s32 v7, v6;
	v7, _, _ =	vpop (xrf0)  }
0x211: {  	s2 =	spop (v2sf);
	(v2sf) =	vpush v7, $0xF;
	_ =	sdelay $0x6  }
0x212: {  	v7 =	vxor.u32 $0x80000000, v5  }
0x213: {  	(xrf0) =	vmax.scan.msk.u32 $0xffff, v7;
	_ =	sdelay $0x1  }
0x214: {  	s2 =	sadd.s32 $0x0, s2  }
0x215: {  	v8 =	vsub.s32 v9, v8;
	s31 =	sadd.s32 $0x80000000, s2  }
0x216: {  	[tilespmem:s12+$0xFFFFFFF0] =	vst v6;
	v6 =	vadd.s32 s31, v8  }
0x217: {  	[tilespmem:s12+$0x0] =	vst v6  }
0x218: {  	v8 =	vld [tilespmem:s9+$0x0];
	v9, _, _ =	vpop (xrf0)  }
0x219: {  	s2 =	simm.s32 $0x4050;
	s14 =	spop (v2sf);
	(v2sf) =	vpush v9, $0xF  }
0x21a: {  	v6 =	vld [tilespmem:s2+$0xFFFFFFF0];
	_ =	sdelay $0x2  }
0x21b: {  	(xrf0) =	vadd.scan.msk.s32 $0xffff, v8;
	_ =	sdelay $0x1  }
0x21c: {  	(xrf0) =	vadd.scan.msk.s32 $0xffff, v6;
	_ =	sdelay $0x3  }
0x21d: {  	v10, _, _ =	vpop (xrf0)  }
0x21e: {  	v11 =	vxor.u32 $0x80000000, v10  }
0x21f: {  	v7, _, _ =	vpop (xrf0);
	(xrf0) =	vmax.scan.msk.u32 $0xffff, v11  }
0x220: {  	v11 =	vxor.u32 $0x80000000, v7  }
0x221: {  	s12 =	simm.s32 $0x4;
	s13 =	sadd.s32 s14, s31;
	v8 =	vsub.s32 v10, v8;
	(xrf0) =	vmax.scan.msk.u32 $0xffff, v11  }
.LBB2_34:
0x222: {  	s12 =	sadd.s32 $0x2, s12;
	s14 =	spop (v2sf);
	s13 =	sadd.s32 $0x80000000, s13  }
0x223: {  	p0 =	slt.u32 s12, $0xFE;
	v9 =	vsub.s32 s13, v4;
	s13 =	sadd.s32 s14, s13;
	v4 =	vmov v6  }
0x224: {  	v6 =	vadd.s32 v5, v9;
	s13 =	sadd.s32 $0x80000000, s13;
	v5 =	vmov v7  }
0x225: {  	[tilespmem:s9+$0xFFFFFFF0] =	vst v6;
	v3 =	vadd.s32 s13, v8;
	v7, _, _ =	vpop (xrf0)  }
0x226: {  	[tilespmem:s9+$0x0] =	vst v3;
	(v2sf) =	vpush v7, $0xF;
	s9 =	smov.u32 s2  }
0x227: {  	v7 =	vld [tilespmem:s2+$0x0];
	v6, _, _ =	vpop (xrf0)  }
0x228: {  	s2 =	sadd.s32 $0x20, s2;
	(v2sf) =	vpush v6, $0xF  }
0x229: {  	v6 =	vld [tilespmem:s2+$0xFFFFFFF0];
	_ =	sdelay $0x2  }
0x22a: {  	(xrf0) =	vadd.scan.msk.s32 $0xffff, v7;
	_ =	sdelay $0x1  }
0x22b: {  	(xrf0) =	vadd.scan.msk.s32 $0xffff, v6;
	_ =	sdelay $0x3  }
.Ltmp16:
0x22c: {  	v9, _, _ =	vpop (xrf0);
	(pc) =	sbr.rel @p0 .LBB2_34-.Ltmp16, $4  }
0x22d: {  	v8 =	vsub.s32 v9, v7;
	v9 =	vxor.u32 $0x80000000, v9  }
0x22e: {  	v7, _, _ =	vpop (xrf0);
	(xrf0) =	vmax.scan.msk.u32 $0xffff, v9  }
0x22f: {  	v9 =	vxor.u32 $0x80000000, v7;
	s14 =	spop (v2sf)  }
0x230: {  	(xrf0) =	vmax.scan.msk.u32 $0xffff, v9;
	s13 =	sadd.s32 s14, s13  }
0x231: {  	s12 =	spop (v2sf);
	s13 =	sadd.s32 $0x80000000, s13  }
0x232: {  	v4 =	vsub.s32 s13, v4;
	s12 =	sadd.s32 s12, s13  }
0x233: {  	v4 =	vadd.s32 v5, v4;
	s12 =	sadd.s32 $0x80000000, s12  }
0x234: {  	[tilespmem:s9+$0xFFFFFFF0] =	vst v4;
	v59 =	vadd.s32 s12, v8  }
0x235: {  	[tilespmem:s9+$0x0] =	vst v59  }
0x236: {  	v4 =	vld [tilespmem:s2+$0x0];
	_ =	sdelay $0x4  }
0x237: {  	(xrf0) =	vadd.scan.msk.s32 $0xffff, v4;
	_ =	sdelay $0x3  }
0x238: {  	v60, _, _ =	vpop (xrf0)  }
0x239: {  	v61, _, _ =	vpop (xrf0)  }
0x23a: {  	v9, _, _ =	vpop (xrf0)  }
0x23b: {  	v10 =	vxor.u32 $0x80000000, v9  }
0x23c: {  	(xrf0) =	vmax.scan.msk.u32 $0xffff, v10  }
0x23d: {  	(v2sf) =	vpush v60, $0xF;
	_ =	sdelay $0x1  }
0x23e: {  	(v2sf) =	vpush v61, $0xF;
	_ =	sdelay $0x2  }
0x23f: {  	v62, _, _ =	vpop (xrf0)  }
0x240: {  	(v2sf) =	vpush v62, $0xF;
	_ =	sdelay $0x8  }
0x241: {  	s29 =	spop (v2sf)  }
0x242: {  	s9 =	sadd.s32 s29, s12  }
0x243: {  	s30 =	spop (v2sf);
	s9 =	sadd.s32 $0x80000000, s9  }
0x244: {  	v63 =	vsub.s32 s9, v6;
	s9 =	sadd.s32 s30, s9  }
0x245: {  	v4 =	vsub.s32 v9, v4;
	v5 =	vadd.s32 v7, v63;
	s9 =	sadd.s32 $0x80000000, s9  }
0x246: {  	s12 =	simm.s32 $0x3010;
	[tilespmem:s2+$0xFFFFFFF0] =	vst v5;
	v4 =	vadd.s32 s9, v4  }
0x247: {  	s9 =	simm.s32 $0x2010;
	[tilespmem:s2+$0x0] =	vst v4;
	s2 =	simm.s32 $0xFFFFFFFE;
	s31 =	spop (v2sf)  }
.LBB2_36:
0x248: {  	v4 =	vld [tilespmem:s9+$0xFFFFFFF0];
	_ =	sdelay $0x4  }
0x249: {  	v5 =	vxor.u32 $0xFFFFFFFF, v4  }
0x24a: {  	v5 =	vshrl.u32 v5, $0x14  }
0x24b: {  	v5 =	vand.u32 $0xFF0, v5  }
0x24c: {  	v5 =	vor.u32 v1, v5;
	_ =	sdelay $0x4  }
0x24d: {  	v6 =	vld.idx.msk [tilespmem:v5+s22+$0x0], $0xffff;
	_ =	sdelay $0x3  }
0x24e: {  	v7 =	vld [tilespmem:s12+$0xFFFFFFF0];
	_ =	sdelay $0x1  }
0x24f: {  	v8 =	vadd.s32 $0x1, v6  }
0x250: {  	[tilespmem:v5+s22+$0x0] =	vst.idx.msk $0xffff, v8  }
0x251: {  	[tilespmem:v6+s3+$0x0] =	vst.idx.msk $0xffff, v4  }
0x252: {  	[tilespmem:v6+s21+$0x0] =	vst.idx.msk $0xffff, v7  }
0x253: {  	v4 =	vld [tilespmem:s9+$0x0];
	_ =	sdelay $0x4  }
0x254: {  	v62 =	vxor.u32 $0xFFFFFFFF, v4  }
0x255: {  	v5 =	vshrl.u32 v62, $0x14  }
0x256: {  	v5 =	vand.u32 $0xFF0, v5  }
0x257: {  	v5 =	vor.u32 v1, v5;
	_ =	sdelay $0x4  }
0x258: {  	v6 =	vld.idx.msk [tilespmem:v5+s22+$0x0], $0xffff;
	_ =	sdelay $0x2  }
0x259: {  	s2 =	sadd.s32 $0x2, s2  }
0x25a: {  	p0 =	slt.u32 s2, $0xFE;
	v7 =	vld [tilespmem:s12+$0x0]  }
.Ltmp17:
0x25b: {  	_ = 	snop;
	(pc) =	sbr.rel @p0 .LBB2_36-.Ltmp17, $4  }
0x25c: {  	v63 =	vadd.s32 $0x1, v6  }
0x25d: {  	[tilespmem:v5+s22+$0x0] =	vst.idx.msk $0xffff, v63  }
0x25e: {  	[tilespmem:v6+s3+$0x0] =	vst.idx.msk $0xffff, v4  }
0x25f: {  	s12 =	sadd.s32 $0x20, s12;
	s9 =	sadd.s32 $0x20, s9;
	[tilespmem:v6+s21+$0x0] =	vst.idx.msk $0xffff, v7  }
0x260: {  	s1 =	rddreg [dreg:$0xf]  }
0x261: {  	[hbm4b:s1+s15] =	stream.strided.scatter [tilespmem:s21], [sflag:$0x5], $0x800, s16, s15, $0x38;
	[tilespmem:$0x1B200] =	vst v63  }
0x262: {  	_ =	swait.ge [sflag:s17], $0x800  }
0x263: {  	[sflag:s17] =	ssyncset.done $0x0  }
0x264: {  	[sflag:s17] =	ssyncadd.s32 $0xFFFFF800  }
0x265: {  	v4 =	vld [tilespmem:$0x0];
	_ =	sdelay $0x4  }
0x266: {  	(xrf0) =	vmax.scan.msk.f32 $0xffff, v4;
	_ =	sdelay $0x2  }
0x267: {  	s2 =	simm.s32 $0x0  }
0x268: {  	v5 =	vld [tilespmem:s2+$0x0];
	_ =	sdelay $0x1  }
0x269: {  	s9 =	simm.s32 $0x10;
	v4, _, _ =	vpop (xrf0)  }
0x26a: {  	v6 =	vld [tilespmem:s9+$0x0];
	v4 =	vbroadcast v4, $0xF;
	_ =	sdelay $0x1  }
0x26b: {  	v5 =	vsub.f32 v5, v4;
	_ =	sdelay $0x1  }
0x26c: {  	v5 =	vmul.f32 $1.442695020e+00, v5  }
0x26d: {  	v6 =	vsub.f32 v6, v4  }
0x26e: {  	(erf) = vpow2.f32 v5  }
0x26f: {  	v7 =	vmul.f32 $1.442695020e+00, v6  }
0x270: {  	s12 =	simm.s32 $0x20  }
0x271: {  	v6 =	vld [tilespmem:s12+$0x0];
	(erf) = vpow2.f32 v7;
	_ =	sdelay $0x2  }
0x272: {  	s13 =	simm.s32 $0xC0;
	v5 =	vimm.f32 $0.0e+00  }
.LBB2_38:
0x273: {  	p0 =	sne.s32 s13, $0x1FC0  }
.Ltmp18:
0x274: {  	s14 =	sshra.s32 s13, $0x2;
	s13 =	sadd.s32 $0x40, s13;
	v7 =	vsub.f32 v6, v4;
	(pc) =	sbr.rel @p0 .LBB2_38-.Ltmp18, $4  }
0x275: {  	v6 =	vld [tilespmem:s14+$0x0];
	v8 =	vpop (erf)  }
0x276: {  	v7 =	vmul.f32 $1.442695020e+00, v7;
	[tilespmem:s2+$0x6000] =	vst v8;
	v5 =	vadd.f32 v8, v5;
	s2 =	smov.u32 s9;
	s9 =	smov.u32 s12;
	s12 =	smov.u32 s14  }
0x277: {  	_ = 	snop  }
0x278: {  	(erf) = vpow2.f32 v7  }
0x279: {  	_ = 	snop  }
0x27a: {  	v4 =	vsub.f32 v6, v4;
	_ =	sdelay $0x1  }
0x27b: {  	v4 =	vmul.f32 $1.442695020e+00, v4;
	_ =	sdelay $0x1  }
0x27c: {  	(erf) = vpow2.f32 v4;
	_ =	sdelay $0x4  }
0x27d: {  	v4 =	vpop (erf)  }
0x27e: {  	v5 =	vadd.f32 v4, v5  }
0x27f: {  	v6 =	vpop (erf)  }
0x280: {  	v5 =	vadd.f32 v6, v5  }
0x281: {  	v7 =	vpop (erf)  }
0x282: {  	v5 =	vadd.f32 v7, v5;
	_ =	sdelay $0x1  }
0x283: {  	(xrf2) =	vadd.scan.msk.f32 $0xffff, v5;
	_ =	sdelay $0x9  }
0x284: {  	v5, _, _ =	vpop (xrf2)  }
0x285: {  	v5 =	vbroadcast v5, $0xF;
	_ =	sdelay $0x1  }
0x286: {  	(erf) = vrcp.f32 v5;
	_ =	sdelay $0x6  }
0x287: {  	[tilespmem:s2+$0x6000] =	vst v4  }
0x288: {  	[tilespmem:s9+$0x6000] =	vst v6  }
0x289: {  	s2 =	simm.s32 $0x0;
	s9 =	simm.s32 $0x40;
	[tilespmem:s12+$0x6000] =	vst v7;
	v4 =	vpop (erf)  }
.LBB2_40:
0x28a: {  	p0 =	sne.s32 s9, $0x1FC0;
	v5 =	vld [tilespmem:s2+$0x6000];
	_ =	sdelay $0x2  }
.Ltmp19:
0x28b: {  	(pc) =	sbr.rel @p0 .LBB2_40-.Ltmp19, $3  }
0x28c: {  	_ = 	snop  }
0x28d: {  	v5 =	vmul.f32 v5, v4;
	_ =	sdelay $0x1  }
0x28e: {  	[tilespmem:s2+$0x6000] =	vst v5;
	s2 =	sshra.s32 s9, $0x2;
	s9 =	sadd.s32 $0x40, s9  }
0x28f: {  	v5 =	vld [tilespmem:s2+$0x6000];
	_ =	sdelay $0x4  }
0x290: {  	v4 =	vmul.f32 v5, v4;
	_ =	sdelay $0x1  }
0x291: {  	s1 =	rddreg [dreg:$0x10];
	s30 =	simm.s32 $0x6000;
	[tilespmem:s2+$0x6000] =	vst v4  }
0x292: {  	[hbm4b:s1+s15] =	stream.strided.scatter [tilespmem:s30], [sflag:$0x5], $0x800, s16, s15, $0x38;
	[tilespmem:$0x1B200] =	vst v63  }
0x293: {  	_ =	swait.ge [sflag:s17], $0x800  }
0x294: {  	[sflag:s17] =	ssyncset.done $0x0  }
0x295: {  	[sflag:s17] =	ssyncadd.s32 $0xFFFFF800  }
0x296: {  	v4 =	vld [tilespmem:$0x800];
	_ =	sdelay $0x4  }
0x297: {  	(xrf0) =	vmax.scan.msk.f32 $0xffff, v4;
	_ =	sdelay $0x1  }
0x298: {  	s31 =	simm.s32 $0x0  }
0x299: {  	s2 =	sand.u32 $0x7F0, s31  }
0x29a: {  	v5 =	vld [tilespmem:s2+$0x800];
	_ =	sdelay $0x1  }
0x29b: {  	v4, _, _ =	vpop (xrf0)  }
0x29c: {  	v4 =	vbroadcast v4, $0xF;
	_ =	sdelay $0x1  }
0x29d: {  	v5 =	vsub.f32 v5, v4;
	_ =	sdelay $0x1  }
0x29e: {  	v5 =	vmul.f32 $1.442695020e+00, v5;
	_ =	sdelay $0x1  }
0x29f: {  	(erf) = vpow2.f32 v5;
	_ =	sdelay $0x8  }
0x2a0: {  	s9 =	simm.s32 $0x10;
	s7 =	simm.s32 $0xD800;
	s2 =	simm.s32 $0x6800;
	v5 =	vimm.f32 $0.0e+00;
	v6 =	vpop (erf)  }
0x2a1: {  	s6 =	simm.s32 $0xE000;
	s12 =	sand.u32 $0x7F0, s9;
	s9 =	simm.s32 $0x20;
	[tilespmem:s2+$0x0] =	vst v6;
	v5 =	vadd.f32 v6, v5  }
.LBB2_42:
0x2a2: {  	p0 =	sne.s32 s9, $0x7F0;
	v6 =	vld [tilespmem:s12+$0x800];
	_ =	sdelay $0x4  }
0x2a3: {  	v6 =	vsub.f32 v6, v4;
	_ =	sdelay $0x1  }
0x2a4: {  	v6 =	vmul.f32 $1.442695020e+00, v6;
	_ =	sdelay $0x1  }
0x2a5: {  	(erf) = vpow2.f32 v6;
	_ =	sdelay $0x5  }
.Ltmp20:
0x2a6: {  	(pc) =	sbr.rel @p0 .LBB2_42-.Ltmp20, $3  }
0x2a7: {  	_ =	sdelay $0x1  }
0x2a8: {  	s2 =	sadd.s32 $0x10, s2;
	v6 =	vpop (erf)  }
0x2a9: {  	s12 =	sand.u32 $0x7F0, s9;
	s9 =	sadd.s32 $0x10, s9;
	[tilespmem:s2+$0x0] =	vst v6;
	v5 =	vadd.f32 v6, v5  }
0x2aa: {  	v6 =	vld [tilespmem:s12+$0x800];
	_ =	sdelay $0x4  }
0x2ab: {  	v4 =	vsub.f32 v6, v4;
	_ =	sdelay $0x1  }
0x2ac: {  	v4 =	vmul.f32 $1.442695020e+00, v4;
	_ =	sdelay $0x1  }
0x2ad: {  	(erf) = vpow2.f32 v4;
	_ =	sdelay $0x8  }
0x2ae: {  	v4 =	vpop (erf)  }
0x2af: {  	v5 =	vadd.f32 v4, v5;
	_ =	sdelay $0x1  }
0x2b0: {  	(xrf2) =	vadd.scan.msk.f32 $0xffff, v5;
	_ =	sdelay $0x9  }
0x2b1: {  	v5, _, _ =	vpop (xrf2)  }
0x2b2: {  	v5 =	vbroadcast v5, $0xF;
	_ =	sdelay $0x1  }
0x2b3: {  	(erf) = vrcp.f32 v5;
	_ =	sdelay $0x7  }
0x2b4: {  	s2 =	sadd.s32 $0x10, s2  }
0x2b5: {  	s9 =	simm.s32 $0x0;
	s12 =	simm.s32 $0x40;
	[tilespmem:s2+$0x0] =	vst v4;
	s2 =	simm.s32 $0x0;
	v4 =	vpop (erf)  }
.LBB2_44:
0x2b6: {  	p0 =	sne.s32 s12, $0x1FC0;
	v5 =	vld [tilespmem:s9+$0x6800];
	_ =	sdelay $0x2  }
.Ltmp21:
0x2b7: {  	(pc) =	sbr.rel @p0 .LBB2_44-.Ltmp21, $3  }
0x2b8: {  	_ = 	snop  }
0x2b9: {  	v5 =	vmul.f32 v5, v4;
	_ =	sdelay $0x1  }
0x2ba: {  	[tilespmem:s9+$0x6800] =	vst v5;
	s9 =	sshra.s32 s12, $0x2;
	s12 =	sadd.s32 $0x40, s12  }
0x2bb: {  	v5 =	vld [tilespmem:s9+$0x6800];
	_ =	sdelay $0x4  }
0x2bc: {  	v4 =	vmul.f32 v5, v4;
	_ =	sdelay $0x1  }
0x2bd: {  	[tilespmem:s9+$0x6800] =	vst v4  }
.LBB2_46:
0x2be: {  	p0 =	sne.s32 s2, $0x3FC0  }
.Ltmp22:
0x2bf: {  	_ = 	snop;
	(pc) =	sbr.rel @p0 .LBB2_46-.Ltmp22, $3  }
0x2c0: {  	_ =	sdelay $0x1  }
0x2c1: {  	s9 =	sshra.s32 s2, $0x2  }
0x2c2: {  	s2 =	sadd.s32 $0x40, s2;
	[tilespmem:s9+$0x7000] =	vst v17  }
0x2c3: {  	s9 =	simm.s32 $0x0;
	s2 =	simm.s32 $0x40  }
.LBB2_48:
0x2c4: {  	p0 =	sne.s32 s2, $0x1FC0;
	v4 =	vld [tilespmem:s9+$0x1000];
	_ =	sdelay $0x3  }
.Ltmp23:
0x2c5: {  	(pc) =	sbr.rel @p0 .LBB2_48-.Ltmp23, $2  }
0x2c6: {  	_ =	sdelay $0x2  }
0x2c7: {  	s9 =	sshra.s32 s2, $0x2;
	s2 =	sadd.s32 $0x40, s2;
	[tilespmem:v4+s26+$0x0] =	vst.idx.msk $0xffff, v18  }
0x2c8: {  	v4 =	vld [tilespmem:s9+$0x1000];
	_ =	sdelay $0x7  }
0x2c9: {  	s1 =	rddreg [dreg:$0x11];
	[tilespmem:v4+s26+$0x0] =	vst.idx.msk $0xffff, v18  }
0x2ca: {  	[hbm4b:s1+s15] =	stream.strided.scatter [tilespmem:s26], [sflag:$0x5], $0x1000, s16, s15, $0x38;
	[tilespmem:$0x1B200] =	vst v63  }
0x2cb: {  	_ =	swait.ge [sflag:s17], $0x1000  }
0x2cc: {  	[sflag:s17] =	ssyncset.done $0x0  }
0x2cd: {  	s2 =	simm.s32 $0x0;
	[sflag:s17] =	ssyncadd.s32 $0xFFFFF000  }
0x2ce: {  	s9 =	simm.s32 $0x40;
	v4 =	vld [tilespmem:s2+$0x1000]  }
.LBB2_50:
0x2cf: {  	p0 =	sne.s32 s9, $0x3FC0  }
.Ltmp24:
0x2d0: {  	_ = 	snop;
	(pc) =	sbr.rel @p0 .LBB2_50-.Ltmp24, $3  }
0x2d1: {  	_ =	sdelay $0x1  }
0x2d2: {  	s12 =	sshra.s32 s9, $0x2;
	s9 =	sadd.s32 $0x40, s9;
	v5 =	vadd.s32 v0, v4  }
0x2d3: {  	v4 =	vld [tilespmem:s12+$0x1000];
	[tilespmem:s2+$0x5000] =	vst v5;
	s2 =	smov.u32 s12  }
0x2d4: {  	_ =	sdelay $0x3  }
0x2d5: {  	v4 =	vadd.s32 v0, v4  }
0x2d6: {  	[tilespmem:s2+$0x5000] =	vst v4  }
0x2d7: {  	v4 =	vld [tilespmem:$0x5000];
	_ =	sdelay $0x4  }
0x2d8: {  	v5 =	vshll.u32 v4, $0x2  }
0x2d9: {  	v4 =	vand.u32 $0x7, v4;
	v5 =	vand.u32 $0xFFFFFFE0, v5  }
0x2da: {  	v7 =	vand.u32 $0x7, v1;
	v4 =	vor.u32 v4, v5;
	v5 =	vshrl.u32 v1, $0x3  }
0x2db: {  	v6 =	vperm.xlane v4, v7;
	v63 =	vmul.u32 $0x8, v5;
	_ =	sdelay $0x1  }
0x2dc: {  	v5 =	vadd.s32 v63, v6  }
0x2dd: {  	v1 =	vor.u32 $0x8, v1  }
0x2de: {  	v4 =	vperm.xlane v4, v1;
	_ =	sdelay $0x1  }
0x2df: {  	s9 =	simm.s32 $0x0;
	v4 =	vadd.s32 v63, v4  }
0x2e0: {  	[tilespmem:s4], [sflag:$0x1] =	stream.indirect_vreg.gather [hbm4b:s0+s9], $0x80, v5, vm0, $0xb8;
	[tilespmem:$0x1B200] =	vst v63  }
0x2e1: {  	_ = 	snop  }
0x2e2: {  	[tilespmem:s24], [sflag:$0x1] =	stream.indirect_vreg.gather [hbm4b:s10+s9], $0x80, v5, vm0, $0xb8;
	[tilespmem:$0x1B200] =	vst v63  }
0x2e3: {  	_ = 	snop  }
0x2e4: {  	[tilespmem:s25], [sflag:$0x1] =	stream.indirect_vreg.gather [hbm4b:s0+s9], $0x80, v4, vm0, $0xb8;
	[tilespmem:$0x1B200] =	vst v63  }
0x2e5: {  	_ = 	snop  }
0x2e6: {  	[tilespmem:s28], [sflag:$0x1] =	stream.indirect_vreg.gather [hbm4b:s10+s9], $0x80, v4, vm0, $0xb8;
	[tilespmem:$0x1B200] =	vst v63  }
0x2e7: {  	v4 =	vld [tilespmem:$0x5010];
	_ =	sdelay $0x4  }
0x2e8: {  	v5 =	vshll.u32 v4, $0x2  }
0x2e9: {  	v4 =	vand.u32 $0x7, v4;
	v5 =	vand.u32 $0xFFFFFFE0, v5  }
0x2ea: {  	v4 =	vor.u32 v4, v5  }
0x2eb: {  	v5 =	vperm.xlane v4, v7;
	_ =	sdelay $0x1  }
0x2ec: {  	v5 =	vadd.s32 v63, v5;
	_ =	sdelay $0x1  }
0x2ed: {  	v4 =	vperm.xlane v4, v1;
	_ =	sdelay $0x1  }
0x2ee: {  	s1 =	simm.s32 $0xD000;
	v4 =	vadd.s32 v63, v4  }
0x2ef: {  	[tilespmem:s1], [sflag:$0x1] =	stream.indirect_vreg.gather [hbm4b:s0+s9], $0x80, v5, vm0, $0xb8;
	[tilespmem:$0x1B200] =	vst v63  }
0x2f0: {  	_ = 	snop  }
0x2f1: {  	[tilespmem:s7], [sflag:$0x1] =	stream.indirect_vreg.gather [hbm4b:s10+s9], $0x80, v5, vm0, $0xb8;
	[tilespmem:$0x1B200] =	vst v63  }
0x2f2: {  	_ = 	snop  }
0x2f3: {  	[tilespmem:s6], [sflag:$0x1] =	stream.indirect_vreg.gather [hbm4b:s0+s9], $0x80, v4, vm0, $0xb8;
	[tilespmem:$0x1B200] =	vst v63  }
0x2f4: {  	s16 =	simm.s32 $0xE800  }
0x2f5: {  	[tilespmem:s16], [sflag:$0x1] =	stream.indirect_vreg.gather [hbm4b:s10+s9], $0x80, v4, vm0, $0xb8;
	[tilespmem:$0x1B200] =	vst v63  }
0x2f6: {  	v4 =	vld [tilespmem:$0x5020];
	_ =	sdelay $0x4  }
0x2f7: {  	v5 =	vshll.u32 v4, $0x2  }
0x2f8: {  	v4 =	vand.u32 $0x7, v4;
	v5 =	vand.u32 $0xFFFFFFE0, v5  }
0x2f9: {  	v4 =	vor.u32 v4, v5  }
0x2fa: {  	v5 =	vperm.xlane v4, v7;
	_ =	sdelay $0x1  }
0x2fb: {  	v5 =	vadd.s32 v63, v5;
	_ =	sdelay $0x1  }
0x2fc: {  	v4 =	vperm.xlane v4, v1;
	_ =	sdelay $0x1  }
0x2fd: {  	s17 =	simm.s32 $0xF000;
	v4 =	vadd.s32 v63, v4  }
0x2fe: {  	[tilespmem:s17], [sflag:$0x1] =	stream.indirect_vreg.gather [hbm4b:s0+s9], $0x80, v5, vm0, $0xb8;
	[tilespmem:$0x1B200] =	vst v63  }
0x2ff: {  	s17 =	simm.s32 $0xF800  }
0x300: {  	[tilespmem:s17], [sflag:$0x1] =	stream.indirect_vreg.gather [hbm4b:s10+s9], $0x80, v5, vm0, $0xb8;
	[tilespmem:$0x1B200] =	vst v63  }
0x301: {  	_ = 	snop  }
0x302: {  	[tilespmem:s5], [sflag:$0x1] =	stream.indirect_vreg.gather [hbm4b:s0+s9], $0x80, v4, vm0, $0xb8;
	[tilespmem:$0x1B200] =	vst v63  }
0x303: {  	_ = 	snop  }
0x304: {  	[tilespmem:s11], [sflag:$0x1] =	stream.indirect_vreg.gather [hbm4b:s10+s9], $0x80, v4, vm0, $0xb8;
	[tilespmem:$0x1B200] =	vst v63  }
0x305: {  	v4 =	vld [tilespmem:$0x5030];
	_ =	sdelay $0x4  }
0x306: {  	v5 =	vshll.u32 v4, $0x2  }
0x307: {  	v4 =	vand.u32 $0x7, v4;
	v5 =	vand.u32 $0xFFFFFFE0, v5  }
0x308: {  	v4 =	vor.u32 v4, v5  }
0x309: {  	v5 =	vperm.xlane v4, v7;
	_ =	sdelay $0x1  }
0x30a: {  	v5 =	vadd.s32 v63, v5;
	_ =	sdelay $0x1  }
0x30b: {  	v4 =	vperm.xlane v4, v1;
	_ =	sdelay $0x1  }
0x30c: {  	v4 =	vadd.s32 v63, v4  }
0x30d: {  	[tilespmem:s18], [sflag:$0x1] =	stream.indirect_vreg.gather [hbm4b:s0+s9], $0x80, v5, vm0, $0xb8;
	[tilespmem:$0x1B200] =	vst v63  }
0x30e: {  	_ = 	snop  }
0x30f: {  	[tilespmem:s19], [sflag:$0x1] =	stream.indirect_vreg.gather [hbm4b:s10+s9], $0x80, v5, vm0, $0xb8;
	[tilespmem:$0x1B200] =	vst v63  }
0x310: {  	_ = 	snop  }
0x311: {  	[tilespmem:s20], [sflag:$0x1] =	stream.indirect_vreg.gather [hbm4b:s0+s9], $0x80, v4, vm0, $0xb8;
	[tilespmem:$0x1B200] =	vst v63  }
0x312: {  	_ = 	snop  }
0x313: {  	[tilespmem:s23], [sflag:$0x1] =	stream.indirect_vreg.gather [hbm4b:s10+s9], $0x80, v4, vm0, $0xb8;
	[tilespmem:$0x1B200] =	vst v63  }
0x314: {  	v4 =	vld [tilespmem:$0x5040];
	_ =	sdelay $0x4  }
0x315: {  	v5 =	vshll.u32 v4, $0x2  }
0x316: {  	v4 =	vand.u32 $0x7, v4;
	v5 =	vand.u32 $0xFFFFFFE0, v5  }
0x317: {  	v4 =	vor.u32 v4, v5  }
0x318: {  	v5 =	vperm.xlane v4, v7;
	_ =	sdelay $0x1  }
0x319: {  	v5 =	vadd.s32 v63, v5;
	_ =	sdelay $0x1  }
0x31a: {  	v4 =	vperm.xlane v4, v1;
	_ =	sdelay $0x1  }
0x31b: {  	s1 =	simm.s32 $0x13000;
	v4 =	vadd.s32 v63, v4  }
0x31c: {  	[tilespmem:s1], [sflag:$0x2] =	stream.indirect_vreg.gather [hbm4b:s0+s9], $0x80, v5, vm0, $0xb8;
	[tilespmem:$0x1B200] =	vst v63  }
0x31d: {  	s23 =	simm.s32 $0x13800  }
0x31e: {  	[tilespmem:s23], [sflag:$0x2] =	stream.indirect_vreg.gather [hbm4b:s10+s9], $0x80, v5, vm0, $0xb8;
	[tilespmem:$0x1B200] =	vst v63  }
0x31f: {  	s24 =	simm.s32 $0x14000  }
0x320: {  	[tilespmem:s24], [sflag:$0x2] =	stream.indirect_vreg.gather [hbm4b:s0+s9], $0x80, v4, vm0, $0xb8;
	[tilespmem:$0x1B200] =	vst v63  }
0x321: {  	s25 =	simm.s32 $0x14800  }
0x322: {  	[tilespmem:s25], [sflag:$0x2] =	stream.indirect_vreg.gather [hbm4b:s10+s9], $0x80, v4, vm0, $0xb8;
	[tilespmem:$0x1B200] =	vst v63  }
0x323: {  	v4 =	vld [tilespmem:$0x5050];
	_ =	sdelay $0x4  }
0x324: {  	v5 =	vshll.u32 v4, $0x2  }
0x325: {  	v4 =	vand.u32 $0x7, v4;
	v5 =	vand.u32 $0xFFFFFFE0, v5  }
0x326: {  	v4 =	vor.u32 v4, v5  }
0x327: {  	v5 =	vperm.xlane v4, v7;
	_ =	sdelay $0x1  }
0x328: {  	v5 =	vadd.s32 v63, v5;
	_ =	sdelay $0x1  }
0x329: {  	v4 =	vperm.xlane v4, v1;
	_ =	sdelay $0x1  }
0x32a: {  	s28 =	simm.s32 $0x15000;
	v4 =	vadd.s32 v63, v4  }
0x32b: {  	[tilespmem:s28], [sflag:$0x2] =	stream.indirect_vreg.gather [hbm4b:s0+s9], $0x80, v5, vm0, $0xb8;
	[tilespmem:$0x1B200] =	vst v63  }
0x32c: {  	s4 =	simm.s32 $0x15800  }
0x32d: {  	[tilespmem:s4], [sflag:$0x2] =	stream.indirect_vreg.gather [hbm4b:s10+s9], $0x80, v5, vm0, $0xb8;
	[tilespmem:$0x1B200] =	vst v63  }
0x32e: {  	s5 =	simm.s32 $0x16000  }
0x32f: {  	[tilespmem:s5], [sflag:$0x2] =	stream.indirect_vreg.gather [hbm4b:s0+s9], $0x80, v4, vm0, $0xb8;
	[tilespmem:$0x1B200] =	vst v63  }
0x330: {  	s7 =	simm.s32 $0x16800  }
0x331: {  	[tilespmem:s7], [sflag:$0x2] =	stream.indirect_vreg.gather [hbm4b:s10+s9], $0x80, v4, vm0, $0xb8;
	[tilespmem:$0x1B200] =	vst v63  }
0x332: {  	v4 =	vld [tilespmem:$0x5060];
	_ =	sdelay $0x4  }
0x333: {  	v5 =	vshll.u32 v4, $0x2  }
0x334: {  	v4 =	vand.u32 $0x7, v4;
	v5 =	vand.u32 $0xFFFFFFE0, v5  }
0x335: {  	v4 =	vor.u32 v4, v5  }
0x336: {  	v5 =	vperm.xlane v4, v7;
	_ =	sdelay $0x1  }
0x337: {  	v5 =	vadd.s32 v63, v5;
	_ =	sdelay $0x1  }
0x338: {  	v4 =	vperm.xlane v4, v1;
	_ =	sdelay $0x1  }
0x339: {  	s11 =	simm.s32 $0x17000;
	v4 =	vadd.s32 v63, v4  }
0x33a: {  	[tilespmem:s11], [sflag:$0x2] =	stream.indirect_vreg.gather [hbm4b:s0+s9], $0x80, v5, vm0, $0xb8;
	[tilespmem:$0x1B200] =	vst v63  }
0x33b: {  	s31 =	simm.s32 $0x17800  }
0x33c: {  	[tilespmem:s31], [sflag:$0x2] =	stream.indirect_vreg.gather [hbm4b:s10+s9], $0x80, v5, vm0, $0xb8;
	[tilespmem:$0x1B200] =	vst v63  }
0x33d: {  	s12 =	simm.s32 $0x18000  }
0x33e: {  	[tilespmem:s12], [sflag:$0x2] =	stream.indirect_vreg.gather [hbm4b:s0+s9], $0x80, v4, vm0, $0xb8;
	[tilespmem:$0x1B200] =	vst v63  }
0x33f: {  	s29 =	simm.s32 $0x18800  }
0x340: {  	[tilespmem:s29], [sflag:$0x2] =	stream.indirect_vreg.gather [hbm4b:s10+s9], $0x80, v4, vm0, $0xb8;
	[tilespmem:$0x1B200] =	vst v63  }
0x341: {  	v4 =	vld [tilespmem:$0x5070];
	_ =	sdelay $0x4  }
0x342: {  	v5 =	vshll.u32 v4, $0x2  }
0x343: {  	v4 =	vand.u32 $0x7, v4;
	v5 =	vand.u32 $0xFFFFFFE0, v5  }
0x344: {  	v4 =	vor.u32 v4, v5  }
0x345: {  	v5 =	vperm.xlane v4, v7;
	_ =	sdelay $0x1  }
0x346: {  	v5 =	vadd.s32 v63, v5  }
0x347: {  	s15 =	simm.s32 $0x12000;
	s13 =	simm.s32 $0x19000;
	s14 =	simm.s32 $0x19800  }
0x348: {  	s30 =	simm.s32 $0x10000;
	s2 =	simm.s32 $0x50F0;
	s6 =	simm.s32 $0x10800;
	v4 =	vperm.xlane v4, v1  }
0x349: {  	s16 =	simm.s32 $0x12800;
	s18 =	simm.s32 $0xB800;
	s19 =	simm.s32 $0x1A000  }
0x34a: {  	s20 =	simm.s32 $0xC000;
	s23 =	simm.s32 $0xC800;
	s24 =	simm.s32 $0xE000;
	v4 =	vadd.s32 v63, v4  }
0x34b: {  	[tilespmem:s13], [sflag:$0x2] =	stream.indirect_vreg.gather [hbm4b:s0+s9], $0x80, v5, vm0, $0xb8;
	[tilespmem:$0x1B200] =	vst v63  }
0x34c: {  	s25 =	simm.s32 $0xD800;
	s28 =	simm.s32 $0x1A800;
	s4 =	simm.s32 $0xB000  }
0x34d: {  	[tilespmem:s14], [sflag:$0x2] =	stream.indirect_vreg.gather [hbm4b:s10+s9], $0x80, v5, vm0, $0xb8;
	[tilespmem:$0x1B200] =	vst v63  }
0x34e: {  	s5 =	simm.s32 $0x4;
	s7 =	simm.s32 $0x11000;
	s11 =	simm.s32 $0x11800  }
0x34f: {  	[tilespmem:s19], [sflag:$0x2] =	stream.indirect_vreg.gather [hbm4b:s0+s9], $0x80, v4, vm0, $0xb8;
	[tilespmem:$0x1B200] =	vst v63  }
0x350: {  	s13 =	simm.s32 $0x2;
	s14 =	simm.s32 $0x1;
	s19 =	simm.s32 $0x3  }
0x351: {  	[tilespmem:s28], [sflag:$0x2] =	stream.indirect_vreg.gather [hbm4b:s10+s9], $0x80, v4, vm0, $0xb8;
	[tilespmem:$0x1B200] =	vst v63  }
.LBB2_52:
0x352: {  	_ =	swait.ge [sflag:s14], $0x8000  }
0x353: {  	s12 =	rddreg [dreg:$0xa];
	[sflag:s14] =	ssyncset.done $0x0  }
0x354: {  	[sflag:s14] =	ssyncadd.s32 $0xFFFF8000;
	s12 =	sadd.s32 s9, s12  }
0x355: {  	[hbm4b:s12+s3] =	stream.linear.scatter [tilespmem:s4], [sflag:$0x3], $0x8000, $0x38;
	[tilespmem:$0x1B200] =	vst v63  }
0x356: {  	_ =	swait.ge [sflag:s13], $0x8000  }
0x357: {  	s28 =	rddreg [dreg:$0xb];
	[sflag:s13] =	ssyncset.done $0x0  }
0x358: {  	[sflag:s13] =	ssyncadd.s32 $0xFFFF8000;
	s12 =	sadd.s32 s9, s28  }
0x359: {  	[hbm4b:s12+s3] =	stream.linear.scatter [tilespmem:s1], [sflag:$0x4], $0x8000, $0x38;
	[tilespmem:$0x1B200] =	vst v63  }
0x35a: {  	_ =	swait.ge [sflag:s19], $0x8000  }
0x35b: {  	[sflag:s19] =	ssyncset.done $0x0  }
0x35c: {  	[sflag:s19] =	ssyncadd.s32 $0xFFFF8000  }
0x35d: {  	v4 =	vld [tilespmem:s2+$0xFFFFFF90];
	_ =	sdelay $0x4  }
0x35e: {  	v5 =	vshll.u32 v4, $0x2  }
0x35f: {  	v4 =	vand.u32 $0x7, v4;
	v5 =	vand.u32 $0xFFFFFFE0, v5  }
0x360: {  	v4 =	vor.u32 v4, v5  }
0x361: {  	v5 =	vperm.xlane v4, v7;
	_ =	sdelay $0x1  }
0x362: {  	v5 =	vadd.s32 v63, v5;
	_ =	sdelay $0x1  }
0x363: {  	v4 =	vperm.xlane v4, v1;
	_ =	sdelay $0x1  }
0x364: {  	v4 =	vadd.s32 v63, v4  }
0x365: {  	[tilespmem:s4], [sflag:$0x1] =	stream.indirect_vreg.gather [hbm4b:s0+s3], $0x80, v5, vm0, $0xb8;
	[tilespmem:$0x1B200] =	vst v63  }
0x366: {  	_ = 	snop  }
0x367: {  	[tilespmem:s18], [sflag:$0x1] =	stream.indirect_vreg.gather [hbm4b:s10+s3], $0x80, v5, vm0, $0xb8;
	[tilespmem:$0x1B200] =	vst v63  }
0x368: {  	_ = 	snop  }
0x369: {  	[tilespmem:s20], [sflag:$0x1] =	stream.indirect_vreg.gather [hbm4b:s0+s3], $0x80, v4, vm0, $0xb8;
	[tilespmem:$0x1B200] =	vst v63  }
0x36a: {  	_ = 	snop  }
0x36b: {  	[tilespmem:s23], [sflag:$0x1] =	stream.indirect_vreg.gather [hbm4b:s10+s3], $0x80, v4, vm0, $0xb8;
	[tilespmem:$0x1B200] =	vst v63  }
0x36c: {  	v4 =	vld [tilespmem:s2+$0xFFFFFFA0];
	_ =	sdelay $0x4  }
0x36d: {  	v5 =	vshll.u32 v4, $0x2  }
0x36e: {  	v4 =	vand.u32 $0x7, v4;
	v5 =	vand.u32 $0xFFFFFFE0, v5  }
0x36f: {  	v4 =	vor.u32 v4, v5  }
0x370: {  	v5 =	vperm.xlane v4, v7;
	_ =	sdelay $0x1  }
0x371: {  	v5 =	vadd.s32 v63, v5;
	_ =	sdelay $0x1  }
0x372: {  	v4 =	vperm.xlane v4, v1;
	_ =	sdelay $0x1  }
0x373: {  	s12 =	simm.s32 $0xD000;
	v4 =	vadd.s32 v63, v4  }
0x374: {  	[tilespmem:s12], [sflag:$0x1] =	stream.indirect_vreg.gather [hbm4b:s0+s3], $0x80, v5, vm0, $0xb8;
	[tilespmem:$0x1B200] =	vst v63  }
0x375: {  	_ = 	snop  }
0x376: {  	[tilespmem:s25], [sflag:$0x1] =	stream.indirect_vreg.gather [hbm4b:s10+s3], $0x80, v5, vm0, $0xb8;
	[tilespmem:$0x1B200] =	vst v63  }
0x377: {  	_ = 	snop  }
0x378: {  	[tilespmem:s24], [sflag:$0x1] =	stream.indirect_vreg.gather [hbm4b:s0+s3], $0x80, v4, vm0, $0xb8;
	[tilespmem:$0x1B200] =	vst v63  }
0x379: {  	s28 =	simm.s32 $0xE800  }
0x37a: {  	[tilespmem:s28], [sflag:$0x1] =	stream.indirect_vreg.gather [hbm4b:s10+s3], $0x80, v4, vm0, $0xb8;
	[tilespmem:$0x1B200] =	vst v63  }
0x37b: {  	v4 =	vld [tilespmem:s2+$0xFFFFFFB0];
	_ =	sdelay $0x4  }
0x37c: {  	v5 =	vshll.u32 v4, $0x2  }
0x37d: {  	v4 =	vand.u32 $0x7, v4;
	v5 =	vand.u32 $0xFFFFFFE0, v5  }
0x37e: {  	v4 =	vor.u32 v4, v5  }
0x37f: {  	v5 =	vperm.xlane v4, v7;
	_ =	sdelay $0x1  }
0x380: {  	v5 =	vadd.s32 v63, v5;
	_ =	sdelay $0x1  }
0x381: {  	v4 =	vperm.xlane v4, v1;
	_ =	sdelay $0x1  }
0x382: {  	s28 =	simm.s32 $0xF000;
	v4 =	vadd.s32 v63, v4  }
0x383: {  	[tilespmem:s28], [sflag:$0x1] =	stream.indirect_vreg.gather [hbm4b:s0+s3], $0x80, v5, vm0, $0xb8;
	[tilespmem:$0x1B200] =	vst v63  }
0x384: {  	_ = 	snop  }
0x385: {  	[tilespmem:s17], [sflag:$0x1] =	stream.indirect_vreg.gather [hbm4b:s10+s3], $0x80, v5, vm0, $0xb8;
	[tilespmem:$0x1B200] =	vst v63  }
0x386: {  	_ = 	snop  }
0x387: {  	[tilespmem:s30], [sflag:$0x1] =	stream.indirect_vreg.gather [hbm4b:s0+s3], $0x80, v4, vm0, $0xb8;
	[tilespmem:$0x1B200] =	vst v63  }
0x388: {  	_ = 	snop  }
0x389: {  	[tilespmem:s6], [sflag:$0x1] =	stream.indirect_vreg.gather [hbm4b:s10+s3], $0x80, v4, vm0, $0xb8;
	[tilespmem:$0x1B200] =	vst v63  }
0x38a: {  	v4 =	vld [tilespmem:s2+$0xFFFFFFC0];
	_ =	sdelay $0x4  }
0x38b: {  	v5 =	vshll.u32 v4, $0x2  }
0x38c: {  	v4 =	vand.u32 $0x7, v4;
	v5 =	vand.u32 $0xFFFFFFE0, v5  }
0x38d: {  	v4 =	vor.u32 v4, v5  }
0x38e: {  	v5 =	vperm.xlane v4, v7;
	_ =	sdelay $0x1  }
0x38f: {  	v5 =	vadd.s32 v63, v5;
	_ =	sdelay $0x1  }
0x390: {  	v4 =	vperm.xlane v4, v1;
	_ =	sdelay $0x1  }
0x391: {  	v4 =	vadd.s32 v63, v4  }
0x392: {  	[tilespmem:s7], [sflag:$0x1] =	stream.indirect_vreg.gather [hbm4b:s0+s3], $0x80, v5, vm0, $0xb8;
	[tilespmem:$0x1B200] =	vst v63  }
0x393: {  	_ = 	snop  }
0x394: {  	[tilespmem:s11], [sflag:$0x1] =	stream.indirect_vreg.gather [hbm4b:s10+s3], $0x80, v5, vm0, $0xb8;
	[tilespmem:$0x1B200] =	vst v63  }
0x395: {  	_ = 	snop  }
0x396: {  	[tilespmem:s15], [sflag:$0x1] =	stream.indirect_vreg.gather [hbm4b:s0+s3], $0x80, v4, vm0, $0xb8;
	[tilespmem:$0x1B200] =	vst v63  }
0x397: {  	_ = 	snop  }
0x398: {  	[tilespmem:s16], [sflag:$0x1] =	stream.indirect_vreg.gather [hbm4b:s10+s3], $0x80, v4, vm0, $0xb8;
	[tilespmem:$0x1B200] =	vst v63  }
0x399: {  	_ =	swait.ge [sflag:s5], $0x8000  }
0x39a: {  	[sflag:s5] =	ssyncset.done $0x0  }
0x39b: {  	[sflag:s5] =	ssyncadd.s32 $0xFFFF8000  }
0x39c: {  	v4 =	vld [tilespmem:s2+$0xFFFFFFD0];
	_ =	sdelay $0x4  }
0x39d: {  	v5 =	vshll.u32 v4, $0x2  }
0x39e: {  	v4 =	vand.u32 $0x7, v4;
	v5 =	vand.u32 $0xFFFFFFE0, v5  }
0x39f: {  	v4 =	vor.u32 v4, v5  }
0x3a0: {  	v5 =	vperm.xlane v4, v7;
	_ =	sdelay $0x1  }
0x3a1: {  	v5 =	vadd.s32 v63, v5;
	_ =	sdelay $0x1  }
0x3a2: {  	v4 =	vperm.xlane v4, v1;
	_ =	sdelay $0x1  }
0x3a3: {  	v4 =	vadd.s32 v63, v4  }
0x3a4: {  	[tilespmem:s1], [sflag:$0x2] =	stream.indirect_vreg.gather [hbm4b:s0+s3], $0x80, v5, vm0, $0xb8;
	[tilespmem:$0x1B200] =	vst v63  }
0x3a5: {  	s28 =	simm.s32 $0x13800  }
0x3a6: {  	[tilespmem:s28], [sflag:$0x2] =	stream.indirect_vreg.gather [hbm4b:s10+s3], $0x80, v5, vm0, $0xb8;
	[tilespmem:$0x1B200] =	vst v63  }
0x3a7: {  	s28 =	simm.s32 $0x14000  }
0x3a8: {  	[tilespmem:s28], [sflag:$0x2] =	stream.indirect_vreg.gather [hbm4b:s0+s3], $0x80, v4, vm0, $0xb8;
	[tilespmem:$0x1B200] =	vst v63  }
0x3a9: {  	s28 =	simm.s32 $0x14800  }
0x3aa: {  	[tilespmem:s28], [sflag:$0x2] =	stream.indirect_vreg.gather [hbm4b:s10+s3], $0x80, v4, vm0, $0xb8;
	[tilespmem:$0x1B200] =	vst v63  }
0x3ab: {  	v4 =	vld [tilespmem:s2+$0xFFFFFFE0];
	_ =	sdelay $0x4  }
0x3ac: {  	v5 =	vshll.u32 v4, $0x2  }
0x3ad: {  	v4 =	vand.u32 $0x7, v4;
	v5 =	vand.u32 $0xFFFFFFE0, v5  }
0x3ae: {  	v4 =	vor.u32 v4, v5  }
0x3af: {  	v5 =	vperm.xlane v4, v7;
	_ =	sdelay $0x1  }
0x3b0: {  	v5 =	vadd.s32 v63, v5;
	_ =	sdelay $0x1  }
0x3b1: {  	v4 =	vperm.xlane v4, v1;
	_ =	sdelay $0x1  }
0x3b2: {  	s28 =	simm.s32 $0x15000;
	v4 =	vadd.s32 v63, v4  }
0x3b3: {  	[tilespmem:s28], [sflag:$0x2] =	stream.indirect_vreg.gather [hbm4b:s0+s3], $0x80, v5, vm0, $0xb8;
	[tilespmem:$0x1B200] =	vst v63  }
0x3b4: {  	s28 =	simm.s32 $0x15800  }
0x3b5: {  	[tilespmem:s28], [sflag:$0x2] =	stream.indirect_vreg.gather [hbm4b:s10+s3], $0x80, v5, vm0, $0xb8;
	[tilespmem:$0x1B200] =	vst v63  }
0x3b6: {  	s28 =	simm.s32 $0x16000  }
0x3b7: {  	[tilespmem:s28], [sflag:$0x2] =	stream.indirect_vreg.gather [hbm4b:s0+s3], $0x80, v4, vm0, $0xb8;
	[tilespmem:$0x1B200] =	vst v63  }
0x3b8: {  	s28 =	simm.s32 $0x16800  }
0x3b9: {  	[tilespmem:s28], [sflag:$0x2] =	stream.indirect_vreg.gather [hbm4b:s10+s3], $0x80, v4, vm0, $0xb8;
	[tilespmem:$0x1B200] =	vst v63  }
0x3ba: {  	v4 =	vld [tilespmem:s2+$0xFFFFFFF0];
	_ =	sdelay $0x4  }
0x3bb: {  	v5 =	vshll.u32 v4, $0x2  }
0x3bc: {  	v4 =	vand.u32 $0x7, v4;
	v5 =	vand.u32 $0xFFFFFFE0, v5  }
0x3bd: {  	v4 =	vor.u32 v4, v5  }
0x3be: {  	v5 =	vperm.xlane v4, v7;
	_ =	sdelay $0x1  }
0x3bf: {  	v5 =	vadd.s32 v63, v5;
	_ =	sdelay $0x1  }
0x3c0: {  	v4 =	vperm.xlane v4, v1;
	_ =	sdelay $0x1  }
0x3c1: {  	s28 =	simm.s32 $0x17000;
	v4 =	vadd.s32 v63, v4  }
0x3c2: {  	[tilespmem:s28], [sflag:$0x2] =	stream.indirect_vreg.gather [hbm4b:s0+s3], $0x80, v5, vm0, $0xb8;
	[tilespmem:$0x1B200] =	vst v63  }
0x3c3: {  	_ = 	snop  }
0x3c4: {  	[tilespmem:s31], [sflag:$0x2] =	stream.indirect_vreg.gather [hbm4b:s10+s3], $0x80, v5, vm0, $0xb8;
	[tilespmem:$0x1B200] =	vst v63  }
0x3c5: {  	s28 =	simm.s32 $0x18000  }
0x3c6: {  	[tilespmem:s28], [sflag:$0x2] =	stream.indirect_vreg.gather [hbm4b:s0+s3], $0x80, v4, vm0, $0xb8;
	[tilespmem:$0x1B200] =	vst v63  }
0x3c7: {  	_ = 	snop  }
0x3c8: {  	[tilespmem:s29], [sflag:$0x2] =	stream.indirect_vreg.gather [hbm4b:s10+s3], $0x80, v4, vm0, $0xb8;
	[tilespmem:$0x1B200] =	vst v63  }
0x3c9: {  	v4 =	vld [tilespmem:s2+$0x0];
	_ =	sdelay $0x4  }
0x3ca: {  	v5 =	vshll.u32 v4, $0x2  }
0x3cb: {  	v4 =	vand.u32 $0x7, v4;
	v5 =	vand.u32 $0xFFFFFFE0, v5  }
0x3cc: {  	v4 =	vor.u32 v4, v5  }
0x3cd: {  	v5 =	vperm.xlane v4, v7;
	_ =	sdelay $0x1  }
0x3ce: {  	v5 =	vadd.s32 v63, v5;
	_ =	sdelay $0x2  }
0x3cf: {  	v4 =	vperm.xlane v4, v1  }
0x3d0: {  	s28 =	simm.s32 $0x19000  }
0x3d1: {  	v4 =	vadd.s32 v63, v4;
	[tilespmem:s28], [sflag:$0x2] =	stream.indirect_vreg.gather [hbm4b:s0+s3], $0x80, v5, vm0, $0xb8;
	[tilespmem:$0x1B200] =	vst v63  }
0x3d2: {  	p0 =	sne.s32 s9, $0x1C000;
	s28 =	simm.s32 $0x19800  }
0x3d3: {  	[tilespmem:s28], [sflag:$0x2] =	stream.indirect_vreg.gather [hbm4b:s10+s3], $0x80, v5, vm0, $0xb8;
	[tilespmem:$0x1B200] =	vst v63  }
.Ltmp25:
0x3d4: {  	_ = 	snop;
	(pc) =	sbr.rel @p0 .LBB2_52-.Ltmp25, $4  }
0x3d5: {  	s28 =	simm.s32 $0x1A000  }
0x3d6: {  	[tilespmem:s28], [sflag:$0x2] =	stream.indirect_vreg.gather [hbm4b:s0+s3], $0x80, v4, vm0, $0xb8;
	[tilespmem:$0x1B200] =	vst v63  }
0x3d7: {  	s9 =	sadd.s32 $0x2000, s9;
	s2 =	sadd.s32 $0x80, s2;
	s28 =	simm.s32 $0x1A800  }
0x3d8: {  	[tilespmem:s28], [sflag:$0x2] =	stream.indirect_vreg.gather [hbm4b:s10+s3], $0x80, v4, vm0, $0xb8;
	[tilespmem:$0x1B200] =	vst v63  }
0x3d9: {  	_ =	swait.ge [sflag:s14], $0x8000  }
0x3da: {  	[sflag:s14] =	ssyncset.done $0x0  }
0x3db: {  	s9 =	simm.s32 $0x0;
	s1 =	rddreg [dreg:$0x12];
	[sflag:s14] =	ssyncadd.s32 $0xFFFF8000  }
0x3dc: {  	[hbm4b:s1+s9] =	stream.linear.scatter [tilespmem:s4], [sflag:$0x3], $0x8000, $0x38;
	[tilespmem:$0x1B200] =	vst v63  }
0x3dd: {  	_ =	swait.ge [sflag:s13], $0x8000  }
0x3de: {  	[sflag:s13] =	ssyncset.done $0x0  }
0x3df: {  	s2 =	simm.s32 $0x13000;
	s16 =	rddreg [dreg:$0x13];
	[sflag:s13] =	ssyncadd.s32 $0xFFFF8000  }
0x3e0: {  	[hbm4b:s16+s9] =	stream.linear.scatter [tilespmem:s2], [sflag:$0x4], $0x8000, $0x38;
	[tilespmem:$0x1B200] =	vst v63  }
0x3e1: {  	_ =	swait.ge [sflag:s19], $0x8000  }
0x3e2: {  	[sflag:s19] =	ssyncset.done $0x0  }
0x3e3: {  	[sflag:s19] =	ssyncadd.s32 $0xFFFF8000  }
0x3e4: {  	_ =	swait.ge [sflag:s5], $0x8000  }
0x3e5: {  	[sflag:s5] =	ssyncset.done $0x0  }
0x3e6: {  	[sflag:s5] =	ssyncadd.s32 $0xFFFF8000  }
0x3e7: {  	v4 =	vld [tilespmem:$0x5800];
	_ =	sdelay $0x4  }
0x3e8: {  	v5 =	vshll.u32 v4, $0x2  }
0x3e9: {  	v4 =	vand.u32 $0x7, v4;
	v5 =	vand.u32 $0xFFFFFFE0, v5  }
0x3ea: {  	v4 =	vor.u32 v4, v5  }
0x3eb: {  	v5 =	vperm.xlane v4, v7;
	_ =	sdelay $0x1  }
0x3ec: {  	v5 =	vadd.s32 v63, v5;
	_ =	sdelay $0x1  }
0x3ed: {  	v4 =	vperm.xlane v4, v1;
	_ =	sdelay $0x1  }
0x3ee: {  	v4 =	vadd.s32 v63, v4  }
0x3ef: {  	[tilespmem:s4], [sflag:$0x1] =	stream.indirect_vreg.gather [hbm4b:s0+s9], $0x80, v5, vm0, $0xb8;
	[tilespmem:$0x1B200] =	vst v63  }
0x3f0: {  	_ = 	snop  }
0x3f1: {  	[tilespmem:s18], [sflag:$0x1] =	stream.indirect_vreg.gather [hbm4b:s10+s9], $0x80, v5, vm0, $0xb8;
	[tilespmem:$0x1B200] =	vst v63  }
0x3f2: {  	_ = 	snop  }
0x3f3: {  	[tilespmem:s20], [sflag:$0x1] =	stream.indirect_vreg.gather [hbm4b:s0+s9], $0x80, v4, vm0, $0xb8;
	[tilespmem:$0x1B200] =	vst v63  }
0x3f4: {  	_ = 	snop  }
0x3f5: {  	[tilespmem:s23], [sflag:$0x1] =	stream.indirect_vreg.gather [hbm4b:s10+s9], $0x80, v4, vm0, $0xb8;
	[tilespmem:$0x1B200] =	vst v63  }
0x3f6: {  	v4 =	vld [tilespmem:$0x5810];
	_ =	sdelay $0x4  }
0x3f7: {  	v5 =	vshll.u32 v4, $0x2  }
0x3f8: {  	v4 =	vand.u32 $0x7, v4;
	v5 =	vand.u32 $0xFFFFFFE0, v5  }
0x3f9: {  	v4 =	vor.u32 v4, v5  }
0x3fa: {  	v5 =	vperm.xlane v4, v7;
	_ =	sdelay $0x1  }
0x3fb: {  	v5 =	vadd.s32 v63, v5;
	_ =	sdelay $0x1  }
0x3fc: {  	v4 =	vperm.xlane v4, v1;
	_ =	sdelay $0x1  }
0x3fd: {  	v4 =	vadd.s32 v63, v4  }
0x3fe: {  	[tilespmem:s12], [sflag:$0x1] =	stream.indirect_vreg.gather [hbm4b:s0+s9], $0x80, v5, vm0, $0xb8;
	[tilespmem:$0x1B200] =	vst v63  }
0x3ff: {  	_ = 	snop  }
0x400: {  	[tilespmem:s25], [sflag:$0x1] =	stream.indirect_vreg.gather [hbm4b:s10+s9], $0x80, v5, vm0, $0xb8;
	[tilespmem:$0x1B200] =	vst v63  }
0x401: {  	_ = 	snop  }
0x402: {  	[tilespmem:s24], [sflag:$0x1] =	stream.indirect_vreg.gather [hbm4b:s0+s9], $0x80, v4, vm0, $0xb8;
	[tilespmem:$0x1B200] =	vst v63  }
0x403: {  	s30 =	simm.s32 $0xE800  }
0x404: {  	[tilespmem:s30], [sflag:$0x1] =	stream.indirect_vreg.gather [hbm4b:s10+s9], $0x80, v4, vm0, $0xb8;
	[tilespmem:$0x1B200] =	vst v63  }
0x405: {  	v4 =	vld [tilespmem:$0x5820];
	_ =	sdelay $0x4  }
0x406: {  	v5 =	vshll.u32 v4, $0x2  }
0x407: {  	v4 =	vand.u32 $0x7, v4;
	v5 =	vand.u32 $0xFFFFFFE0, v5  }
0x408: {  	v4 =	vor.u32 v4, v5  }
0x409: {  	v5 =	vperm.xlane v4, v7;
	_ =	sdelay $0x1  }
0x40a: {  	v5 =	vadd.s32 v63, v5;
	_ =	sdelay $0x1  }
0x40b: {  	v4 =	vperm.xlane v4, v1;
	_ =	sdelay $0x1  }
0x40c: {  	s5 =	simm.s32 $0xF000;
	v4 =	vadd.s32 v63, v4  }
0x40d: {  	[tilespmem:s5], [sflag:$0x1] =	stream.indirect_vreg.gather [hbm4b:s0+s9], $0x80, v5, vm0, $0xb8;
	[tilespmem:$0x1B200] =	vst v63  }
0x40e: {  	_ = 	snop  }
0x40f: {  	[tilespmem:s17], [sflag:$0x1] =	stream.indirect_vreg.gather [hbm4b:s10+s9], $0x80, v5, vm0, $0xb8;
	[tilespmem:$0x1B200] =	vst v63  }
0x410: {  	s20 =	simm.s32 $0x10000  }
0x411: {  	[tilespmem:s20], [sflag:$0x1] =	stream.indirect_vreg.gather [hbm4b:s0+s9], $0x80, v4, vm0, $0xb8;
	[tilespmem:$0x1B200] =	vst v63  }
0x412: {  	s23 =	simm.s32 $0x10800  }
0x413: {  	[tilespmem:s23], [sflag:$0x1] =	stream.indirect_vreg.gather [hbm4b:s10+s9], $0x80, v4, vm0, $0xb8;
	[tilespmem:$0x1B200] =	vst v63  }
0x414: {  	v4 =	vld [tilespmem:$0x5830];
	_ =	sdelay $0x4  }
0x415: {  	v5 =	vshll.u32 v4, $0x2  }
0x416: {  	v4 =	vand.u32 $0x7, v4;
	v5 =	vand.u32 $0xFFFFFFE0, v5  }
0x417: {  	v4 =	vor.u32 v4, v5  }
0x418: {  	v5 =	vperm.xlane v4, v7;
	_ =	sdelay $0x1  }
0x419: {  	v5 =	vadd.s32 v63, v5;
	_ =	sdelay $0x1  }
0x41a: {  	v4 =	vperm.xlane v4, v1;
	_ =	sdelay $0x1  }
0x41b: {  	s25 =	simm.s32 $0x11000;
	v4 =	vadd.s32 v63, v4  }
0x41c: {  	[tilespmem:s25], [sflag:$0x1] =	stream.indirect_vreg.gather [hbm4b:s0+s9], $0x80, v5, vm0, $0xb8;
	[tilespmem:$0x1B200] =	vst v63  }
0x41d: {  	s6 =	simm.s32 $0x11800  }
0x41e: {  	[tilespmem:s6], [sflag:$0x1] =	stream.indirect_vreg.gather [hbm4b:s10+s9], $0x80, v5, vm0, $0xb8;
	[tilespmem:$0x1B200] =	vst v63  }
0x41f: {  	s7 =	simm.s32 $0x12000  }
0x420: {  	[tilespmem:s7], [sflag:$0x1] =	stream.indirect_vreg.gather [hbm4b:s0+s9], $0x80, v4, vm0, $0xb8;
	[tilespmem:$0x1B200] =	vst v63  }
0x421: {  	s11 =	simm.s32 $0x12800  }
0x422: {  	[tilespmem:s11], [sflag:$0x1] =	stream.indirect_vreg.gather [hbm4b:s10+s9], $0x80, v4, vm0, $0xb8;
	[tilespmem:$0x1B200] =	vst v63  }
0x423: {  	v4 =	vld [tilespmem:$0x5840];
	_ =	sdelay $0x4  }
0x424: {  	v5 =	vshll.u32 v4, $0x2  }
0x425: {  	v4 =	vand.u32 $0x7, v4;
	v5 =	vand.u32 $0xFFFFFFE0, v5  }
0x426: {  	v4 =	vor.u32 v4, v5  }
0x427: {  	v5 =	vperm.xlane v4, v7;
	_ =	sdelay $0x1  }
0x428: {  	v5 =	vadd.s32 v63, v5;
	_ =	sdelay $0x1  }
0x429: {  	v4 =	vperm.xlane v4, v1;
	_ =	sdelay $0x1  }
0x42a: {  	s12 =	simm.s32 $0x13000;
	v4 =	vadd.s32 v63, v4  }
0x42b: {  	[tilespmem:s12], [sflag:$0x2] =	stream.indirect_vreg.gather [hbm4b:s0+s9], $0x80, v5, vm0, $0xb8;
	[tilespmem:$0x1B200] =	vst v63  }
0x42c: {  	s13 =	simm.s32 $0x13800  }
0x42d: {  	[tilespmem:s13], [sflag:$0x2] =	stream.indirect_vreg.gather [hbm4b:s10+s9], $0x80, v5, vm0, $0xb8;
	[tilespmem:$0x1B200] =	vst v63  }
0x42e: {  	s14 =	simm.s32 $0x14000  }
0x42f: {  	[tilespmem:s14], [sflag:$0x2] =	stream.indirect_vreg.gather [hbm4b:s0+s9], $0x80, v4, vm0, $0xb8;
	[tilespmem:$0x1B200] =	vst v63  }
0x430: {  	s15 =	simm.s32 $0x14800  }
0x431: {  	[tilespmem:s15], [sflag:$0x2] =	stream.indirect_vreg.gather [hbm4b:s10+s9], $0x80, v4, vm0, $0xb8;
	[tilespmem:$0x1B200] =	vst v63  }
0x432: {  	v4 =	vld [tilespmem:$0x5850];
	_ =	sdelay $0x4  }
0x433: {  	v5 =	vshll.u32 v4, $0x2  }
0x434: {  	v4 =	vand.u32 $0x7, v4;
	v5 =	vand.u32 $0xFFFFFFE0, v5  }
0x435: {  	v4 =	vor.u32 v4, v5  }
0x436: {  	v5 =	vperm.xlane v4, v7;
	_ =	sdelay $0x1  }
0x437: {  	v5 =	vadd.s32 v63, v5;
	_ =	sdelay $0x1  }
0x438: {  	v4 =	vperm.xlane v4, v1;
	_ =	sdelay $0x1  }
0x439: {  	s16 =	simm.s32 $0x15000;
	v4 =	vadd.s32 v63, v4  }
0x43a: {  	[tilespmem:s16], [sflag:$0x2] =	stream.indirect_vreg.gather [hbm4b:s0+s9], $0x80, v5, vm0, $0xb8;
	[tilespmem:$0x1B200] =	vst v63  }
0x43b: {  	s18 =	simm.s32 $0x15800  }
0x43c: {  	[tilespmem:s18], [sflag:$0x2] =	stream.indirect_vreg.gather [hbm4b:s10+s9], $0x80, v5, vm0, $0xb8;
	[tilespmem:$0x1B200] =	vst v63  }
0x43d: {  	s19 =	simm.s32 $0x16000  }
0x43e: {  	[tilespmem:s19], [sflag:$0x2] =	stream.indirect_vreg.gather [hbm4b:s0+s9], $0x80, v4, vm0, $0xb8;
	[tilespmem:$0x1B200] =	vst v63  }
0x43f: {  	s20 =	simm.s32 $0x16800  }
0x440: {  	[tilespmem:s20], [sflag:$0x2] =	stream.indirect_vreg.gather [hbm4b:s10+s9], $0x80, v4, vm0, $0xb8;
	[tilespmem:$0x1B200] =	vst v63  }
0x441: {  	v4 =	vld [tilespmem:$0x5860];
	_ =	sdelay $0x4  }
0x442: {  	v5 =	vshll.u32 v4, $0x2  }
0x443: {  	v4 =	vand.u32 $0x7, v4;
	v5 =	vand.u32 $0xFFFFFFE0, v5  }
0x444: {  	v4 =	vor.u32 v4, v5  }
0x445: {  	v5 =	vperm.xlane v4, v7;
	_ =	sdelay $0x1  }
0x446: {  	v5 =	vadd.s32 v63, v5;
	_ =	sdelay $0x1  }
0x447: {  	v4 =	vperm.xlane v4, v1;
	_ =	sdelay $0x1  }
0x448: {  	s23 =	simm.s32 $0x17000;
	v4 =	vadd.s32 v63, v4  }
0x449: {  	[tilespmem:s23], [sflag:$0x2] =	stream.indirect_vreg.gather [hbm4b:s0+s9], $0x80, v5, vm0, $0xb8;
	[tilespmem:$0x1B200] =	vst v63  }
0x44a: {  	_ = 	snop  }
0x44b: {  	[tilespmem:s31], [sflag:$0x2] =	stream.indirect_vreg.gather [hbm4b:s10+s9], $0x80, v5, vm0, $0xb8;
	[tilespmem:$0x1B200] =	vst v63  }
0x44c: {  	s24 =	simm.s32 $0x18000  }
0x44d: {  	[tilespmem:s24], [sflag:$0x2] =	stream.indirect_vreg.gather [hbm4b:s0+s9], $0x80, v4, vm0, $0xb8;
	[tilespmem:$0x1B200] =	vst v63  }
0x44e: {  	_ = 	snop  }
0x44f: {  	[tilespmem:s29], [sflag:$0x2] =	stream.indirect_vreg.gather [hbm4b:s10+s9], $0x80, v4, vm0, $0xb8;
	[tilespmem:$0x1B200] =	vst v63  }
0x450: {  	v4 =	vld [tilespmem:$0x5870];
	_ =	sdelay $0x4  }
0x451: {  	v5 =	vshll.u32 v4, $0x2  }
0x452: {  	v4 =	vand.u32 $0x7, v4;
	v5 =	vand.u32 $0xFFFFFFE0, v5  }
0x453: {  	v4 =	vor.u32 v4, v5  }
0x454: {  	v5 =	vperm.xlane v4, v7;
	_ =	sdelay $0x1  }
0x455: {  	v10 =	vimm.f32 $0.0e+00;
	v5 =	vadd.s32 v63, v5  }
0x456: {  	v29 =	vimm.f32 $0.0e+00;
	v11 =	vimm.f32 $0.0e+00;
	v12 =	vimm.f32 $0.0e+00  }
0x457: {  	v13 =	vimm.f32 $0.0e+00;
	v14 =	vimm.f32 $0.0e+00;
	s28 =	simm.s32 $0x16800;
	s4 =	simm.s32 $0x1A000;
	s30 =	simm.s32 $0x1A000;
	v4 =	vperm.xlane v4, v1  }
0x458: {  	v15 =	vimm.f32 $0.0e+00;
	v16 =	vimm.f32 $0.0e+00;
	v17 =	vimm.f32 $0.0e+00;
	s5 =	simm.s32 $0x1A800;
	s25 =	simm.s32 $0x19000;
	s6 =	simm.s32 $0x14000  }
0x459: {  	v18 =	vimm.f32 $0.0e+00;
	v19 =	vimm.f32 $0.0e+00;
	s7 =	simm.s32 $0x14800;
	s11 =	simm.s32 $0x15000;
	s12 =	simm.s32 $0x40;
	v4 =	vadd.s32 v63, v4  }
0x45a: {  	v20 =	vimm.f32 $0.0e+00;
	v43 =	vimm.f32 $0.0e+00;
	v25 =	vimm.f32 $0.0e+00;
	[tilespmem:s25], [sflag:$0x2] =	stream.indirect_vreg.gather [hbm4b:s0+s9], $0x80, v5, vm0, $0xb8;
	[tilespmem:$0x1B200] =	vst v63  }
0x45b: {  	v24 =	vimm.f32 $0.0e+00;
	v59 =	vimm.f32 $0.0e+00;
	v46 =	vimm.f32 $0.0e+00;
	s13 =	simm.s32 $0x0;
	s14 =	simm.s32 $0x0;
	s29 =	simm.s32 $0x19800  }
0x45c: {  	v23 =	vimm.f32 $0.0e+00;
	v47 =	vimm.f32 $0.0e+00;
	v21 =	vimm.f32 $0.0e+00;
	[tilespmem:s29], [sflag:$0x2] =	stream.indirect_vreg.gather [hbm4b:s10+s9], $0x80, v5, vm0, $0xb8;
	[tilespmem:$0x1B200] =	vst v63  }
0x45d: {  	v22 =	vimm.f32 $0.0e+00;
	v26 =	vimm.f32 $0.0e+00;
	v48 =	vimm.f32 $0.0e+00;
	[tilespmem:$0x1FFB0] =	vst v7;
	s19 =	simm.s32 $0x1;
	s20 =	simm.s32 $0x15800;
	s23 =	simm.s32 $0x17000  }
0x45e: {  	v49 =	vimm.f32 $0.0e+00;
	v51 =	vimm.f32 $0.0e+00;
	v52 =	vimm.f32 $0.0e+00;
	[tilespmem:s30], [sflag:$0x2] =	stream.indirect_vreg.gather [hbm4b:s0+s9], $0x80, v4, vm0, $0xb8;
	[tilespmem:$0x1B200] =	vst v63  }
0x45f: {  	v53 =	vimm.f32 $0.0e+00;
	v54 =	vimm.f32 $0.0e+00;
	v55 =	vimm.f32 $0.0e+00;
	[tilespmem:$0x1FFC0] =	vst v1;
	s31 =	simm.s32 $0x1A800;
	s24 =	simm.s32 $0x17800;
	s25 =	simm.s32 $0x16000  }
0x460: {  	v37 =	vimm.f32 $0.0e+00;
	v1 =	vimm.f32 $0.0e+00;
	[tilespmem:s31], [sflag:$0x2] =	stream.indirect_vreg.gather [hbm4b:s10+s9], $0x80, v4, vm0, $0xb8;
	v4 =	vimm.f32 $0.0e+00;
	[tilespmem:$0x1B200] =	vst v63  }
.LBB2_54:
0x461: {  	_ =	swait.ge [sflag:s19], $0x8000  }
0x462: {  	s2 =	sand.u32 $0x7000, s9;
	s15 =	sand.u32 $0x380, s9;
	[sflag:s19] =	ssyncset.done $0x0  }
0x463: {  	s15 =	sor.u32 s15, s2;
	[sflag:s19] =	ssyncadd.s32 $0xFFFF8000  }
0x464: {  	v6 =	vld [tilespmem:s15+$0xB000]  }
0x465: {  	v27 =	vld [tilespmem:s15+$0xB010]  }
0x466: {  	v28 =	vld [tilespmem:s15+$0xB020]  }
0x467: {  	v5 =	vmov s13;
	v33 =	vld [tilespmem:s15+$0xB030]  }
0x468: {  	v34 =	vld [tilespmem:s15+$0xB040]  }
0x469: {  	v35 =	vld [tilespmem:s15+$0xB050]  }
0x46a: {  	v36 =	vld [tilespmem:s15+$0xB060]  }
0x46b: {  	v39 =	vld [tilespmem:s15+$0xB070]  }
0x46c: {  	v30 =	vld.idx.msk [tilespmem:v5+s8+$0x0], $0xffff  }
0x46d: {  	v5 =	vld [tilespmem:s15+$0xBC70]  }
0x46e: {  	v40 =	vld [tilespmem:s15+$0xB400]  }
0x46f: {  	v58 =	vld [tilespmem:s15+$0xB440]  }
0x470: {  	v50 =	vld [tilespmem:s15+$0xB410]  }
0x471: {  	s16 =	sadd.s32 $0x1, s13;
	v56 =	vld [tilespmem:s15+$0xB420];
	v6 =	vmul.f32 v6, v30  }
0x472: {  	v44 =	vmov s16;
	v57 =	vld [tilespmem:s15+$0xB430];
	v5 =	vmul.f32 v5, v30  }
0x473: {  	v60 =	vld [tilespmem:s15+$0xB820];
	v27 =	vmul.f32 v27, v30;
	v32 =	vadd.f32 v6, v4;
	v4 =	vmul.f32 v28, v30  }
0x474: {  	v62 =	vld [tilespmem:s15+$0xB830];
	v61 =	vmul.f32 v58, v30;
	v31 =	vadd.f32 v5, v29;
	v6 =	vmul.f32 v33, v30  }
0x475: {  	v5 =	vld [tilespmem:s15+$0xB450];
	v37 =	vadd.f32 v27, v37;
	v41 =	vadd.f32 v4, v55;
	v4 =	vmul.f32 v35, v30  }
0x476: {  	v29 =	vld [tilespmem:s15+$0xB460];
	v28 =	vmul.f32 v36, v30;
	v42 =	vadd.f32 v6, v54;
	v6 =	vmul.f32 v39, v30  }
0x477: {  	v27 =	vmul.f32 v34, v30;
	v55 =	vld [tilespmem:s15+$0xB470];
	v33 =	vadd.f32 v4, v52;
	v4 =	vmul.f32 v40, v30  }
0x478: {  	v36 =	vld [tilespmem:s15+$0xB810];
	v34 =	vadd.f32 v28, v51;
	v28 =	vadd.f32 v6, v49;
	v6 =	vmul.f32 v50, v30  }
0x479: {  	v38 =	vadd.f32 v27, v53;
	v27 =	vld [tilespmem:s15+$0xB800];
	v39 =	vadd.f32 v4, v48;
	v4 =	vmul.f32 v57, v30  }
0x47a: {  	v58 =	vmul.f32 v60, v30;
	v5 =	vmul.f32 v5, v30;
	v40 =	vadd.f32 v6, v26;
	v6 =	vld [tilespmem:s15+$0xB840]  }
0x47b: {  	v56 =	vmul.f32 v56, v30;
	v49 =	vld [tilespmem:s15+$0xB850];
	v21 =	vadd.f32 v4, v21;
	v4 =	vmul.f32 v29, v30  }
0x47c: {  	v25 =	vadd.f32 v58, v25;
	v54 =	vld [tilespmem:s15+$0xB860];
	v23 =	vadd.f32 v5, v23;
	v5 =	vmul.f32 v55, v30  }
0x47d: {  	v26 =	vadd.f32 v56, v22;
	v55 =	vld [tilespmem:s15+$0xB870];
	v29 =	vadd.f32 v4, v46;
	v4 =	vmul.f32 v36, v30  }
0x47e: {  	v27 =	vmul.f32 v27, v30;
	v35 =	vadd.f32 v5, v59;
	v5 =	vmul.f32 v62, v30;
	v62 =	vld [tilespmem:s15+$0xBC00]  }
0x47f: {  	v58 =	vld [tilespmem:s15+$0xBC10];
	v22 =	vadd.f32 v61, v47;
	v24 =	vadd.f32 v4, v24;
	v4 =	vmul.f32 v6, v30  }
0x480: {  	s18 =	simm.s32 $0x200;
	s30 =	simm.s32 $0x400;
	s29 =	simm.s32 $0x0;
	v27 =	vadd.f32 v27, v1;
	v36 =	vadd.f32 v5, v43;
	v5 =	vld [tilespmem:s15+$0xBC20];
	v6 =	vmul.f32 v49, v30  }
.LBB2_55:
0x481: {  	p0 =	sne.s32 s30, $0x7E00;
	v20 =	vadd.f32 v4, v20;
	v4 =	vmul.f32 v54, v30;
	v43 =	vld [tilespmem:s15+$0xBC30]  }
0x482: {  	v19 =	vadd.f32 v6, v19;
	v6 =	vmul.f32 v55, v30;
	v45 =	vld [tilespmem:s15+$0xBC40]  }
0x483: {  	s29 =	sadd.s32 $0x80, s29;
	v18 =	vadd.f32 v4, v18;
	v4 =	vmul.f32 v62, v30;
	v46 =	vld [tilespmem:s15+$0xBC50]  }
0x484: {  	s2 =	sand.u32 $0x7000, s18;
	s18 =	smov.u32 s30;
	s31 =	sand.u32 $0x380, s29;
	v17 =	vadd.f32 v6, v17;
	v6 =	vmul.f32 v58, v30;
	v47 =	vld [tilespmem:s15+$0xBC60]  }
0x485: {  	s15 =	sor.u32 s31, s2;
	v44 =	vld.idx.msk [tilespmem:v44+s8+$0x0], $0xffff;
	v16 =	vadd.f32 v4, v16;
	v4 =	vmul.f32 v5, v30  }
0x486: {  	v5 =	vld [tilespmem:s15+$0xBC70];
	v15 =	vadd.f32 v6, v15;
	v6 =	vmul.f32 v43, v30  }
0x487: {  	v43 =	vld [tilespmem:s15+$0xB000];
	v14 =	vadd.f32 v4, v14;
	v4 =	vmul.f32 v45, v30  }
0x488: {  	v45 =	vld [tilespmem:s15+$0xB010];
	v13 =	vadd.f32 v6, v13;
	v6 =	vmul.f32 v46, v30  }
0x489: {  	v46 =	vld [tilespmem:s15+$0xB020];
	v12 =	vadd.f32 v4, v12;
	v4 =	vmul.f32 v47, v30  }
0x48a: {  	v47 =	vld [tilespmem:s15+$0xB030];
	v11 =	vadd.f32 v6, v11  }
0x48b: {  	v30 =	vmov v44;
	v6 =	vld [tilespmem:s15+$0xB040];
	v5 =	vmul.f32 v5, v44;
	v10 =	vadd.f32 v4, v10  }
0x48c: {  	v4 =	vmul.f32 v43, v30;
	v43 =	vld [tilespmem:s15+$0xB050]  }
0x48d: {  	v44 =	vmul.f32 v45, v30;
	v45 =	vld [tilespmem:s15+$0xB060];
	v31 =	vadd.f32 v5, v31  }
0x48e: {  	v32 =	vadd.f32 v4, v32;
	v4 =	vmul.f32 v46, v30;
	v5 =	vld [tilespmem:s15+$0xB070]  }
0x48f: {  	v37 =	vadd.f32 v44, v37;
	v44 =	vmul.f32 v47, v30;
	v46 =	vld [tilespmem:s15+$0xB400]  }
0x490: {  	v41 =	vadd.f32 v4, v41;
	v4 =	vmul.f32 v6, v30;
	v6 =	vld [tilespmem:s15+$0xB410]  }
0x491: {  	v42 =	vadd.f32 v44, v42;
	v43 =	vmul.f32 v43, v30;
	v44 =	vld [tilespmem:s15+$0xB420]  }
0x492: {  	v38 =	vadd.f32 v4, v38;
	v4 =	vmul.f32 v45, v30;
	v45 =	vld [tilespmem:s15+$0xB430]  }
0x493: {  	v33 =	vadd.f32 v43, v33;
	v5 =	vmul.f32 v5, v30;
	v43 =	vld [tilespmem:s15+$0xB440]  }
0x494: {  	v34 =	vadd.f32 v4, v34;
	v4 =	vmul.f32 v46, v30;
	v46 =	vld [tilespmem:s15+$0xB450]  }
0x495: {  	v28 =	vadd.f32 v5, v28;
	v5 =	vmul.f32 v6, v30;
	v6 =	vld [tilespmem:s15+$0xB460]  }
0x496: {  	v39 =	vadd.f32 v4, v39;
	v4 =	vmul.f32 v44, v30;
	v44 =	vld [tilespmem:s15+$0xB470]  }
0x497: {  	v40 =	vadd.f32 v5, v40;
	v5 =	vmul.f32 v45, v30;
	v45 =	vld [tilespmem:s15+$0xB800]  }
0x498: {  	v26 =	vadd.f32 v4, v26;
	v4 =	vmul.f32 v43, v30;
	v43 =	vld [tilespmem:s15+$0xB810]  }
0x499: {  	v21 =	vadd.f32 v5, v21;
	v5 =	vmul.f32 v46, v30;
	v46 =	vld [tilespmem:s15+$0xB820]  }
0x49a: {  	v22 =	vadd.f32 v4, v22;
	v4 =	vmul.f32 v6, v30;
	v6 =	vld [tilespmem:s15+$0xB830]  }
0x49b: {  	v23 =	vadd.f32 v5, v23;
	v5 =	vmul.f32 v44, v30;
	v44 =	vld [tilespmem:s15+$0xB840]  }
0x49c: {  	v29 =	vadd.f32 v4, v29;
	v4 =	vmul.f32 v45, v30;
	v45 =	vld [tilespmem:s15+$0xB850]  }
.Ltmp26:
0x49d: {  	v35 =	vadd.f32 v5, v35;
	v5 =	vmul.f32 v43, v30;
	v54 =	vld [tilespmem:s15+$0xB860];
	(pc) =	sbr.rel @p0 .LBB2_55-.Ltmp26, $4  }
0x49e: {  	v27 =	vadd.f32 v4, v27;
	v4 =	vmul.f32 v46, v30;
	v55 =	vld [tilespmem:s15+$0xB870]  }
0x49f: {  	v24 =	vadd.f32 v5, v24;
	v5 =	vmul.f32 v6, v30;
	v62 =	vld [tilespmem:s15+$0xBC00]  }
0x4a0: {  	s16 =	sadd.s32 $0x1, s16;
	v25 =	vadd.f32 v4, v25;
	v4 =	vmul.f32 v44, v30;
	v58 =	vld [tilespmem:s15+$0xBC10]  }
0x4a1: {  	s30 =	sadd.s32 $0x200, s30;
	v44 =	vmov s16;
	v36 =	vadd.f32 v5, v36;
	v6 =	vmul.f32 v45, v30;
	v5 =	vld [tilespmem:s15+$0xBC20]  }
0x4a2: {  	s2 =	sadd.s32 $0x80, s29  }
0x4a3: {  	s16 =	sand.u32 $0x7000, s18;
	s2 =	sand.u32 $0x380, s2  }
0x4a4: {  	s2 =	sor.u32 s2, s16  }
0x4a5: {  	v0 =	vld [tilespmem:s2+$0xB430];
	_ =	sdelay $0x4  }
0x4a6: {  	[tilespmem:$0x1FE80] =	vst v0;
	v0 =	vld [tilespmem:s2+$0xB440];
	_ =	sdelay $0x3  }
0x4a7: {  	v1 =	vld [tilespmem:s2+$0xB810]  }
0x4a8: {  	[tilespmem:$0x1FE90] =	vst v0;
	v0 =	vld [tilespmem:s2+$0xB450];
	_ =	sdelay $0x3  }
0x4a9: {  	[tilespmem:$0x1FEE0] =	vst v1;
	v1 =	vld [tilespmem:s2+$0xB820]  }
0x4aa: {  	[tilespmem:$0x1FEA0] =	vst v0;
	v0 =	vld [tilespmem:s2+$0xB460];
	_ =	sdelay $0x3  }
0x4ab: {  	[tilespmem:$0x1FEF0] =	vst v1;
	v1 =	vld [tilespmem:s2+$0xB830]  }
0x4ac: {  	[tilespmem:$0x1FEB0] =	vst v0;
	v0 =	vld [tilespmem:s2+$0xB470];
	_ =	sdelay $0x2  }
0x4ad: {  	v9 =	vld [tilespmem:s15+$0xBC30]  }
0x4ae: {  	[tilespmem:$0x1FF00] =	vst v1;
	v1 =	vld [tilespmem:s2+$0xB840]  }
0x4af: {  	[tilespmem:$0x1FEC0] =	vst v0;
	v0 =	vld [tilespmem:s2+$0xB800]  }
0x4b0: {  	v46 =	vld [tilespmem:s15+$0xBC40]  }
0x4b1: {  	v47 =	vld [tilespmem:s15+$0xBC50]  }
0x4b2: {  	v45 =	vld [tilespmem:s15+$0xBC60];
	s1 =	sshll.u32 s14, $0x7  }
0x4b3: {  	s15 =	sand.u32 $0x3FFFFF80, s1;
	[tilespmem:$0x1FF10] =	vst v1;
	v1 =	vld [tilespmem:s2+$0xB850]  }
0x4b4: {  	[tilespmem:$0x1FED0] =	vst v0;
	v0 =	vld [tilespmem:s15+$0x5880]  }
0x4b5: {  	v7 =	vld [tilespmem:s2+$0xBC10]  }
0x4b6: {  	v43 =	vld.idx.msk [tilespmem:v44+s8+$0x0], $0xffff  }
0x4b7: {  	v59 =	vld [tilespmem:s2+$0xBC70]  }
0x4b8: {  	v60 =	vld [tilespmem:s2+$0xB000]  }
0x4b9: {  	v3 =	vld [tilespmem:s2+$0xB860];
	[tilespmem:$0x1FF20] =	vst v1;
	v1 =	vshll.u32 v0, $0x2  }
0x4ba: {  	[tilespmem:$0x1FF60] =	vst v7;
	v7 =	vld [tilespmem:s2+$0xBC20];
	v0 =	vand.u32 $0x7, v0;
	v1 =	vand.u32 $0xFFFFFFE0, v1  }
0x4bb: {  	v0 =	vor.u32 v0, v1;
	v1 =	vld [tilespmem:s2+$0xB870]  }
0x4bc: {  	v61 =	vld [tilespmem:s2+$0xB010]  }
0x4bd: {  	v8 =	vld [tilespmem:s2+$0xB020]  }
0x4be: {  	[tilespmem:$0x1FF30] =	vst v3;
	v3 =	vld [tilespmem:$0x1FFB0]  }
0x4bf: {  	[tilespmem:$0x1FF70] =	vst v7;
	v7 =	vld [tilespmem:s2+$0xBC30]  }
0x4c0: {  	[tilespmem:$0x1FF40] =	vst v1;
	v1 =	vld [tilespmem:s2+$0xBC00]  }
0x4c1: {  	v44 =	vld [tilespmem:s2+$0xB030]  }
0x4c2: {  	v57 =	vld [tilespmem:s2+$0xBC40]  }
0x4c3: {  	v48 =	vld [tilespmem:s2+$0xB040]  }
0x4c4: {  	[tilespmem:$0x1FF80] =	vst v7;
	v7 =	vld [tilespmem:$0x1FFC0]  }
0x4c5: {  	v49 =	vld [tilespmem:s2+$0xB050];
	[tilespmem:$0x1FF50] =	vst v1;
	v1 =	vperm.xlane v0, v3  }
0x4c6: {  	v50 =	vld [tilespmem:s2+$0xB060]  }
0x4c7: {  	[tilespmem:$0x1FF90] =	vst v57;
	v57 =	vld [tilespmem:s2+$0xBC50];
	v1 =	vadd.s32 v63, v1  }
0x4c8: {  	v51 =	vld [tilespmem:s2+$0xB070]  }
0x4c9: {  	v52 =	vld [tilespmem:s2+$0xB400];
	v0 =	vperm.xlane v0, v7  }
0x4ca: {  	v53 =	vld [tilespmem:s2+$0xB410]  }
0x4cb: {  	s1 =	simm.s32 $0xB000;
	s16 =	simm.s32 $0x0;
	v56 =	vld [tilespmem:s2+$0xB420];
	v0 =	vadd.s32 v63, v0  }
0x4cc: {  	[tilespmem:$0x1FFA0] =	vst v57;
	v57 =	vld [tilespmem:s2+$0xBC60];
	[tilespmem:s1], [sflag:$0x1] =	stream.indirect_vreg.gather [hbm4b:s0+s16], $0x80, v1, vm0, $0xb8  }
0x4cd: {  	s2 =	simm.s32 $0xB800  }
0x4ce: {  	[tilespmem:s2], [sflag:$0x1] =	stream.indirect_vreg.gather [hbm4b:s10+s16], $0x80, v1, vm0, $0xb8;
	[tilespmem:$0x1B200] =	vst v63  }
0x4cf: {  	s18 =	simm.s32 $0xC000  }
0x4d0: {  	[tilespmem:s18], [sflag:$0x1] =	stream.indirect_vreg.gather [hbm4b:s0+s16], $0x80, v0, vm0, $0xb8;
	[tilespmem:$0x1B200] =	vst v63  }
0x4d1: {  	s2 =	simm.s32 $0xC800  }
0x4d2: {  	[tilespmem:s2], [sflag:$0x1] =	stream.indirect_vreg.gather [hbm4b:s10+s16], $0x80, v0, vm0, $0xb8;
	[tilespmem:$0x1B200] =	vst v63  }
0x4d3: {  	v0 =	vld [tilespmem:s15+$0x5890];
	_ =	sdelay $0x4  }
0x4d4: {  	v1 =	vshll.u32 v0, $0x2  }
0x4d5: {  	v0 =	vand.u32 $0x7, v0;
	v1 =	vand.u32 $0xFFFFFFE0, v1  }
0x4d6: {  	v0 =	vor.u32 v0, v1  }
0x4d7: {  	v1 =	vperm.xlane v0, v3;
	_ =	sdelay $0x1  }
0x4d8: {  	v1 =	vadd.s32 v63, v1;
	_ =	sdelay $0x1  }
0x4d9: {  	v0 =	vperm.xlane v0, v7;
	_ =	sdelay $0x1  }
0x4da: {  	s18 =	simm.s32 $0xD000;
	v0 =	vadd.s32 v63, v0  }
0x4db: {  	[tilespmem:s18], [sflag:$0x1] =	stream.indirect_vreg.gather [hbm4b:s0+s16], $0x80, v1, vm0, $0xb8;
	[tilespmem:$0x1B200] =	vst v63  }
0x4dc: {  	s2 =	simm.s32 $0xD800  }
0x4dd: {  	[tilespmem:s2], [sflag:$0x1] =	stream.indirect_vreg.gather [hbm4b:s10+s16], $0x80, v1, vm0, $0xb8;
	[tilespmem:$0x1B200] =	vst v63  }
0x4de: {  	s18 =	simm.s32 $0xE000  }
0x4df: {  	[tilespmem:s18], [sflag:$0x1] =	stream.indirect_vreg.gather [hbm4b:s0+s16], $0x80, v0, vm0, $0xb8;
	[tilespmem:$0x1B200] =	vst v63  }
0x4e0: {  	s2 =	simm.s32 $0xE800  }
0x4e1: {  	[tilespmem:s2], [sflag:$0x1] =	stream.indirect_vreg.gather [hbm4b:s10+s16], $0x80, v0, vm0, $0xb8;
	[tilespmem:$0x1B200] =	vst v63  }
0x4e2: {  	v0 =	vld [tilespmem:s15+$0x58A0];
	_ =	sdelay $0x4  }
0x4e3: {  	v1 =	vshll.u32 v0, $0x2  }
0x4e4: {  	v0 =	vand.u32 $0x7, v0;
	v1 =	vand.u32 $0xFFFFFFE0, v1  }
0x4e5: {  	v0 =	vor.u32 v0, v1  }
0x4e6: {  	v1 =	vperm.xlane v0, v3;
	_ =	sdelay $0x1  }
0x4e7: {  	v1 =	vadd.s32 v63, v1;
	_ =	sdelay $0x1  }
0x4e8: {  	v0 =	vperm.xlane v0, v7;
	_ =	sdelay $0x1  }
0x4e9: {  	s18 =	simm.s32 $0xF000;
	v0 =	vadd.s32 v63, v0  }
0x4ea: {  	[tilespmem:s18], [sflag:$0x1] =	stream.indirect_vreg.gather [hbm4b:s0+s16], $0x80, v1, vm0, $0xb8;
	[tilespmem:$0x1B200] =	vst v63  }
0x4eb: {  	_ = 	snop  }
0x4ec: {  	[tilespmem:s17], [sflag:$0x1] =	stream.indirect_vreg.gather [hbm4b:s10+s16], $0x80, v1, vm0, $0xb8;
	[tilespmem:$0x1B200] =	vst v63  }
0x4ed: {  	s2 =	simm.s32 $0x10000  }
0x4ee: {  	[tilespmem:s2], [sflag:$0x1] =	stream.indirect_vreg.gather [hbm4b:s0+s16], $0x80, v0, vm0, $0xb8;
	[tilespmem:$0x1B200] =	vst v63  }
0x4ef: {  	s17 =	simm.s32 $0x10800  }
0x4f0: {  	[tilespmem:s17], [sflag:$0x1] =	stream.indirect_vreg.gather [hbm4b:s10+s16], $0x80, v0, vm0, $0xb8;
	[tilespmem:$0x1B200] =	vst v63  }
0x4f1: {  	v0 =	vld [tilespmem:s15+$0x58B0];
	_ =	sdelay $0x4  }
0x4f2: {  	v1 =	vshll.u32 v0, $0x2  }
0x4f3: {  	v0 =	vand.u32 $0x7, v0;
	v1 =	vand.u32 $0xFFFFFFE0, v1  }
0x4f4: {  	v0 =	vor.u32 v0, v1  }
0x4f5: {  	v1 =	vadd.f32 v4, v20;
	v20 =	vperm.xlane v0, v3;
	_ =	sdelay $0x1  }
0x4f6: {  	v20 =	vadd.s32 v63, v20;
	_ =	sdelay $0x1  }
0x4f7: {  	v0 =	vperm.xlane v0, v7;
	_ =	sdelay $0x1  }
0x4f8: {  	s18 =	simm.s32 $0x11000;
	v0 =	vadd.s32 v63, v0  }
0x4f9: {  	[tilespmem:s18], [sflag:$0x1] =	stream.indirect_vreg.gather [hbm4b:s0+s16], $0x80, v20, vm0, $0xb8;
	[tilespmem:$0x1B200] =	vst v63  }
0x4fa: {  	s2 =	simm.s32 $0x11800  }
0x4fb: {  	[tilespmem:s2], [sflag:$0x1] =	stream.indirect_vreg.gather [hbm4b:s10+s16], $0x80, v20, vm0, $0xb8;
	[tilespmem:$0x1B200] =	vst v63  }
0x4fc: {  	v5 =	vmul.f32 v5, v30;
	s17 =	simm.s32 $0x12000  }
0x4fd: {  	v6 =	vadd.f32 v6, v19;
	v19 =	vmul.f32 v55, v30;
	[tilespmem:s17], [sflag:$0x1] =	stream.indirect_vreg.gather [hbm4b:s0+s16], $0x80, v0, vm0, $0xb8;
	[tilespmem:$0x1B200] =	vst v63  }
0x4fe: {  	v5 =	vadd.f32 v5, v14;
	v14 =	vmul.f32 v47, v30;
	v3 =	vmul.f32 v9, v30;
	s18 =	simm.s32 $0x12800;
	s2 =	simm.s32 $0x2  }
0x4ff: {  	v62 =	vmul.f32 v62, v30;
	v4 =	vmul.f32 v54, v30;
	[tilespmem:s18], [sflag:$0x1] =	stream.indirect_vreg.gather [hbm4b:s10+s16], $0x80, v0, vm0, $0xb8;
	[tilespmem:$0x1B200] =	vst v63  }
0x500: {  	v3 =	vadd.f32 v3, v13;
	v13 =	vadd.f32 v14, v11;
	v14 =	vmul.f32 v8, v43;
	_ =	swait.ge [sflag:s2], $0x8000  }
0x501: {  	v9 =	vmul.f32 v46, v30;
	v7 =	vmul.f32 v45, v30;
	v8 =	vld [tilespmem:$0x1FE80]  }
0x502: {  	v20 =	vadd.f32 v14, v41;
	v14 =	vmul.f32 v50, v43;
	v0 =	vmul.f32 v49, v43  }
0x503: {  	v4 =	vadd.f32 v4, v18;
	v18 =	vmul.f32 v58, v30;
	v30 =	vmul.f32 v52, v43  }
0x504: {  	v0 =	vadd.f32 v0, v33;
	v33 =	vadd.f32 v14, v34;
	v14 =	vmul.f32 v53, v43;
	_ =	sdelay $0x1  }
0x505: {  	v34 =	vadd.f32 v30, v39;
	v39 =	vadd.f32 v14, v40;
	v14 =	vmul.f32 v8, v43;
	v8 =	vld [tilespmem:$0x1FE90];
	_ =	sdelay $0x1  }
0x506: {  	v9 =	vadd.f32 v9, v12;
	v12 =	vmul.f32 v61, v43  }
0x507: {  	v17 =	vadd.f32 v19, v17;
	v7 =	vadd.f32 v7, v10;
	v10 =	vmul.f32 v59, v43  }
0x508: {  	v11 =	vmul.f32 v60, v43;
	v19 =	vadd.f32 v12, v37;
	v12 =	vmul.f32 v48, v43  }
0x509: {  	v15 =	vadd.f32 v18, v15;
	v18 =	vadd.f32 v10, v31;
	v30 =	vmul.f32 v8, v43;
	v8 =	vld [tilespmem:$0x1FEA0]  }
0x50a: {  	v10 =	vadd.f32 v11, v32;
	v32 =	vadd.f32 v12, v38;
	v12 =	vmul.f32 v51, v43;
	_ =	sdelay $0x1  }
0x50b: {  	v28 =	vadd.f32 v12, v28;
	v12 =	vmul.f32 v56, v43;
	_ =	sdelay $0x1  }
0x50c: {  	v40 =	vadd.f32 v12, v26;
	v12 =	vmul.f32 v8, v43;
	v8 =	vld [tilespmem:$0x1FEB0];
	_ =	sdelay $0x4  }
0x50d: {  	v26 =	vmul.f32 v8, v43;
	v8 =	vld [tilespmem:$0x1FEC0];
	_ =	sdelay $0x4  }
0x50e: {  	v41 =	vadd.f32 v14, v21;
	v14 =	vmul.f32 v8, v43;
	v8 =	vld [tilespmem:$0x1FED0];
	_ =	sdelay $0x4  }
0x50f: {  	v11 =	vmul.f32 v44, v43;
	v44 =	vadd.f32 v12, v23;
	v12 =	vmul.f32 v8, v43;
	v8 =	vld [tilespmem:$0x1FEE0];
	_ =	sdelay $0x4  }
0x510: {  	v35 =	vadd.f32 v14, v35;
	v14 =	vmul.f32 v8, v43;
	v8 =	vld [tilespmem:$0x1FEF0];
	_ =	sdelay $0x4  }
0x511: {  	v21 =	vmul.f32 v8, v43;
	v8 =	vld [tilespmem:$0x1FF00];
	_ =	sdelay $0x4  }
0x512: {  	v27 =	vadd.f32 v12, v27;
	v12 =	vmul.f32 v8, v43;
	v8 =	vld [tilespmem:$0x1FF10];
	_ =	sdelay $0x4  }
0x513: {  	v31 =	vadd.f32 v11, v42;
	v42 =	vadd.f32 v30, v22;
	v22 =	vmul.f32 v8, v43;
	v8 =	vld [tilespmem:$0x1FF20];
	_ =	sdelay $0x2  }
0x514: {  	v11 =	vmov s12;
	_ =	sdelay $0x1  }
0x515: {  	v47 =	vadd.f32 v14, v24;
	v14 =	vmul.f32 v8, v43  }
0x516: {  	s17 =	sand.u32 $0x380, s16;
	s18 =	sand.u32 $0x7000, s16;
	[sflag:s2] =	ssyncset.done $0x0;
	v8 =	vld [tilespmem:$0x1FF30]  }
0x517: {  	s18 =	sor.u32 s17, s18;
	[sflag:s2] =	ssyncadd.s32 $0xFFFF8000;
	v49 =	vadd.f32 v12, v36;
	v12 =	vadd.f32 v14, v6;
	v6 =	vld [tilespmem:$0x1FF40]  }
0x518: {  	s29 =	sadd.s32 $0x13000, s18;
	v11 =	vld.idx.msk [tilespmem:v11+s8+$0x0], $0xffff  }
0x519: {  	v60 =	vld [tilespmem:s29+$0xC70]  }
0x51a: {  	v38 =	vld [tilespmem:s29+$0x30]  }
0x51b: {  	v61 =	vld [tilespmem:s29+$0x40];
	v48 =	vadd.f32 v21, v25;
	v21 =	vmul.f32 v8, v43  }
0x51c: {  	v8 =	vld [tilespmem:$0x1FF50];
	v6 =	vmul.f32 v6, v43  }
0x51d: {  	v21 =	vadd.f32 v21, v4;
	v4 =	vld [tilespmem:$0x1FF60]  }
0x51e: {  	v36 =	vadd.f32 v6, v17;
	v6 =	vld [tilespmem:$0x1FF80]  }
0x51f: {  	v16 =	vadd.f32 v62, v16;
	v62 =	vld [tilespmem:s29+$0x70]  }
0x520: {  	v56 =	vld [tilespmem:s29+$0x400]  }
0x521: {  	v58 =	vld [tilespmem:s29+$0x410]  }
0x522: {  	v59 =	vld [tilespmem:s29+$0x430];
	v4 =	vmul.f32 v4, v43  }
0x523: {  	v14 =	vmul.f32 v8, v43;
	v8 =	vld [tilespmem:$0x1FF70];
	v6 =	vmul.f32 v6, v43  }
0x524: {  	v23 =	vadd.f32 v4, v15;
	v4 =	vld [tilespmem:$0x1FF90]  }
0x525: {  	v15 =	vadd.f32 v6, v3;
	v3 =	vld [tilespmem:$0x1FFA0]  }
0x526: {  	v30 =	vld [tilespmem:s29+$0x10]  }
0x527: {  	v45 =	vadd.f32 v26, v29;
	v26 =	vld [tilespmem:s29+$0x20]  }
0x528: {  	v24 =	vld [tilespmem:s29+$0x50];
	v29 =	vmul.f32 v8, v43  }
0x529: {  	v25 =	vld [tilespmem:s29+$0x60];
	v1 =	vadd.f32 v22, v1;
	v22 =	vadd.f32 v14, v16;
	v4 =	vmul.f32 v4, v43  }
0x52a: {  	v6 =	vmul.f32 v57, v43;
	v14 =	vadd.f32 v29, v5;
	v5 =	vld [tilespmem:s29+$0x420];
	v3 =	vmul.f32 v3, v43  }
0x52b: {  	v29 =	vadd.f32 v4, v9;
	v4 =	vmul.f32 v60, v11;
	v60 =	vld [tilespmem:s29+$0x440]  }
0x52c: {  	v9 =	vmul.f32 v30, v11;
	v30 =	vadd.f32 v6, v7;
	v6 =	vld [tilespmem:s29+$0x450];
	v37 =	vadd.f32 v3, v13  }
0x52d: {  	v7 =	vld [tilespmem:s29+$0x460];
	v3 =	vmul.f32 v26, v11;
	v16 =	vadd.f32 v4, v18;
	v4 =	vmul.f32 v38, v11  }
0x52e: {  	v17 =	vadd.f32 v9, v19;
	v9 =	vmul.f32 v24, v11;
	v13 =	vmul.f32 v62, v11;
	v62 =	vld [tilespmem:s29+$0x840]  }
0x52f: {  	v18 =	vadd.f32 v3, v20;
	v3 =	vmul.f32 v61, v11;
	v20 =	vld [tilespmem:s29+$0x470]  }
0x530: {  	v19 =	vadd.f32 v4, v31;
	v4 =	vmul.f32 v25, v11;
	v61 =	vld [tilespmem:s29+$0x800];
	v25 =	vadd.f32 v9, v0  }
0x531: {  	v0 =	vmul.f32 v56, v11;
	v9 =	vld [tilespmem:s29+$0x820];
	v6 =	vmul.f32 v6, v11;
	v24 =	vadd.f32 v3, v32  }
0x532: {  	v3 =	vld [tilespmem:s29+$0x810];
	v31 =	vadd.f32 v4, v33;
	v32 =	vadd.f32 v13, v28;
	v4 =	vmul.f32 v58, v11  }
0x533: {  	v38 =	vadd.f32 v0, v34;
	v0 =	vmul.f32 v5, v11;
	v5 =	vmul.f32 v59, v11;
	v28 =	vld [tilespmem:s29+$0x830]  }
0x534: {  	v13 =	vadd.f32 v6, v44;
	v6 =	vld [tilespmem:s29+$0x860];
	v26 =	vadd.f32 v4, v39;
	v4 =	vmul.f32 v60, v11  }
0x535: {  	v33 =	vadd.f32 v0, v40;
	v34 =	vadd.f32 v5, v41;
	v0 =	vmul.f32 v7, v11;
	v5 =	vld [tilespmem:s29+$0x850]  }
0x536: {  	v39 =	vadd.f32 v4, v42;
	v4 =	vmul.f32 v20, v11  }
0x537: {  	v44 =	vld [tilespmem:s29+$0x870];
	v20 =	vadd.f32 v0, v45;
	v0 =	vmul.f32 v61, v11;
	v3 =	vmul.f32 v3, v11  }
0x538: {  	v45 =	vld [tilespmem:s29+$0xC00];
	v7 =	vmul.f32 v28, v11;
	v35 =	vadd.f32 v4, v35;
	v4 =	vmul.f32 v9, v11  }
0x539: {  	v43 =	vld [tilespmem:s29+$0xC10];
	v41 =	vadd.f32 v0, v27;
	v0 =	vmul.f32 v62, v11;
	v6 =	vmul.f32 v6, v11  }
0x53a: {  	s31 =	sadd.s32 $0x1, s12;
	v40 =	vadd.f32 v3, v47;
	v27 =	vadd.f32 v4, v48;
	v4 =	vmul.f32 v5, v11;
	v5 =	vld [tilespmem:s29+$0xC20]  }
0x53b: {  	s30 =	simm.s32 $0x80;
	s2 =	simm.s32 $0x100;
	v46 =	vld [tilespmem:s29+$0xC30];
	v28 =	vadd.f32 v7, v49;
	v47 =	vmov s31;
	v42 =	vadd.f32 v0, v1  }
.LBB2_57:
0x53c: {  	p0 =	sne.s32 s2, $0x1F80;
	v12 =	vadd.f32 v4, v12;
	v0 =	vmul.f32 v44, v11;
	v1 =	vld [tilespmem:s29+$0xC40]  }
0x53d: {  	s16 =	sadd.s32 $0x200, s16;
	v21 =	vadd.f32 v6, v21;
	v3 =	vmul.f32 v45, v11;
	v4 =	vld [tilespmem:s29+$0xC50]  }
0x53e: {  	s17 =	sand.u32 $0x380, s30;
	s30 =	smov.u32 s2;
	s1 =	sand.u32 $0x7000, s16;
	v36 =	vadd.f32 v0, v36;
	v0 =	vmul.f32 v43, v11;
	v6 =	vld [tilespmem:s29+$0xC60]  }
0x53f: {  	v7 =	vld [tilespmem:s18+$0x13000];
	s18 =	sor.u32 s17, s1;
	v22 =	vadd.f32 v3, v22;
	v3 =	vmul.f32 v5, v11  }
0x540: {  	v5 =	vld.idx.msk [tilespmem:v47+s8+$0x0], $0xffff;
	s29 =	sadd.s32 $0x13000, s18;
	v23 =	vadd.f32 v0, v23;
	v0 =	vmul.f32 v46, v11  }
0x541: {  	v9 =	vld [tilespmem:s29+$0xC70];
	v14 =	vadd.f32 v3, v14;
	v1 =	vmul.f32 v1, v11  }
0x542: {  	v3 =	vld [tilespmem:s29+$0x10];
	v15 =	vadd.f32 v0, v15;
	v0 =	vmul.f32 v4, v11  }
0x543: {  	v4 =	vld [tilespmem:s29+$0x20];
	v29 =	vadd.f32 v1, v29;
	v1 =	vmul.f32 v6, v11  }
0x544: {  	v6 =	vld [tilespmem:s29+$0x30];
	v7 =	vmul.f32 v7, v11;
	v37 =	vadd.f32 v0, v37  }
0x545: {  	v0 =	vld [tilespmem:s29+$0x40];
	v30 =	vadd.f32 v1, v30  }
0x546: {  	v11 =	vmov v5;
	v1 =	vld [tilespmem:s29+$0x50];
	v9 =	vmul.f32 v9, v5;
	v10 =	vadd.f32 v7, v10  }
0x547: {  	v3 =	vmul.f32 v3, v11;
	v5 =	vld [tilespmem:s29+$0x60]  }
0x548: {  	v4 =	vmul.f32 v4, v11;
	v7 =	vld [tilespmem:s29+$0x70];
	v16 =	vadd.f32 v9, v16  }
0x549: {  	v17 =	vadd.f32 v3, v17;
	v3 =	vmul.f32 v6, v11;
	v6 =	vld [tilespmem:s29+$0x400]  }
0x54a: {  	v18 =	vadd.f32 v4, v18;
	v0 =	vmul.f32 v0, v11;
	v4 =	vld [tilespmem:s29+$0x410]  }
0x54b: {  	v19 =	vadd.f32 v3, v19;
	v1 =	vmul.f32 v1, v11;
	v3 =	vld [tilespmem:s29+$0x420]  }
0x54c: {  	v24 =	vadd.f32 v0, v24;
	v0 =	vmul.f32 v5, v11;
	v5 =	vld [tilespmem:s29+$0x430]  }
0x54d: {  	v25 =	vadd.f32 v1, v25;
	v1 =	vmul.f32 v7, v11;
	v7 =	vld [tilespmem:s29+$0x440]  }
0x54e: {  	v31 =	vadd.f32 v0, v31;
	v0 =	vmul.f32 v6, v11;
	v6 =	vld [tilespmem:s29+$0x450]  }
0x54f: {  	v32 =	vadd.f32 v1, v32;
	v1 =	vmul.f32 v4, v11;
	v4 =	vld [tilespmem:s29+$0x460]  }
0x550: {  	v38 =	vadd.f32 v0, v38;
	v0 =	vmul.f32 v3, v11;
	v3 =	vld [tilespmem:s29+$0x470]  }
0x551: {  	v26 =	vadd.f32 v1, v26;
	v1 =	vmul.f32 v5, v11;
	v5 =	vld [tilespmem:s29+$0x800]  }
0x552: {  	v33 =	vadd.f32 v0, v33;
	v0 =	vmul.f32 v7, v11;
	v7 =	vld [tilespmem:s29+$0x810]  }
0x553: {  	v34 =	vadd.f32 v1, v34;
	v1 =	vmul.f32 v6, v11;
	v6 =	vld [tilespmem:s29+$0x820]  }
0x554: {  	v39 =	vadd.f32 v0, v39;
	v0 =	vmul.f32 v4, v11;
	v4 =	vld [tilespmem:s29+$0x830]  }
0x555: {  	v13 =	vadd.f32 v1, v13;
	v1 =	vmul.f32 v3, v11;
	v3 =	vld [tilespmem:s29+$0x840]  }
0x556: {  	v20 =	vadd.f32 v0, v20;
	v0 =	vmul.f32 v5, v11;
	v5 =	vld [tilespmem:s29+$0x850]  }
0x557: {  	v35 =	vadd.f32 v1, v35;
	v1 =	vmul.f32 v7, v11;
	v7 =	vld [tilespmem:s29+$0x860]  }
.Ltmp27:
0x558: {  	v41 =	vadd.f32 v0, v41;
	v0 =	vmul.f32 v6, v11;
	v44 =	vld [tilespmem:s29+$0x870];
	(pc) =	sbr.rel @p0 .LBB2_57-.Ltmp27, $4  }
0x559: {  	v40 =	vadd.f32 v1, v40;
	v1 =	vmul.f32 v4, v11;
	v45 =	vld [tilespmem:s29+$0xC00]  }
0x55a: {  	v27 =	vadd.f32 v0, v27;
	v0 =	vmul.f32 v3, v11;
	v43 =	vld [tilespmem:s29+$0xC10]  }
0x55b: {  	s31 =	sadd.s32 $0x1, s31;
	v28 =	vadd.f32 v1, v28;
	v4 =	vmul.f32 v5, v11;
	v5 =	vld [tilespmem:s29+$0xC20]  }
0x55c: {  	s2 =	sadd.s32 $0x80, s2;
	v47 =	vmov s31;
	v42 =	vadd.f32 v0, v42;
	v6 =	vmul.f32 v7, v11;
	v46 =	vld [tilespmem:s29+$0xC30]  }
0x55d: {  	s1 =	sadd.s32 $0x200, s16  }
0x55e: {  	s2 =	sand.u32 $0x380, s30;
	s1 =	sand.u32 $0x7000, s1  }
0x55f: {  	s1 =	sor.u32 s2, s1  }
0x560: {  	s2 =	sadd.s32 $0x13000, s1  }
0x561: {  	v3 =	vld [tilespmem:s2+$0x440];
	_ =	sdelay $0x4  }
0x562: {  	[tilespmem:$0x1FD50] =	vst v3;
	v3 =	vld [tilespmem:s2+$0x450];
	_ =	sdelay $0x4  }
0x563: {  	[tilespmem:$0x1FD60] =	vst v3;
	v3 =	vld [tilespmem:s2+$0x460];
	_ =	sdelay $0x4  }
0x564: {  	[tilespmem:$0x1FD70] =	vst v3;
	v3 =	vld [tilespmem:s2+$0x470];
	_ =	sdelay $0x4  }
0x565: {  	[tilespmem:$0x1FD80] =	vst v3;
	v3 =	vld [tilespmem:s2+$0x800];
	_ =	sdelay $0x4  }
0x566: {  	[tilespmem:$0x1FD90] =	vst v3;
	v3 =	vld [tilespmem:s2+$0x810];
	_ =	sdelay $0x4  }
0x567: {  	[tilespmem:$0x1FDA0] =	vst v3;
	v3 =	vld [tilespmem:s2+$0x820];
	_ =	sdelay $0x4  }
0x568: {  	[tilespmem:$0x1FDB0] =	vst v3;
	v3 =	vld [tilespmem:s2+$0x830];
	_ =	sdelay $0x4  }
0x569: {  	[tilespmem:$0x1FDC0] =	vst v3;
	v3 =	vld [tilespmem:s2+$0x840];
	_ =	sdelay $0x4  }
0x56a: {  	[tilespmem:$0x1FDD0] =	vst v3;
	v3 =	vld [tilespmem:s2+$0x850];
	_ =	sdelay $0x4  }
0x56b: {  	[tilespmem:$0x1FDE0] =	vst v3;
	v3 =	vld [tilespmem:s2+$0x860];
	_ =	sdelay $0x3  }
0x56c: {  	v0 =	vld [tilespmem:s29+$0xC40]  }
0x56d: {  	[tilespmem:$0x1FDF0] =	vst v3;
	v3 =	vld [tilespmem:s2+$0x870]  }
0x56e: {  	v1 =	vld [tilespmem:s29+$0xC50]  }
0x56f: {  	v49 =	vld [tilespmem:s29+$0xC60]  }
0x570: {  	v7 =	vld [tilespmem:s18+$0x13000]  }
0x571: {  	v8 =	vld [tilespmem:s2+$0xC20]  }
0x572: {  	[tilespmem:$0x1FE00] =	vst v3;
	v3 =	vld [tilespmem:s2+$0xC00]  }
0x573: {  	v50 =	vld.idx.msk [tilespmem:v47+s8+$0x0], $0xffff  }
0x574: {  	v54 =	vld [tilespmem:s15+$0x58C0]  }
0x575: {  	v9 =	vld [tilespmem:s2+$0xC70]  }
0x576: {  	[tilespmem:$0x1FE30] =	vst v8;
	v8 =	vld [tilespmem:s2+$0xC30]  }
0x577: {  	[tilespmem:$0x1FE10] =	vst v3;
	v3 =	vld [tilespmem:s2+$0xC10]  }
0x578: {  	v47 =	vld [tilespmem:s2+$0x10]  }
0x579: {  	v48 =	vld [tilespmem:s2+$0x20]  }
0x57a: {  	v51 =	vld [tilespmem:s2+$0x30]  }
0x57b: {  	[tilespmem:$0x1FE40] =	vst v8;
	v8 =	vld [tilespmem:s2+$0xC40]  }
0x57c: {  	[tilespmem:$0x1FE20] =	vst v3;
	v3 =	vld [tilespmem:$0x1FFB0]  }
0x57d: {  	v53 =	vld [tilespmem:s2+$0x40]  }
0x57e: {  	v62 =	vld [tilespmem:s2+$0xC50];
	v55 =	vshll.u32 v54, $0x2  }
0x57f: {  	v52 =	vld [tilespmem:s2+$0x50];
	v54 =	vand.u32 $0x7, v54;
	v55 =	vand.u32 $0xFFFFFFE0, v55  }
0x580: {  	v54 =	vor.u32 v54, v55;
	[tilespmem:$0x1FE50] =	vst v8;
	v8 =	vld [tilespmem:$0x1FFC0]  }
0x581: {  	v57 =	vld [tilespmem:s2+$0x60];
	v55 =	vperm.xlane v54, v3  }
0x582: {  	v56 =	vld [tilespmem:s2+$0x70]  }
0x583: {  	[tilespmem:$0x1FE60] =	vst v62;
	v62 =	vld [tilespmem:s2+$0xC60];
	v55 =	vadd.s32 v63, v55  }
0x584: {  	v58 =	vld [tilespmem:s2+$0x400]  }
0x585: {  	v59 =	vld [tilespmem:s2+$0x410];
	v54 =	vperm.xlane v54, v8  }
0x586: {  	v60 =	vld [tilespmem:s2+$0x420]  }
0x587: {  	s16 =	simm.s32 $0x13000;
	v61 =	vld [tilespmem:s2+$0x430];
	v54 =	vadd.s32 v63, v54  }
0x588: {  	[tilespmem:$0x1FE70] =	vst v62;
	v62 =	vld [tilespmem:s1+$0x13000];
	[tilespmem:s16], [sflag:$0x2] =	stream.indirect_vreg.gather [hbm4b:s0+s3], $0x80, v55, vm0, $0xb8  }
0x589: {  	s17 =	simm.s32 $0x13800  }
0x58a: {  	[tilespmem:s17], [sflag:$0x2] =	stream.indirect_vreg.gather [hbm4b:s10+s3], $0x80, v55, vm0, $0xb8;
	[tilespmem:$0x1B200] =	vst v63  }
0x58b: {  	_ = 	snop  }
0x58c: {  	[tilespmem:s6], [sflag:$0x2] =	stream.indirect_vreg.gather [hbm4b:s0+s3], $0x80, v54, vm0, $0xb8;
	[tilespmem:$0x1B200] =	vst v63  }
0x58d: {  	_ = 	snop  }
0x58e: {  	[tilespmem:s7], [sflag:$0x2] =	stream.indirect_vreg.gather [hbm4b:s10+s3], $0x80, v54, vm0, $0xb8;
	[tilespmem:$0x1B200] =	vst v63  }
0x58f: {  	v54 =	vld [tilespmem:s15+$0x58D0];
	_ =	sdelay $0x4  }
0x590: {  	v55 =	vshll.u32 v54, $0x2  }
0x591: {  	v54 =	vand.u32 $0x7, v54;
	v55 =	vand.u32 $0xFFFFFFE0, v55  }
0x592: {  	v54 =	vor.u32 v54, v55  }
0x593: {  	v55 =	vperm.xlane v54, v3;
	_ =	sdelay $0x1  }
0x594: {  	v55 =	vadd.s32 v63, v55;
	_ =	sdelay $0x1  }
0x595: {  	v54 =	vperm.xlane v54, v8;
	_ =	sdelay $0x1  }
0x596: {  	v54 =	vadd.s32 v63, v54  }
0x597: {  	[tilespmem:s11], [sflag:$0x2] =	stream.indirect_vreg.gather [hbm4b:s0+s3], $0x80, v55, vm0, $0xb8;
	[tilespmem:$0x1B200] =	vst v63  }
0x598: {  	_ = 	snop  }
0x599: {  	[tilespmem:s20], [sflag:$0x2] =	stream.indirect_vreg.gather [hbm4b:s10+s3], $0x80, v55, vm0, $0xb8;
	[tilespmem:$0x1B200] =	vst v63  }
0x59a: {  	_ = 	snop  }
0x59b: {  	[tilespmem:s25], [sflag:$0x2] =	stream.indirect_vreg.gather [hbm4b:s0+s3], $0x80, v54, vm0, $0xb8;
	[tilespmem:$0x1B200] =	vst v63  }
0x59c: {  	_ = 	snop  }
0x59d: {  	[tilespmem:s28], [sflag:$0x2] =	stream.indirect_vreg.gather [hbm4b:s10+s3], $0x80, v54, vm0, $0xb8;
	[tilespmem:$0x1B200] =	vst v63  }
0x59e: {  	v54 =	vld [tilespmem:s15+$0x58E0];
	_ =	sdelay $0x4  }
0x59f: {  	v55 =	vshll.u32 v54, $0x2  }
0x5a0: {  	v54 =	vand.u32 $0x7, v54;
	v55 =	vand.u32 $0xFFFFFFE0, v55  }
0x5a1: {  	v54 =	vor.u32 v54, v55  }
0x5a2: {  	v55 =	vperm.xlane v54, v3;
	_ =	sdelay $0x1  }
0x5a3: {  	v55 =	vadd.s32 v63, v55;
	_ =	sdelay $0x1  }
0x5a4: {  	v54 =	vperm.xlane v54, v8  }
0x5a5: {  	v44 =	vmul.f32 v44, v11  }
0x5a6: {  	v6 =	vadd.f32 v6, v21;
	v21 =	vmul.f32 v43, v11;
	v54 =	vadd.s32 v63, v54  }
0x5a7: {  	v4 =	vadd.f32 v4, v12;
	v12 =	vmul.f32 v45, v11;
	[tilespmem:s23], [sflag:$0x2] =	stream.indirect_vreg.gather [hbm4b:s0+s3], $0x80, v55, vm0, $0xb8;
	[tilespmem:$0x1B200] =	vst v63  }
0x5a8: {  	v36 =	vadd.f32 v44, v36;
	v5 =	vmul.f32 v5, v11;
	v44 =	vadd.f32 v21, v23  }
0x5a9: {  	v21 =	vmul.f32 v46, v11;
	v1 =	vmul.f32 v1, v11;
	[tilespmem:s24], [sflag:$0x2] =	stream.indirect_vreg.gather [hbm4b:s10+s3], $0x80, v55, vm0, $0xb8;
	[tilespmem:$0x1B200] =	vst v63  }
0x5aa: {  	s18 =	simm.s32 $0x18000;
	v0 =	vmul.f32 v0, v11;
	v5 =	vadd.f32 v5, v14;
	v7 =	vmul.f32 v7, v11  }
0x5ab: {  	v14 =	vmul.f32 v49, v11;
	v11 =	vadd.f32 v1, v37;
	[tilespmem:s18], [sflag:$0x2] =	stream.indirect_vreg.gather [hbm4b:s0+s3], $0x80, v54, vm0, $0xb8;
	[tilespmem:$0x1B200] =	vst v63  }
0x5ac: {  	s29 =	simm.s32 $0x18800;
	v7 =	vadd.f32 v7, v10;
	v1 =	vmul.f32 v9, v50;
	v10 =	vmul.f32 v48, v50  }
0x5ad: {  	v0 =	vadd.f32 v0, v29;
	v9 =	vmul.f32 v47, v50;
	[tilespmem:s29], [sflag:$0x2] =	stream.indirect_vreg.gather [hbm4b:s10+s3], $0x80, v54, vm0, $0xb8;
	[tilespmem:$0x1B200] =	vst v63  }
0x5ae: {  	v29 =	vadd.f32 v1, v16;
	v55 =	vadd.f32 v10, v18;
	v10 =	vmul.f32 v53, v50;
	v1 =	vld [tilespmem:s15+$0x58F0]  }
0x5af: {  	v30 =	vadd.f32 v14, v30;
	v37 =	vadd.f32 v9, v17;
	v9 =	vmul.f32 v51, v50  }
0x5b0: {  	v14 =	vmul.f32 v52, v50;
	v53 =	vadd.f32 v10, v24;
	v10 =	vmul.f32 v58, v50  }
0x5b1: {  	v54 =	vadd.f32 v9, v19;
	v9 =	vmul.f32 v57, v50  }
0x5b2: {  	v52 =	vadd.f32 v14, v25;
	v48 =	vadd.f32 v10, v38  }
0x5b3: {  	v51 =	vadd.f32 v9, v31;
	v9 =	vmul.f32 v59, v50;
	v14 =	vshll.u32 v1, $0x2  }
0x5b4: {  	v10 =	vmul.f32 v60, v50;
	v1 =	vand.u32 $0x7, v1;
	v14 =	vand.u32 $0xFFFFFFE0, v14  }
0x5b5: {  	v26 =	vadd.f32 v9, v26;
	v9 =	vor.u32 v1, v14;
	v1 =	vld [tilespmem:$0x1FD50]  }
0x5b6: {  	v12 =	vadd.f32 v12, v22;
	v22 =	vadd.f32 v10, v33;
	v10 =	vperm.xlane v9, v3;
	v3 =	vld [tilespmem:$0x1FD70];
	_ =	sdelay $0x3  }
0x5b7: {  	v1 =	vmul.f32 v1, v50  }
0x5b8: {  	v14 =	vmul.f32 v3, v50;
	v3 =	vld [tilespmem:$0x1FD80]  }
0x5b9: {  	v45 =	vadd.f32 v21, v15;
	v15 =	vmul.f32 v56, v50;
	v47 =	vadd.f32 v1, v39;
	v1 =	vld [tilespmem:$0x1FD60];
	_ =	sdelay $0x1  }
0x5ba: {  	v49 =	vadd.f32 v15, v32;
	v15 =	vmul.f32 v61, v50;
	_ =	sdelay $0x1  }
0x5bb: {  	v21 =	vadd.f32 v15, v34;
	v15 =	vmul.f32 v3, v50;
	v3 =	vld [tilespmem:$0x1FD90]  }
0x5bc: {  	v1 =	vmul.f32 v1, v50;
	_ =	sdelay $0x1  }
0x5bd: {  	v23 =	vadd.f32 v1, v13;
	v1 =	vld [tilespmem:$0x1FDA0];
	_ =	sdelay $0x1  }
0x5be: {  	v16 =	vmul.f32 v3, v50;
	v3 =	vld [tilespmem:$0x1FDB0];
	_ =	sdelay $0x2  }
0x5bf: {  	v13 =	vmul.f32 v1, v50;
	_ =	sdelay $0x1  }
0x5c0: {  	v24 =	vadd.f32 v13, v40;
	v13 =	vmul.f32 v3, v50;
	v3 =	vld [tilespmem:$0x1FDC0];
	_ =	sdelay $0x4  }
0x5c1: {  	v46 =	vadd.f32 v14, v20;
	v14 =	vmul.f32 v3, v50;
	v3 =	vld [tilespmem:$0x1FDD0];
	_ =	sdelay $0x4  }
0x5c2: {  	v59 =	vadd.f32 v15, v35;
	v15 =	vmul.f32 v3, v50;
	v3 =	vld [tilespmem:$0x1FDE0];
	_ =	sdelay $0x4  }
0x5c3: {  	v1 =	vadd.f32 v16, v41;
	v16 =	vmul.f32 v3, v50;
	v3 =	vld [tilespmem:$0x1FDF0];
	_ =	sdelay $0x2  }
0x5c4: {  	v10 =	vadd.s32 v63, v10;
	_ =	sdelay $0x1  }
0x5c5: {  	v19 =	vadd.f32 v16, v4;
	v4 =	vmul.f32 v3, v50;
	v3 =	vld [tilespmem:$0x1FE00];
	_ =	sdelay $0x1  }
0x5c6: {  	s30 =	simm.s32 $0x19000  }
0x5c7: {  	[tilespmem:s30], [sflag:$0x2] =	stream.indirect_vreg.gather [hbm4b:s0+s3], $0x80, v10, vm0, $0xb8;
	[tilespmem:$0x1B200] =	vst v63  }
0x5c8: {  	s31 =	simm.s32 $0x19800  }
0x5c9: {  	[tilespmem:s31], [sflag:$0x2] =	stream.indirect_vreg.gather [hbm4b:s10+s3], $0x80, v10, vm0, $0xb8;
	v10 =	vmul.f32 v3, v50;
	v3 =	vld [tilespmem:$0x1FE10]  }
0x5ca: {  	_ =	sdelay $0x3  }
0x5cb: {  	v25 =	vadd.f32 v13, v27;
	v13 =	vmul.f32 v3, v50;
	v3 =	vld [tilespmem:$0x1FE20];
	_ =	sdelay $0x4  }
0x5cc: {  	v18 =	vadd.f32 v4, v6;
	v4 =	vmul.f32 v3, v50;
	v3 =	vld [tilespmem:$0x1FE30];
	_ =	sdelay $0x4  }
0x5cd: {  	v6 =	vmul.f32 v3, v50;
	v3 =	vld [tilespmem:$0x1FE40];
	_ =	sdelay $0x4  }
0x5ce: {  	v20 =	vadd.f32 v15, v42;
	v15 =	vadd.f32 v4, v44;
	v4 =	vmul.f32 v3, v50;
	v3 =	vld [tilespmem:$0x1FE50];
	_ =	sdelay $0x4  }
0x5cf: {  	v43 =	vadd.f32 v14, v28;
	v14 =	vadd.f32 v6, v5;
	v5 =	vmul.f32 v3, v50;
	v3 =	vld [tilespmem:$0x1FE60];
	_ =	sdelay $0x2  }
0x5d0: {  	v9 =	vperm.xlane v9, v8;
	_ =	sdelay $0x1  }
0x5d1: {  	v9 =	vadd.s32 v63, v9;
	v6 =	vmul.f32 v3, v50;
	v3 =	vld [tilespmem:$0x1FE70]  }
0x5d2: {  	s14 =	sadd.s32 $0x1, s14  }
0x5d3: {  	p0 =	sne.s32 s14, $0xF  }
.Ltmp28:
0x5d4: {  	_ = 	snop;
	(pc) =	sbr.rel @p0 .LBB2_54-.Ltmp28, $4  }
0x5d5: {  	v16 =	vadd.f32 v13, v12;
	v13 =	vadd.f32 v4, v45;
	v4 =	vmul.f32 v62, v50  }
0x5d6: {  	[tilespmem:s4], [sflag:$0x2] =	stream.indirect_vreg.gather [hbm4b:s0+s3], $0x80, v9, vm0, $0xb8;
	v17 =	vadd.f32 v10, v36;
	v3 =	vmul.f32 v3, v50;
	[tilespmem:$0x1B200] =	vst v63  }
0x5d7: {  	s13 =	sadd.s32 $0x80, s13;
	s12 =	sadd.s32 $0x80, s12;
	s17 =	simm.s32 $0xF800;
	v4 =	vadd.f32 v4, v7;
	v12 =	vadd.f32 v5, v0  }
0x5d8: {  	[tilespmem:s5], [sflag:$0x2] =	stream.indirect_vreg.gather [hbm4b:s10+s3], $0x80, v9, vm0, $0xb8;
	v11 =	vadd.f32 v6, v11;
	v10 =	vadd.f32 v3, v30;
	[tilespmem:$0x1B200] =	vst v63  }
0x5d9: {  	_ =	swait.ge [sflag:s19], $0x8000;
	s9 =	simm.s32 $0x0  }
0x5da: {  	[sflag:s19] =	ssyncset.done $0x0;
	s30 =	sand.u32 $0x7000, s9;
	s2 =	sand.u32 $0x380, s9  }
0x5db: {  	[sflag:s19] =	ssyncadd.s32 $0xFFFF8000;
	s12 =	sor.u32 s2, s30  }
0x5dc: {  	v3 =	vld [tilespmem:s12+$0xB000]  }
0x5dd: {  	v5 =	vld [tilespmem:s12+$0xB010]  }
0x5de: {  	s1 =	simm.s32 $0x780;
	v6 =	vld [tilespmem:s12+$0xB020]  }
0x5df: {  	v0 =	vmov s1;
	v7 =	vld [tilespmem:s12+$0xB030]  }
0x5e0: {  	v8 =	vld [tilespmem:s12+$0xB040]  }
0x5e1: {  	v9 =	vld [tilespmem:s12+$0xB050]  }
0x5e2: {  	v27 =	vld [tilespmem:s12+$0xB060]  }
0x5e3: {  	v28 =	vld [tilespmem:s12+$0xB070]  }
0x5e4: {  	v33 =	vld.idx.msk [tilespmem:v0+s8+$0x0], $0xffff  }
0x5e5: {  	v0 =	vld [tilespmem:s12+$0xBC70]  }
0x5e6: {  	v30 =	vld [tilespmem:s12+$0xB400]  }
0x5e7: {  	v31 =	vld [tilespmem:s12+$0xB410]  }
0x5e8: {  	v32 =	vld [tilespmem:s12+$0xB420]  }
0x5e9: {  	v40 =	vld [tilespmem:s12+$0xB430]  }
0x5ea: {  	v41 =	vld [tilespmem:s12+$0xB440];
	v0 =	vmul.f32 v0, v33;
	v3 =	vmul.f32 v3, v33  }
0x5eb: {  	v42 =	vld [tilespmem:s12+$0xB820];
	v5 =	vmul.f32 v5, v33  }
0x5ec: {  	v61 =	vld [tilespmem:s12+$0xB830];
	v36 =	vadd.f32 v0, v29;
	v35 =	vadd.f32 v3, v4;
	v0 =	vmul.f32 v6, v33  }
0x5ed: {  	v62 =	vld [tilespmem:s12+$0xB840];
	v37 =	vadd.f32 v5, v37;
	v4 =	vmul.f32 v7, v33;
	v5 =	vmul.f32 v8, v33  }
0x5ee: {  	v3 =	vld [tilespmem:s12+$0xB450];
	v7 =	vmul.f32 v27, v33;
	v38 =	vadd.f32 v0, v55;
	v0 =	vmul.f32 v9, v33  }
0x5ef: {  	v6 =	vld [tilespmem:s12+$0xB460];
	v8 =	vmul.f32 v32, v33;
	v39 =	vadd.f32 v4, v54;
	v4 =	vmul.f32 v28, v33  }
0x5f0: {  	v34 =	vadd.f32 v5, v53;
	v5 =	vld [tilespmem:s12+$0xB800];
	v28 =	vadd.f32 v0, v52;
	v0 =	vmul.f32 v30, v33  }
0x5f1: {  	v27 =	vld [tilespmem:s12+$0xB470];
	v29 =	vadd.f32 v7, v51;
	v9 =	vmul.f32 v41, v33;
	v7 =	vadd.f32 v4, v49  }
0x5f2: {  	v30 =	vld [tilespmem:s12+$0xB810];
	v4 =	vmul.f32 v31, v33;
	v31 =	vadd.f32 v0, v48;
	v0 =	vmul.f32 v40, v33  }
0x5f3: {  	v44 =	vmul.f32 v62, v33;
	v22 =	vadd.f32 v8, v22;
	v3 =	vmul.f32 v3, v33  }
0x5f4: {  	v63 =	vld [tilespmem:s12+$0xB850];
	v9 =	vadd.f32 v9, v47;
	v8 =	vadd.f32 v0, v21;
	v0 =	vmul.f32 v6, v33  }
0x5f5: {  	v32 =	vadd.f32 v4, v26;
	v4 =	vld [tilespmem:s12+$0xB860];
	v21 =	vadd.f32 v3, v23;
	v6 =	vmul.f32 v5, v33  }
0x5f6: {  	v3 =	vmul.f32 v27, v33;
	v27 =	vmul.f32 v42, v33;
	v5 =	vld [tilespmem:s12+$0xB870];
	v26 =	vadd.f32 v0, v46  }
0x5f7: {  	s31 =	simm.s32 $0x781;
	v0 =	vmul.f32 v30, v33;
	v23 =	vadd.f32 v6, v1;
	v1 =	vmul.f32 v61, v33;
	v6 =	vld [tilespmem:s12+$0xBC00]  }
0x5f8: {  	v41 =	vld [tilespmem:s12+$0xBC10];
	v40 =	vmov s31;
	v30 =	vadd.f32 v3, v59;
	v25 =	vadd.f32 v27, v25  }
0x5f9: {  	s13 =	simm.s32 $0x0;
	s2 =	simm.s32 $0x782;
	v42 =	vld [tilespmem:s12+$0xBC20];
	v24 =	vadd.f32 v0, v24;
	v27 =	vadd.f32 v1, v43;
	v43 =	vmul.f32 v63, v33  }
.LBB2_60:
0x5fa: {  	p0 =	sne.s32 s2, $0x7BF;
	v20 =	vadd.f32 v44, v20;
	v0 =	vmul.f32 v4, v33;
	v1 =	vld [tilespmem:s12+$0xBC30]  }
0x5fb: {  	v19 =	vadd.f32 v43, v19;
	v3 =	vmul.f32 v5, v33;
	v4 =	vld [tilespmem:s12+$0xBC40]  }
0x5fc: {  	s9 =	sadd.s32 $0x80, s9;
	s13 =	sadd.s32 $0x200, s13;
	v18 =	vadd.f32 v0, v18;
	v0 =	vmul.f32 v6, v33;
	v5 =	vld [tilespmem:s12+$0xBC50]  }
0x5fd: {  	s1 =	sand.u32 $0x7000, s13;
	s14 =	sand.u32 $0x380, s9;
	v17 =	vadd.f32 v3, v17;
	v3 =	vmul.f32 v41, v33;
	v6 =	vld [tilespmem:s12+$0xBC60]  }
0x5fe: {  	s12 =	sor.u32 s14, s1;
	v40 =	vld.idx.msk [tilespmem:v40+s8+$0x0], $0xffff;
	v16 =	vadd.f32 v0, v16;
	v0 =	vmul.f32 v42, v33  }
0x5ff: {  	v41 =	vld [tilespmem:s12+$0xBC70];
	v15 =	vadd.f32 v3, v15;
	v1 =	vmul.f32 v1, v33  }
0x600: {  	v3 =	vld [tilespmem:s12+$0xB000];
	v14 =	vadd.f32 v0, v14;
	v0 =	vmul.f32 v4, v33  }
0x601: {  	v4 =	vld [tilespmem:s12+$0xB010];
	v13 =	vadd.f32 v1, v13;
	v1 =	vmul.f32 v5, v33  }
0x602: {  	v5 =	vld [tilespmem:s12+$0xB020];
	v12 =	vadd.f32 v0, v12;
	v0 =	vmul.f32 v6, v33  }
0x603: {  	v6 =	vld [tilespmem:s12+$0xB030];
	v11 =	vadd.f32 v1, v11  }
0x604: {  	v33 =	vmov v40;
	v1 =	vld [tilespmem:s12+$0xB040];
	v41 =	vmul.f32 v41, v40;
	v10 =	vadd.f32 v0, v10  }
0x605: {  	v0 =	vmul.f32 v3, v33;
	v3 =	vld [tilespmem:s12+$0xB050]  }
0x606: {  	v4 =	vmul.f32 v4, v33;
	v40 =	vld [tilespmem:s12+$0xB060];
	v36 =	vadd.f32 v41, v36  }
0x607: {  	v35 =	vadd.f32 v0, v35;
	v0 =	vmul.f32 v5, v33;
	v5 =	vld [tilespmem:s12+$0xB070]  }
0x608: {  	v37 =	vadd.f32 v4, v37;
	v4 =	vmul.f32 v6, v33;
	v6 =	vld [tilespmem:s12+$0xB400]  }
0x609: {  	v38 =	vadd.f32 v0, v38;
	v0 =	vmul.f32 v1, v33;
	v1 =	vld [tilespmem:s12+$0xB410]  }
0x60a: {  	v39 =	vadd.f32 v4, v39;
	v3 =	vmul.f32 v3, v33;
	v4 =	vld [tilespmem:s12+$0xB420]  }
0x60b: {  	v34 =	vadd.f32 v0, v34;
	v0 =	vmul.f32 v40, v33;
	v40 =	vld [tilespmem:s12+$0xB430]  }
0x60c: {  	v28 =	vadd.f32 v3, v28;
	v3 =	vmul.f32 v5, v33;
	v5 =	vld [tilespmem:s12+$0xB440]  }
0x60d: {  	v29 =	vadd.f32 v0, v29;
	v0 =	vmul.f32 v6, v33;
	v6 =	vld [tilespmem:s12+$0xB450]  }
0x60e: {  	v7 =	vadd.f32 v3, v7;
	v1 =	vmul.f32 v1, v33;
	v3 =	vld [tilespmem:s12+$0xB460]  }
0x60f: {  	v31 =	vadd.f32 v0, v31;
	v0 =	vmul.f32 v4, v33;
	v4 =	vld [tilespmem:s12+$0xB470]  }
0x610: {  	v32 =	vadd.f32 v1, v32;
	v1 =	vmul.f32 v40, v33;
	v40 =	vld [tilespmem:s12+$0xB800]  }
0x611: {  	v22 =	vadd.f32 v0, v22;
	v0 =	vmul.f32 v5, v33;
	v5 =	vld [tilespmem:s12+$0xB810]  }
0x612: {  	v8 =	vadd.f32 v1, v8;
	v1 =	vmul.f32 v6, v33;
	v6 =	vld [tilespmem:s12+$0xB820]  }
0x613: {  	v9 =	vadd.f32 v0, v9;
	v0 =	vmul.f32 v3, v33;
	v3 =	vld [tilespmem:s12+$0xB830]  }
0x614: {  	v21 =	vadd.f32 v1, v21;
	v1 =	vmul.f32 v4, v33;
	v41 =	vld [tilespmem:s12+$0xB840]  }
0x615: {  	v26 =	vadd.f32 v0, v26;
	v0 =	vmul.f32 v40, v33;
	v42 =	vld [tilespmem:s12+$0xB850]  }
.Ltmp29:
0x616: {  	v30 =	vadd.f32 v1, v30;
	v1 =	vmul.f32 v5, v33;
	v4 =	vld [tilespmem:s12+$0xB860];
	(pc) =	sbr.rel @p0 .LBB2_60-.Ltmp29, $4  }
0x617: {  	v23 =	vadd.f32 v0, v23;
	v0 =	vmul.f32 v6, v33;
	v5 =	vld [tilespmem:s12+$0xB870]  }
0x618: {  	v24 =	vadd.f32 v1, v24;
	v1 =	vmul.f32 v3, v33;
	v6 =	vld [tilespmem:s12+$0xBC00]  }
0x619: {  	v25 =	vadd.f32 v0, v25;
	v44 =	vmul.f32 v41, v33;
	v41 =	vld [tilespmem:s12+$0xBC10]  }
0x61a: {  	v40 =	vmov s2;
	s2 =	sadd.s32 $0x1, s2;
	v27 =	vadd.f32 v1, v27;
	v43 =	vmul.f32 v42, v33;
	v42 =	vld [tilespmem:s12+$0xBC20]  }
0x61b: {  	v0 =	vld [tilespmem:s12+$0xBC30]  }
0x61c: {  	v1 =	vld [tilespmem:s12+$0xBC40]  }
0x61d: {  	v3 =	vld [tilespmem:s12+$0xBC50];
	s1 =	sadd.s32 $0x80, s9;
	s2 =	sadd.s32 $0x200, s13  }
0x61e: {  	v45 =	vld [tilespmem:s12+$0xBC60];
	s2 =	sand.u32 $0x7000, s2;
	s1 =	sand.u32 $0x380, s1  }
0x61f: {  	v40 =	vld.idx.msk [tilespmem:v40+s8+$0x0], $0xffff;
	s2 =	sor.u32 s1, s2  }
0x620: {  	v46 =	vld [tilespmem:s2+$0xBC70]  }
0x621: {  	v47 =	vld [tilespmem:s2+$0xB000]  }
0x622: {  	v48 =	vld [tilespmem:s2+$0xB010]  }
0x623: {  	v49 =	vld [tilespmem:s2+$0xB020]  }
0x624: {  	v50 =	vld [tilespmem:s2+$0xB030]  }
0x625: {  	v51 =	vld [tilespmem:s2+$0xB040]  }
0x626: {  	v52 =	vld [tilespmem:s2+$0xB050]  }
0x627: {  	v53 =	vld [tilespmem:s2+$0xB060]  }
0x628: {  	v54 =	vld [tilespmem:s2+$0xB070]  }
0x629: {  	v55 =	vld [tilespmem:s2+$0xB400]  }
0x62a: {  	v63 =	vld [tilespmem:s2+$0xB800]  }
0x62b: {  	v56 =	vld [tilespmem:s2+$0xB410]  }
0x62c: {  	v57 =	vld [tilespmem:s2+$0xB420]  }
0x62d: {  	v58 =	vld [tilespmem:s2+$0xB430]  }
0x62e: {  	v59 =	vld [tilespmem:s2+$0xB440]  }
0x62f: {  	[tilespmem:$0x1FD10] =	vst v63;
	v63 =	vld [tilespmem:s2+$0xB810]  }
0x630: {  	v4 =	vmul.f32 v4, v33;
	v60 =	vld [tilespmem:s2+$0xB450]  }
0x631: {  	v20 =	vadd.f32 v44, v20;
	v5 =	vmul.f32 v5, v33;
	v61 =	vld [tilespmem:s2+$0xB460]  }
0x632: {  	v4 =	vadd.f32 v4, v18;
	v6 =	vmul.f32 v6, v33;
	v62 =	vld [tilespmem:s2+$0xB470];
	v1 =	vmul.f32 v1, v33  }
0x633: {  	v18 =	vmul.f32 v41, v33;
	v41 =	vld [tilespmem:s2+$0xB850];
	v5 =	vadd.f32 v5, v17;
	v17 =	vmul.f32 v42, v33  }
0x634: {  	v6 =	vadd.f32 v6, v16;
	v1 =	vadd.f32 v1, v12;
	v12 =	vmul.f32 v45, v33;
	[tilespmem:$0x1FD20] =	vst v63;
	v63 =	vld [tilespmem:s2+$0xB820]  }
0x635: {  	v42 =	vld [tilespmem:s2+$0xB860];
	v0 =	vmul.f32 v0, v33;
	v15 =	vadd.f32 v18, v15;
	v3 =	vmul.f32 v3, v33  }
0x636: {  	v16 =	vld [tilespmem:s2+$0xB870];
	v44 =	vadd.f32 v17, v14;
	v45 =	vadd.f32 v12, v10;
	v10 =	vmul.f32 v49, v40  }
0x637: {  	v18 =	vld [tilespmem:s2+$0xBC10];
	v3 =	vadd.f32 v3, v11;
	v14 =	vmul.f32 v46, v40;
	v11 =	vmul.f32 v47, v40  }
0x638: {  	v0 =	vadd.f32 v0, v13;
	v13 =	vld [tilespmem:s2+$0xBC00];
	v38 =	vadd.f32 v10, v38;
	v10 =	vmul.f32 v51, v40  }
0x639: {  	v36 =	vadd.f32 v14, v36;
	v14 =	vadd.f32 v11, v35;
	v11 =	vmul.f32 v50, v40;
	[tilespmem:$0x1FD30] =	vst v63;
	v63 =	vld [tilespmem:s2+$0xB830]  }
0x63a: {  	v33 =	vld [tilespmem:s2+$0xBC20];
	v49 =	vadd.f32 v10, v34;
	v10 =	vmul.f32 v54, v40  }
0x63b: {  	v17 =	vmul.f32 v48, v40;
	v46 =	vld [tilespmem:s2+$0xBC50];
	v39 =	vadd.f32 v11, v39;
	v11 =	vmul.f32 v52, v40  }
0x63c: {  	v48 =	vld [tilespmem:s2+$0xBC60];
	v47 =	vadd.f32 v10, v7;
	v10 =	vmul.f32 v57, v40  }
0x63d: {  	v12 =	vld [tilespmem:s2+$0xBC30];
	v35 =	vadd.f32 v17, v37;
	v28 =	vadd.f32 v11, v28  }
0x63e: {  	s4 =	simm.s32 $0x2;
	v37 =	vld [tilespmem:s2+$0xBC40];
	v11 =	vmul.f32 v56, v40;
	v22 =	vadd.f32 v10, v22;
	v10 =	vmul.f32 v60, v40;
	[tilespmem:$0x1FD40] =	vst v63  }
0x63f: {  	v63 =	vld [tilespmem:s2+$0xB840];
	_ =	swait.ge [sflag:s4], $0x8000  }
0x640: {  	s28 =	simm.s32 $0x7C0;
	v32 =	vadd.f32 v11, v32;
	v11 =	vmul.f32 v58, v40;
	v21 =	vadd.f32 v10, v21;
	v10 =	vld [tilespmem:$0x1FD10]  }
0x641: {  	v17 =	vmov s28  }
0x642: {  	v53 =	vmul.f32 v53, v40;
	v51 =	vadd.f32 v11, v8;
	v8 =	vmul.f32 v62, v40;
	_ =	sdelay $0x1  }
0x643: {  	s9 =	simm.s32 $0x0;
	v29 =	vadd.f32 v53, v29;
	v53 =	vadd.f32 v8, v30;
	[sflag:s4] =	ssyncset.done $0x0;
	v8 =	vld [tilespmem:$0x1FD20]  }
0x644: {  	s29 =	sand.u32 $0x7000, s9;
	s30 =	sand.u32 $0x380, s9;
	v11 =	vld [tilespmem:$0x1FD30];
	[sflag:s4] =	ssyncadd.s32 $0xFFFF8000;
	v10 =	vmul.f32 v10, v40  }
0x645: {  	s12 =	sor.u32 s30, s29;
	v7 =	vld.idx.msk [tilespmem:v17+s8+$0x0], $0xffff  }
0x646: {  	s13 =	sadd.s32 $0x13000, s12;
	v59 =	vmul.f32 v59, v40;
	v23 =	vadd.f32 v10, v23;
	v10 =	vld [tilespmem:$0x1FD40]  }
0x647: {  	v17 =	vmul.f32 v61, v40;
	v61 =	vld [tilespmem:s13+$0xC70]  }
0x648: {  	v52 =	vadd.f32 v59, v9;
	v9 =	vld [tilespmem:s13+$0x10]  }
0x649: {  	v19 =	vadd.f32 v43, v19;
	v55 =	vmul.f32 v55, v40;
	v62 =	vld [tilespmem:s13+$0x20]  }
0x64a: {  	v30 =	vld [tilespmem:s13+$0x30];
	v26 =	vadd.f32 v17, v26;
	v17 =	vmul.f32 v63, v40;
	v8 =	vmul.f32 v8, v40  }
0x64b: {  	v31 =	vadd.f32 v55, v31;
	v59 =	vld [tilespmem:s13+$0x420];
	v11 =	vmul.f32 v11, v40;
	v10 =	vmul.f32 v10, v40  }
0x64c: {  	v60 =	vld [tilespmem:s13+$0x430];
	v56 =	vadd.f32 v17, v20;
	v54 =	vadd.f32 v8, v24;
	v8 =	vmul.f32 v41, v40  }
0x64d: {  	v63 =	vld [tilespmem:s13+$0x40];
	v55 =	vadd.f32 v11, v25;
	v41 =	vadd.f32 v10, v27;
	v10 =	vmul.f32 v42, v40  }
0x64e: {  	v20 =	vld [tilespmem:s13+$0x60];
	v11 =	vmul.f32 v13, v40;
	v19 =	vadd.f32 v8, v19;
	v8 =	vmul.f32 v16, v40  }
0x64f: {  	v24 =	vld [tilespmem:s13+$0x50];
	v17 =	vadd.f32 v10, v4;
	v4 =	vmul.f32 v18, v40;
	v10 =	vmul.f32 v33, v40  }
0x650: {  	v25 =	vld [tilespmem:s13+$0x70];
	v16 =	vadd.f32 v11, v6;
	v18 =	vadd.f32 v8, v5;
	v5 =	vmul.f32 v12, v40  }
0x651: {  	v6 =	vld [tilespmem:s13+$0x410];
	v15 =	vadd.f32 v4, v15;
	v13 =	vadd.f32 v10, v44;
	v4 =	vmul.f32 v37, v40  }
0x652: {  	v27 =	vld [tilespmem:s13+$0x400];
	v12 =	vadd.f32 v5, v0;
	v0 =	vmul.f32 v46, v40;
	v5 =	vmul.f32 v48, v40  }
0x653: {  	v11 =	vadd.f32 v4, v1;
	v1 =	vmul.f32 v61, v7;
	v4 =	vmul.f32 v9, v7;
	v61 =	vld [tilespmem:s13+$0x440]  }
0x654: {  	v10 =	vadd.f32 v0, v3;
	v9 =	vadd.f32 v5, v45;
	v0 =	vmul.f32 v62, v7;
	v3 =	vld [tilespmem:s13+$0x450]  }
0x655: {  	v5 =	vmul.f32 v24, v7;
	v24 =	vld [tilespmem:s13+$0x470];
	v8 =	vadd.f32 v1, v36;
	v1 =	vmul.f32 v30, v7  }
0x656: {  	v62 =	vld [tilespmem:s13+$0x800];
	v33 =	vadd.f32 v4, v35;
	v34 =	vadd.f32 v0, v38;
	v0 =	vmul.f32 v63, v7  }
0x657: {  	v4 =	vld [tilespmem:s13+$0x460];
	v35 =	vadd.f32 v5, v28;
	v38 =	vadd.f32 v1, v39;
	v1 =	vmul.f32 v20, v7  }
0x658: {  	v5 =	vld [tilespmem:s13+$0x810];
	v20 =	vmul.f32 v25, v7;
	v39 =	vadd.f32 v0, v49;
	v0 =	vmul.f32 v27, v7  }
0x659: {  	v27 =	vld [tilespmem:s13+$0x830];
	v3 =	vmul.f32 v3, v7;
	v36 =	vadd.f32 v1, v29;
	v1 =	vmul.f32 v6, v7  }
0x65a: {  	v30 =	vadd.f32 v20, v47;
	v6 =	vld [tilespmem:s13+$0x820];
	v31 =	vadd.f32 v0, v31;
	v0 =	vmul.f32 v59, v7  }
0x65b: {  	v63 =	vld [tilespmem:s13+$0x840];
	v20 =	vmul.f32 v60, v7;
	v32 =	vadd.f32 v1, v32;
	v1 =	vmul.f32 v61, v7  }
0x65c: {  	v25 =	vadd.f32 v3, v21;
	v37 =	vadd.f32 v0, v22;
	v0 =	vmul.f32 v4, v7;
	v4 =	vld [tilespmem:s13+$0x850]  }
0x65d: {  	v3 =	vld [tilespmem:s13+$0x860];
	v28 =	vadd.f32 v20, v51;
	v29 =	vadd.f32 v1, v52;
	v1 =	vmul.f32 v24, v7  }
0x65e: {  	s31 =	simm.s32 $0x7C1;
	s14 =	simm.s32 $0x0;
	v20 =	vmul.f32 v5, v7;
	v5 =	vld [tilespmem:s13+$0x870];
	v24 =	vadd.f32 v0, v26;
	v0 =	vmul.f32 v62, v7  }
0x65f: {  	s16 =	simm.s32 $0x400;
	s17 =	simm.s32 $0x5;
	s5 =	simm.s32 $0x10000;
	v45 =	vld [tilespmem:s13+$0xC00];
	v26 =	vadd.f32 v1, v53;
	v1 =	vmul.f32 v6, v7;
	v6 =	vmul.f32 v27, v7  }
0x660: {  	s11 =	simm.s32 $0x10800;
	s18 =	simm.s32 $0x11000;
	s19 =	simm.s32 $0x11800;
	v43 =	vld [tilespmem:s13+$0xC10];
	v42 =	vmov s31;
	v27 =	vadd.f32 v0, v23;
	v0 =	vmul.f32 v63, v7  }
0x661: {  	s20 =	simm.s32 $0x12000;
	s23 =	simm.s32 $0x12800;
	s6 =	simm.s32 $0x2000;
	v22 =	vadd.f32 v20, v54;
	v20 =	vadd.f32 v6, v41;
	v6 =	vmul.f32 v4, v7;
	v41 =	vld [tilespmem:s13+$0xC20]  }
0x662: {  	s7 =	simm.s32 $0x3000;
	s2 =	simm.s32 $0x7C2;
	s4 =	simm.s32 $0xB000;
	v40 =	vld [tilespmem:s13+$0xC30];
	v23 =	vadd.f32 v1, v55;
	v21 =	vadd.f32 v0, v56;
	v4 =	vmul.f32 v3, v7  }
.LBB2_62:
0x663: {  	p0 =	sne.s32 s2, $0x7FF;
	v19 =	vadd.f32 v6, v19;
	v0 =	vmul.f32 v5, v7;
	v1 =	vld [tilespmem:s13+$0xC40]  }
0x664: {  	s9 =	sadd.s32 $0x80, s9;
	s14 =	sadd.s32 $0x200, s14;
	v17 =	vadd.f32 v4, v17;
	v3 =	vmul.f32 v45, v7;
	v4 =	vld [tilespmem:s13+$0xC50]  }
0x665: {  	s1 =	sand.u32 $0x7000, s14;
	s15 =	sand.u32 $0x380, s9;
	v18 =	vadd.f32 v0, v18;
	v0 =	vmul.f32 v43, v7;
	v5 =	vld [tilespmem:s13+$0xC60]  }
0x666: {  	v6 =	vld [tilespmem:s12+$0x13000];
	s12 =	sor.u32 s15, s1;
	v16 =	vadd.f32 v3, v16;
	v3 =	vmul.f32 v41, v7  }
0x667: {  	v41 =	vld.idx.msk [tilespmem:v42+s8+$0x0], $0xffff;
	s13 =	sadd.s32 $0x13000, s12;
	v15 =	vadd.f32 v0, v15;
	v0 =	vmul.f32 v40, v7  }
0x668: {  	v40 =	vld [tilespmem:s13+$0xC70];
	v13 =	vadd.f32 v3, v13;
	v1 =	vmul.f32 v1, v7  }
0x669: {  	v3 =	vld [tilespmem:s13+$0x10];
	v12 =	vadd.f32 v0, v12;
	v0 =	vmul.f32 v4, v7  }
0x66a: {  	v4 =	vld [tilespmem:s13+$0x20];
	v11 =	vadd.f32 v1, v11;
	v1 =	vmul.f32 v5, v7  }
0x66b: {  	v5 =	vld [tilespmem:s13+$0x30];
	v6 =	vmul.f32 v6, v7;
	v10 =	vadd.f32 v0, v10  }
0x66c: {  	v0 =	vld [tilespmem:s13+$0x40];
	v9 =	vadd.f32 v1, v9  }
0x66d: {  	v7 =	vmov v41;
	v1 =	vld [tilespmem:s13+$0x50];
	v40 =	vmul.f32 v40, v41;
	v14 =	vadd.f32 v6, v14  }
0x66e: {  	v3 =	vmul.f32 v3, v7;
	v6 =	vld [tilespmem:s13+$0x60]  }
0x66f: {  	v4 =	vmul.f32 v4, v7;
	v41 =	vld [tilespmem:s13+$0x70];
	v8 =	vadd.f32 v40, v8  }
0x670: {  	v33 =	vadd.f32 v3, v33;
	v3 =	vmul.f32 v5, v7;
	v5 =	vld [tilespmem:s13+$0x400]  }
0x671: {  	v34 =	vadd.f32 v4, v34;
	v0 =	vmul.f32 v0, v7;
	v4 =	vld [tilespmem:s13+$0x410]  }
0x672: {  	v38 =	vadd.f32 v3, v38;
	v1 =	vmul.f32 v1, v7;
	v3 =	vld [tilespmem:s13+$0x420]  }
0x673: {  	v39 =	vadd.f32 v0, v39;
	v0 =	vmul.f32 v6, v7;
	v6 =	vld [tilespmem:s13+$0x430]  }
0x674: {  	v35 =	vadd.f32 v1, v35;
	v1 =	vmul.f32 v41, v7;
	v40 =	vld [tilespmem:s13+$0x440]  }
0x675: {  	v36 =	vadd.f32 v0, v36;
	v0 =	vmul.f32 v5, v7;
	v5 =	vld [tilespmem:s13+$0x450]  }
0x676: {  	v30 =	vadd.f32 v1, v30;
	v1 =	vmul.f32 v4, v7;
	v4 =	vld [tilespmem:s13+$0x460]  }
0x677: {  	v31 =	vadd.f32 v0, v31;
	v0 =	vmul.f32 v3, v7;
	v3 =	vld [tilespmem:s13+$0x470]  }
0x678: {  	v32 =	vadd.f32 v1, v32;
	v1 =	vmul.f32 v6, v7;
	v6 =	vld [tilespmem:s13+$0x800]  }
0x679: {  	v37 =	vadd.f32 v0, v37;
	v0 =	vmul.f32 v40, v7;
	v40 =	vld [tilespmem:s13+$0x810]  }
0x67a: {  	v28 =	vadd.f32 v1, v28;
	v1 =	vmul.f32 v5, v7;
	v5 =	vld [tilespmem:s13+$0x820]  }
0x67b: {  	v29 =	vadd.f32 v0, v29;
	v0 =	vmul.f32 v4, v7;
	v4 =	vld [tilespmem:s13+$0x830]  }
0x67c: {  	v25 =	vadd.f32 v1, v25;
	v1 =	vmul.f32 v3, v7;
	v3 =	vld [tilespmem:s13+$0x840]  }
0x67d: {  	v24 =	vadd.f32 v0, v24;
	v0 =	vmul.f32 v6, v7;
	v6 =	vld [tilespmem:s13+$0x850]  }
0x67e: {  	v26 =	vadd.f32 v1, v26;
	v1 =	vmul.f32 v40, v7;
	v40 =	vld [tilespmem:s13+$0x860]  }
.Ltmp30:
0x67f: {  	v27 =	vadd.f32 v0, v27;
	v0 =	vmul.f32 v5, v7;
	v5 =	vld [tilespmem:s13+$0x870];
	(pc) =	sbr.rel @p0 .LBB2_62-.Ltmp30, $4  }
0x680: {  	v22 =	vadd.f32 v1, v22;
	v1 =	vmul.f32 v4, v7;
	v45 =	vld [tilespmem:s13+$0xC00]  }
0x681: {  	v23 =	vadd.f32 v0, v23;
	v0 =	vmul.f32 v3, v7;
	v43 =	vld [tilespmem:s13+$0xC10]  }
0x682: {  	v20 =	vadd.f32 v1, v20;
	v6 =	vmul.f32 v6, v7;
	v41 =	vld [tilespmem:s13+$0xC20]  }
0x683: {  	v42 =	vmov s2;
	s2 =	sadd.s32 $0x1, s2;
	v21 =	vadd.f32 v0, v21;
	v4 =	vmul.f32 v40, v7;
	v40 =	vld [tilespmem:s13+$0xC30]  }
0x684: {  	v0 =	vld [tilespmem:s13+$0xC40];
	_ =	sdelay $0x4  }
0x685: {  	[tilespmem:$0x1FC80] =	vst v0;
	v0 =	vld [tilespmem:s13+$0xC50];
	_ =	sdelay $0x2  }
0x686: {  	s1 =	sadd.s32 $0x80, s9;
	s2 =	sadd.s32 $0x200, s14  }
0x687: {  	v1 =	vld [tilespmem:s12+$0x13000];
	s2 =	sand.u32 $0x7000, s2;
	s1 =	sand.u32 $0x380, s1  }
0x688: {  	s1 =	sor.u32 s1, s2;
	[tilespmem:$0x1FCB0] =	vst v0;
	v0 =	vld [tilespmem:s13+$0xC60]  }
0x689: {  	v42 =	vld.idx.msk [tilespmem:v42+s8+$0x0], $0xffff;
	s2 =	sadd.s32 $0x13000, s1  }
0x68a: {  	v3 =	vld [tilespmem:s2+$0x10]  }
0x68b: {  	v48 =	vld [tilespmem:s2+$0x20]  }
0x68c: {  	v49 =	vld [tilespmem:s2+$0x30]  }
0x68d: {  	[tilespmem:$0x1FCE0] =	vst v0;
	v0 =	vld [tilespmem:s2+$0xC70]  }
0x68e: {  	v50 =	vld [tilespmem:s2+$0x40]  }
0x68f: {  	v47 =	vld [tilespmem:s2+$0x870]  }
0x690: {  	v51 =	vld [tilespmem:s2+$0x50]  }
0x691: {  	v52 =	vld [tilespmem:s2+$0x60]  }
0x692: {  	[tilespmem:$0x1FD00] =	vst v0;
	v0 =	vld [tilespmem:s2+$0x840]  }
0x693: {  	v53 =	vld [tilespmem:s2+$0x70]  }
0x694: {  	[tilespmem:$0x1FC70] =	vst v47;
	v47 =	vld [tilespmem:s2+$0xC00]  }
0x695: {  	v54 =	vld [tilespmem:s2+$0x400]  }
0x696: {  	v55 =	vld [tilespmem:s2+$0x410]  }
0x697: {  	[tilespmem:$0x1FC40] =	vst v0;
	v0 =	vld [tilespmem:s2+$0x850]  }
0x698: {  	v56 =	vld [tilespmem:s2+$0x420]  }
0x699: {  	[tilespmem:$0x1FC90] =	vst v47;
	v47 =	vld [tilespmem:s2+$0xC10]  }
0x69a: {  	v57 =	vld [tilespmem:s2+$0x430]  }
0x69b: {  	v58 =	vld [tilespmem:s2+$0x440]  }
0x69c: {  	[tilespmem:$0x1FC50] =	vst v0;
	v0 =	vld [tilespmem:s2+$0x860]  }
0x69d: {  	v59 =	vld [tilespmem:s2+$0x450]  }
0x69e: {  	[tilespmem:$0x1FCA0] =	vst v47;
	v47 =	vld [tilespmem:s2+$0xC20]  }
0x69f: {  	v60 =	vld [tilespmem:s2+$0x460]  }
0x6a0: {  	v61 =	vld [tilespmem:s2+$0x470]  }
0x6a1: {  	[tilespmem:$0x1FC60] =	vst v0;
	v0 =	vld [tilespmem:s1+$0x13000]  }
0x6a2: {  	v62 =	vld [tilespmem:s2+$0x800]  }
0x6a3: {  	[tilespmem:$0x1FCC0] =	vst v47;
	v47 =	vld [tilespmem:s2+$0xC30]  }
0x6a4: {  	v63 =	vld [tilespmem:s2+$0x810];
	v1 =	vmul.f32 v1, v7  }
0x6a5: {  	v44 =	vld [tilespmem:s2+$0x820];
	v3 =	vmul.f32 v3, v42  }
0x6a6: {  	v46 =	vld [tilespmem:s2+$0x830];
	v1 =	vadd.f32 v1, v14;
	v0 =	vmul.f32 v0, v42  }
0x6a7: {  	v14 =	vmul.f32 v49, v42;
	v49 =	vld [tilespmem:s2+$0xC60];
	v3 =	vadd.f32 v3, v33  }
0x6a8: {  	[tilespmem:$0x1FCD0] =	vst v47;
	v47 =	vld [tilespmem:s2+$0xC40];
	v0 =	vadd.f32 v0, v1  }
0x6a9: {  	v1 =	vmul.f32 v48, v42;
	v48 =	vld [tilespmem:s2+$0xC50];
	[tilespmem:$0x1B010] =	vst v3;
	v3 =	vmul.f32 v51, v42  }
0x6aa: {  	[tilespmem:$0x1B000] =	vst v0;
	v0 =	vmul.f32 v50, v42  }
0x6ab: {  	v3 =	vadd.f32 v3, v35  }
0x6ac: {  	v0 =	vadd.f32 v0, v39  }
0x6ad: {  	v1 =	vadd.f32 v1, v34;
	[tilespmem:$0x1B050] =	vst v3;
	v3 =	vmul.f32 v55, v42  }
0x6ae: {  	[tilespmem:$0x1B040] =	vst v0;
	v0 =	vmul.f32 v54, v42  }
0x6af: {  	[tilespmem:$0x1B020] =	vst v1;
	v1 =	vmul.f32 v52, v42;
	v3 =	vadd.f32 v3, v32  }
0x6b0: {  	[tilespmem:$0x1FCF0] =	vst v47;
	v39 =	vmul.f32 v57, v42;
	v0 =	vadd.f32 v0, v31  }
0x6b1: {  	v1 =	vadd.f32 v1, v36;
	[tilespmem:$0x1B090] =	vst v3;
	v3 =	vmul.f32 v59, v42  }
0x6b2: {  	v6 =	vadd.f32 v6, v19;
	v19 =	vadd.f32 v39, v28;
	[tilespmem:$0x1B080] =	vst v0;
	v0 =	vmul.f32 v58, v42  }
0x6b3: {  	v4 =	vadd.f32 v4, v17;
	[tilespmem:$0x1B060] =	vst v1;
	v1 =	vmul.f32 v56, v42;
	v3 =	vadd.f32 v3, v25  }
0x6b4: {  	v17 =	vmul.f32 v61, v42;
	v33 =	vadd.f32 v14, v38;
	[tilespmem:$0x1B0B0] =	vst v19;
	v0 =	vadd.f32 v0, v29  }
0x6b5: {  	v38 =	vmul.f32 v53, v42;
	v52 =	vld [tilespmem:$0x1FC50];
	v19 =	vmul.f32 v43, v7;
	v1 =	vadd.f32 v1, v37;
	[tilespmem:$0x1B0D0] =	vst v3  }
0x6b6: {  	v61 =	vld [tilespmem:$0x1FCF0];
	v3 =	vmul.f32 v45, v7;
	[tilespmem:$0x1B0C0] =	vst v0;
	v0 =	vmul.f32 v62, v42  }
0x6b7: {  	v54 =	vld [tilespmem:$0x1FC70];
	[tilespmem:$0x1B0A0] =	vst v1;
	v1 =	vmul.f32 v5, v7;
	v5 =	vmul.f32 v60, v42  }
0x6b8: {  	v53 =	vld [tilespmem:$0x1FC60];
	v3 =	vadd.f32 v3, v16;
	v16 =	vmul.f32 v46, v42;
	v0 =	vadd.f32 v0, v27  }
0x6b9: {  	v17 =	vadd.f32 v17, v26;
	[tilespmem:$0x1B030] =	vst v33;
	v50 =	vld [tilespmem:$0x1FC40];
	v5 =	vadd.f32 v5, v24  }
0x6ba: {  	v55 =	vld [tilespmem:$0x1FC90];
	[tilespmem:$0x1B100] =	vst v0;
	v0 =	vadd.f32 v19, v15;
	v15 =	vadd.f32 v16, v20;
	v16 =	vmul.f32 v52, v42  }
0x6bb: {  	v30 =	vadd.f32 v38, v30;
	[tilespmem:$0x1B0F0] =	vst v17;
	v57 =	vld [tilespmem:$0x1FCB0];
	v1 =	vadd.f32 v1, v18;
	v18 =	vmul.f32 v63, v42  }
0x6bc: {  	v17 =	vmul.f32 v41, v7;
	v56 =	vld [tilespmem:$0x1FCA0];
	[tilespmem:$0x1B0E0] =	vst v5;
	v6 =	vadd.f32 v16, v6;
	v16 =	vmul.f32 v54, v42  }
0x6bd: {  	v47 =	vmul.f32 v44, v42;
	v5 =	vadd.f32 v18, v22;
	[tilespmem:$0x1B130] =	vst v15;
	v15 =	vld [tilespmem:$0x1FC80]  }
0x6be: {  	[tilespmem:$0x1B070] =	vst v30;
	v13 =	vadd.f32 v17, v13;
	v51 =	vmul.f32 v50, v42;
	v58 =	vld [tilespmem:$0x1FCC0];
	v1 =	vadd.f32 v16, v1  }
0x6bf: {  	v59 =	vld [tilespmem:$0x1FCD0];
	v17 =	vmul.f32 v55, v42;
	v18 =	vadd.f32 v47, v23;
	[tilespmem:$0x1B110] =	vst v5;
	v5 =	vmul.f32 v40, v7  }
0x6c0: {  	v62 =	vmul.f32 v48, v42;
	v20 =	vmul.f32 v53, v42;
	[tilespmem:$0x1B170] =	vst v1;
	v1 =	vld [tilespmem:$0x1FCE0]  }
0x6c1: {  	v3 =	vadd.f32 v17, v3;
	[tilespmem:$0x1B120] =	vst v18;
	v5 =	vadd.f32 v5, v12;
	v12 =	vmul.f32 v56, v42  }
0x6c2: {  	v4 =	vadd.f32 v20, v4;
	[tilespmem:$0x1B150] =	vst v6;
	v6 =	vmul.f32 v57, v7;
	v15 =	vmul.f32 v15, v7  }
0x6c3: {  	v63 =	vld [tilespmem:$0x1FD00];
	v19 =	vadd.f32 v51, v21;
	[tilespmem:$0x1B180] =	vst v3;
	v16 =	vmul.f32 v58, v42;
	v0 =	vadd.f32 v12, v0  }
0x6c4: {  	[tilespmem:$0x1B160] =	vst v4;
	v3 =	vadd.f32 v6, v10;
	v4 =	vadd.f32 v15, v11;
	v11 =	vmul.f32 v59, v42  }
0x6c5: {  	[tilespmem:$0x1B140] =	vst v19;
	v12 =	vmul.f32 v61, v42;
	v60 =	vadd.f32 v16, v13;
	v1 =	vmul.f32 v1, v7  }
0x6c6: {  	[tilespmem:$0x1B190] =	vst v0;
	v3 =	vadd.f32 v62, v3;
	v5 =	vadd.f32 v11, v5  }
0x6c7: {  	[tilespmem:$0x1B1A0] =	vst v60;
	v0 =	vadd.f32 v1, v9;
	v1 =	vadd.f32 v12, v4;
	v4 =	vmul.f32 v49, v42  }
0x6c8: {  	[tilespmem:$0x1B1D0] =	vst v3;
	v7 =	vmul.f32 v63, v42  }
0x6c9: {  	[tilespmem:$0x1B1B0] =	vst v5;
	v0 =	vadd.f32 v4, v0  }
0x6ca: {  	[tilespmem:$0x1B1C0] =	vst v1;
	v1 =	vadd.f32 v7, v8  }
0x6cb: {  	[tilespmem:$0x1B1E0] =	vst v0  }
0x6cc: {  	s25 =	rddreg [dreg:$0x14];
	s29 =	simm.s32 $0x1B000;
	[tilespmem:$0x1B1F0] =	vst v1  }
0x6cd: {  	[hbm4b:s25+s3] =	stream.linear.scatter [tilespmem:s29], [sflag:$0x5], $0x200, $0x38;
	[tilespmem:$0x1B200] =	vst v63  }
0x6ce: {  	_ =	swait.ge [sflag:s17], $0x200  }
0x6cf: {  	s30 =	rddreg [dreg:$0x16]  }
0x6d0: {  	s31 =	rddreg [dreg:$0x15];
	s2 =	sadd.s32 $0x1, s30  }
0x6d1: {  	p0 =	sne.s32 s2, s31  }
.Ltmp31:
0x6d2: {  	_ = 	snop;
	(pc) =	sbr.rel @p0 .LBB2_1-.Ltmp31, $4  }
0x6d3: {  	_ = 	snop  }
0x6d4: {  	v0 =	vld [tilespmem:$0x1FFD0]  }
0x6d5: {  	s15 =	simm.s32 $0x80;
	s24 =	simm.s32 $0xB800;
	[sflag:s17] =	ssyncset.done $0x0;
	v3 =	vld [tilespmem:$0x1FFE0]  }
0x6d6: {  	s28 =	simm.s32 $0xC800;
	v17 =	vimm.f32 $0.0e+00;
	v18 =	vimm.f32 $1.000000000e+00;
	v1 =	vlaneseq.u32;
	s25 =	simm.s32 $0xC000;
	v16 =	vld [tilespmem:$0x1FFF0];
	[sflag:s17] =	ssyncadd.s32 $0xFFFFFE00  }
0x6d7: {  	_ =	sfence.sel $0x180000  }
0x6d8: {  	[bflag:$0x0] =	sbarrier.arrive $0xFFFF  }
0x6d9: {  	_ =	strace $0x90000047  }
0x6da: {  	s0 =	stileid.u32;
	[bflag:$0x2] =	sbarrier.arrive $0xFFFF  }
0x6db: {  	p0 =	sne.s32 s0, $0x0;
	s0 =	rddreg [dreg:$0x9]  }
0x6dc: {  	s0 =	sadd.s32 @!p0 $0x100000, s0  }
0x6dd: {  	[sflag:s0] =	ssyncadd.tile.s32 @!p0 $0x1;
	_ =	shalt  }
.Lfunc_end2:
_tile_overlayer_lowered:
.L_overlay_start_2:
0x6de: {  	(tag) =	ssettag $0x2  }
0x6df: {  	s0 =	rddreg [dreg:$0x0];
	s2 =	stileid.u32  }
0x6e0: {  	s1 =	rddreg [dreg:$0x1];
	p0 =	sne.s32 s2, $0x0  }
0x6e1: {  	s3 =	rddreg [dreg:$0x2];
	[bflag:$0x3] =	sbarrier.arrive $0xFFFF;
	s2 =	simm.s32 @!p0 $0x1C05  }
0x6e2: {  	[timem:s3], [sflag:s2] =	dma.local @!p0 [hbm:s0], s1  }
0x6e3: {  	s0 =	simm.s32 @!p0 $0x5  }
0x6e4: {  	_ =	swait.ge @!p0 [sflag:s0], s1  }
0x6e5: {  	s1 =	ssub.s32 @!p0 $0x0, s1;
	[sflag:s0] =	ssyncset.done @!p0 $0x0  }
0x6e6: {  	[sflag:s0] =	ssyncadd.s32 @!p0 s1  }
0x6e7: {  	[bflag:$0x3] =	sbarrier.arrive $0xFFFF  }
0x6e8: {  	_ =	shalt  }

</sc_bundles>
